<compile_context>
chip_gen: v7x
topology: tpu7x:2x2x1
jax: 0.10.2.dev20260603
libtpu: 0.0.44.dev20260713+nightly
codegen_flags: <defaults>
</compile_context>

<pallas_src>
import dataclasses

import jax
import jax.numpy as jnp
from jax import lax
from jax.experimental import pallas as pl
from jax.experimental.pallas import tpu as pltpu
from jax.experimental.pallas import tpu_sc as plsc

R = 32
B = 4
C = 128
N = 100000
V = R * R * R
CH = 4000
NCHUNK = N // CH


def _coords_body(coords_ref, norm_ref, idx_ref):
    c = coords_ref[...]
    norm = jnp.clip(((c + 1.0) / 2.0) * R, 0.0, R - 1.0)
    norm_ref[...] = norm
    v = jnp.round(norm).astype(jnp.int32)
    idx_ref[...] = (v[:, 0] * R + v[:, 1]) * R + v[:, 2]


def _make_sc_body(q):

    def _sc_body(feat_hbm, idx_hbm, out_hbm, g0, g1, cnt_ref,
                 va0, vb0, va1, vb1, ia0, ia1, sem0, sem1):
        wid = lax.axis_index("s") * 2 + lax.axis_index("c")
        row0 = wid * 4

        zeros = jnp.zeros((16,), jnp.float32)
        ones = jnp.ones((16,), jnp.float32)
        ibase = q * N

        def fire_idx(ci, ib, sem):
            pltpu.async_copy(idx_hbm.at[pl.ds(ibase + ci * CH, CH)], ib, sem)

        def drain_idx(ib, sem):
            pltpu.make_async_copy(idx_hbm.at[pl.ds(0, CH)], ib, sem).wait()

        @plsc.parallel_loop(0, V // 16, unroll=8)
        def _(i):
            cnt_ref[pl.ds(i * 16, 16)] = zeros

        for p in range(2):
            rowa = row0 + p * 2
            abase = (q * C + rowa) * N
            bbase = abase + N

            @plsc.parallel_loop(0, V // 16, unroll=8)
            def _(i):
                sl = pl.ds(i * 16, 16)
                g0[sl] = zeros
                g1[sl] = zeros

            def fire(ci, va, vb, ib, sem):
                off = ci * CH
                pltpu.async_copy(feat_hbm.at[pl.ds(abase + off, CH)], va, sem)
                pltpu.async_copy(feat_hbm.at[pl.ds(bbase + off, CH)], vb, sem)
                pltpu.async_copy(idx_hbm.at[pl.ds(ibase + off, CH)], ib, sem)

            def drain(va, vb, ib, sem):
                pltpu.make_async_copy(
                    feat_hbm.at[pl.ds(0, CH)], va, sem).wait()
                pltpu.make_async_copy(
                    feat_hbm.at[pl.ds(0, CH)], vb, sem).wait()
                pltpu.make_async_copy(idx_hbm.at[pl.ds(0, CH)], ib, sem).wait()

            def compute(va, vb, ib):
                @plsc.parallel_loop(0, CH // 16, unroll=5)
                def _(i):
                    sl = pl.ds(i * 16, 16)
                    iv = ib[sl]
                    plsc.addupdate_scatter(g0, [iv], va[sl])
                    plsc.addupdate_scatter(g1, [iv], vb[sl])
                    if p == 0:
                        plsc.addupdate_scatter(cnt_ref, [iv], ones)

            fire(0, va0, vb0, ia0, sem0)

            @pl.loop(0, NCHUNK - 1, step=2)
            def _(ci):
                fire(ci + 1, va1, vb1, ia1, sem1)
                drain(va0, vb0, ia0, sem0)
                compute(va0, vb0, ia0)
                fire(ci + 2, va0, vb0, ia0, sem0)
                drain(va1, vb1, ia1, sem1)
                compute(va1, vb1, ia1)

            drain(va0, vb0, ia0, sem0)
            compute(va0, vb0, ia0)

            if p == 0:
                @plsc.parallel_loop(0, V // 16, unroll=4)
                def _(i):
                    sl = pl.ds(i * 16, 16)
                    cnt_ref[sl] = 1.0 / jnp.maximum(cnt_ref[sl], 1.0)

            @plsc.parallel_loop(0, V // 16, unroll=4)
            def _(i):
                sl = pl.ds(i * 16, 16)
                g0[sl] = g0[sl] * cnt_ref[sl]
                g1[sl] = g1[sl] * cnt_ref[sl]

            pltpu.sync_copy(g0, out_hbm.at[pl.ds(rowa * V, V)])
            pltpu.sync_copy(g1, out_hbm.at[pl.ds((rowa + 1) * V, V)])

    return _sc_body


_cp = pltpu.CompilerParams()
if "needs_layout_passes" in pltpu.CompilerParams.__dataclass_fields__:
    _cp = dataclasses.replace(_cp, needs_layout_passes=False)

_sc_calls = [
    pl.kernel(
        _make_sc_body(0),
        out_type=jax.ShapeDtypeStruct((C * V,), jnp.float32),
        mesh=plsc.VectorSubcoreMesh(core_axis_name="c", subcore_axis_name="s"),
        scratch_types=[
            pltpu.VMEM((V,), jnp.float32),
            pltpu.VMEM((V,), jnp.float32),
            pltpu.VMEM((V,), jnp.float32),
            pltpu.VMEM((CH,), jnp.float32),
            pltpu.VMEM((CH,), jnp.float32),
            pltpu.VMEM((CH,), jnp.float32),
            pltpu.VMEM((CH,), jnp.float32),
            pltpu.VMEM((CH,), jnp.int32),
            pltpu.VMEM((CH,), jnp.int32),
            pltpu.SemaphoreType.DMA,
            pltpu.SemaphoreType.DMA,
        ],
        compiler_params=_cp,
    )
    for q in range(B)
]


def kernel(features, coords):
    norm, idx = pl.pallas_call(
        _coords_body,
        out_shape=[
            jax.ShapeDtypeStruct((B, 3, N), jnp.float32),
            jax.ShapeDtypeStruct((B, N), jnp.int32),
        ],
    )(coords)
    outs = [
        _sc_calls[q](features[q].reshape(C * N), idx[q]) for q in range(B)
    ]
    out = jnp.stack(outs).reshape(B, C, R, R, R)
    return out, norm

# --- scband reference (transcript-rebuilt; emitter-appended) ---
"""Pipeline reference for scband-voxelization-15333033246802 (READ-ONLY COPY).

The authoritative reference and input builder live on the scoring server;
editing this copy changes nothing except your own understanding.
"""

import jax, jax.numpy as jnp
import numpy as np

R = 32


def setup_inputs(seed: int = 0) -> dict:
    key = jax.random.key(seed)
    k1, k2 = jax.random.split(key)
    features = jax.random.normal(k1, (4, 128, 100000), dtype=jnp.float32)
    coords = jax.random.normal(k2, (4, 3, 100000), dtype=jnp.float32)
    return {"features": features, "coords": coords}


def _avg_voxelize(features, vox_coords, r):
    # features: [B, C, N] float32, vox_coords: [B, 3, N] int32 in [0, r-1]
    B, C, N = features.shape
    lin = (vox_coords[:, 0] * r + vox_coords[:, 1]) * r + vox_coords[:, 2]  # [B, N]
    offs = jnp.arange(B, dtype=jnp.int32)[:, None] * (r * r * r)
    idx = (lin + offs).reshape(-1)  # [B*N]
    feat = jnp.transpose(features, (0, 2, 1)).reshape(B * N, C)
    num_seg = B * r * r * r
    sums = jax.ops.segment_sum(feat, idx, num_segments=num_seg)
    cnt = jax.ops.segment_sum(jnp.ones((B * N,), jnp.float32), idx, num_segments=num_seg)
    avg = sums / jnp.maximum(cnt, 1.0)[:, None]
    out = jnp.transpose(avg.reshape(B, r * r * r, C), (0, 2, 1))
    return out.reshape(B, C, r, r, r)


def reference(features, coords):
    r = R
    coords = jax.lax.stop_gradient(coords)
    norm_coords = (coords + 1) / 2.0
    norm_coords = jnp.clip(norm_coords * r, 0, r - 1)
    vox_coords = jnp.round(norm_coords).astype(jnp.int32)
    return (_avg_voxelize(features, vox_coords, r), norm_coords)

if __name__ == "__main__":
    import jax
    _d = setup_inputs()
    print(jax.jit(kernel)(*tuple(_d.values())))

</pallas_src>

<mosaic_0001>
#map = affine_map<(d0, d1) -> (0)>
module attributes {stable_mosaic.version = 14 : i64} {
  func.func @_sc_body(%arg0: i32, %arg1: i32, %arg2: memref<12800000xf32, #tpu.memory_space<hbm>>, %arg3: memref<100000xi32, #tpu.memory_space<hbm>>, %arg4: memref<4194304xf32, #tpu.memory_space<hbm>>, %arg5: memref<32768xf32, #tpu.memory_space<vmem>>, %arg6: memref<32768xf32, #tpu.memory_space<vmem>>, %arg7: memref<32768xf32, #tpu.memory_space<vmem>>, %arg8: memref<4000xf32, #tpu.memory_space<vmem>>, %arg9: memref<4000xf32, #tpu.memory_space<vmem>>, %arg10: memref<4000xf32, #tpu.memory_space<vmem>>, %arg11: memref<4000xf32, #tpu.memory_space<vmem>>, %arg12: memref<4000xi32, #tpu.memory_space<vmem>>, %arg13: memref<4000xi32, #tpu.memory_space<vmem>>, %arg14: memref<!tpu.dma_semaphore, #tpu.memory_space<semaphore_mem>>, %arg15: memref<!tpu.dma_semaphore, #tpu.memory_space<semaphore_mem>>) attributes {dimension_semantics = [#tpu.dimension_semantics<core_parallel>, #tpu.dimension_semantics<subcore_parallel>], iteration_bounds = array<i64: 2, 16>, scalar_prefetch = 0 : i64, scratch_operands = 11 : i64, tpu.core_type = #tpu.core_type<sc_vector_subcore>, window_params = [{transform_indices = #map}, {transform_indices = #map}, {transform_indices = #map}]} {
    %mul3A = arith.constant 2 : i32
    %mul3A_0 = arith.muli %arg1, %mul3A : i32
    %add3A = arith.addi %mul3A_0, %arg0 : i32
    %mul3A_1 = arith.constant 4 : i32
    %mul3A_2 = arith.muli %add3A, %mul3A_1 : i32
    %broadcast_in_dim3A = arith.constant 0.000000e+00 : f32
    %broadcast_in_dim3A_3 = vector.broadcast %broadcast_in_dim3A : f32 to vector<16xf32>
    %broadcast_in_dim3A_4 = arith.constant 1.000000e+00 : f32
    %broadcast_in_dim3A_5 = vector.broadcast %broadcast_in_dim3A_4 : f32 to vector<16xf32>
    %parallel_loop3A = arith.constant 0 : i32
    %parallel_loop3A_6 = arith.constant 2048 : i32
    %parallel_loop3A_7 = arith.constant 1 : i32
    scf.for %parallel_loop3A_112 = %parallel_loop3A to %parallel_loop3A_6 step %parallel_loop3A_7  : i32 {
      %parallel_loop3A_113 = arith.constant 16 : i32
      %parallel_loop3A_114 = arith.muli %parallel_loop3A_112, %parallel_loop3A_113 : i32
      %parallel_loop3A_115 = arith.index_cast %parallel_loop3A_114 : i32 to index
      %parallel_loop3A_116 = tpu.vector_load %arg7[%parallel_loop3A_115] {strides = array<i32>} : memref<32768xf32, #tpu.memory_space<vmem>>, vector<16xf32>,
      tpu.vector_store %arg7[%parallel_loop3A_115], %broadcast_in_dim3A_3 {strides = array<i32>} : memref<32768xf32, #tpu.memory_space<vmem>>, vector<16xf32>,
    } {sc.loop_unroll_factor = 8 : i64, sc.parallel_access}
    %add3A_8 = arith.constant 0 : i32
    %add3A_9 = arith.addi %mul3A_2, %add3A_8 : i32
    %add3A_10 = arith.constant 0 : i32
    %add3A_11 = arith.addi %add3A_10, %add3A_9 : i32
    %mul3A_12 = arith.constant 100000 : i32
    %mul3A_13 = arith.muli %add3A_11, %mul3A_12 : i32
    %add3A_14 = arith.constant 100000 : i32
    %add3A_15 = arith.addi %mul3A_13, %add3A_14 : i32
    %parallel_loop3A_16 = arith.constant 0 : i32
    %parallel_loop3A_17 = arith.constant 2048 : i32
    %parallel_loop3A_18 = arith.constant 1 : i32
    scf.for %parallel_loop3A_112 = %parallel_loop3A_16 to %parallel_loop3A_17 step %parallel_loop3A_18  : i32 {
      %parallel_loop3A_113 = arith.constant 16 : i32
      %parallel_loop3A_114 = arith.muli %parallel_loop3A_112, %parallel_loop3A_113 : i32
      %parallel_loop3A_115 = arith.index_cast %parallel_loop3A_114 : i32 to index
      %parallel_loop3A_116 = tpu.vector_load %arg5[%parallel_loop3A_115] {strides = array<i32>} : memref<32768xf32, #tpu.memory_space<vmem>>, vector<16xf32>,
      tpu.vector_store %arg5[%parallel_loop3A_115], %broadcast_in_dim3A_3 {strides = array<i32>} : memref<32768xf32, #tpu.memory_space<vmem>>, vector<16xf32>,
      %parallel_loop3A_117 = arith.index_cast %parallel_loop3A_114 : i32 to index
      %parallel_loop3A_118 = tpu.vector_load %arg6[%parallel_loop3A_117] {strides = array<i32>} : memref<32768xf32, #tpu.memory_space<vmem>>, vector<16xf32>,
      tpu.vector_store %arg6[%parallel_loop3A_117], %broadcast_in_dim3A_3 {strides = array<i32>} : memref<32768xf32, #tpu.memory_space<vmem>>, vector<16xf32>,
    } {sc.loop_unroll_factor = 8 : i64, sc.parallel_access}
    %add3A_19 = arith.constant 0 : i32
    %add3A_20 = arith.addi %mul3A_13, %add3A_19 : i32
    %dma_start3A = tpu.memref_slice %arg2[%add3A_20] : memref<12800000xf32, #tpu.memory_space<hbm>> -> memref<4000xf32, #tpu.memory_space<hbm>>
    %dma_start3A_21 = tpu.memref_slice %arg2[%add3A_20] : memref<12800000xf32, #tpu.memory_space<hbm>> -> memref<4000xf32, #tpu.memory_space<hbm>>
    tpu.enqueue_dma source(%dma_start3A_21 : memref<4000xf32, #tpu.memory_space<hbm>>) target(%arg8 : memref<4000xf32, #tpu.memory_space<vmem>>) target_semaphore(%arg14 : memref<!tpu.dma_semaphore, #tpu.memory_space<semaphore_mem>>)
    %add3A_22 = arith.constant 0 : i32
    %add3A_23 = arith.addi %add3A_15, %add3A_22 : i32
    %dma_start3A_24 = tpu.memref_slice %arg2[%add3A_23] : memref<12800000xf32, #tpu.memory_space<hbm>> -> memref<4000xf32, #tpu.memory_space<hbm>>
    %dma_start3A_25 = tpu.memref_slice %arg2[%add3A_23] : memref<12800000xf32, #tpu.memory_space<hbm>> -> memref<4000xf32, #tpu.memory_space<hbm>>
    tpu.enqueue_dma source(%dma_start3A_25 : memref<4000xf32, #tpu.memory_space<hbm>>) target(%arg9 : memref<4000xf32, #tpu.memory_space<vmem>>) target_semaphore(%arg14 : memref<!tpu.dma_semaphore, #tpu.memory_space<semaphore_mem>>)
    %dma_start3A_26 = arith.constant 0 : i32
    %dma_start3A_27 = tpu.memref_slice %arg3[%dma_start3A_26] : memref<100000xi32, #tpu.memory_space<hbm>> -> memref<4000xi32, #tpu.memory_space<hbm>>
    %dma_start3A_28 = arith.constant 0 : i32
    %dma_start3A_29 = tpu.memref_slice %arg3[%dma_start3A_28] : memref<100000xi32, #tpu.memory_space<hbm>> -> memref<4000xi32, #tpu.memory_space<hbm>>
    tpu.enqueue_dma source(%dma_start3A_29 : memref<4000xi32, #tpu.memory_space<hbm>>) target(%arg12 : memref<4000xi32, #tpu.memory_space<vmem>>) target_semaphore(%arg14 : memref<!tpu.dma_semaphore, #tpu.memory_space<semaphore_mem>>)
    %scan3A = arith.constant 0 : i32
    %scan3A_30 = arith.constant 12 : i32
    %scan3A_31 = arith.addi %scan3A, %scan3A_30 : i32
    %scan3A_32 = arith.constant 1 : i32
    scf.for %scan3A_112 = %scan3A to %scan3A_31 step %scan3A_32  : i32 {
      %mul3A_113 = arith.constant 2 : i32
      %mul3A_114 = arith.muli %scan3A_112, %mul3A_113 : i32
      %add3A_115 = arith.constant 0 : i32
      %add3A_116 = arith.addi %add3A_115, %mul3A_114 : i32
      %add3A_117 = arith.constant 1 : i32
      %add3A_118 = arith.addi %add3A_116, %add3A_117 : i32
      %mul3A_119 = arith.constant 4000 : i32
      %mul3A_120 = arith.muli %add3A_118, %mul3A_119 : i32
      %add3A_121 = arith.addi %mul3A_13, %mul3A_120 : i32
      %dma_start3A_122 = tpu.memref_slice %arg2[%add3A_121] : memref<12800000xf32, #tpu.memory_space<hbm>> -> memref<4000xf32, #tpu.memory_space<hbm>>
      %dma_start3A_123 = tpu.memref_slice %arg2[%add3A_121] : memref<12800000xf32, #tpu.memory_space<hbm>> -> memref<4000xf32, #tpu.memory_space<hbm>>
      tpu.enqueue_dma source(%dma_start3A_123 : memref<4000xf32, #tpu.memory_space<hbm>>) target(%arg10 : memref<4000xf32, #tpu.memory_space<vmem>>) target_semaphore(%arg15 : memref<!tpu.dma_semaphore, #tpu.memory_space<semaphore_mem>>)
      %add3A_124 = arith.addi %add3A_15, %mul3A_120 : i32
      %dma_start3A_125 = tpu.memref_slice %arg2[%add3A_124] : memref<12800000xf32, #tpu.memory_space<hbm>> -> memref<4000xf32, #tpu.memory_space<hbm>>
      %dma_start3A_126 = tpu.memref_slice %arg2[%add3A_124] : memref<12800000xf32, #tpu.memory_space<hbm>> -> memref<4000xf32, #tpu.memory_space<hbm>>
      tpu.enqueue_dma source(%dma_start3A_126 : memref<4000xf32, #tpu.memory_space<hbm>>) target(%arg11 : memref<4000xf32, #tpu.memory_space<vmem>>) target_semaphore(%arg15 : memref<!tpu.dma_semaphore, #tpu.memory_space<semaphore_mem>>)
      %add3A_127 = arith.constant 0 : i32
      %add3A_128 = arith.addi %add3A_127, %mul3A_120 : i32
      %dma_start3A_129 = tpu.memref_slice %arg3[%add3A_128] : memref<100000xi32, #tpu.memory_space<hbm>> -> memref<4000xi32, #tpu.memory_space<hbm>>
      %dma_start3A_130 = tpu.memref_slice %arg3[%add3A_128] : memref<100000xi32, #tpu.memory_space<hbm>> -> memref<4000xi32, #tpu.memory_space<hbm>>
      tpu.enqueue_dma source(%dma_start3A_130 : memref<4000xi32, #tpu.memory_space<hbm>>) target(%arg13 : memref<4000xi32, #tpu.memory_space<vmem>>) target_semaphore(%arg15 : memref<!tpu.dma_semaphore, #tpu.memory_space<semaphore_mem>>)
      %dma_wait3A_131 = arith.constant 0 : i32
      %dma_wait3A_132 = tpu.memref_slice %arg2[%dma_wait3A_131] : memref<12800000xf32, #tpu.memory_space<hbm>> -> memref<4000xf32, #tpu.memory_space<hbm>>
      %dma_wait3A_133 = arith.constant 0 : i32
      %dma_wait3A_134 = tpu.memref_slice %arg2[%dma_wait3A_133] : memref<12800000xf32, #tpu.memory_space<hbm>> -> memref<4000xf32, #tpu.memory_space<hbm>>
      tpu.wait_dma2 semaphore(%arg14 : memref<!tpu.dma_semaphore, #tpu.memory_space<semaphore_mem>>) src(%dma_wait3A_134 : memref<4000xf32, #tpu.memory_space<hbm>>) dst(%arg8 : memref<4000xf32, #tpu.memory_space<vmem>>)
      %dma_wait3A_135 = arith.constant 0 : i32
      %dma_wait3A_136 = tpu.memref_slice %arg2[%dma_wait3A_135] : memref<12800000xf32, #tpu.memory_space<hbm>> -> memref<4000xf32, #tpu.memory_space<hbm>>
      %dma_wait3A_137 = arith.constant 0 : i32
      %dma_wait3A_138 = tpu.memref_slice %arg2[%dma_wait3A_137] : memref<12800000xf32, #tpu.memory_space<hbm>> -> memref<4000xf32, #tpu.memory_space<hbm>>
      tpu.wait_dma2 semaphore(%arg14 : memref<!tpu.dma_semaphore, #tpu.memory_space<semaphore_mem>>) src(%dma_wait3A_138 : memref<4000xf32, #tpu.memory_space<hbm>>) dst(%arg9 : memref<4000xf32, #tpu.memory_space<vmem>>)
      %dma_wait3A_139 = arith.constant 0 : i32
      %dma_wait3A_140 = tpu.memref_slice %arg3[%dma_wait3A_139] : memref<100000xi32, #tpu.memory_space<hbm>> -> memref<4000xi32, #tpu.memory_space<hbm>>
      %dma_wait3A_141 = arith.constant 0 : i32
      %dma_wait3A_142 = tpu.memref_slice %arg3[%dma_wait3A_141] : memref<100000xi32, #tpu.memory_space<hbm>> -> memref<4000xi32, #tpu.memory_space<hbm>>
      tpu.wait_dma2 semaphore(%arg14 : memref<!tpu.dma_semaphore, #tpu.memory_space<semaphore_mem>>) src(%dma_wait3A_142 : memref<4000xi32, #tpu.memory_space<hbm>>) dst(%arg12 : memref<4000xi32, #tpu.memory_space<vmem>>)
      %parallel_loop3A_143 = arith.constant 0 : i32
      %parallel_loop3A_144 = arith.constant 250 : i32
      %parallel_loop3A_145 = arith.constant 1 : i32
      scf.for %parallel_loop3A_175 = %parallel_loop3A_143 to %parallel_loop3A_144 step %parallel_loop3A_145  : i32 {
        %parallel_loop3A_176 = arith.constant 16 : i32
        %parallel_loop3A_177 = arith.muli %parallel_loop3A_175, %parallel_loop3A_176 : i32
        %parallel_loop3A_178 = arith.index_cast %parallel_loop3A_177 : i32 to index
        %parallel_loop3A_179 = tpu.vector_load %arg12[%parallel_loop3A_178] {strides = array<i32>} : memref<4000xi32, #tpu.memory_space<vmem>>, vector<16xi32>,
        %parallel_loop3A_180 = arith.index_cast %parallel_loop3A_177 : i32 to index
        %parallel_loop3A_181 = tpu.vector_load %arg8[%parallel_loop3A_180] {strides = array<i32>} : memref<4000xf32, #tpu.memory_space<vmem>>, vector<16xf32>,
        tpu.vector_store_idx %arg5[%parallel_loop3A_179], %parallel_loop3A_181 {add = true} : memref<32768xf32, #tpu.memory_space<vmem>>[vector<16xi32>], vector<16xf32>,
        %parallel_loop3A_182 = arith.index_cast %parallel_loop3A_177 : i32 to index
        %parallel_loop3A_183 = tpu.vector_load %arg9[%parallel_loop3A_182] {strides = array<i32>} : memref<4000xf32, #tpu.memory_space<vmem>>, vector<16xf32>,
        tpu.vector_store_idx %arg6[%parallel_loop3A_179], %parallel_loop3A_183 {add = true} : memref<32768xf32, #tpu.memory_space<vmem>>[vector<16xi32>], vector<16xf32>,
        tpu.vector_store_idx %arg7[%parallel_loop3A_179], %broadcast_in_dim3A_5 {add = true} : memref<32768xf32, #tpu.memory_space<vmem>>[vector<16xi32>], vector<16xf32>,
      } {sc.loop_unroll_factor = 5 : i64, sc.parallel_access}
      %add3A_146 = arith.constant 2 : i32
      %add3A_147 = arith.addi %add3A_116, %add3A_146 : i32
      %mul3A_148 = arith.constant 4000 : i32
      %mul3A_149 = arith.muli %add3A_147, %mul3A_148 : i32
      %add3A_150 = arith.addi %mul3A_13, %mul3A_149 : i32
      %dma_start3A_151 = tpu.memref_slice %arg2[%add3A_150] : memref<12800000xf32, #tpu.memory_space<hbm>> -> memref<4000xf32, #tpu.memory_space<hbm>>
      %dma_start3A_152 = tpu.memref_slice %arg2[%add3A_150] : memref<12800000xf32, #tpu.memory_space<hbm>> -> memref<4000xf32, #tpu.memory_space<hbm>>
      tpu.enqueue_dma source(%dma_start3A_152 : memref<4000xf32, #tpu.memory_space<hbm>>) target(%arg8 : memref<4000xf32, #tpu.memory_space<vmem>>) target_semaphore(%arg14 : memref<!tpu.dma_semaphore, #tpu.memory_space<semaphore_mem>>)
      %add3A_153 = arith.addi %add3A_15, %mul3A_149 : i32
      %dma_start3A_154 = tpu.memref_slice %arg2[%add3A_153] : memref<12800000xf32, #tpu.memory_space<hbm>> -> memref<4000xf32, #tpu.memory_space<hbm>>
      %dma_start3A_155 = tpu.memref_slice %arg2[%add3A_153] : memref<12800000xf32, #tpu.memory_space<hbm>> -> memref<4000xf32, #tpu.memory_space<hbm>>
      tpu.enqueue_dma source(%dma_start3A_155 : memref<4000xf32, #tpu.memory_space<hbm>>) target(%arg9 : memref<4000xf32, #tpu.memory_space<vmem>>) target_semaphore(%arg14 : memref<!tpu.dma_semaphore, #tpu.memory_space<semaphore_mem>>)
      %add3A_156 = arith.constant 0 : i32
      %add3A_157 = arith.addi %add3A_156, %mul3A_149 : i32
      %dma_start3A_158 = tpu.memref_slice %arg3[%add3A_157] : memref<100000xi32, #tpu.memory_space<hbm>> -> memref<4000xi32, #tpu.memory_space<hbm>>
      %dma_start3A_159 = tpu.memref_slice %arg3[%add3A_157] : memref<100000xi32, #tpu.memory_space<hbm>> -> memref<4000xi32, #tpu.memory_space<hbm>>
      tpu.enqueue_dma source(%dma_start3A_159 : memref<4000xi32, #tpu.memory_space<hbm>>) target(%arg12 : memref<4000xi32, #tpu.memory_space<vmem>>) target_semaphore(%arg14 : memref<!tpu.dma_semaphore, #tpu.memory_space<semaphore_mem>>)
      %dma_wait3A_160 = arith.constant 0 : i32
      %dma_wait3A_161 = tpu.memref_slice %arg2[%dma_wait3A_160] : memref<12800000xf32, #tpu.memory_space<hbm>> -> memref<4000xf32, #tpu.memory_space<hbm>>
      %dma_wait3A_162 = arith.constant 0 : i32
      %dma_wait3A_163 = tpu.memref_slice %arg2[%dma_wait3A_162] : memref<12800000xf32, #tpu.memory_space<hbm>> -> memref<4000xf32, #tpu.memory_space<hbm>>
      tpu.wait_dma2 semaphore(%arg15 : memref<!tpu.dma_semaphore, #tpu.memory_space<semaphore_mem>>) src(%dma_wait3A_163 : memref<4000xf32, #tpu.memory_space<hbm>>) dst(%arg10 : memref<4000xf32, #tpu.memory_space<vmem>>)
      %dma_wait3A_164 = arith.constant 0 : i32
      %dma_wait3A_165 = tpu.memref_slice %arg2[%dma_wait3A_164] : memref<12800000xf32, #tpu.memory_space<hbm>> -> memref<4000xf32, #tpu.memory_space<hbm>>
      %dma_wait3A_166 = arith.constant 0 : i32
      %dma_wait3A_167 = tpu.memref_slice %arg2[%dma_wait3A_166] : memref<12800000xf32, #tpu.memory_space<hbm>> -> memref<4000xf32, #tpu.memory_space<hbm>>
      tpu.wait_dma2 semaphore(%arg15 : memref<!tpu.dma_semaphore, #tpu.memory_space<semaphore_mem>>) src(%dma_wait3A_167 : memref<4000xf32, #tpu.memory_space<hbm>>) dst(%arg11 : memref<4000xf32, #tpu.memory_space<vmem>>)
      %dma_wait3A_168 = arith.constant 0 : i32
      %dma_wait3A_169 = tpu.memref_slice %arg3[%dma_wait3A_168] : memref<100000xi32, #tpu.memory_space<hbm>> -> memref<4000xi32, #tpu.memory_space<hbm>>
      %dma_wait3A_170 = arith.constant 0 : i32
      %dma_wait3A_171 = tpu.memref_slice %arg3[%dma_wait3A_170] : memref<100000xi32, #tpu.memory_space<hbm>> -> memref<4000xi32, #tpu.memory_space<hbm>>
      tpu.wait_dma2 semaphore(%arg15 : memref<!tpu.dma_semaphore, #tpu.memory_space<semaphore_mem>>) src(%dma_wait3A_171 : memref<4000xi32, #tpu.memory_space<hbm>>) dst(%arg13 : memref<4000xi32, #tpu.memory_space<vmem>>)
      %parallel_loop3A_172 = arith.constant 0 : i32
      %parallel_loop3A_173 = arith.constant 250 : i32
      %parallel_loop3A_174 = arith.constant 1 : i32
      scf.for %parallel_loop3A_175 = %parallel_loop3A_172 to %parallel_loop3A_173 step %parallel_loop3A_174  : i32 {
        %parallel_loop3A_176 = arith.constant 16 : i32
        %parallel_loop3A_177 = arith.muli %parallel_loop3A_175, %parallel_loop3A_176 : i32
        %parallel_loop3A_178 = arith.index_cast %parallel_loop3A_177 : i32 to index
        %parallel_loop3A_179 = tpu.vector_load %arg13[%parallel_loop3A_178] {strides = array<i32>} : memref<4000xi32, #tpu.memory_space<vmem>>, vector<16xi32>,
        %parallel_loop3A_180 = arith.index_cast %parallel_loop3A_177 : i32 to index
        %parallel_loop3A_181 = tpu.vector_load %arg10[%parallel_loop3A_180] {strides = array<i32>} : memref<4000xf32, #tpu.memory_space<vmem>>, vector<16xf32>,
        tpu.vector_store_idx %arg5[%parallel_loop3A_179], %parallel_loop3A_181 {add = true} : memref<32768xf32, #tpu.memory_space<vmem>>[vector<16xi32>], vector<16xf32>,
        %parallel_loop3A_182 = arith.index_cast %parallel_loop3A_177 : i32 to index
        %parallel_loop3A_183 = tpu.vector_load %arg11[%parallel_loop3A_182] {strides = array<i32>} : memref<4000xf32, #tpu.memory_space<vmem>>, vector<16xf32>,
        tpu.vector_store_idx %arg6[%parallel_loop3A_179], %parallel_loop3A_183 {add = true} : memref<32768xf32, #tpu.memory_space<vmem>>[vector<16xi32>], vector<16xf32>,
        tpu.vector_store_idx %arg7[%parallel_loop3A_179], %broadcast_in_dim3A_5 {add = true} : memref<32768xf32, #tpu.memory_space<vmem>>[vector<16xi32>], vector<16xf32>,
      } {sc.loop_unroll_factor = 5 : i64, sc.parallel_access}
    }
    %scan3A_33 = arith.constant 12 : i32
    %dma_wait3A = arith.constant 0 : i32
    %dma_wait3A_34 = tpu.memref_slice %arg2[%dma_wait3A] : memref<12800000xf32, #tpu.memory_space<hbm>> -> memref<4000xf32, #tpu.memory_space<hbm>>
    %dma_wait3A_35 = arith.constant 0 : i32
    %dma_wait3A_36 = tpu.memref_slice %arg2[%dma_wait3A_35] : memref<12800000xf32, #tpu.memory_space<hbm>> -> memref<4000xf32, #tpu.memory_space<hbm>>
    tpu.wait_dma2 semaphore(%arg14 : memref<!tpu.dma_semaphore, #tpu.memory_space<semaphore_mem>>) src(%dma_wait3A_36 : memref<4000xf32, #tpu.memory_space<hbm>>) dst(%arg8 : memref<4000xf32, #tpu.memory_space<vmem>>)
    %dma_wait3A_37 = arith.constant 0 : i32
    %dma_wait3A_38 = tpu.memref_slice %arg2[%dma_wait3A_37] : memref<12800000xf32, #tpu.memory_space<hbm>> -> memref<4000xf32, #tpu.memory_space<hbm>>
    %dma_wait3A_39 = arith.constant 0 : i32
    %dma_wait3A_40 = tpu.memref_slice %arg2[%dma_wait3A_39] : memref<12800000xf32, #tpu.memory_space<hbm>> -> memref<4000xf32, #tpu.memory_space<hbm>>
    tpu.wait_dma2 semaphore(%arg14 : memref<!tpu.dma_semaphore, #tpu.memory_space<semaphore_mem>>) src(%dma_wait3A_40 : memref<4000xf32, #tpu.memory_space<hbm>>) dst(%arg9 : memref<4000xf32, #tpu.memory_space<vmem>>)
    %dma_wait3A_41 = arith.constant 0 : i32
    %dma_wait3A_42 = tpu.memref_slice %arg3[%dma_wait3A_41] : memref<100000xi32, #tpu.memory_space<hbm>> -> memref<4000xi32, #tpu.memory_space<hbm>>
    %dma_wait3A_43 = arith.constant 0 : i32
    %dma_wait3A_44 = tpu.memref_slice %arg3[%dma_wait3A_43] : memref<100000xi32, #tpu.memory_space<hbm>> -> memref<4000xi32, #tpu.memory_space<hbm>>
    tpu.wait_dma2 semaphore(%arg14 : memref<!tpu.dma_semaphore, #tpu.memory_space<semaphore_mem>>) src(%dma_wait3A_44 : memref<4000xi32, #tpu.memory_space<hbm>>) dst(%arg12 : memref<4000xi32, #tpu.memory_space<vmem>>)
    %parallel_loop3A_45 = arith.constant 0 : i32
    %parallel_loop3A_46 = arith.constant 250 : i32
    %parallel_loop3A_47 = arith.constant 1 : i32
    scf.for %parallel_loop3A_112 = %parallel_loop3A_45 to %parallel_loop3A_46 step %parallel_loop3A_47  : i32 {
      %parallel_loop3A_113 = arith.constant 16 : i32
      %parallel_loop3A_114 = arith.muli %parallel_loop3A_112, %parallel_loop3A_113 : i32
      %parallel_loop3A_115 = arith.index_cast %parallel_loop3A_114 : i32 to index
      %parallel_loop3A_116 = tpu.vector_load %arg12[%parallel_loop3A_115] {strides = array<i32>} : memref<4000xi32, #tpu.memory_space<vmem>>, vector<16xi32>,
      %parallel_loop3A_117 = arith.index_cast %parallel_loop3A_114 : i32 to index
      %parallel_loop3A_118 = tpu.vector_load %arg8[%parallel_loop3A_117] {strides = array<i32>} : memref<4000xf32, #tpu.memory_space<vmem>>, vector<16xf32>,
      tpu.vector_store_idx %arg5[%parallel_loop3A_116], %parallel_loop3A_118 {add = true} : memref<32768xf32, #tpu.memory_space<vmem>>[vector<16xi32>], vector<16xf32>,
      %parallel_loop3A_119 = arith.index_cast %parallel_loop3A_114 : i32 to index
      %parallel_loop3A_120 = tpu.vector_load %arg9[%parallel_loop3A_119] {strides = array<i32>} : memref<4000xf32, #tpu.memory_space<vmem>>, vector<16xf32>,
      tpu.vector_store_idx %arg6[%parallel_loop3A_116], %parallel_loop3A_120 {add = true} : memref<32768xf32, #tpu.memory_space<vmem>>[vector<16xi32>], vector<16xf32>,
      tpu.vector_store_idx %arg7[%parallel_loop3A_116], %broadcast_in_dim3A_5 {add = true} : memref<32768xf32, #tpu.memory_space<vmem>>[vector<16xi32>], vector<16xf32>,
    } {sc.loop_unroll_factor = 5 : i64, sc.parallel_access}
    %parallel_loop3A_48 = arith.constant 0 : i32
    %parallel_loop3A_49 = arith.constant 2048 : i32
    %parallel_loop3A_50 = arith.constant 1 : i32
    scf.for %parallel_loop3A_112 = %parallel_loop3A_48 to %parallel_loop3A_49 step %parallel_loop3A_50  : i32 {
      %parallel_loop3A_113 = arith.constant 16 : i32
      %parallel_loop3A_114 = arith.muli %parallel_loop3A_112, %parallel_loop3A_113 : i32
      %parallel_loop3A_115 = arith.index_cast %parallel_loop3A_114 : i32 to index
      %parallel_loop3A_116 = tpu.vector_load %arg7[%parallel_loop3A_115] {strides = array<i32>} : memref<32768xf32, #tpu.memory_space<vmem>>, vector<16xf32>,
      %parallel_loop3A_117 = arith.constant 1.000000e+00 : f32
      %parallel_loop3A_118 = vector.broadcast %parallel_loop3A_117 : f32 to vector<16xf32>
      %parallel_loop3A_119 = arith.maximumf %parallel_loop3A_116, %parallel_loop3A_118 : vector<16xf32>
      %parallel_loop3A_120 = arith.constant 1.000000e+00 : f32
      %parallel_loop3A_121 = vector.broadcast %parallel_loop3A_120 : f32 to vector<16xf32>
      %parallel_loop3A_122 = arith.divf %parallel_loop3A_121, %parallel_loop3A_119 : vector<16xf32>
      %parallel_loop3A_123 = arith.index_cast %parallel_loop3A_114 : i32 to index
      %parallel_loop3A_124 = tpu.vector_load %arg7[%parallel_loop3A_123] {strides = array<i32>} : memref<32768xf32, #tpu.memory_space<vmem>>, vector<16xf32>,
      tpu.vector_store %arg7[%parallel_loop3A_123], %parallel_loop3A_122 {strides = array<i32>} : memref<32768xf32, #tpu.memory_space<vmem>>, vector<16xf32>,
    } {sc.loop_unroll_factor = 4 : i64, sc.parallel_access}
    %parallel_loop3A_51 = arith.constant 0 : i32
    %parallel_loop3A_52 = arith.constant 2048 : i32
    %parallel_loop3A_53 = arith.constant 1 : i32
    scf.for %parallel_loop3A_112 = %parallel_loop3A_51 to %parallel_loop3A_52 step %parallel_loop3A_53  : i32 {
      %parallel_loop3A_113 = arith.constant 16 : i32
      %parallel_loop3A_114 = arith.muli %parallel_loop3A_112, %parallel_loop3A_113 : i32
      %parallel_loop3A_115 = arith.index_cast %parallel_loop3A_114 : i32 to index
      %parallel_loop3A_116 = tpu.vector_load %arg5[%parallel_loop3A_115] {strides = array<i32>} : memref<32768xf32, #tpu.memory_space<vmem>>, vector<16xf32>,
      %parallel_loop3A_117 = arith.index_cast %parallel_loop3A_114 : i32 to index
      %parallel_loop3A_118 = tpu.vector_load %arg7[%parallel_loop3A_117] {strides = array<i32>} : memref<32768xf32, #tpu.memory_space<vmem>>, vector<16xf32>,
      %parallel_loop3A_119 = arith.mulf %parallel_loop3A_116, %parallel_loop3A_118 : vector<16xf32>
      %parallel_loop3A_120 = arith.index_cast %parallel_loop3A_114 : i32 to index
      %parallel_loop3A_121 = tpu.vector_load %arg5[%parallel_loop3A_120] {strides = array<i32>} : memref<32768xf32, #tpu.memory_space<vmem>>, vector<16xf32>,
      tpu.vector_store %arg5[%parallel_loop3A_120], %parallel_loop3A_119 {strides = array<i32>} : memref<32768xf32, #tpu.memory_space<vmem>>, vector<16xf32>,
      %parallel_loop3A_122 = arith.index_cast %parallel_loop3A_114 : i32 to index
      %parallel_loop3A_123 = tpu.vector_load %arg6[%parallel_loop3A_122] {strides = array<i32>} : memref<32768xf32, #tpu.memory_space<vmem>>, vector<16xf32>,
      %parallel_loop3A_124 = arith.index_cast %parallel_loop3A_114 : i32 to index
      %parallel_loop3A_125 = tpu.vector_load %arg7[%parallel_loop3A_124] {strides = array<i32>} : memref<32768xf32, #tpu.memory_space<vmem>>, vector<16xf32>,
      %parallel_loop3A_126 = arith.mulf %parallel_loop3A_123, %parallel_loop3A_125 : vector<16xf32>
      %parallel_loop3A_127 = arith.index_cast %parallel_loop3A_114 : i32 to index
      %parallel_loop3A_128 = tpu.vector_load %arg6[%parallel_loop3A_127] {strides = array<i32>} : memref<32768xf32, #tpu.memory_space<vmem>>, vector<16xf32>,
      tpu.vector_store %arg6[%parallel_loop3A_127], %parallel_loop3A_126 {strides = array<i32>} : memref<32768xf32, #tpu.memory_space<vmem>>, vector<16xf32>,
    } {sc.loop_unroll_factor = 4 : i64, sc.parallel_access}
    %mul3A_54 = arith.constant 32768 : i32
    %mul3A_55 = arith.muli %add3A_9, %mul3A_54 : i32
    "tpu.region"() ({
      %run_scoped3A = tpu.sem_alloc : memref<!tpu.dma_semaphore, #tpu.memory_space<semaphore_mem>>
      %dma_start3A_112 = tpu.memref_slice %arg4[%mul3A_55] : memref<4194304xf32, #tpu.memory_space<hbm>> -> memref<32768xf32, #tpu.memory_space<hbm>>
      %dma_start3A_113 = tpu.memref_slice %arg4[%mul3A_55] : memref<4194304xf32, #tpu.memory_space<hbm>> -> memref<32768xf32, #tpu.memory_space<hbm>>
      tpu.enqueue_dma source(%arg5 : memref<32768xf32, #tpu.memory_space<vmem>>) target(%dma_start3A_113 : memref<32768xf32, #tpu.memory_space<hbm>>) target_semaphore(%run_scoped3A : memref<!tpu.dma_semaphore, #tpu.memory_space<semaphore_mem>>)
      %dma_wait3A_114 = tpu.memref_slice %arg4[%mul3A_55] : memref<4194304xf32, #tpu.memory_space<hbm>> -> memref<32768xf32, #tpu.memory_space<hbm>>
      %dma_wait3A_115 = tpu.memref_slice %arg4[%mul3A_55] : memref<4194304xf32, #tpu.memory_space<hbm>> -> memref<32768xf32, #tpu.memory_space<hbm>>
      tpu.wait_dma2 semaphore(%run_scoped3A : memref<!tpu.dma_semaphore, #tpu.memory_space<semaphore_mem>>) src(%arg5 : memref<32768xf32, #tpu.memory_space<vmem>>) dst(%dma_wait3A_115 : memref<32768xf32, #tpu.memory_space<hbm>>)
      tpu.yield
    }) : () -> ()
    %add3A_56 = arith.constant 1 : i32
    %add3A_57 = arith.addi %add3A_9, %add3A_56 : i32
    %mul3A_58 = arith.constant 32768 : i32
    %mul3A_59 = arith.muli %add3A_57, %mul3A_58 : i32
    "tpu.region"() ({
      %run_scoped3A = tpu.sem_alloc : memref<!tpu.dma_semaphore, #tpu.memory_space<semaphore_mem>>
      %dma_start3A_112 = tpu.memref_slice %arg4[%mul3A_59] : memref<4194304xf32, #tpu.memory_space<hbm>> -> memref<32768xf32, #tpu.memory_space<hbm>>
      %dma_start3A_113 = tpu.memref_slice %arg4[%mul3A_59] : memref<4194304xf32, #tpu.memory_space<hbm>> -> memref<32768xf32, #tpu.memory_space<hbm>>
      tpu.enqueue_dma source(%arg6 : memref<32768xf32, #tpu.memory_space<vmem>>) target(%dma_start3A_113 : memref<32768xf32, #tpu.memory_space<hbm>>) target_semaphore(%run_scoped3A : memref<!tpu.dma_semaphore, #tpu.memory_space<semaphore_mem>>)
      %dma_wait3A_114 = tpu.memref_slice %arg4[%mul3A_59] : memref<4194304xf32, #tpu.memory_space<hbm>> -> memref<32768xf32, #tpu.memory_space<hbm>>
      %dma_wait3A_115 = tpu.memref_slice %arg4[%mul3A_59] : memref<4194304xf32, #tpu.memory_space<hbm>> -> memref<32768xf32, #tpu.memory_space<hbm>>
      tpu.wait_dma2 semaphore(%run_scoped3A : memref<!tpu.dma_semaphore, #tpu.memory_space<semaphore_mem>>) src(%arg6 : memref<32768xf32, #tpu.memory_space<vmem>>) dst(%dma_wait3A_115 : memref<32768xf32, #tpu.memory_space<hbm>>)
      tpu.yield
    }) : () -> ()
    %add3A_60 = arith.constant 2 : i32
    %add3A_61 = arith.addi %mul3A_2, %add3A_60 : i32
    %add3A_62 = arith.constant 0 : i32
    %add3A_63 = arith.addi %add3A_62, %add3A_61 : i32
    %mul3A_64 = arith.constant 100000 : i32
    %mul3A_65 = arith.muli %add3A_63, %mul3A_64 : i32
    %add3A_66 = arith.constant 100000 : i32
    %add3A_67 = arith.addi %mul3A_65, %add3A_66 : i32
    %parallel_loop3A_68 = arith.constant 0 : i32
    %parallel_loop3A_69 = arith.constant 2048 : i32
    %parallel_loop3A_70 = arith.constant 1 : i32
    scf.for %parallel_loop3A_112 = %parallel_loop3A_68 to %parallel_loop3A_69 step %parallel_loop3A_70  : i32 {
      %parallel_loop3A_113 = arith.constant 16 : i32
      %parallel_loop3A_114 = arith.muli %parallel_loop3A_112, %parallel_loop3A_113 : i32
      %parallel_loop3A_115 = arith.index_cast %parallel_loop3A_114 : i32 to index
      %parallel_loop3A_116 = tpu.vector_load %arg5[%parallel_loop3A_115] {strides = array<i32>} : memref<32768xf32, #tpu.memory_space<vmem>>, vector<16xf32>,
      tpu.vector_store %arg5[%parallel_loop3A_115], %broadcast_in_dim3A_3 {strides = array<i32>} : memref<32768xf32, #tpu.memory_space<vmem>>, vector<16xf32>,
      %parallel_loop3A_117 = arith.index_cast %parallel_loop3A_114 : i32 to index
      %parallel_loop3A_118 = tpu.vector_load %arg6[%parallel_loop3A_117] {strides = array<i32>} : memref<32768xf32, #tpu.memory_space<vmem>>, vector<16xf32>,
      tpu.vector_store %arg6[%parallel_loop3A_117], %broadcast_in_dim3A_3 {strides = array<i32>} : memref<32768xf32, #tpu.memory_space<vmem>>, vector<16xf32>,
    } {sc.loop_unroll_factor = 8 : i64, sc.parallel_access}
    %add3A_71 = arith.constant 0 : i32
    %add3A_72 = arith.addi %mul3A_65, %add3A_71 : i32
    %dma_start3A_73 = tpu.memref_slice %arg2[%add3A_72] : memref<12800000xf32, #tpu.memory_space<hbm>> -> memref<4000xf32, #tpu.memory_space<hbm>>
    %dma_start3A_74 = tpu.memref_slice %arg2[%add3A_72] : memref<12800000xf32, #tpu.memory_space<hbm>> -> memref<4000xf32, #tpu.memory_space<hbm>>
    tpu.enqueue_dma source(%dma_start3A_74 : memref<4000xf32, #tpu.memory_space<hbm>>) target(%arg8 : memref<4000xf32, #tpu.memory_space<vmem>>) target_semaphore(%arg14 : memref<!tpu.dma_semaphore, #tpu.memory_space<semaphore_mem>>)
    %add3A_75 = arith.constant 0 : i32
    %add3A_76 = arith.addi %add3A_67, %add3A_75 : i32
    %dma_start3A_77 = tpu.memref_slice %arg2[%add3A_76] : memref<12800000xf32, #tpu.memory_space<hbm>> -> memref<4000xf32, #tpu.memory_space<hbm>>
    %dma_start3A_78 = tpu.memref_slice %arg2[%add3A_76] : memref<12800000xf32, #tpu.memory_space<hbm>> -> memref<4000xf32, #tpu.memory_space<hbm>>
    tpu.enqueue_dma source(%dma_start3A_78 : memref<4000xf32, #tpu.memory_space<hbm>>) target(%arg9 : memref<4000xf32, #tpu.memory_space<vmem>>) target_semaphore(%arg14 : memref<!tpu.dma_semaphore, #tpu.memory_space<semaphore_mem>>)
    %dma_start3A_79 = arith.constant 0 : i32
    %dma_start3A_80 = tpu.memref_slice %arg3[%dma_start3A_79] : memref<100000xi32, #tpu.memory_space<hbm>> -> memref<4000xi32, #tpu.memory_space<hbm>>
    %dma_start3A_81 = arith.constant 0 : i32
    %dma_start3A_82 = tpu.memref_slice %arg3[%dma_start3A_81] : memref<100000xi32, #tpu.memory_space<hbm>> -> memref<4000xi32, #tpu.memory_space<hbm>>
    tpu.enqueue_dma source(%dma_start3A_82 : memref<4000xi32, #tpu.memory_space<hbm>>) target(%arg12 : memref<4000xi32, #tpu.memory_space<vmem>>) target_semaphore(%arg14 : memref<!tpu.dma_semaphore, #tpu.memory_space<semaphore_mem>>)
    %scan3A_83 = arith.constant 0 : i32
    %scan3A_84 = arith.constant 12 : i32
    %scan3A_85 = arith.addi %scan3A_83, %scan3A_84 : i32
    %scan3A_86 = arith.constant 1 : i32
    scf.for %scan3A_112 = %scan3A_83 to %scan3A_85 step %scan3A_86  : i32 {
      %mul3A_113 = arith.constant 2 : i32
      %mul3A_114 = arith.muli %scan3A_112, %mul3A_113 : i32
      %add3A_115 = arith.constant 0 : i32
      %add3A_116 = arith.addi %add3A_115, %mul3A_114 : i32
      %add3A_117 = arith.constant 1 : i32
      %add3A_118 = arith.addi %add3A_116, %add3A_117 : i32
      %mul3A_119 = arith.constant 4000 : i32
      %mul3A_120 = arith.muli %add3A_118, %mul3A_119 : i32
      %add3A_121 = arith.addi %mul3A_65, %mul3A_120 : i32
      %dma_start3A_122 = tpu.memref_slice %arg2[%add3A_121] : memref<12800000xf32, #tpu.memory_space<hbm>> -> memref<4000xf32, #tpu.memory_space<hbm>>
      %dma_start3A_123 = tpu.memref_slice %arg2[%add3A_121] : memref<12800000xf32, #tpu.memory_space<hbm>> -> memref<4000xf32, #tpu.memory_space<hbm>>
      tpu.enqueue_dma source(%dma_start3A_123 : memref<4000xf32, #tpu.memory_space<hbm>>) target(%arg10 : memref<4000xf32, #tpu.memory_space<vmem>>) target_semaphore(%arg15 : memref<!tpu.dma_semaphore, #tpu.memory_space<semaphore_mem>>)
      %add3A_124 = arith.addi %add3A_67, %mul3A_120 : i32
      %dma_start3A_125 = tpu.memref_slice %arg2[%add3A_124] : memref<12800000xf32, #tpu.memory_space<hbm>> -> memref<4000xf32, #tpu.memory_space<hbm>>
      %dma_start3A_126 = tpu.memref_slice %arg2[%add3A_124] : memref<12800000xf32, #tpu.memory_space<hbm>> -> memref<4000xf32, #tpu.memory_space<hbm>>
      tpu.enqueue_dma source(%dma_start3A_126 : memref<4000xf32, #tpu.memory_space<hbm>>) target(%arg11 : memref<4000xf32, #tpu.memory_space<vmem>>) target_semaphore(%arg15 : memref<!tpu.dma_semaphore, #tpu.memory_space<semaphore_mem>>)
      %add3A_127 = arith.constant 0 : i32
      %add3A_128 = arith.addi %add3A_127, %mul3A_120 : i32
      %dma_start3A_129 = tpu.memref_slice %arg3[%add3A_128] : memref<100000xi32, #tpu.memory_space<hbm>> -> memref<4000xi32, #tpu.memory_space<hbm>>
      %dma_start3A_130 = tpu.memref_slice %arg3[%add3A_128] : memref<100000xi32, #tpu.memory_space<hbm>> -> memref<4000xi32, #tpu.memory_space<hbm>>
      tpu.enqueue_dma source(%dma_start3A_130 : memref<4000xi32, #tpu.memory_space<hbm>>) target(%arg13 : memref<4000xi32, #tpu.memory_space<vmem>>) target_semaphore(%arg15 : memref<!tpu.dma_semaphore, #tpu.memory_space<semaphore_mem>>)
      %dma_wait3A_131 = arith.constant 0 : i32
      %dma_wait3A_132 = tpu.memref_slice %arg2[%dma_wait3A_131] : memref<12800000xf32, #tpu.memory_space<hbm>> -> memref<4000xf32, #tpu.memory_space<hbm>>
      %dma_wait3A_133 = arith.constant 0 : i32
      %dma_wait3A_134 = tpu.memref_slice %arg2[%dma_wait3A_133] : memref<12800000xf32, #tpu.memory_space<hbm>> -> memref<4000xf32, #tpu.memory_space<hbm>>
      tpu.wait_dma2 semaphore(%arg14 : memref<!tpu.dma_semaphore, #tpu.memory_space<semaphore_mem>>) src(%dma_wait3A_134 : memref<4000xf32, #tpu.memory_space<hbm>>) dst(%arg8 : memref<4000xf32, #tpu.memory_space<vmem>>)
      %dma_wait3A_135 = arith.constant 0 : i32
      %dma_wait3A_136 = tpu.memref_slice %arg2[%dma_wait3A_135] : memref<12800000xf32, #tpu.memory_space<hbm>> -> memref<4000xf32, #tpu.memory_space<hbm>>
      %dma_wait3A_137 = arith.constant 0 : i32
      %dma_wait3A_138 = tpu.memref_slice %arg2[%dma_wait3A_137] : memref<12800000xf32, #tpu.memory_space<hbm>> -> memref<4000xf32, #tpu.memory_space<hbm>>
      tpu.wait_dma2 semaphore(%arg14 : memref<!tpu.dma_semaphore, #tpu.memory_space<semaphore_mem>>) src(%dma_wait3A_138 : memref<4000xf32, #tpu.memory_space<hbm>>) dst(%arg9 : memref<4000xf32, #tpu.memory_space<vmem>>)
      %dma_wait3A_139 = arith.constant 0 : i32
      %dma_wait3A_140 = tpu.memref_slice %arg3[%dma_wait3A_139] : memref<100000xi32, #tpu.memory_space<hbm>> -> memref<4000xi32, #tpu.memory_space<hbm>>
      %dma_wait3A_141 = arith.constant 0 : i32
      %dma_wait3A_142 = tpu.memref_slice %arg3[%dma_wait3A_141] : memref<100000xi32, #tpu.memory_space<hbm>> -> memref<4000xi32, #tpu.memory_space<hbm>>
      tpu.wait_dma2 semaphore(%arg14 : memref<!tpu.dma_semaphore, #tpu.memory_space<semaphore_mem>>) src(%dma_wait3A_142 : memref<4000xi32, #tpu.memory_space<hbm>>) dst(%arg12 : memref<4000xi32, #tpu.memory_space<vmem>>)
      %parallel_loop3A_143 = arith.constant 0 : i32
      %parallel_loop3A_144 = arith.constant 250 : i32
      %parallel_loop3A_145 = arith.constant 1 : i32
      scf.for %parallel_loop3A_175 = %parallel_loop3A_143 to %parallel_loop3A_144 step %parallel_loop3A_145  : i32 {
        %parallel_loop3A_176 = arith.constant 16 : i32
        %parallel_loop3A_177 = arith.muli %parallel_loop3A_175, %parallel_loop3A_176 : i32
        %parallel_loop3A_178 = arith.index_cast %parallel_loop3A_177 : i32 to index
        %parallel_loop3A_179 = tpu.vector_load %arg12[%parallel_loop3A_178] {strides = array<i32>} : memref<4000xi32, #tpu.memory_space<vmem>>, vector<16xi32>,
        %parallel_loop3A_180 = arith.index_cast %parallel_loop3A_177 : i32 to index
        %parallel_loop3A_181 = tpu.vector_load %arg8[%parallel_loop3A_180] {strides = array<i32>} : memref<4000xf32, #tpu.memory_space<vmem>>, vector<16xf32>,
        tpu.vector_store_idx %arg5[%parallel_loop3A_179], %parallel_loop3A_181 {add = true} : memref<32768xf32, #tpu.memory_space<vmem>>[vector<16xi32>], vector<16xf32>,
        %parallel_loop3A_182 = arith.index_cast %parallel_loop3A_177 : i32 to index
        %parallel_loop3A_183 = tpu.vector_load %arg9[%parallel_loop3A_182] {strides = array<i32>} : memref<4000xf32, #tpu.memory_space<vmem>>, vector<16xf32>,
        tpu.vector_store_idx %arg6[%parallel_loop3A_179], %parallel_loop3A_183 {add = true} : memref<32768xf32, #tpu.memory_space<vmem>>[vector<16xi32>], vector<16xf32>,
      } {sc.loop_unroll_factor = 5 : i64, sc.parallel_access}
      %add3A_146 = arith.constant 2 : i32
      %add3A_147 = arith.addi %add3A_116, %add3A_146 : i32
      %mul3A_148 = arith.constant 4000 : i32
      %mul3A_149 = arith.muli %add3A_147, %mul3A_148 : i32
      %add3A_150 = arith.addi %mul3A_65, %mul3A_149 : i32
      %dma_start3A_151 = tpu.memref_slice %arg2[%add3A_150] : memref<12800000xf32, #tpu.memory_space<hbm>> -> memref<4000xf32, #tpu.memory_space<hbm>>
      %dma_start3A_152 = tpu.memref_slice %arg2[%add3A_150] : memref<12800000xf32, #tpu.memory_space<hbm>> -> memref<4000xf32, #tpu.memory_space<hbm>>
      tpu.enqueue_dma source(%dma_start3A_152 : memref<4000xf32, #tpu.memory_space<hbm>>) target(%arg8 : memref<4000xf32, #tpu.memory_space<vmem>>) target_semaphore(%arg14 : memref<!tpu.dma_semaphore, #tpu.memory_space<semaphore_mem>>)
      %add3A_153 = arith.addi %add3A_67, %mul3A_149 : i32
      %dma_start3A_154 = tpu.memref_slice %arg2[%add3A_153] : memref<12800000xf32, #tpu.memory_space<hbm>> -> memref<4000xf32, #tpu.memory_space<hbm>>
      %dma_start3A_155 = tpu.memref_slice %arg2[%add3A_153] : memref<12800000xf32, #tpu.memory_space<hbm>> -> memref<4000xf32, #tpu.memory_space<hbm>>
      tpu.enqueue_dma source(%dma_start3A_155 : memref<4000xf32, #tpu.memory_space<hbm>>) target(%arg9 : memref<4000xf32, #tpu.memory_space<vmem>>) target_semaphore(%arg14 : memref<!tpu.dma_semaphore, #tpu.memory_space<semaphore_mem>>)
      %add3A_156 = arith.constant 0 : i32
      %add3A_157 = arith.addi %add3A_156, %mul3A_149 : i32
      %dma_start3A_158 = tpu.memref_slice %arg3[%add3A_157] : memref<100000xi32, #tpu.memory_space<hbm>> -> memref<4000xi32, #tpu.memory_space<hbm>>
      %dma_start3A_159 = tpu.memref_slice %arg3[%add3A_157] : memref<100000xi32, #tpu.memory_space<hbm>> -> memref<4000xi32, #tpu.memory_space<hbm>>
      tpu.enqueue_dma source(%dma_start3A_159 : memref<4000xi32, #tpu.memory_space<hbm>>) target(%arg12 : memref<4000xi32, #tpu.memory_space<vmem>>) target_semaphore(%arg14 : memref<!tpu.dma_semaphore, #tpu.memory_space<semaphore_mem>>)
      %dma_wait3A_160 = arith.constant 0 : i32
      %dma_wait3A_161 = tpu.memref_slice %arg2[%dma_wait3A_160] : memref<12800000xf32, #tpu.memory_space<hbm>> -> memref<4000xf32, #tpu.memory_space<hbm>>
      %dma_wait3A_162 = arith.constant 0 : i32
      %dma_wait3A_163 = tpu.memref_slice %arg2[%dma_wait3A_162] : memref<12800000xf32, #tpu.memory_space<hbm>> -> memref<4000xf32, #tpu.memory_space<hbm>>
      tpu.wait_dma2 semaphore(%arg15 : memref<!tpu.dma_semaphore, #tpu.memory_space<semaphore_mem>>) src(%dma_wait3A_163 : memref<4000xf32, #tpu.memory_space<hbm>>) dst(%arg10 : memref<4000xf32, #tpu.memory_space<vmem>>)
      %dma_wait3A_164 = arith.constant 0 : i32
      %dma_wait3A_165 = tpu.memref_slice %arg2[%dma_wait3A_164] : memref<12800000xf32, #tpu.memory_space<hbm>> -> memref<4000xf32, #tpu.memory_space<hbm>>
      %dma_wait3A_166 = arith.constant 0 : i32
      %dma_wait3A_167 = tpu.memref_slice %arg2[%dma_wait3A_166] : memref<12800000xf32, #tpu.memory_space<hbm>> -> memref<4000xf32, #tpu.memory_space<hbm>>
      tpu.wait_dma2 semaphore(%arg15 : memref<!tpu.dma_semaphore, #tpu.memory_space<semaphore_mem>>) src(%dma_wait3A_167 : memref<4000xf32, #tpu.memory_space<hbm>>) dst(%arg11 : memref<4000xf32, #tpu.memory_space<vmem>>)
      %dma_wait3A_168 = arith.constant 0 : i32
      %dma_wait3A_169 = tpu.memref_slice %arg3[%dma_wait3A_168] : memref<100000xi32, #tpu.memory_space<hbm>> -> memref<4000xi32, #tpu.memory_space<hbm>>
      %dma_wait3A_170 = arith.constant 0 : i32
      %dma_wait3A_171 = tpu.memref_slice %arg3[%dma_wait3A_170] : memref<100000xi32, #tpu.memory_space<hbm>> -> memref<4000xi32, #tpu.memory_space<hbm>>
      tpu.wait_dma2 semaphore(%arg15 : memref<!tpu.dma_semaphore, #tpu.memory_space<semaphore_mem>>) src(%dma_wait3A_171 : memref<4000xi32, #tpu.memory_space<hbm>>) dst(%arg13 : memref<4000xi32, #tpu.memory_space<vmem>>)
      %parallel_loop3A_172 = arith.constant 0 : i32
      %parallel_loop3A_173 = arith.constant 250 : i32
      %parallel_loop3A_174 = arith.constant 1 : i32
      scf.for %parallel_loop3A_175 = %parallel_loop3A_172 to %parallel_loop3A_173 step %parallel_loop3A_174  : i32 {
        %parallel_loop3A_176 = arith.constant 16 : i32
        %parallel_loop3A_177 = arith.muli %parallel_loop3A_175, %parallel_loop3A_176 : i32
        %parallel_loop3A_178 = arith.index_cast %parallel_loop3A_177 : i32 to index
        %parallel_loop3A_179 = tpu.vector_load %arg13[%parallel_loop3A_178] {strides = array<i32>} : memref<4000xi32, #tpu.memory_space<vmem>>, vector<16xi32>,
        %parallel_loop3A_180 = arith.index_cast %parallel_loop3A_177 : i32 to index
        %parallel_loop3A_181 = tpu.vector_load %arg10[%parallel_loop3A_180] {strides = array<i32>} : memref<4000xf32, #tpu.memory_space<vmem>>, vector<16xf32>,
        tpu.vector_store_idx %arg5[%parallel_loop3A_179], %parallel_loop3A_181 {add = true} : memref<32768xf32, #tpu.memory_space<vmem>>[vector<16xi32>], vector<16xf32>,
        %parallel_loop3A_182 = arith.index_cast %parallel_loop3A_177 : i32 to index
        %parallel_loop3A_183 = tpu.vector_load %arg11[%parallel_loop3A_182] {strides = array<i32>} : memref<4000xf32, #tpu.memory_space<vmem>>, vector<16xf32>,
        tpu.vector_store_idx %arg6[%parallel_loop3A_179], %parallel_loop3A_183 {add = true} : memref<32768xf32, #tpu.memory_space<vmem>>[vector<16xi32>], vector<16xf32>,
      } {sc.loop_unroll_factor = 5 : i64, sc.parallel_access}
    }
    %scan3A_87 = arith.constant 12 : i32
    %dma_wait3A_88 = arith.constant 0 : i32
    %dma_wait3A_89 = tpu.memref_slice %arg2[%dma_wait3A_88] : memref<12800000xf32, #tpu.memory_space<hbm>> -> memref<4000xf32, #tpu.memory_space<hbm>>
    %dma_wait3A_90 = arith.constant 0 : i32
    %dma_wait3A_91 = tpu.memref_slice %arg2[%dma_wait3A_90] : memref<12800000xf32, #tpu.memory_space<hbm>> -> memref<4000xf32, #tpu.memory_space<hbm>>
    tpu.wait_dma2 semaphore(%arg14 : memref<!tpu.dma_semaphore, #tpu.memory_space<semaphore_mem>>) src(%dma_wait3A_91 : memref<4000xf32, #tpu.memory_space<hbm>>) dst(%arg8 : memref<4000xf32, #tpu.memory_space<vmem>>)
    %dma_wait3A_92 = arith.constant 0 : i32
    %dma_wait3A_93 = tpu.memref_slice %arg2[%dma_wait3A_92] : memref<12800000xf32, #tpu.memory_space<hbm>> -> memref<4000xf32, #tpu.memory_space<hbm>>
    %dma_wait3A_94 = arith.constant 0 : i32
    %dma_wait3A_95 = tpu.memref_slice %arg2[%dma_wait3A_94] : memref<12800000xf32, #tpu.memory_space<hbm>> -> memref<4000xf32, #tpu.memory_space<hbm>>
    tpu.wait_dma2 semaphore(%arg14 : memref<!tpu.dma_semaphore, #tpu.memory_space<semaphore_mem>>) src(%dma_wait3A_95 : memref<4000xf32, #tpu.memory_space<hbm>>) dst(%arg9 : memref<4000xf32, #tpu.memory_space<vmem>>)
    %dma_wait3A_96 = arith.constant 0 : i32
    %dma_wait3A_97 = tpu.memref_slice %arg3[%dma_wait3A_96] : memref<100000xi32, #tpu.memory_space<hbm>> -> memref<4000xi32, #tpu.memory_space<hbm>>
    %dma_wait3A_98 = arith.constant 0 : i32
    %dma_wait3A_99 = tpu.memref_slice %arg3[%dma_wait3A_98] : memref<100000xi32, #tpu.memory_space<hbm>> -> memref<4000xi32, #tpu.memory_space<hbm>>
    tpu.wait_dma2 semaphore(%arg14 : memref<!tpu.dma_semaphore, #tpu.memory_space<semaphore_mem>>) src(%dma_wait3A_99 : memref<4000xi32, #tpu.memory_space<hbm>>) dst(%arg12 : memref<4000xi32, #tpu.memory_space<vmem>>)
    %parallel_loop3A_100 = arith.constant 0 : i32
    %parallel_loop3A_101 = arith.constant 250 : i32
    %parallel_loop3A_102 = arith.constant 1 : i32
    scf.for %parallel_loop3A_112 = %parallel_loop3A_100 to %parallel_loop3A_101 step %parallel_loop3A_102  : i32 {
      %parallel_loop3A_113 = arith.constant 16 : i32
      %parallel_loop3A_114 = arith.muli %parallel_loop3A_112, %parallel_loop3A_113 : i32
      %parallel_loop3A_115 = arith.index_cast %parallel_loop3A_114 : i32 to index
      %parallel_loop3A_116 = tpu.vector_load %arg12[%parallel_loop3A_115] {strides = array<i32>} : memref<4000xi32, #tpu.memory_space<vmem>>, vector<16xi32>,
      %parallel_loop3A_117 = arith.index_cast %parallel_loop3A_114 : i32 to index
      %parallel_loop3A_118 = tpu.vector_load %arg8[%parallel_loop3A_117] {strides = array<i32>} : memref<4000xf32, #tpu.memory_space<vmem>>, vector<16xf32>,
      tpu.vector_store_idx %arg5[%parallel_loop3A_116], %parallel_loop3A_118 {add = true} : memref<32768xf32, #tpu.memory_space<vmem>>[vector<16xi32>], vector<16xf32>,
      %parallel_loop3A_119 = arith.index_cast %parallel_loop3A_114 : i32 to index
      %parallel_loop3A_120 = tpu.vector_load %arg9[%parallel_loop3A_119] {strides = array<i32>} : memref<4000xf32, #tpu.memory_space<vmem>>, vector<16xf32>,
      tpu.vector_store_idx %arg6[%parallel_loop3A_116], %parallel_loop3A_120 {add = true} : memref<32768xf32, #tpu.memory_space<vmem>>[vector<16xi32>], vector<16xf32>,
    } {sc.loop_unroll_factor = 5 : i64, sc.parallel_access}
    %parallel_loop3A_103 = arith.constant 0 : i32
    %parallel_loop3A_104 = arith.constant 2048 : i32
    %parallel_loop3A_105 = arith.constant 1 : i32
    scf.for %parallel_loop3A_112 = %parallel_loop3A_103 to %parallel_loop3A_104 step %parallel_loop3A_105  : i32 {
      %parallel_loop3A_113 = arith.constant 16 : i32
      %parallel_loop3A_114 = arith.muli %parallel_loop3A_112, %parallel_loop3A_113 : i32
      %parallel_loop3A_115 = arith.index_cast %parallel_loop3A_114 : i32 to index
      %parallel_loop3A_116 = tpu.vector_load %arg5[%parallel_loop3A_115] {strides = array<i32>} : memref<32768xf32, #tpu.memory_space<vmem>>, vector<16xf32>,
      %parallel_loop3A_117 = arith.index_cast %parallel_loop3A_114 : i32 to index
      %parallel_loop3A_118 = tpu.vector_load %arg7[%parallel_loop3A_117] {strides = array<i32>} : memref<32768xf32, #tpu.memory_space<vmem>>, vector<16xf32>,
      %parallel_loop3A_119 = arith.mulf %parallel_loop3A_116, %parallel_loop3A_118 : vector<16xf32>
      %parallel_loop3A_120 = arith.index_cast %parallel_loop3A_114 : i32 to index
      %parallel_loop3A_121 = tpu.vector_load %arg5[%parallel_loop3A_120] {strides = array<i32>} : memref<32768xf32, #tpu.memory_space<vmem>>, vector<16xf32>,
      tpu.vector_store %arg5[%parallel_loop3A_120], %parallel_loop3A_119 {strides = array<i32>} : memref<32768xf32, #tpu.memory_space<vmem>>, vector<16xf32>,
      %parallel_loop3A_122 = arith.index_cast %parallel_loop3A_114 : i32 to index
      %parallel_loop3A_123 = tpu.vector_load %arg6[%parallel_loop3A_122] {strides = array<i32>} : memref<32768xf32, #tpu.memory_space<vmem>>, vector<16xf32>,
      %parallel_loop3A_124 = arith.index_cast %parallel_loop3A_114 : i32 to index
      %parallel_loop3A_125 = tpu.vector_load %arg7[%parallel_loop3A_124] {strides = array<i32>} : memref<32768xf32, #tpu.memory_space<vmem>>, vector<16xf32>,
      %parallel_loop3A_126 = arith.mulf %parallel_loop3A_123, %parallel_loop3A_125 : vector<16xf32>
      %parallel_loop3A_127 = arith.index_cast %parallel_loop3A_114 : i32 to index
      %parallel_loop3A_128 = tpu.vector_load %arg6[%parallel_loop3A_127] {strides = array<i32>} : memref<32768xf32, #tpu.memory_space<vmem>>, vector<16xf32>,
      tpu.vector_store %arg6[%parallel_loop3A_127], %parallel_loop3A_126 {strides = array<i32>} : memref<32768xf32, #tpu.memory_space<vmem>>, vector<16xf32>,
    } {sc.loop_unroll_factor = 4 : i64, sc.parallel_access}
    %mul3A_106 = arith.constant 32768 : i32
    %mul3A_107 = arith.muli %add3A_61, %mul3A_106 : i32
    "tpu.region"() ({
      %run_scoped3A = tpu.sem_alloc : memref<!tpu.dma_semaphore, #tpu.memory_space<semaphore_mem>>
      %dma_start3A_112 = tpu.memref_slice %arg4[%mul3A_107] : memref<4194304xf32, #tpu.memory_space<hbm>> -> memref<32768xf32, #tpu.memory_space<hbm>>
      %dma_start3A_113 = tpu.memref_slice %arg4[%mul3A_107] : memref<4194304xf32, #tpu.memory_space<hbm>> -> memref<32768xf32, #tpu.memory_space<hbm>>
      tpu.enqueue_dma source(%arg5 : memref<32768xf32, #tpu.memory_space<vmem>>) target(%dma_start3A_113 : memref<32768xf32, #tpu.memory_space<hbm>>) target_semaphore(%run_scoped3A : memref<!tpu.dma_semaphore, #tpu.memory_space<semaphore_mem>>)
      %dma_wait3A_114 = tpu.memref_slice %arg4[%mul3A_107] : memref<4194304xf32, #tpu.memory_space<hbm>> -> memref<32768xf32, #tpu.memory_space<hbm>>
      %dma_wait3A_115 = tpu.memref_slice %arg4[%mul3A_107] : memref<4194304xf32, #tpu.memory_space<hbm>> -> memref<32768xf32, #tpu.memory_space<hbm>>
      tpu.wait_dma2 semaphore(%run_scoped3A : memref<!tpu.dma_semaphore, #tpu.memory_space<semaphore_mem>>) src(%arg5 : memref<32768xf32, #tpu.memory_space<vmem>>) dst(%dma_wait3A_115 : memref<32768xf32, #tpu.memory_space<hbm>>)
      tpu.yield
    }) : () -> ()
    %add3A_108 = arith.constant 1 : i32
    %add3A_109 = arith.addi %add3A_61, %add3A_108 : i32
    %mul3A_110 = arith.constant 32768 : i32
    %mul3A_111 = arith.muli %add3A_109, %mul3A_110 : i32
    "tpu.region"() ({
      %run_scoped3A = tpu.sem_alloc : memref<!tpu.dma_semaphore, #tpu.memory_space<semaphore_mem>>
      %dma_start3A_112 = tpu.memref_slice %arg4[%mul3A_111] : memref<4194304xf32, #tpu.memory_space<hbm>> -> memref<32768xf32, #tpu.memory_space<hbm>>
      %dma_start3A_113 = tpu.memref_slice %arg4[%mul3A_111] : memref<4194304xf32, #tpu.memory_space<hbm>> -> memref<32768xf32, #tpu.memory_space<hbm>>
      tpu.enqueue_dma source(%arg6 : memref<32768xf32, #tpu.memory_space<vmem>>) target(%dma_start3A_113 : memref<32768xf32, #tpu.memory_space<hbm>>) target_semaphore(%run_scoped3A : memref<!tpu.dma_semaphore, #tpu.memory_space<semaphore_mem>>)
      %dma_wait3A_114 = tpu.memref_slice %arg4[%mul3A_111] : memref<4194304xf32, #tpu.memory_space<hbm>> -> memref<32768xf32, #tpu.memory_space<hbm>>
      %dma_wait3A_115 = tpu.memref_slice %arg4[%mul3A_111] : memref<4194304xf32, #tpu.memory_space<hbm>> -> memref<32768xf32, #tpu.memory_space<hbm>>
      tpu.wait_dma2 semaphore(%run_scoped3A : memref<!tpu.dma_semaphore, #tpu.memory_space<semaphore_mem>>) src(%arg6 : memref<32768xf32, #tpu.memory_space<vmem>>) dst(%dma_wait3A_115 : memref<32768xf32, #tpu.memory_space<hbm>>)
      tpu.yield
    }) : () -> ()
    return
  }
}

#map = affine_map<(d0, d1) -> (0)>
module attributes {stable_mosaic.version = 14 : i64} {
  func.func @_sc_body(%arg0: i32, %arg1: i32, %arg2: memref<12800000xf32, #tpu.memory_space<hbm>>, %arg3: memref<100000xi32, #tpu.memory_space<hbm>>, %arg4: memref<4194304xf32, #tpu.memory_space<hbm>>, %arg5: memref<32768xf32, #tpu.memory_space<vmem>>, %arg6: memref<32768xf32, #tpu.memory_space<vmem>>, %arg7: memref<32768xf32, #tpu.memory_space<vmem>>, %arg8: memref<4000xf32, #tpu.memory_space<vmem>>, %arg9: memref<4000xf32, #tpu.memory_space<vmem>>, %arg10: memref<4000xf32, #tpu.memory_space<vmem>>, %arg11: memref<4000xf32, #tpu.memory_space<vmem>>, %arg12: memref<4000xi32, #tpu.memory_space<vmem>>, %arg13: memref<4000xi32, #tpu.memory_space<vmem>>, %arg14: memref<!tpu.dma_semaphore, #tpu.memory_space<semaphore_mem>>, %arg15: memref<!tpu.dma_semaphore, #tpu.memory_space<semaphore_mem>>) attributes {dimension_semantics = [#tpu.dimension_semantics<core_parallel>, #tpu.dimension_semantics<subcore_parallel>], iteration_bounds = array<i64: 2, 16>, scalar_prefetch = 0 : i64, scratch_operands = 11 : i64, tpu.core_type = #tpu.core_type<sc_vector_subcore>, window_params = [{transform_indices = #map}, {transform_indices = #map}, {transform_indices = #map}]} {
    %mul3A = arith.constant 2 : i32
    %mul3A_0 = arith.muli %arg1, %mul3A : i32
    %add3A = arith.addi %mul3A_0, %arg0 : i32
    %mul3A_1 = arith.constant 4 : i32
    %mul3A_2 = arith.muli %add3A, %mul3A_1 : i32
    %broadcast_in_dim3A = arith.constant 0.000000e+00 : f32
    %broadcast_in_dim3A_3 = vector.broadcast %broadcast_in_dim3A : f32 to vector<16xf32>
    %broadcast_in_dim3A_4 = arith.constant 1.000000e+00 : f32
    %broadcast_in_dim3A_5 = vector.broadcast %broadcast_in_dim3A_4 : f32 to vector<16xf32>
    %parallel_loop3A = arith.constant 0 : i32
    %parallel_loop3A_6 = arith.constant 2048 : i32
    %parallel_loop3A_7 = arith.constant 1 : i32
    scf.for %parallel_loop3A_112 = %parallel_loop3A to %parallel_loop3A_6 step %parallel_loop3A_7  : i32 {
      %parallel_loop3A_113 = arith.constant 16 : i32
      %parallel_loop3A_114 = arith.muli %parallel_loop3A_112, %parallel_loop3A_113 : i32
      %parallel_loop3A_115 = arith.index_cast %parallel_loop3A_114 : i32 to index
      %parallel_loop3A_116 = tpu.vector_load %arg7[%parallel_loop3A_115] {strides = array<i32>} : memref<32768xf32, #tpu.memory_space<vmem>>, vector<16xf32>,
      tpu.vector_store %arg7[%parallel_loop3A_115], %broadcast_in_dim3A_3 {strides = array<i32>} : memref<32768xf32, #tpu.memory_space<vmem>>, vector<16xf32>,
    } {sc.loop_unroll_factor = 8 : i64, sc.parallel_access}
    %add3A_8 = arith.constant 0 : i32
    %add3A_9 = arith.addi %mul3A_2, %add3A_8 : i32
    %add3A_10 = arith.constant 0 : i32
    %add3A_11 = arith.addi %add3A_10, %add3A_9 : i32
    %mul3A_12 = arith.constant 100000 : i32
    %mul3A_13 = arith.muli %add3A_11, %mul3A_12 : i32
    %add3A_14 = arith.constant 100000 : i32
    %add3A_15 = arith.addi %mul3A_13, %add3A_14 : i32
    %parallel_loop3A_16 = arith.constant 0 : i32
    %parallel_loop3A_17 = arith.constant 2048 : i32
    %parallel_loop3A_18 = arith.constant 1 : i32
    scf.for %parallel_loop3A_112 = %parallel_loop3A_16 to %parallel_loop3A_17 step %parallel_loop3A_18  : i32 {
      %parallel_loop3A_113 = arith.constant 16 : i32
      %parallel_loop3A_114 = arith.muli %parallel_loop3A_112, %parallel_loop3A_113 : i32
      %parallel_loop3A_115 = arith.index_cast %parallel_loop3A_114 : i32 to index
      %parallel_loop3A_116 = tpu.vector_load %arg5[%parallel_loop3A_115] {strides = array<i32>} : memref<32768xf32, #tpu.memory_space<vmem>>, vector<16xf32>,
      tpu.vector_store %arg5[%parallel_loop3A_115], %broadcast_in_dim3A_3 {strides = array<i32>} : memref<32768xf32, #tpu.memory_space<vmem>>, vector<16xf32>,
      %parallel_loop3A_117 = arith.index_cast %parallel_loop3A_114 : i32 to index
      %parallel_loop3A_118 = tpu.vector_load %arg6[%parallel_loop3A_117] {strides = array<i32>} : memref<32768xf32, #tpu.memory_space<vmem>>, vector<16xf32>,
      tpu.vector_store %arg6[%parallel_loop3A_117], %broadcast_in_dim3A_3 {strides = array<i32>} : memref<32768xf32, #tpu.memory_space<vmem>>, vector<16xf32>,
    } {sc.loop_unroll_factor = 8 : i64, sc.parallel_access}
    %add3A_19 = arith.constant 0 : i32
    %add3A_20 = arith.addi %mul3A_13, %add3A_19 : i32
    %dma_start3A = tpu.memref_slice %arg2[%add3A_20] : memref<12800000xf32, #tpu.memory_space<hbm>> -> memref<4000xf32, #tpu.memory_space<hbm>>
    %dma_start3A_21 = tpu.memref_slice %arg2[%add3A_20] : memref<12800000xf32, #tpu.memory_space<hbm>> -> memref<4000xf32, #tpu.memory_space<hbm>>
    tpu.enqueue_dma source(%dma_start3A_21 : memref<4000xf32, #tpu.memory_space<hbm>>) target(%arg8 : memref<4000xf32, #tpu.memory_space<vmem>>) target_semaphore(%arg14 : memref<!tpu.dma_semaphore, #tpu.memory_space<semaphore_mem>>)
    %add3A_22 = arith.constant 0 : i32
    %add3A_23 = arith.addi %add3A_15, %add3A_22 : i32
    %dma_start3A_24 = tpu.memref_slice %arg2[%add3A_23] : memref<12800000xf32, #tpu.memory_space<hbm>> -> memref<4000xf32, #tpu.memory_space<hbm>>
    %dma_start3A_25 = tpu.memref_slice %arg2[%add3A_23] : memref<12800000xf32, #tpu.memory_space<hbm>> -> memref<4000xf32, #tpu.memory_space<hbm>>
    tpu.enqueue_dma source(%dma_start3A_25 : memref<4000xf32, #tpu.memory_space<hbm>>) target(%arg9 : memref<4000xf32, #tpu.memory_space<vmem>>) target_semaphore(%arg14 : memref<!tpu.dma_semaphore, #tpu.memory_space<semaphore_mem>>)
    %dma_start3A_26 = arith.constant 0 : i32
    %dma_start3A_27 = tpu.memref_slice %arg3[%dma_start3A_26] : memref<100000xi32, #tpu.memory_space<hbm>> -> memref<4000xi32, #tpu.memory_space<hbm>>
    %dma_start3A_28 = arith.constant 0 : i32
    %dma_start3A_29 = tpu.memref_slice %arg3[%dma_start3A_28] : memref<100000xi32, #tpu.memory_space<hbm>> -> memref<4000xi32, #tpu.memory_space<hbm>>
    tpu.enqueue_dma source(%dma_start3A_29 : memref<4000xi32, #tpu.memory_space<hbm>>) target(%arg12 : memref<4000xi32, #tpu.memory_space<vmem>>) target_semaphore(%arg14 : memref<!tpu.dma_semaphore, #tpu.memory_space<semaphore_mem>>)
    %scan3A = arith.constant 0 : i32
    %scan3A_30 = arith.constant 12 : i32
    %scan3A_31 = arith.addi %scan3A, %scan3A_30 : i32
    %scan3A_32 = arith.constant 1 : i32
    scf.for %scan3A_112 = %scan3A to %scan3A_31 step %scan3A_32  : i32 {
      %mul3A_113 = arith.constant 2 : i32
      %mul3A_114 = arith.muli %scan3A_112, %mul3A_113 : i32
      %add3A_115 = arith.constant 0 : i32
      %add3A_116 = arith.addi %add3A_115, %mul3A_114 : i32
      %add3A_117 = arith.constant 1 : i32
      %add3A_118 = arith.addi %add3A_116, %add3A_117 : i32
      %mul3A_119 = arith.constant 4000 : i32
      %mul3A_120 = arith.muli %add3A_118, %mul3A_119 : i32
      %add3A_121 = arith.addi %mul3A_13, %mul3A_120 : i32
      %dma_start3A_122 = tpu.memref_slice %arg2[%add3A_121] : memref<12800000xf32, #tpu.memory_space<hbm>> -> memref<4000xf32, #tpu.memory_space<hbm>>
      %dma_start3A_123 = tpu.memref_slice %arg2[%add3A_121] : memref<12800000xf32, #tpu.memory_space<hbm>> -> memref<4000xf32, #tpu.memory_space<hbm>>
      tpu.enqueue_dma source(%dma_start3A_123 : memref<4000xf32, #tpu.memory_space<hbm>>) target(%arg10 : memref<4000xf32, #tpu.memory_space<vmem>>) target_semaphore(%arg15 : memref<!tpu.dma_semaphore, #tpu.memory_space<semaphore_mem>>)
      %add3A_124 = arith.addi %add3A_15, %mul3A_120 : i32
      %dma_start3A_125 = tpu.memref_slice %arg2[%add3A_124] : memref<12800000xf32, #tpu.memory_space<hbm>> -> memref<4000xf32, #tpu.memory_space<hbm>>
      %dma_start3A_126 = tpu.memref_slice %arg2[%add3A_124] : memref<12800000xf32, #tpu.memory_space<hbm>> -> memref<4000xf32, #tpu.memory_space<hbm>>
      tpu.enqueue_dma source(%dma_start3A_126 : memref<4000xf32, #tpu.memory_space<hbm>>) target(%arg11 : memref<4000xf32, #tpu.memory_space<vmem>>) target_semaphore(%arg15 : memref<!tpu.dma_semaphore, #tpu.memory_space<semaphore_mem>>)
      %add3A_127 = arith.constant 0 : i32
      %add3A_128 = arith.addi %add3A_127, %mul3A_120 : i32
      %dma_start3A_129 = tpu.memref_slice %arg3[%add3A_128] : memref<100000xi32, #tpu.memory_space<hbm>> -> memref<4000xi32, #tpu.memory_space<hbm>>
      %dma_start3A_130 = tpu.memref_slice %arg3[%add3A_128] : memref<100000xi32, #tpu.memory_space<hbm>> -> memref<4000xi32, #tpu.memory_space<hbm>>
      tpu.enqueue_dma source(%dma_start3A_130 : memref<4000xi32, #tpu.memory_space<hbm>>) target(%arg13 : memref<4000xi32, #tpu.memory_space<vmem>>) target_semaphore(%arg15 : memref<!tpu.dma_semaphore, #tpu.memory_space<semaphore_mem>>)
      %dma_wait3A_131 = arith.constant 0 : i32
      %dma_wait3A_132 = tpu.memref_slice %arg2[%dma_wait3A_131] : memref<12800000xf32, #tpu.memory_space<hbm>> -> memref<4000xf32, #tpu.memory_space<hbm>>
      %dma_wait3A_133 = arith.constant 0 : i32
      %dma_wait3A_134 = tpu.memref_slice %arg2[%dma_wait3A_133] : memref<12800000xf32, #tpu.memory_space<hbm>> -> memref<4000xf32, #tpu.memory_space<hbm>>
      tpu.wait_dma2 semaphore(%arg14 : memref<!tpu.dma_semaphore, #tpu.memory_space<semaphore_mem>>) src(%dma_wait3A_134 : memref<4000xf32, #tpu.memory_space<hbm>>) dst(%arg8 : memref<4000xf32, #tpu.memory_space<vmem>>)
      %dma_wait3A_135 = arith.constant 0 : i32
      %dma_wait3A_136 = tpu.memref_slice %arg2[%dma_wait3A_135] : memref<12800000xf32, #tpu.memory_space<hbm>> -> memref<4000xf32, #tpu.memory_space<hbm>>
      %dma_wait3A_137 = arith.constant 0 : i32
      %dma_wait3A_138 = tpu.memref_slice %arg2[%dma_wait3A_137] : memref<12800000xf32, #tpu.memory_space<hbm>> -> memref<4000xf32, #tpu.memory_space<hbm>>
      tpu.wait_dma2 semaphore(%arg14 : memref<!tpu.dma_semaphore, #tpu.memory_space<semaphore_mem>>) src(%dma_wait3A_138 : memref<4000xf32, #tpu.memory_space<hbm>>) dst(%arg9 : memref<4000xf32, #tpu.memory_space<vmem>>)
      %dma_wait3A_139 = arith.constant 0 : i32
      %dma_wait3A_140 = tpu.memref_slice %arg3[%dma_wait3A_139] : memref<100000xi32, #tpu.memory_space<hbm>> -> memref<4000xi32, #tpu.memory_space<hbm>>
      %dma_wait3A_141 = arith.constant 0 : i32
      %dma_wait3A_142 = tpu.memref_slice %arg3[%dma_wait3A_141] : memref<100000xi32, #tpu.memory_space<hbm>> -> memref<4000xi32, #tpu.memory_space<hbm>>
      tpu.wait_dma2 semaphore(%arg14 : memref<!tpu.dma_semaphore, #tpu.memory_space<semaphore_mem>>) src(%dma_wait3A_142 : memref<4000xi32, #tpu.memory_space<hbm>>) dst(%arg12 : memref<4000xi32, #tpu.memory_space<vmem>>)
      %parallel_loop3A_143 = arith.constant 0 : i32
      %parallel_loop3A_144 = arith.constant 250 : i32
      %parallel_loop3A_145 = arith.constant 1 : i32
      scf.for %parallel_loop3A_175 = %parallel_loop3A_143 to %parallel_loop3A_144 step %parallel_loop3A_145  : i32 {
        %parallel_loop3A_176 = arith.constant 16 : i32
        %parallel_loop3A_177 = arith.muli %parallel_loop3A_175, %parallel_loop3A_176 : i32
        %parallel_loop3A_178 = arith.index_cast %parallel_loop3A_177 : i32 to index
        %parallel_loop3A_179 = tpu.vector_load %arg12[%parallel_loop3A_178] {strides = array<i32>} : memref<4000xi32, #tpu.memory_space<vmem>>, vector<16xi32>,
        %parallel_loop3A_180 = arith.index_cast %parallel_loop3A_177 : i32 to index
        %parallel_loop3A_181 = tpu.vector_load %arg8[%parallel_loop3A_180] {strides = array<i32>} : memref<4000xf32, #tpu.memory_space<vmem>>, vector<16xf32>,
        tpu.vector_store_idx %arg5[%parallel_loop3A_179], %parallel_loop3A_181 {add = true} : memref<32768xf32, #tpu.memory_space<vmem>>[vector<16xi32>], vector<16xf32>,
        %parallel_loop3A_182 = arith.index_cast %parallel_loop3A_177 : i32 to index
        %parallel_loop3A_183 = tpu.vector_load %arg9[%parallel_loop3A_182] {strides = array<i32>} : memref<4000xf32, #tpu.memory_space<vmem>>, vector<16xf32>,
        tpu.vector_store_idx %arg6[%parallel_loop3A_179], %parallel_loop3A_183 {add = true} : memref<32768xf32, #tpu.memory_space<vmem>>[vector<16xi32>], vector<16xf32>,
        tpu.vector_store_idx %arg7[%parallel_loop3A_179], %broadcast_in_dim3A_5 {add = true} : memref<32768xf32, #tpu.memory_space<vmem>>[vector<16xi32>], vector<16xf32>,
      } {sc.loop_unroll_factor = 5 : i64, sc.parallel_access}
      %add3A_146 = arith.constant 2 : i32
      %add3A_147 = arith.addi %add3A_116, %add3A_146 : i32
      %mul3A_148 = arith.constant 4000 : i32
      %mul3A_149 = arith.muli %add3A_147, %mul3A_148 : i32
      %add3A_150 = arith.addi %mul3A_13, %mul3A_149 : i32
      %dma_start3A_151 = tpu.memref_slice %arg2[%add3A_150] : memref<12800000xf32, #tpu.memory_space<hbm>> -> memref<4000xf32, #tpu.memory_space<hbm>>
      %dma_start3A_152 = tpu.memref_slice %arg2[%add3A_150] : memref<12800000xf32, #tpu.memory_space<hbm>> -> memref<4000xf32, #tpu.memory_space<hbm>>
      tpu.enqueue_dma source(%dma_start3A_152 : memref<4000xf32, #tpu.memory_space<hbm>>) target(%arg8 : memref<4000xf32, #tpu.memory_space<vmem>>) target_semaphore(%arg14 : memref<!tpu.dma_semaphore, #tpu.memory_space<semaphore_mem>>)
      %add3A_153 = arith.addi %add3A_15, %mul3A_149 : i32
      %dma_start3A_154 = tpu.memref_slice %arg2[%add3A_153] : memref<12800000xf32, #tpu.memory_space<hbm>> -> memref<4000xf32, #tpu.memory_space<hbm>>
      %dma_start3A_155 = tpu.memref_slice %arg2[%add3A_153] : memref<12800000xf32, #tpu.memory_space<hbm>> -> memref<4000xf32, #tpu.memory_space<hbm>>
      tpu.enqueue_dma source(%dma_start3A_155 : memref<4000xf32, #tpu.memory_space<hbm>>) target(%arg9 : memref<4000xf32, #tpu.memory_space<vmem>>) target_semaphore(%arg14 : memref<!tpu.dma_semaphore, #tpu.memory_space<semaphore_mem>>)
      %add3A_156 = arith.constant 0 : i32
      %add3A_157 = arith.addi %add3A_156, %mul3A_149 : i32
      %dma_start3A_158 = tpu.memref_slice %arg3[%add3A_157] : memref<100000xi32, #tpu.memory_space<hbm>> -> memref<4000xi32, #tpu.memory_space<hbm>>
      %dma_start3A_159 = tpu.memref_slice %arg3[%add3A_157] : memref<100000xi32, #tpu.memory_space<hbm>> -> memref<4000xi32, #tpu.memory_space<hbm>>
      tpu.enqueue_dma source(%dma_start3A_159 : memref<4000xi32, #tpu.memory_space<hbm>>) target(%arg12 : memref<4000xi32, #tpu.memory_space<vmem>>) target_semaphore(%arg14 : memref<!tpu.dma_semaphore, #tpu.memory_space<semaphore_mem>>)
      %dma_wait3A_160 = arith.constant 0 : i32
      %dma_wait3A_161 = tpu.memref_slice %arg2[%dma_wait3A_160] : memref<12800000xf32, #tpu.memory_space<hbm>> -> memref<4000xf32, #tpu.memory_space<hbm>>
      %dma_wait3A_162 = arith.constant 0 : i32
      %dma_wait3A_163 = tpu.memref_slice %arg2[%dma_wait3A_162] : memref<12800000xf32, #tpu.memory_space<hbm>> -> memref<4000xf32, #tpu.memory_space<hbm>>
      tpu.wait_dma2 semaphore(%arg15 : memref<!tpu.dma_semaphore, #tpu.memory_space<semaphore_mem>>) src(%dma_wait3A_163 : memref<4000xf32, #tpu.memory_space<hbm>>) dst(%arg10 : memref<4000xf32, #tpu.memory_space<vmem>>)
      %dma_wait3A_164 = arith.constant 0 : i32
      %dma_wait3A_165 = tpu.memref_slice %arg2[%dma_wait3A_164] : memref<12800000xf32, #tpu.memory_space<hbm>> -> memref<4000xf32, #tpu.memory_space<hbm>>
      %dma_wait3A_166 = arith.constant 0 : i32
      %dma_wait3A_167 = tpu.memref_slice %arg2[%dma_wait3A_166] : memref<12800000xf32, #tpu.memory_space<hbm>> -> memref<4000xf32, #tpu.memory_space<hbm>>
      tpu.wait_dma2 semaphore(%arg15 : memref<!tpu.dma_semaphore, #tpu.memory_space<semaphore_mem>>) src(%dma_wait3A_167 : memref<4000xf32, #tpu.memory_space<hbm>>) dst(%arg11 : memref<4000xf32, #tpu.memory_space<vmem>>)
      %dma_wait3A_168 = arith.constant 0 : i32
      %dma_wait3A_169 = tpu.memref_slice %arg3[%dma_wait3A_168] : memref<100000xi32, #tpu.memory_space<hbm>> -> memref<4000xi32, #tpu.memory_space<hbm>>
      %dma_wait3A_170 = arith.constant 0 : i32
      %dma_wait3A_171 = tpu.memref_slice %arg3[%dma_wait3A_170] : memref<100000xi32, #tpu.memory_space<hbm>> -> memref<4000xi32, #tpu.memory_space<hbm>>
      tpu.wait_dma2 semaphore(%arg15 : memref<!tpu.dma_semaphore, #tpu.memory_space<semaphore_mem>>) src(%dma_wait3A_171 : memref<4000xi32, #tpu.memory_space<hbm>>) dst(%arg13 : memref<4000xi32, #tpu.memory_space<vmem>>)
      %parallel_loop3A_172 = arith.constant 0 : i32
      %parallel_loop3A_173 = arith.constant 250 : i32
      %parallel_loop3A_174 = arith.constant 1 : i32
      scf.for %parallel_loop3A_175 = %parallel_loop3A_172 to %parallel_loop3A_173 step %parallel_loop3A_174  : i32 {
        %parallel_loop3A_176 = arith.constant 16 : i32
        %parallel_loop3A_177 = arith.muli %parallel_loop3A_175, %parallel_loop3A_176 : i32
        %parallel_loop3A_178 = arith.index_cast %parallel_loop3A_177 : i32 to index
        %parallel_loop3A_179 = tpu.vector_load %arg13[%parallel_loop3A_178] {strides = array<i32>} : memref<4000xi32, #tpu.memory_space<vmem>>, vector<16xi32>,
        %parallel_loop3A_180 = arith.index_cast %parallel_loop3A_177 : i32 to index
        %parallel_loop3A_181 = tpu.vector_load %arg10[%parallel_loop3A_180] {strides = array<i32>} : memref<4000xf32, #tpu.memory_space<vmem>>, vector<16xf32>,
        tpu.vector_store_idx %arg5[%parallel_loop3A_179], %parallel_loop3A_181 {add = true} : memref<32768xf32, #tpu.memory_space<vmem>>[vector<16xi32>], vector<16xf32>,
        %parallel_loop3A_182 = arith.index_cast %parallel_loop3A_177 : i32 to index
        %parallel_loop3A_183 = tpu.vector_load %arg11[%parallel_loop3A_182] {strides = array<i32>} : memref<4000xf32, #tpu.memory_space<vmem>>, vector<16xf32>,
        tpu.vector_store_idx %arg6[%parallel_loop3A_179], %parallel_loop3A_183 {add = true} : memref<32768xf32, #tpu.memory_space<vmem>>[vector<16xi32>], vector<16xf32>,
        tpu.vector_store_idx %arg7[%parallel_loop3A_179], %broadcast_in_dim3A_5 {add = true} : memref<32768xf32, #tpu.memory_space<vmem>>[vector<16xi32>], vector<16xf32>,
      } {sc.loop_unroll_factor = 5 : i64, sc.parallel_access}
    }
    %scan3A_33 = arith.constant 12 : i32
    %dma_wait3A = arith.constant 0 : i32
    %dma_wait3A_34 = tpu.memref_slice %arg2[%dma_wait3A] : memref<12800000xf32, #tpu.memory_space<hbm>> -> memref<4000xf32, #tpu.memory_space<hbm>>
    %dma_wait3A_35 = arith.constant 0 : i32
    %dma_wait3A_36 = tpu.memref_slice %arg2[%dma_wait3A_35] : memref<12800000xf32, #tpu.memory_space<hbm>> -> memref<4000xf32, #tpu.memory_space<hbm>>
    tpu.wait_dma2 semaphore(%arg14 : memref<!tpu.dma_semaphore, #tpu.memory_space<semaphore_mem>>) src(%dma_wait3A_36 : memref<4000xf32, #tpu.memory_space<hbm>>) dst(%arg8 : memref<4000xf32, #tpu.memory_space<vmem>>)
    %dma_wait3A_37 = arith.constant 0 : i32
    %dma_wait3A_38 = tpu.memref_slice %arg2[%dma_wait3A_37] : memref<12800000xf32, #tpu.memory_space<hbm>> -> memref<4000xf32, #tpu.memory_space<hbm>>
    %dma_wait3A_39 = arith.constant 0 : i32
    %dma_wait3A_40 = tpu.memref_slice %arg2[%dma_wait3A_39] : memref<12800000xf32, #tpu.memory_space<hbm>> -> memref<4000xf32, #tpu.memory_space<hbm>>
    tpu.wait_dma2 semaphore(%arg14 : memref<!tpu.dma_semaphore, #tpu.memory_space<semaphore_mem>>) src(%dma_wait3A_40 : memref<4000xf32, #tpu.memory_space<hbm>>) dst(%arg9 : memref<4000xf32, #tpu.memory_space<vmem>>)
    %dma_wait3A_41 = arith.constant 0 : i32
    %dma_wait3A_42 = tpu.memref_slice %arg3[%dma_wait3A_41] : memref<100000xi32, #tpu.memory_space<hbm>> -> memref<4000xi32, #tpu.memory_space<hbm>>
    %dma_wait3A_43 = arith.constant 0 : i32
    %dma_wait3A_44 = tpu.memref_slice %arg3[%dma_wait3A_43] : memref<100000xi32, #tpu.memory_space<hbm>> -> memref<4000xi32, #tpu.memory_space<hbm>>
    tpu.wait_dma2 semaphore(%arg14 : memref<!tpu.dma_semaphore, #tpu.memory_space<semaphore_mem>>) src(%dma_wait3A_44 : memref<4000xi32, #tpu.memory_space<hbm>>) dst(%arg12 : memref<4000xi32, #tpu.memory_space<vmem>>)
    %parallel_loop3A_45 = arith.constant 0 : i32
    %parallel_loop3A_46 = arith.constant 250 : i32
    %parallel_loop3A_47 = arith.constant 1 : i32
    scf.for %parallel_loop3A_112 = %parallel_loop3A_45 to %parallel_loop3A_46 step %parallel_loop3A_47  : i32 {
      %parallel_loop3A_113 = arith.constant 16 : i32
      %parallel_loop3A_114 = arith.muli %parallel_loop3A_112, %parallel_loop3A_113 : i32
      %parallel_loop3A_115 = arith.index_cast %parallel_loop3A_114 : i32 to index
      %parallel_loop3A_116 = tpu.vector_load %arg12[%parallel_loop3A_115] {strides = array<i32>} : memref<4000xi32, #tpu.memory_space<vmem>>, vector<16xi32>,
      %parallel_loop3A_117 = arith.index_cast %parallel_loop3A_114 : i32 to index
      %parallel_loop3A_118 = tpu.vector_load %arg8[%parallel_loop3A_117] {strides = array<i32>} : memref<4000xf32, #tpu.memory_space<vmem>>, vector<16xf32>,
      tpu.vector_store_idx %arg5[%parallel_loop3A_116], %parallel_loop3A_118 {add = true} : memref<32768xf32, #tpu.memory_space<vmem>>[vector<16xi32>], vector<16xf32>,
      %parallel_loop3A_119 = arith.index_cast %parallel_loop3A_114 : i32 to index
      %parallel_loop3A_120 = tpu.vector_load %arg9[%parallel_loop3A_119] {strides = array<i32>} : memref<4000xf32, #tpu.memory_space<vmem>>, vector<16xf32>,
      tpu.vector_store_idx %arg6[%parallel_loop3A_116], %parallel_loop3A_120 {add = true} : memref<32768xf32, #tpu.memory_space<vmem>>[vector<16xi32>], vector<16xf32>,
      tpu.vector_store_idx %arg7[%parallel_loop3A_116], %broadcast_in_dim3A_5 {add = true} : memref<32768xf32, #tpu.memory_space<vmem>>[vector<16xi32>], vector<16xf32>,
    } {sc.loop_unroll_factor = 5 : i64, sc.parallel_access}
    %parallel_loop3A_48 = arith.constant 0 : i32
    %parallel_loop3A_49 = arith.constant 2048 : i32
    %parallel_loop3A_50 = arith.constant 1 : i32
    scf.for %parallel_loop3A_112 = %parallel_loop3A_48 to %parallel_loop3A_49 step %parallel_loop3A_50  : i32 {
      %parallel_loop3A_113 = arith.constant 16 : i32
      %parallel_loop3A_114 = arith.muli %parallel_loop3A_112, %parallel_loop3A_113 : i32
      %parallel_loop3A_115 = arith.index_cast %parallel_loop3A_114 : i32 to index
      %parallel_loop3A_116 = tpu.vector_load %arg7[%parallel_loop3A_115] {strides = array<i32>} : memref<32768xf32, #tpu.memory_space<vmem>>, vector<16xf32>,
      %parallel_loop3A_117 = arith.constant 1.000000e+00 : f32
      %parallel_loop3A_118 = vector.broadcast %parallel_loop3A_117 : f32 to vector<16xf32>
      %parallel_loop3A_119 = arith.maximumf %parallel_loop3A_116, %parallel_loop3A_118 : vector<16xf32>
      %parallel_loop3A_120 = arith.constant 1.000000e+00 : f32
      %parallel_loop3A_121 = vector.broadcast %parallel_loop3A_120 : f32 to vector<16xf32>
      %parallel_loop3A_122 = arith.divf %parallel_loop3A_121, %parallel_loop3A_119 : vector<16xf32>
      %parallel_loop3A_123 = arith.index_cast %parallel_loop3A_114 : i32 to index
      %parallel_loop3A_124 = tpu.vector_load %arg7[%parallel_loop3A_123] {strides = array<i32>} : memref<32768xf32, #tpu.memory_space<vmem>>, vector<16xf32>,
      tpu.vector_store %arg7[%parallel_loop3A_123], %parallel_loop3A_122 {strides = array<i32>} : memref<32768xf32, #tpu.memory_space<vmem>>, vector<16xf32>,
    } {sc.loop_unroll_factor = 4 : i64, sc.parallel_access}
    %parallel_loop3A_51 = arith.constant 0 : i32
    %parallel_loop3A_52 = arith.constant 2048 : i32
    %parallel_loop3A_53 = arith.constant 1 : i32
    scf.for %parallel_loop3A_112 = %parallel_loop3A_51 to %parallel_loop3A_52 step %parallel_loop3A_53  : i32 {
      %parallel_loop3A_113 = arith.constant 16 : i32
      %parallel_loop3A_114 = arith.muli %parallel_loop3A_112, %parallel_loop3A_113 : i32
      %parallel_loop3A_115 = arith.index_cast %parallel_loop3A_114 : i32 to index
      %parallel_loop3A_116 = tpu.vector_load %arg5[%parallel_loop3A_115] {strides = array<i32>} : memref<32768xf32, #tpu.memory_space<vmem>>, vector<16xf32>,
      %parallel_loop3A_117 = arith.index_cast %parallel_loop3A_114 : i32 to index
      %parallel_loop3A_118 = tpu.vector_load %arg7[%parallel_loop3A_117] {strides = array<i32>} : memref<32768xf32, #tpu.memory_space<vmem>>, vector<16xf32>,
      %parallel_loop3A_119 = arith.mulf %parallel_loop3A_116, %parallel_loop3A_118 : vector<16xf32>
      %parallel_loop3A_120 = arith.index_cast %parallel_loop3A_114 : i32 to index
      %parallel_loop3A_121 = tpu.vector_load %arg5[%parallel_loop3A_120] {strides = array<i32>} : memref<32768xf32, #tpu.memory_space<vmem>>, vector<16xf32>,
      tpu.vector_store %arg5[%parallel_loop3A_120], %parallel_loop3A_119 {strides = array<i32>} : memref<32768xf32, #tpu.memory_space<vmem>>, vector<16xf32>,
      %parallel_loop3A_122 = arith.index_cast %parallel_loop3A_114 : i32 to index
      %parallel_loop3A_123 = tpu.vector_load %arg6[%parallel_loop3A_122] {strides = array<i32>} : memref<32768xf32, #tpu.memory_space<vmem>>, vector<16xf32>,
      %parallel_loop3A_124 = arith.index_cast %parallel_loop3A_114 : i32 to index
      %parallel_loop3A_125 = tpu.vector_load %arg7[%parallel_loop3A_124] {strides = array<i32>} : memref<32768xf32, #tpu.memory_space<vmem>>, vector<16xf32>,
      %parallel_loop3A_126 = arith.mulf %parallel_loop3A_123, %parallel_loop3A_125 : vector<16xf32>
      %parallel_loop3A_127 = arith.index_cast %parallel_loop3A_114 : i32 to index
      %parallel_loop3A_128 = tpu.vector_load %arg6[%parallel_loop3A_127] {strides = array<i32>} : memref<32768xf32, #tpu.memory_space<vmem>>, vector<16xf32>,
      tpu.vector_store %arg6[%parallel_loop3A_127], %parallel_loop3A_126 {strides = array<i32>} : memref<32768xf32, #tpu.memory_space<vmem>>, vector<16xf32>,
    } {sc.loop_unroll_factor = 4 : i64, sc.parallel_access}
    %mul3A_54 = arith.constant 32768 : i32
    %mul3A_55 = arith.muli %add3A_9, %mul3A_54 : i32
    "tpu.region"() ({
      %run_scoped3A = tpu.sem_alloc : memref<!tpu.dma_semaphore, #tpu.memory_space<semaphore_mem>>
      %dma_start3A_112 = tpu.memref_slice %arg4[%mul3A_55] : memref<4194304xf32, #tpu.memory_space<hbm>> -> memref<32768xf32, #tpu.memory_space<hbm>>
      %dma_start3A_113 = tpu.memref_slice %arg4[%mul3A_55] : memref<4194304xf32, #tpu.memory_space<hbm>> -> memref<32768xf32, #tpu.memory_space<hbm>>
      tpu.enqueue_dma source(%arg5 : memref<32768xf32, #tpu.memory_space<vmem>>) target(%dma_start3A_113 : memref<32768xf32, #tpu.memory_space<hbm>>) target_semaphore(%run_scoped3A : memref<!tpu.dma_semaphore, #tpu.memory_space<semaphore_mem>>)
      %dma_wait3A_114 = tpu.memref_slice %arg4[%mul3A_55] : memref<4194304xf32, #tpu.memory_space<hbm>> -> memref<32768xf32, #tpu.memory_space<hbm>>
      %dma_wait3A_115 = tpu.memref_slice %arg4[%mul3A_55] : memref<4194304xf32, #tpu.memory_space<hbm>> -> memref<32768xf32, #tpu.memory_space<hbm>>
      tpu.wait_dma2 semaphore(%run_scoped3A : memref<!tpu.dma_semaphore, #tpu.memory_space<semaphore_mem>>) src(%arg5 : memref<32768xf32, #tpu.memory_space<vmem>>) dst(%dma_wait3A_115 : memref<32768xf32, #tpu.memory_space<hbm>>)
      tpu.yield
    }) : () -> ()
    %add3A_56 = arith.constant 1 : i32
    %add3A_57 = arith.addi %add3A_9, %add3A_56 : i32
    %mul3A_58 = arith.constant 32768 : i32
    %mul3A_59 = arith.muli %add3A_57, %mul3A_58 : i32
    "tpu.region"() ({
      %run_scoped3A = tpu.sem_alloc : memref<!tpu.dma_semaphore, #tpu.memory_space<semaphore_mem>>
      %dma_start3A_112 = tpu.memref_slice %arg4[%mul3A_59] : memref<4194304xf32, #tpu.memory_space<hbm>> -> memref<32768xf32, #tpu.memory_space<hbm>>
      %dma_start3A_113 = tpu.memref_slice %arg4[%mul3A_59] : memref<4194304xf32, #tpu.memory_space<hbm>> -> memref<32768xf32, #tpu.memory_space<hbm>>
      tpu.enqueue_dma source(%arg6 : memref<32768xf32, #tpu.memory_space<vmem>>) target(%dma_start3A_113 : memref<32768xf32, #tpu.memory_space<hbm>>) target_semaphore(%run_scoped3A : memref<!tpu.dma_semaphore, #tpu.memory_space<semaphore_mem>>)
      %dma_wait3A_114 = tpu.memref_slice %arg4[%mul3A_59] : memref<4194304xf32, #tpu.memory_space<hbm>> -> memref<32768xf32, #tpu.memory_space<hbm>>
      %dma_wait3A_115 = tpu.memref_slice %arg4[%mul3A_59] : memref<4194304xf32, #tpu.memory_space<hbm>> -> memref<32768xf32, #tpu.memory_space<hbm>>
      tpu.wait_dma2 semaphore(%run_scoped3A : memref<!tpu.dma_semaphore, #tpu.memory_space<semaphore_mem>>) src(%arg6 : memref<32768xf32, #tpu.memory_space<vmem>>) dst(%dma_wait3A_115 : memref<32768xf32, #tpu.memory_space<hbm>>)
      tpu.yield
    }) : () -> ()
    %add3A_60 = arith.constant 2 : i32
    %add3A_61 = arith.addi %mul3A_2, %add3A_60 : i32
    %add3A_62 = arith.constant 0 : i32
    %add3A_63 = arith.addi %add3A_62, %add3A_61 : i32
    %mul3A_64 = arith.constant 100000 : i32
    %mul3A_65 = arith.muli %add3A_63, %mul3A_64 : i32
    %add3A_66 = arith.constant 100000 : i32
    %add3A_67 = arith.addi %mul3A_65, %add3A_66 : i32
    %parallel_loop3A_68 = arith.constant 0 : i32
    %parallel_loop3A_69 = arith.constant 2048 : i32
    %parallel_loop3A_70 = arith.constant 1 : i32
    scf.for %parallel_loop3A_112 = %parallel_loop3A_68 to %parallel_loop3A_69 step %parallel_loop3A_70  : i32 {
      %parallel_loop3A_113 = arith.constant 16 : i32
      %parallel_loop3A_114 = arith.muli %parallel_loop3A_112, %parallel_loop3A_113 : i32
      %parallel_loop3A_115 = arith.index_cast %parallel_loop3A_114 : i32 to index
      %parallel_loop3A_116 = tpu.vector_load %arg5[%parallel_loop3A_115] {strides = array<i32>} : memref<32768xf32, #tpu.memory_space<vmem>>, vector<16xf32>,
      tpu.vector_store %arg5[%parallel_loop3A_115], %broadcast_in_dim3A_3 {strides = array<i32>} : memref<32768xf32, #tpu.memory_space<vmem>>, vector<16xf32>,
      %parallel_loop3A_117 = arith.index_cast %parallel_loop3A_114 : i32 to index
      %parallel_loop3A_118 = tpu.vector_load %arg6[%parallel_loop3A_117] {strides = array<i32>} : memref<32768xf32, #tpu.memory_space<vmem>>, vector<16xf32>,
      tpu.vector_store %arg6[%parallel_loop3A_117], %broadcast_in_dim3A_3 {strides = array<i32>} : memref<32768xf32, #tpu.memory_space<vmem>>, vector<16xf32>,
    } {sc.loop_unroll_factor = 8 : i64, sc.parallel_access}
    %add3A_71 = arith.constant 0 : i32
    %add3A_72 = arith.addi %mul3A_65, %add3A_71 : i32
    %dma_start3A_73 = tpu.memref_slice %arg2[%add3A_72] : memref<12800000xf32, #tpu.memory_space<hbm>> -> memref<4000xf32, #tpu.memory_space<hbm>>
    %dma_start3A_74 = tpu.memref_slice %arg2[%add3A_72] : memref<12800000xf32, #tpu.memory_space<hbm>> -> memref<4000xf32, #tpu.memory_space<hbm>>
    tpu.enqueue_dma source(%dma_start3A_74 : memref<4000xf32, #tpu.memory_space<hbm>>) target(%arg8 : memref<4000xf32, #tpu.memory_space<vmem>>) target_semaphore(%arg14 : memref<!tpu.dma_semaphore, #tpu.memory_space<semaphore_mem>>)
    %add3A_75 = arith.constant 0 : i32
    %add3A_76 = arith.addi %add3A_67, %add3A_75 : i32
    %dma_start3A_77 = tpu.memref_slice %arg2[%add3A_76] : memref<12800000xf32, #tpu.memory_space<hbm>> -> memref<4000xf32, #tpu.memory_space<hbm>>
    %dma_start3A_78 = tpu.memref_slice %arg2[%add3A_76] : memref<12800000xf32, #tpu.memory_space<hbm>> -> memref<4000xf32, #tpu.memory_space<hbm>>
    tpu.enqueue_dma source(%dma_start3A_78 : memref<4000xf32, #tpu.memory_space<hbm>>) target(%arg9 : memref<4000xf32, #tpu.memory_space<vmem>>) target_semaphore(%arg14 : memref<!tpu.dma_semaphore, #tpu.memory_space<semaphore_mem>>)
    %dma_start3A_79 = arith.constant 0 : i32
    %dma_start3A_80 = tpu.memref_slice %arg3[%dma_start3A_79] : memref<100000xi32, #tpu.memory_space<hbm>> -> memref<4000xi32, #tpu.memory_space<hbm>>
    %dma_start3A_81 = arith.constant 0 : i32
    %dma_start3A_82 = tpu.memref_slice %arg3[%dma_start3A_81] : memref<100000xi32, #tpu.memory_space<hbm>> -> memref<4000xi32, #tpu.memory_space<hbm>>
    tpu.enqueue_dma source(%dma_start3A_82 : memref<4000xi32, #tpu.memory_space<hbm>>) target(%arg12 : memref<4000xi32, #tpu.memory_space<vmem>>) target_semaphore(%arg14 : memref<!tpu.dma_semaphore, #tpu.memory_space<semaphore_mem>>)
    %scan3A_83 = arith.constant 0 : i32
    %scan3A_84 = arith.constant 12 : i32
    %scan3A_85 = arith.addi %scan3A_83, %scan3A_84 : i32
    %scan3A_86 = arith.constant 1 : i32
    scf.for %scan3A_112 = %scan3A_83 to %scan3A_85 step %scan3A_86  : i32 {
      %mul3A_113 = arith.constant 2 : i32
      %mul3A_114 = arith.muli %scan3A_112, %mul3A_113 : i32
      %add3A_115 = arith.constant 0 : i32
      %add3A_116 = arith.addi %add3A_115, %mul3A_114 : i32
      %add3A_117 = arith.constant 1 : i32
      %add3A_118 = arith.addi %add3A_116, %add3A_117 : i32
      %mul3A_119 = arith.constant 4000 : i32
      %mul3A_120 = arith.muli %add3A_118, %mul3A_119 : i32
      %add3A_121 = arith.addi %mul3A_65, %mul3A_120 : i32
      %dma_start3A_122 = tpu.memref_slice %arg2[%add3A_121] : memref<12800000xf32, #tpu.memory_space<hbm>> -> memref<4000xf32, #tpu.memory_space<hbm>>
      %dma_start3A_123 = tpu.memref_slice %arg2[%add3A_121] : memref<12800000xf32, #tpu.memory_space<hbm>> -> memref<4000xf32, #tpu.memory_space<hbm>>
      tpu.enqueue_dma source(%dma_start3A_123 : memref<4000xf32, #tpu.memory_space<hbm>>) target(%arg10 : memref<4000xf32, #tpu.memory_space<vmem>>) target_semaphore(%arg15 : memref<!tpu.dma_semaphore, #tpu.memory_space<semaphore_mem>>)
      %add3A_124 = arith.addi %add3A_67, %mul3A_120 : i32
      %dma_start3A_125 = tpu.memref_slice %arg2[%add3A_124] : memref<12800000xf32, #tpu.memory_space<hbm>> -> memref<4000xf32, #tpu.memory_space<hbm>>
      %dma_start3A_126 = tpu.memref_slice %arg2[%add3A_124] : memref<12800000xf32, #tpu.memory_space<hbm>> -> memref<4000xf32, #tpu.memory_space<hbm>>
      tpu.enqueue_dma source(%dma_start3A_126 : memref<4000xf32, #tpu.memory_space<hbm>>) target(%arg11 : memref<4000xf32, #tpu.memory_space<vmem>>) target_semaphore(%arg15 : memref<!tpu.dma_semaphore, #tpu.memory_space<semaphore_mem>>)
      %add3A_127 = arith.constant 0 : i32
      %add3A_128 = arith.addi %add3A_127, %mul3A_120 : i32
      %dma_start3A_129 = tpu.memref_slice %arg3[%add3A_128] : memref<100000xi32, #tpu.memory_space<hbm>> -> memref<4000xi32, #tpu.memory_space<hbm>>
      %dma_start3A_130 = tpu.memref_slice %arg3[%add3A_128] : memref<100000xi32, #tpu.memory_space<hbm>> -> memref<4000xi32, #tpu.memory_space<hbm>>
      tpu.enqueue_dma source(%dma_start3A_130 : memref<4000xi32, #tpu.memory_space<hbm>>) target(%arg13 : memref<4000xi32, #tpu.memory_space<vmem>>) target_semaphore(%arg15 : memref<!tpu.dma_semaphore, #tpu.memory_space<semaphore_mem>>)
      %dma_wait3A_131 = arith.constant 0 : i32
      %dma_wait3A_132 = tpu.memref_slice %arg2[%dma_wait3A_131] : memref<12800000xf32, #tpu.memory_space<hbm>> -> memref<4000xf32, #tpu.memory_space<hbm>>
      %dma_wait3A_133 = arith.constant 0 : i32
      %dma_wait3A_134 = tpu.memref_slice %arg2[%dma_wait3A_133] : memref<12800000xf32, #tpu.memory_space<hbm>> -> memref<4000xf32, #tpu.memory_space<hbm>>
      tpu.wait_dma2 semaphore(%arg14 : memref<!tpu.dma_semaphore, #tpu.memory_space<semaphore_mem>>) src(%dma_wait3A_134 : memref<4000xf32, #tpu.memory_space<hbm>>) dst(%arg8 : memref<4000xf32, #tpu.memory_space<vmem>>)
      %dma_wait3A_135 = arith.constant 0 : i32
      %dma_wait3A_136 = tpu.memref_slice %arg2[%dma_wait3A_135] : memref<12800000xf32, #tpu.memory_space<hbm>> -> memref<4000xf32, #tpu.memory_space<hbm>>
      %dma_wait3A_137 = arith.constant 0 : i32
      %dma_wait3A_138 = tpu.memref_slice %arg2[%dma_wait3A_137] : memref<12800000xf32, #tpu.memory_space<hbm>> -> memref<4000xf32, #tpu.memory_space<hbm>>
      tpu.wait_dma2 semaphore(%arg14 : memref<!tpu.dma_semaphore, #tpu.memory_space<semaphore_mem>>) src(%dma_wait3A_138 : memref<4000xf32, #tpu.memory_space<hbm>>) dst(%arg9 : memref<4000xf32, #tpu.memory_space<vmem>>)
      %dma_wait3A_139 = arith.constant 0 : i32
      %dma_wait3A_140 = tpu.memref_slice %arg3[%dma_wait3A_139] : memref<100000xi32, #tpu.memory_space<hbm>> -> memref<4000xi32, #tpu.memory_space<hbm>>
      %dma_wait3A_141 = arith.constant 0 : i32
      %dma_wait3A_142 = tpu.memref_slice %arg3[%dma_wait3A_141] : memref<100000xi32, #tpu.memory_space<hbm>> -> memref<4000xi32, #tpu.memory_space<hbm>>
      tpu.wait_dma2 semaphore(%arg14 : memref<!tpu.dma_semaphore, #tpu.memory_space<semaphore_mem>>) src(%dma_wait3A_142 : memref<4000xi32, #tpu.memory_space<hbm>>) dst(%arg12 : memref<4000xi32, #tpu.memory_space<vmem>>)
      %parallel_loop3A_143 = arith.constant 0 : i32
      %parallel_loop3A_144 = arith.constant 250 : i32
      %parallel_loop3A_145 = arith.constant 1 : i32
      scf.for %parallel_loop3A_175 = %parallel_loop3A_143 to %parallel_loop3A_144 step %parallel_loop3A_145  : i32 {
        %parallel_loop3A_176 = arith.constant 16 : i32
        %parallel_loop3A_177 = arith.muli %parallel_loop3A_175, %parallel_loop3A_176 : i32
        %parallel_loop3A_178 = arith.index_cast %parallel_loop3A_177 : i32 to index
        %parallel_loop3A_179 = tpu.vector_load %arg12[%parallel_loop3A_178] {strides = array<i32>} : memref<4000xi32, #tpu.memory_space<vmem>>, vector<16xi32>,
        %parallel_loop3A_180 = arith.index_cast %parallel_loop3A_177 : i32 to index
        %parallel_loop3A_181 = tpu.vector_load %arg8[%parallel_loop3A_180] {strides = array<i32>} : memref<4000xf32, #tpu.memory_space<vmem>>, vector<16xf32>,
        tpu.vector_store_idx %arg5[%parallel_loop3A_179], %parallel_loop3A_181 {add = true} : memref<32768xf32, #tpu.memory_space<vmem>>[vector<16xi32>], vector<16xf32>,
        %parallel_loop3A_182 = arith.index_cast %parallel_loop3A_177 : i32 to index
        %parallel_loop3A_183 = tpu.vector_load %arg9[%parallel_loop3A_182] {strides = array<i32>} : memref<4000xf32, #tpu.memory_space<vmem>>, vector<16xf32>,
        tpu.vector_store_idx %arg6[%parallel_loop3A_179], %parallel_loop3A_183 {add = true} : memref<32768xf32, #tpu.memory_space<vmem>>[vector<16xi32>], vector<16xf32>,
      } {sc.loop_unroll_factor = 5 : i64, sc.parallel_access}
      %add3A_146 = arith.constant 2 : i32
      %add3A_147 = arith.addi %add3A_116, %add3A_146 : i32
      %mul3A_148 = arith.constant 4000 : i32
      %mul3A_149 = arith.muli %add3A_147, %mul3A_148 : i32
      %add3A_150 = arith.addi %mul3A_65, %mul3A_149 : i32
      %dma_start3A_151 = tpu.memref_slice %arg2[%add3A_150] : memref<12800000xf32, #tpu.memory_space<hbm>> -> memref<4000xf32, #tpu.memory_space<hbm>>
      %dma_start3A_152 = tpu.memref_slice %arg2[%add3A_150] : memref<12800000xf32, #tpu.memory_space<hbm>> -> memref<4000xf32, #tpu.memory_space<hbm>>
      tpu.enqueue_dma source(%dma_start3A_152 : memref<4000xf32, #tpu.memory_space<hbm>>) target(%arg8 : memref<4000xf32, #tpu.memory_space<vmem>>) target_semaphore(%arg14 : memref<!tpu.dma_semaphore, #tpu.memory_space<semaphore_mem>>)
      %add3A_153 = arith.addi %add3A_67, %mul3A_149 : i32
      %dma_start3A_154 = tpu.memref_slice %arg2[%add3A_153] : memref<12800000xf32, #tpu.memory_space<hbm>> -> memref<4000xf32, #tpu.memory_space<hbm>>
      %dma_start3A_155 = tpu.memref_slice %arg2[%add3A_153] : memref<12800000xf32, #tpu.memory_space<hbm>> -> memref<4000xf32, #tpu.memory_space<hbm>>
      tpu.enqueue_dma source(%dma_start3A_155 : memref<4000xf32, #tpu.memory_space<hbm>>) target(%arg9 : memref<4000xf32, #tpu.memory_space<vmem>>) target_semaphore(%arg14 : memref<!tpu.dma_semaphore, #tpu.memory_space<semaphore_mem>>)
      %add3A_156 = arith.constant 0 : i32
      %add3A_157 = arith.addi %add3A_156, %mul3A_149 : i32
      %dma_start3A_158 = tpu.memref_slice %arg3[%add3A_157] : memref<100000xi32, #tpu.memory_space<hbm>> -> memref<4000xi32, #tpu.memory_space<hbm>>
      %dma_start3A_159 = tpu.memref_slice %arg3[%add3A_157] : memref<100000xi32, #tpu.memory_space<hbm>> -> memref<4000xi32, #tpu.memory_space<hbm>>
      tpu.enqueue_dma source(%dma_start3A_159 : memref<4000xi32, #tpu.memory_space<hbm>>) target(%arg12 : memref<4000xi32, #tpu.memory_space<vmem>>) target_semaphore(%arg14 : memref<!tpu.dma_semaphore, #tpu.memory_space<semaphore_mem>>)
      %dma_wait3A_160 = arith.constant 0 : i32
      %dma_wait3A_161 = tpu.memref_slice %arg2[%dma_wait3A_160] : memref<12800000xf32, #tpu.memory_space<hbm>> -> memref<4000xf32, #tpu.memory_space<hbm>>
      %dma_wait3A_162 = arith.constant 0 : i32
      %dma_wait3A_163 = tpu.memref_slice %arg2[%dma_wait3A_162] : memref<12800000xf32, #tpu.memory_space<hbm>> -> memref<4000xf32, #tpu.memory_space<hbm>>
      tpu.wait_dma2 semaphore(%arg15 : memref<!tpu.dma_semaphore, #tpu.memory_space<semaphore_mem>>) src(%dma_wait3A_163 : memref<4000xf32, #tpu.memory_space<hbm>>) dst(%arg10 : memref<4000xf32, #tpu.memory_space<vmem>>)
      %dma_wait3A_164 = arith.constant 0 : i32
      %dma_wait3A_165 = tpu.memref_slice %arg2[%dma_wait3A_164] : memref<12800000xf32, #tpu.memory_space<hbm>> -> memref<4000xf32, #tpu.memory_space<hbm>>
      %dma_wait3A_166 = arith.constant 0 : i32
      %dma_wait3A_167 = tpu.memref_slice %arg2[%dma_wait3A_166] : memref<12800000xf32, #tpu.memory_space<hbm>> -> memref<4000xf32, #tpu.memory_space<hbm>>
      tpu.wait_dma2 semaphore(%arg15 : memref<!tpu.dma_semaphore, #tpu.memory_space<semaphore_mem>>) src(%dma_wait3A_167 : memref<4000xf32, #tpu.memory_space<hbm>>) dst(%arg11 : memref<4000xf32, #tpu.memory_space<vmem>>)
      %dma_wait3A_168 = arith.constant 0 : i32
      %dma_wait3A_169 = tpu.memref_slice %arg3[%dma_wait3A_168] : memref<100000xi32, #tpu.memory_space<hbm>> -> memref<4000xi32, #tpu.memory_space<hbm>>
      %dma_wait3A_170 = arith.constant 0 : i32
      %dma_wait3A_171 = tpu.memref_slice %arg3[%dma_wait3A_170] : memref<100000xi32, #tpu.memory_space<hbm>> -> memref<4000xi32, #tpu.memory_space<hbm>>
      tpu.wait_dma2 semaphore(%arg15 : memref<!tpu.dma_semaphore, #tpu.memory_space<semaphore_mem>>) src(%dma_wait3A_171 : memref<4000xi32, #tpu.memory_space<hbm>>) dst(%arg13 : memref<4000xi32, #tpu.memory_space<vmem>>)
      %parallel_loop3A_172 = arith.constant 0 : i32
      %parallel_loop3A_173 = arith.constant 250 : i32
      %parallel_loop3A_174 = arith.constant 1 : i32
      scf.for %parallel_loop3A_175 = %parallel_loop3A_172 to %parallel_loop3A_173 step %parallel_loop3A_174  : i32 {
        %parallel_loop3A_176 = arith.constant 16 : i32
        %parallel_loop3A_177 = arith.muli %parallel_loop3A_175, %parallel_loop3A_176 : i32
        %parallel_loop3A_178 = arith.index_cast %parallel_loop3A_177 : i32 to index
        %parallel_loop3A_179 = tpu.vector_load %arg13[%parallel_loop3A_178] {strides = array<i32>} : memref<4000xi32, #tpu.memory_space<vmem>>, vector<16xi32>,
        %parallel_loop3A_180 = arith.index_cast %parallel_loop3A_177 : i32 to index
        %parallel_loop3A_181 = tpu.vector_load %arg10[%parallel_loop3A_180] {strides = array<i32>} : memref<4000xf32, #tpu.memory_space<vmem>>, vector<16xf32>,
        tpu.vector_store_idx %arg5[%parallel_loop3A_179], %parallel_loop3A_181 {add = true} : memref<32768xf32, #tpu.memory_space<vmem>>[vector<16xi32>], vector<16xf32>,
        %parallel_loop3A_182 = arith.index_cast %parallel_loop3A_177 : i32 to index
        %parallel_loop3A_183 = tpu.vector_load %arg11[%parallel_loop3A_182] {strides = array<i32>} : memref<4000xf32, #tpu.memory_space<vmem>>, vector<16xf32>,
        tpu.vector_store_idx %arg6[%parallel_loop3A_179], %parallel_loop3A_183 {add = true} : memref<32768xf32, #tpu.memory_space<vmem>>[vector<16xi32>], vector<16xf32>,
      } {sc.loop_unroll_factor = 5 : i64, sc.parallel_access}
    }
    %scan3A_87 = arith.constant 12 : i32
    %dma_wait3A_88 = arith.constant 0 : i32
    %dma_wait3A_89 = tpu.memref_slice %arg2[%dma_wait3A_88] : memref<12800000xf32, #tpu.memory_space<hbm>> -> memref<4000xf32, #tpu.memory_space<hbm>>
    %dma_wait3A_90 = arith.constant 0 : i32
    %dma_wait3A_91 = tpu.memref_slice %arg2[%dma_wait3A_90] : memref<12800000xf32, #tpu.memory_space<hbm>> -> memref<4000xf32, #tpu.memory_space<hbm>>
    tpu.wait_dma2 semaphore(%arg14 : memref<!tpu.dma_semaphore, #tpu.memory_space<semaphore_mem>>) src(%dma_wait3A_91 : memref<4000xf32, #tpu.memory_space<hbm>>) dst(%arg8 : memref<4000xf32, #tpu.memory_space<vmem>>)
    %dma_wait3A_92 = arith.constant 0 : i32
    %dma_wait3A_93 = tpu.memref_slice %arg2[%dma_wait3A_92] : memref<12800000xf32, #tpu.memory_space<hbm>> -> memref<4000xf32, #tpu.memory_space<hbm>>
    %dma_wait3A_94 = arith.constant 0 : i32
    %dma_wait3A_95 = tpu.memref_slice %arg2[%dma_wait3A_94] : memref<12800000xf32, #tpu.memory_space<hbm>> -> memref<4000xf32, #tpu.memory_space<hbm>>
    tpu.wait_dma2 semaphore(%arg14 : memref<!tpu.dma_semaphore, #tpu.memory_space<semaphore_mem>>) src(%dma_wait3A_95 : memref<4000xf32, #tpu.memory_space<hbm>>) dst(%arg9 : memref<4000xf32, #tpu.memory_space<vmem>>)
    %dma_wait3A_96 = arith.constant 0 : i32
    %dma_wait3A_97 = tpu.memref_slice %arg3[%dma_wait3A_96] : memref<100000xi32, #tpu.memory_space<hbm>> -> memref<4000xi32, #tpu.memory_space<hbm>>
    %dma_wait3A_98 = arith.constant 0 : i32
    %dma_wait3A_99 = tpu.memref_slice %arg3[%dma_wait3A_98] : memref<100000xi32, #tpu.memory_space<hbm>> -> memref<4000xi32, #tpu.memory_space<hbm>>
    tpu.wait_dma2 semaphore(%arg14 : memref<!tpu.dma_semaphore, #tpu.memory_space<semaphore_mem>>) src(%dma_wait3A_99 : memref<4000xi32, #tpu.memory_space<hbm>>) dst(%arg12 : memref<4000xi32, #tpu.memory_space<vmem>>)
    %parallel_loop3A_100 = arith.constant 0 : i32
    %parallel_loop3A_101 = arith.constant 250 : i32
    %parallel_loop3A_102 = arith.constant 1 : i32
    scf.for %parallel_loop3A_112 = %parallel_loop3A_100 to %parallel_loop3A_101 step %parallel_loop3A_102  : i32 {
      %parallel_loop3A_113 = arith.constant 16 : i32
      %parallel_loop3A_114 = arith.muli %parallel_loop3A_112, %parallel_loop3A_113 : i32
      %parallel_loop3A_115 = arith.index_cast %parallel_loop3A_114 : i32 to index
      %parallel_loop3A_116 = tpu.vector_load %arg12[%parallel_loop3A_115] {strides = array<i32>} : memref<4000xi32, #tpu.memory_space<vmem>>, vector<16xi32>,
      %parallel_loop3A_117 = arith.index_cast %parallel_loop3A_114 : i32 to index
      %parallel_loop3A_118 = tpu.vector_load %arg8[%parallel_loop3A_117] {strides = array<i32>} : memref<4000xf32, #tpu.memory_space<vmem>>, vector<16xf32>,
      tpu.vector_store_idx %arg5[%parallel_loop3A_116], %parallel_loop3A_118 {add = true} : memref<32768xf32, #tpu.memory_space<vmem>>[vector<16xi32>], vector<16xf32>,
      %parallel_loop3A_119 = arith.index_cast %parallel_loop3A_114 : i32 to index
      %parallel_loop3A_120 = tpu.vector_load %arg9[%parallel_loop3A_119] {strides = array<i32>} : memref<4000xf32, #tpu.memory_space<vmem>>, vector<16xf32>,
      tpu.vector_store_idx %arg6[%parallel_loop3A_116], %parallel_loop3A_120 {add = true} : memref<32768xf32, #tpu.memory_space<vmem>>[vector<16xi32>], vector<16xf32>,
    } {sc.loop_unroll_factor = 5 : i64, sc.parallel_access}
    %parallel_loop3A_103 = arith.constant 0 : i32
    %parallel_loop3A_104 = arith.constant 2048 : i32
    %parallel_loop3A_105 = arith.constant 1 : i32
    scf.for %parallel_loop3A_112 = %parallel_loop3A_103 to %parallel_loop3A_104 step %parallel_loop3A_105  : i32 {
      %parallel_loop3A_113 = arith.constant 16 : i32
      %parallel_loop3A_114 = arith.muli %parallel_loop3A_112, %parallel_loop3A_113 : i32
      %parallel_loop3A_115 = arith.index_cast %parallel_loop3A_114 : i32 to index
      %parallel_loop3A_116 = tpu.vector_load %arg5[%parallel_loop3A_115] {strides = array<i32>} : memref<32768xf32, #tpu.memory_space<vmem>>, vector<16xf32>,
      %parallel_loop3A_117 = arith.index_cast %parallel_loop3A_114 : i32 to index
      %parallel_loop3A_118 = tpu.vector_load %arg7[%parallel_loop3A_117] {strides = array<i32>} : memref<32768xf32, #tpu.memory_space<vmem>>, vector<16xf32>,
      %parallel_loop3A_119 = arith.mulf %parallel_loop3A_116, %parallel_loop3A_118 : vector<16xf32>
      %parallel_loop3A_120 = arith.index_cast %parallel_loop3A_114 : i32 to index
      %parallel_loop3A_121 = tpu.vector_load %arg5[%parallel_loop3A_120] {strides = array<i32>} : memref<32768xf32, #tpu.memory_space<vmem>>, vector<16xf32>,
      tpu.vector_store %arg5[%parallel_loop3A_120], %parallel_loop3A_119 {strides = array<i32>} : memref<32768xf32, #tpu.memory_space<vmem>>, vector<16xf32>,
      %parallel_loop3A_122 = arith.index_cast %parallel_loop3A_114 : i32 to index
      %parallel_loop3A_123 = tpu.vector_load %arg6[%parallel_loop3A_122] {strides = array<i32>} : memref<32768xf32, #tpu.memory_space<vmem>>, vector<16xf32>,
      %parallel_loop3A_124 = arith.index_cast %parallel_loop3A_114 : i32 to index
      %parallel_loop3A_125 = tpu.vector_load %arg7[%parallel_loop3A_124] {strides = array<i32>} : memref<32768xf32, #tpu.memory_space<vmem>>, vector<16xf32>,
      %parallel_loop3A_126 = arith.mulf %parallel_loop3A_123, %parallel_loop3A_125 : vector<16xf32>
      %parallel_loop3A_127 = arith.index_cast %parallel_loop3A_114 : i32 to index
      %parallel_loop3A_128 = tpu.vector_load %arg6[%parallel_loop3A_127] {strides = array<i32>} : memref<32768xf32, #tpu.memory_space<vmem>>, vector<16xf32>,
      tpu.vector_store %arg6[%parallel_loop3A_127], %parallel_loop3A_126 {strides = array<i32>} : memref<32768xf32, #tpu.memory_space<vmem>>, vector<16xf32>,
    } {sc.loop_unroll_factor = 4 : i64, sc.parallel_access}
    %mul3A_106 = arith.constant 32768 : i32
    %mul3A_107 = arith.muli %add3A_61, %mul3A_106 : i32
    "tpu.region"() ({
      %run_scoped3A = tpu.sem_alloc : memref<!tpu.dma_semaphore, #tpu.memory_space<semaphore_mem>>
      %dma_start3A_112 = tpu.memref_slice %arg4[%mul3A_107] : memref<4194304xf32, #tpu.memory_space<hbm>> -> memref<32768xf32, #tpu.memory_space<hbm>>
      %dma_start3A_113 = tpu.memref_slice %arg4[%mul3A_107] : memref<4194304xf32, #tpu.memory_space<hbm>> -> memref<32768xf32, #tpu.memory_space<hbm>>
      tpu.enqueue_dma source(%arg5 : memref<32768xf32, #tpu.memory_space<vmem>>) target(%dma_start3A_113 : memref<32768xf32, #tpu.memory_space<hbm>>) target_semaphore(%run_scoped3A : memref<!tpu.dma_semaphore, #tpu.memory_space<semaphore_mem>>)
      %dma_wait3A_114 = tpu.memref_slice %arg4[%mul3A_107] : memref<4194304xf32, #tpu.memory_space<hbm>> -> memref<32768xf32, #tpu.memory_space<hbm>>
      %dma_wait3A_115 = tpu.memref_slice %arg4[%mul3A_107] : memref<4194304xf32, #tpu.memory_space<hbm>> -> memref<32768xf32, #tpu.memory_space<hbm>>
      tpu.wait_dma2 semaphore(%run_scoped3A : memref<!tpu.dma_semaphore, #tpu.memory_space<semaphore_mem>>) src(%arg5 : memref<32768xf32, #tpu.memory_space<vmem>>) dst(%dma_wait3A_115 : memref<32768xf32, #tpu.memory_space<hbm>>)
      tpu.yield
    }) : () -> ()
    %add3A_108 = arith.constant 1 : i32
    %add3A_109 = arith.addi %add3A_61, %add3A_108 : i32
    %mul3A_110 = arith.constant 32768 : i32
    %mul3A_111 = arith.muli %add3A_109, %mul3A_110 : i32
    "tpu.region"() ({
      %run_scoped3A = tpu.sem_alloc : memref<!tpu.dma_semaphore, #tpu.memory_space<semaphore_mem>>
      %dma_start3A_112 = tpu.memref_slice %arg4[%mul3A_111] : memref<4194304xf32, #tpu.memory_space<hbm>> -> memref<32768xf32, #tpu.memory_space<hbm>>
      %dma_start3A_113 = tpu.memref_slice %arg4[%mul3A_111] : memref<4194304xf32, #tpu.memory_space<hbm>> -> memref<32768xf32, #tpu.memory_space<hbm>>
      tpu.enqueue_dma source(%arg6 : memref<32768xf32, #tpu.memory_space<vmem>>) target(%dma_start3A_113 : memref<32768xf32, #tpu.memory_space<hbm>>) target_semaphore(%run_scoped3A : memref<!tpu.dma_semaphore, #tpu.memory_space<semaphore_mem>>)
      %dma_wait3A_114 = tpu.memref_slice %arg4[%mul3A_111] : memref<4194304xf32, #tpu.memory_space<hbm>> -> memref<32768xf32, #tpu.memory_space<hbm>>
      %dma_wait3A_115 = tpu.memref_slice %arg4[%mul3A_111] : memref<4194304xf32, #tpu.memory_space<hbm>> -> memref<32768xf32, #tpu.memory_space<hbm>>
      tpu.wait_dma2 semaphore(%run_scoped3A : memref<!tpu.dma_semaphore, #tpu.memory_space<semaphore_mem>>) src(%arg6 : memref<32768xf32, #tpu.memory_space<vmem>>) dst(%dma_wait3A_115 : memref<32768xf32, #tpu.memory_space<hbm>>)
      tpu.yield
    }) : () -> ()
    return
  }
}

#map = affine_map<(d0, d1) -> (0)>
module attributes {stable_mosaic.version = 14 : i64} {
  func.func @_sc_body(%arg0: i32, %arg1: i32, %arg2: memref<12800000xf32, #tpu.memory_space<hbm>>, %arg3: memref<100000xi32, #tpu.memory_space<hbm>>, %arg4: memref<4194304xf32, #tpu.memory_space<hbm>>, %arg5: memref<32768xf32, #tpu.memory_space<vmem>>, %arg6: memref<32768xf32, #tpu.memory_space<vmem>>, %arg7: memref<32768xf32, #tpu.memory_space<vmem>>, %arg8: memref<4000xf32, #tpu.memory_space<vmem>>, %arg9: memref<4000xf32, #tpu.memory_space<vmem>>, %arg10: memref<4000xf32, #tpu.memory_space<vmem>>, %arg11: memref<4000xf32, #tpu.memory_space<vmem>>, %arg12: memref<4000xi32, #tpu.memory_space<vmem>>, %arg13: memref<4000xi32, #tpu.memory_space<vmem>>, %arg14: memref<!tpu.dma_semaphore, #tpu.memory_space<semaphore_mem>>, %arg15: memref<!tpu.dma_semaphore, #tpu.memory_space<semaphore_mem>>) attributes {dimension_semantics = [#tpu.dimension_semantics<core_parallel>, #tpu.dimension_semantics<subcore_parallel>], iteration_bounds = array<i64: 2, 16>, scalar_prefetch = 0 : i64, scratch_operands = 11 : i64, tpu.core_type = #tpu.core_type<sc_vector_subcore>, window_params = [{transform_indices = #map}, {transform_indices = #map}, {transform_indices = #map}]} {
    %mul3A = arith.constant 2 : i32
    %mul3A_0 = arith.muli %arg1, %mul3A : i32
    %add3A = arith.addi %mul3A_0, %arg0 : i32
    %mul3A_1 = arith.constant 4 : i32
    %mul3A_2 = arith.muli %add3A, %mul3A_1 : i32
    %broadcast_in_dim3A = arith.constant 0.000000e+00 : f32
    %broadcast_in_dim3A_3 = vector.broadcast %broadcast_in_dim3A : f32 to vector<16xf32>
    %broadcast_in_dim3A_4 = arith.constant 1.000000e+00 : f32
    %broadcast_in_dim3A_5 = vector.broadcast %broadcast_in_dim3A_4 : f32 to vector<16xf32>
    %parallel_loop3A = arith.constant 0 : i32
    %parallel_loop3A_6 = arith.constant 2048 : i32
    %parallel_loop3A_7 = arith.constant 1 : i32
    scf.for %parallel_loop3A_112 = %parallel_loop3A to %parallel_loop3A_6 step %parallel_loop3A_7  : i32 {
      %parallel_loop3A_113 = arith.constant 16 : i32
      %parallel_loop3A_114 = arith.muli %parallel_loop3A_112, %parallel_loop3A_113 : i32
      %parallel_loop3A_115 = arith.index_cast %parallel_loop3A_114 : i32 to index
      %parallel_loop3A_116 = tpu.vector_load %arg7[%parallel_loop3A_115] {strides = array<i32>} : memref<32768xf32, #tpu.memory_space<vmem>>, vector<16xf32>,
      tpu.vector_store %arg7[%parallel_loop3A_115], %broadcast_in_dim3A_3 {strides = array<i32>} : memref<32768xf32, #tpu.memory_space<vmem>>, vector<16xf32>,
    } {sc.loop_unroll_factor = 8 : i64, sc.parallel_access}
    %add3A_8 = arith.constant 0 : i32
    %add3A_9 = arith.addi %mul3A_2, %add3A_8 : i32
    %add3A_10 = arith.constant 0 : i32
    %add3A_11 = arith.addi %add3A_10, %add3A_9 : i32
    %mul3A_12 = arith.constant 100000 : i32
    %mul3A_13 = arith.muli %add3A_11, %mul3A_12 : i32
    %add3A_14 = arith.constant 100000 : i32
    %add3A_15 = arith.addi %mul3A_13, %add3A_14 : i32
    %parallel_loop3A_16 = arith.constant 0 : i32
    %parallel_loop3A_17 = arith.constant 2048 : i32
    %parallel_loop3A_18 = arith.constant 1 : i32
    scf.for %parallel_loop3A_112 = %parallel_loop3A_16 to %parallel_loop3A_17 step %parallel_loop3A_18  : i32 {
      %parallel_loop3A_113 = arith.constant 16 : i32
      %parallel_loop3A_114 = arith.muli %parallel_loop3A_112, %parallel_loop3A_113 : i32
      %parallel_loop3A_115 = arith.index_cast %parallel_loop3A_114 : i32 to index
      %parallel_loop3A_116 = tpu.vector_load %arg5[%parallel_loop3A_115] {strides = array<i32>} : memref<32768xf32, #tpu.memory_space<vmem>>, vector<16xf32>,
      tpu.vector_store %arg5[%parallel_loop3A_115], %broadcast_in_dim3A_3 {strides = array<i32>} : memref<32768xf32, #tpu.memory_space<vmem>>, vector<16xf32>,
      %parallel_loop3A_117 = arith.index_cast %parallel_loop3A_114 : i32 to index
      %parallel_loop3A_118 = tpu.vector_load %arg6[%parallel_loop3A_117] {strides = array<i32>} : memref<32768xf32, #tpu.memory_space<vmem>>, vector<16xf32>,
      tpu.vector_store %arg6[%parallel_loop3A_117], %broadcast_in_dim3A_3 {strides = array<i32>} : memref<32768xf32, #tpu.memory_space<vmem>>, vector<16xf32>,
    } {sc.loop_unroll_factor = 8 : i64, sc.parallel_access}
    %add3A_19 = arith.constant 0 : i32
    %add3A_20 = arith.addi %mul3A_13, %add3A_19 : i32
    %dma_start3A = tpu.memref_slice %arg2[%add3A_20] : memref<12800000xf32, #tpu.memory_space<hbm>> -> memref<4000xf32, #tpu.memory_space<hbm>>
    %dma_start3A_21 = tpu.memref_slice %arg2[%add3A_20] : memref<12800000xf32, #tpu.memory_space<hbm>> -> memref<4000xf32, #tpu.memory_space<hbm>>
    tpu.enqueue_dma source(%dma_start3A_21 : memref<4000xf32, #tpu.memory_space<hbm>>) target(%arg8 : memref<4000xf32, #tpu.memory_space<vmem>>) target_semaphore(%arg14 : memref<!tpu.dma_semaphore, #tpu.memory_space<semaphore_mem>>)
    %add3A_22 = arith.constant 0 : i32
    %add3A_23 = arith.addi %add3A_15, %add3A_22 : i32
    %dma_start3A_24 = tpu.memref_slice %arg2[%add3A_23] : memref<12800000xf32, #tpu.memory_space<hbm>> -> memref<4000xf32, #tpu.memory_space<hbm>>
    %dma_start3A_25 = tpu.memref_slice %arg2[%add3A_23] : memref<12800000xf32, #tpu.memory_space<hbm>> -> memref<4000xf32, #tpu.memory_space<hbm>>
    tpu.enqueue_dma source(%dma_start3A_25 : memref<4000xf32, #tpu.memory_space<hbm>>) target(%arg9 : memref<4000xf32, #tpu.memory_space<vmem>>) target_semaphore(%arg14 : memref<!tpu.dma_semaphore, #tpu.memory_space<semaphore_mem>>)
    %dma_start3A_26 = arith.constant 0 : i32
    %dma_start3A_27 = tpu.memref_slice %arg3[%dma_start3A_26] : memref<100000xi32, #tpu.memory_space<hbm>> -> memref<4000xi32, #tpu.memory_space<hbm>>
    %dma_start3A_28 = arith.constant 0 : i32
    %dma_start3A_29 = tpu.memref_slice %arg3[%dma_start3A_28] : memref<100000xi32, #tpu.memory_space<hbm>> -> memref<4000xi32, #tpu.memory_space<hbm>>
    tpu.enqueue_dma source(%dma_start3A_29 : memref<4000xi32, #tpu.memory_space<hbm>>) target(%arg12 : memref<4000xi32, #tpu.memory_space<vmem>>) target_semaphore(%arg14 : memref<!tpu.dma_semaphore, #tpu.memory_space<semaphore_mem>>)
    %scan3A = arith.constant 0 : i32
    %scan3A_30 = arith.constant 12 : i32
    %scan3A_31 = arith.addi %scan3A, %scan3A_30 : i32
    %scan3A_32 = arith.constant 1 : i32
    scf.for %scan3A_112 = %scan3A to %scan3A_31 step %scan3A_32  : i32 {
      %mul3A_113 = arith.constant 2 : i32
      %mul3A_114 = arith.muli %scan3A_112, %mul3A_113 : i32
      %add3A_115 = arith.constant 0 : i32
      %add3A_116 = arith.addi %add3A_115, %mul3A_114 : i32
      %add3A_117 = arith.constant 1 : i32
      %add3A_118 = arith.addi %add3A_116, %add3A_117 : i32
      %mul3A_119 = arith.constant 4000 : i32
      %mul3A_120 = arith.muli %add3A_118, %mul3A_119 : i32
      %add3A_121 = arith.addi %mul3A_13, %mul3A_120 : i32
      %dma_start3A_122 = tpu.memref_slice %arg2[%add3A_121] : memref<12800000xf32, #tpu.memory_space<hbm>> -> memref<4000xf32, #tpu.memory_space<hbm>>
      %dma_start3A_123 = tpu.memref_slice %arg2[%add3A_121] : memref<12800000xf32, #tpu.memory_space<hbm>> -> memref<4000xf32, #tpu.memory_space<hbm>>
      tpu.enqueue_dma source(%dma_start3A_123 : memref<4000xf32, #tpu.memory_space<hbm>>) target(%arg10 : memref<4000xf32, #tpu.memory_space<vmem>>) target_semaphore(%arg15 : memref<!tpu.dma_semaphore, #tpu.memory_space<semaphore_mem>>)
      %add3A_124 = arith.addi %add3A_15, %mul3A_120 : i32
      %dma_start3A_125 = tpu.memref_slice %arg2[%add3A_124] : memref<12800000xf32, #tpu.memory_space<hbm>> -> memref<4000xf32, #tpu.memory_space<hbm>>
      %dma_start3A_126 = tpu.memref_slice %arg2[%add3A_124] : memref<12800000xf32, #tpu.memory_space<hbm>> -> memref<4000xf32, #tpu.memory_space<hbm>>
      tpu.enqueue_dma source(%dma_start3A_126 : memref<4000xf32, #tpu.memory_space<hbm>>) target(%arg11 : memref<4000xf32, #tpu.memory_space<vmem>>) target_semaphore(%arg15 : memref<!tpu.dma_semaphore, #tpu.memory_space<semaphore_mem>>)
      %add3A_127 = arith.constant 0 : i32
      %add3A_128 = arith.addi %add3A_127, %mul3A_120 : i32
      %dma_start3A_129 = tpu.memref_slice %arg3[%add3A_128] : memref<100000xi32, #tpu.memory_space<hbm>> -> memref<4000xi32, #tpu.memory_space<hbm>>
      %dma_start3A_130 = tpu.memref_slice %arg3[%add3A_128] : memref<100000xi32, #tpu.memory_space<hbm>> -> memref<4000xi32, #tpu.memory_space<hbm>>
      tpu.enqueue_dma source(%dma_start3A_130 : memref<4000xi32, #tpu.memory_space<hbm>>) target(%arg13 : memref<4000xi32, #tpu.memory_space<vmem>>) target_semaphore(%arg15 : memref<!tpu.dma_semaphore, #tpu.memory_space<semaphore_mem>>)
      %dma_wait3A_131 = arith.constant 0 : i32
      %dma_wait3A_132 = tpu.memref_slice %arg2[%dma_wait3A_131] : memref<12800000xf32, #tpu.memory_space<hbm>> -> memref<4000xf32, #tpu.memory_space<hbm>>
      %dma_wait3A_133 = arith.constant 0 : i32
      %dma_wait3A_134 = tpu.memref_slice %arg2[%dma_wait3A_133] : memref<12800000xf32, #tpu.memory_space<hbm>> -> memref<4000xf32, #tpu.memory_space<hbm>>
      tpu.wait_dma2 semaphore(%arg14 : memref<!tpu.dma_semaphore, #tpu.memory_space<semaphore_mem>>) src(%dma_wait3A_134 : memref<4000xf32, #tpu.memory_space<hbm>>) dst(%arg8 : memref<4000xf32, #tpu.memory_space<vmem>>)
      %dma_wait3A_135 = arith.constant 0 : i32
      %dma_wait3A_136 = tpu.memref_slice %arg2[%dma_wait3A_135] : memref<12800000xf32, #tpu.memory_space<hbm>> -> memref<4000xf32, #tpu.memory_space<hbm>>
      %dma_wait3A_137 = arith.constant 0 : i32
      %dma_wait3A_138 = tpu.memref_slice %arg2[%dma_wait3A_137] : memref<12800000xf32, #tpu.memory_space<hbm>> -> memref<4000xf32, #tpu.memory_space<hbm>>
      tpu.wait_dma2 semaphore(%arg14 : memref<!tpu.dma_semaphore, #tpu.memory_space<semaphore_mem>>) src(%dma_wait3A_138 : memref<4000xf32, #tpu.memory_space<hbm>>) dst(%arg9 : memref<4000xf32, #tpu.memory_space<vmem>>)
      %dma_wait3A_139 = arith.constant 0 : i32
      %dma_wait3A_140 = tpu.memref_slice %arg3[%dma_wait3A_139] : memref<100000xi32, #tpu.memory_space<hbm>> -> memref<4000xi32, #tpu.memory_space<hbm>>
      %dma_wait3A_141 = arith.constant 0 : i32
      %dma_wait3A_142 = tpu.memref_slice %arg3[%dma_wait3A_141] : memref<100000xi32, #tpu.memory_space<hbm>> -> memref<4000xi32, #tpu.memory_space<hbm>>
      tpu.wait_dma2 semaphore(%arg14 : memref<!tpu.dma_semaphore, #tpu.memory_space<semaphore_mem>>) src(%dma_wait3A_142 : memref<4000xi32, #tpu.memory_space<hbm>>) dst(%arg12 : memref<4000xi32, #tpu.memory_space<vmem>>)
      %parallel_loop3A_143 = arith.constant 0 : i32
      %parallel_loop3A_144 = arith.constant 250 : i32
      %parallel_loop3A_145 = arith.constant 1 : i32
      scf.for %parallel_loop3A_175 = %parallel_loop3A_143 to %parallel_loop3A_144 step %parallel_loop3A_145  : i32 {
        %parallel_loop3A_176 = arith.constant 16 : i32
        %parallel_loop3A_177 = arith.muli %parallel_loop3A_175, %parallel_loop3A_176 : i32
        %parallel_loop3A_178 = arith.index_cast %parallel_loop3A_177 : i32 to index
        %parallel_loop3A_179 = tpu.vector_load %arg12[%parallel_loop3A_178] {strides = array<i32>} : memref<4000xi32, #tpu.memory_space<vmem>>, vector<16xi32>,
        %parallel_loop3A_180 = arith.index_cast %parallel_loop3A_177 : i32 to index
        %parallel_loop3A_181 = tpu.vector_load %arg8[%parallel_loop3A_180] {strides = array<i32>} : memref<4000xf32, #tpu.memory_space<vmem>>, vector<16xf32>,
        tpu.vector_store_idx %arg5[%parallel_loop3A_179], %parallel_loop3A_181 {add = true} : memref<32768xf32, #tpu.memory_space<vmem>>[vector<16xi32>], vector<16xf32>,
        %parallel_loop3A_182 = arith.index_cast %parallel_loop3A_177 : i32 to index
        %parallel_loop3A_183 = tpu.vector_load %arg9[%parallel_loop3A_182] {strides = array<i32>} : memref<4000xf32, #tpu.memory_space<vmem>>, vector<16xf32>,
        tpu.vector_store_idx %arg6[%parallel_loop3A_179], %parallel_loop3A_183 {add = true} : memref<32768xf32, #tpu.memory_space<vmem>>[vector<16xi32>], vector<16xf32>,
        tpu.vector_store_idx %arg7[%parallel_loop3A_179], %broadcast_in_dim3A_5 {add = true} : memref<32768xf32, #tpu.memory_space<vmem>>[vector<16xi32>], vector<16xf32>,
      } {sc.loop_unroll_factor = 5 : i64, sc.parallel_access}
      %add3A_146 = arith.constant 2 : i32
      %add3A_147 = arith.addi %add3A_116, %add3A_146 : i32
      %mul3A_148 = arith.constant 4000 : i32
      %mul3A_149 = arith.muli %add3A_147, %mul3A_148 : i32
      %add3A_150 = arith.addi %mul3A_13, %mul3A_149 : i32
      %dma_start3A_151 = tpu.memref_slice %arg2[%add3A_150] : memref<12800000xf32, #tpu.memory_space<hbm>> -> memref<4000xf32, #tpu.memory_space<hbm>>
      %dma_start3A_152 = tpu.memref_slice %arg2[%add3A_150] : memref<12800000xf32, #tpu.memory_space<hbm>> -> memref<4000xf32, #tpu.memory_space<hbm>>
      tpu.enqueue_dma source(%dma_start3A_152 : memref<4000xf32, #tpu.memory_space<hbm>>) target(%arg8 : memref<4000xf32, #tpu.memory_space<vmem>>) target_semaphore(%arg14 : memref<!tpu.dma_semaphore, #tpu.memory_space<semaphore_mem>>)
      %add3A_153 = arith.addi %add3A_15, %mul3A_149 : i32
      %dma_start3A_154 = tpu.memref_slice %arg2[%add3A_153] : memref<12800000xf32, #tpu.memory_space<hbm>> -> memref<4000xf32, #tpu.memory_space<hbm>>
      %dma_start3A_155 = tpu.memref_slice %arg2[%add3A_153] : memref<12800000xf32, #tpu.memory_space<hbm>> -> memref<4000xf32, #tpu.memory_space<hbm>>
      tpu.enqueue_dma source(%dma_start3A_155 : memref<4000xf32, #tpu.memory_space<hbm>>) target(%arg9 : memref<4000xf32, #tpu.memory_space<vmem>>) target_semaphore(%arg14 : memref<!tpu.dma_semaphore, #tpu.memory_space<semaphore_mem>>)
      %add3A_156 = arith.constant 0 : i32
      %add3A_157 = arith.addi %add3A_156, %mul3A_149 : i32
      %dma_start3A_158 = tpu.memref_slice %arg3[%add3A_157] : memref<100000xi32, #tpu.memory_space<hbm>> -> memref<4000xi32, #tpu.memory_space<hbm>>
      %dma_start3A_159 = tpu.memref_slice %arg3[%add3A_157] : memref<100000xi32, #tpu.memory_space<hbm>> -> memref<4000xi32, #tpu.memory_space<hbm>>
      tpu.enqueue_dma source(%dma_start3A_159 : memref<4000xi32, #tpu.memory_space<hbm>>) target(%arg12 : memref<4000xi32, #tpu.memory_space<vmem>>) target_semaphore(%arg14 : memref<!tpu.dma_semaphore, #tpu.memory_space<semaphore_mem>>)
      %dma_wait3A_160 = arith.constant 0 : i32
      %dma_wait3A_161 = tpu.memref_slice %arg2[%dma_wait3A_160] : memref<12800000xf32, #tpu.memory_space<hbm>> -> memref<4000xf32, #tpu.memory_space<hbm>>
      %dma_wait3A_162 = arith.constant 0 : i32
      %dma_wait3A_163 = tpu.memref_slice %arg2[%dma_wait3A_162] : memref<12800000xf32, #tpu.memory_space<hbm>> -> memref<4000xf32, #tpu.memory_space<hbm>>
      tpu.wait_dma2 semaphore(%arg15 : memref<!tpu.dma_semaphore, #tpu.memory_space<semaphore_mem>>) src(%dma_wait3A_163 : memref<4000xf32, #tpu.memory_space<hbm>>) dst(%arg10 : memref<4000xf32, #tpu.memory_space<vmem>>)
      %dma_wait3A_164 = arith.constant 0 : i32
      %dma_wait3A_165 = tpu.memref_slice %arg2[%dma_wait3A_164] : memref<12800000xf32, #tpu.memory_space<hbm>> -> memref<4000xf32, #tpu.memory_space<hbm>>
      %dma_wait3A_166 = arith.constant 0 : i32
      %dma_wait3A_167 = tpu.memref_slice %arg2[%dma_wait3A_166] : memref<12800000xf32, #tpu.memory_space<hbm>> -> memref<4000xf32, #tpu.memory_space<hbm>>
      tpu.wait_dma2 semaphore(%arg15 : memref<!tpu.dma_semaphore, #tpu.memory_space<semaphore_mem>>) src(%dma_wait3A_167 : memref<4000xf32, #tpu.memory_space<hbm>>) dst(%arg11 : memref<4000xf32, #tpu.memory_space<vmem>>)
      %dma_wait3A_168 = arith.constant 0 : i32
      %dma_wait3A_169 = tpu.memref_slice %arg3[%dma_wait3A_168] : memref<100000xi32, #tpu.memory_space<hbm>> -> memref<4000xi32, #tpu.memory_space<hbm>>
      %dma_wait3A_170 = arith.constant 0 : i32
      %dma_wait3A_171 = tpu.memref_slice %arg3[%dma_wait3A_170] : memref<100000xi32, #tpu.memory_space<hbm>> -> memref<4000xi32, #tpu.memory_space<hbm>>
      tpu.wait_dma2 semaphore(%arg15 : memref<!tpu.dma_semaphore, #tpu.memory_space<semaphore_mem>>) src(%dma_wait3A_171 : memref<4000xi32, #tpu.memory_space<hbm>>) dst(%arg13 : memref<4000xi32, #tpu.memory_space<vmem>>)
      %parallel_loop3A_172 = arith.constant 0 : i32
      %parallel_loop3A_173 = arith.constant 250 : i32
      %parallel_loop3A_174 = arith.constant 1 : i32
      scf.for %parallel_loop3A_175 = %parallel_loop3A_172 to %parallel_loop3A_173 step %parallel_loop3A_174  : i32 {
        %parallel_loop3A_176 = arith.constant 16 : i32
        %parallel_loop3A_177 = arith.muli %parallel_loop3A_175, %parallel_loop3A_176 : i32
        %parallel_loop3A_178 = arith.index_cast %parallel_loop3A_177 : i32 to index
        %parallel_loop3A_179 = tpu.vector_load %arg13[%parallel_loop3A_178] {strides = array<i32>} : memref<4000xi32, #tpu.memory_space<vmem>>, vector<16xi32>,
        %parallel_loop3A_180 = arith.index_cast %parallel_loop3A_177 : i32 to index
        %parallel_loop3A_181 = tpu.vector_load %arg10[%parallel_loop3A_180] {strides = array<i32>} : memref<4000xf32, #tpu.memory_space<vmem>>, vector<16xf32>,
        tpu.vector_store_idx %arg5[%parallel_loop3A_179], %parallel_loop3A_181 {add = true} : memref<32768xf32, #tpu.memory_space<vmem>>[vector<16xi32>], vector<16xf32>,
        %parallel_loop3A_182 = arith.index_cast %parallel_loop3A_177 : i32 to index
        %parallel_loop3A_183 = tpu.vector_load %arg11[%parallel_loop3A_182] {strides = array<i32>} : memref<4000xf32, #tpu.memory_space<vmem>>, vector<16xf32>,
        tpu.vector_store_idx %arg6[%parallel_loop3A_179], %parallel_loop3A_183 {add = true} : memref<32768xf32, #tpu.memory_space<vmem>>[vector<16xi32>], vector<16xf32>,
        tpu.vector_store_idx %arg7[%parallel_loop3A_179], %broadcast_in_dim3A_5 {add = true} : memref<32768xf32, #tpu.memory_space<vmem>>[vector<16xi32>], vector<16xf32>,
      } {sc.loop_unroll_factor = 5 : i64, sc.parallel_access}
    }
    %scan3A_33 = arith.constant 12 : i32
    %dma_wait3A = arith.constant 0 : i32
    %dma_wait3A_34 = tpu.memref_slice %arg2[%dma_wait3A] : memref<12800000xf32, #tpu.memory_space<hbm>> -> memref<4000xf32, #tpu.memory_space<hbm>>
    %dma_wait3A_35 = arith.constant 0 : i32
    %dma_wait3A_36 = tpu.memref_slice %arg2[%dma_wait3A_35] : memref<12800000xf32, #tpu.memory_space<hbm>> -> memref<4000xf32, #tpu.memory_space<hbm>>
    tpu.wait_dma2 semaphore(%arg14 : memref<!tpu.dma_semaphore, #tpu.memory_space<semaphore_mem>>) src(%dma_wait3A_36 : memref<4000xf32, #tpu.memory_space<hbm>>) dst(%arg8 : memref<4000xf32, #tpu.memory_space<vmem>>)
    %dma_wait3A_37 = arith.constant 0 : i32
    %dma_wait3A_38 = tpu.memref_slice %arg2[%dma_wait3A_37] : memref<12800000xf32, #tpu.memory_space<hbm>> -> memref<4000xf32, #tpu.memory_space<hbm>>
    %dma_wait3A_39 = arith.constant 0 : i32
    %dma_wait3A_40 = tpu.memref_slice %arg2[%dma_wait3A_39] : memref<12800000xf32, #tpu.memory_space<hbm>> -> memref<4000xf32, #tpu.memory_space<hbm>>
    tpu.wait_dma2 semaphore(%arg14 : memref<!tpu.dma_semaphore, #tpu.memory_space<semaphore_mem>>) src(%dma_wait3A_40 : memref<4000xf32, #tpu.memory_space<hbm>>) dst(%arg9 : memref<4000xf32, #tpu.memory_space<vmem>>)
    %dma_wait3A_41 = arith.constant 0 : i32
    %dma_wait3A_42 = tpu.memref_slice %arg3[%dma_wait3A_41] : memref<100000xi32, #tpu.memory_space<hbm>> -> memref<4000xi32, #tpu.memory_space<hbm>>
    %dma_wait3A_43 = arith.constant 0 : i32
    %dma_wait3A_44 = tpu.memref_slice %arg3[%dma_wait3A_43] : memref<100000xi32, #tpu.memory_space<hbm>> -> memref<4000xi32, #tpu.memory_space<hbm>>
    tpu.wait_dma2 semaphore(%arg14 : memref<!tpu.dma_semaphore, #tpu.memory_space<semaphore_mem>>) src(%dma_wait3A_44 : memref<4000xi32, #tpu.memory_space<hbm>>) dst(%arg12 : memref<4000xi32, #tpu.memory_space<vmem>>)
    %parallel_loop3A_45 = arith.constant 0 : i32
    %parallel_loop3A_46 = arith.constant 250 : i32
    %parallel_loop3A_47 = arith.constant 1 : i32
    scf.for %parallel_loop3A_112 = %parallel_loop3A_45 to %parallel_loop3A_46 step %parallel_loop3A_47  : i32 {
      %parallel_loop3A_113 = arith.constant 16 : i32
      %parallel_loop3A_114 = arith.muli %parallel_loop3A_112, %parallel_loop3A_113 : i32
      %parallel_loop3A_115 = arith.index_cast %parallel_loop3A_114 : i32 to index
      %parallel_loop3A_116 = tpu.vector_load %arg12[%parallel_loop3A_115] {strides = array<i32>} : memref<4000xi32, #tpu.memory_space<vmem>>, vector<16xi32>,
      %parallel_loop3A_117 = arith.index_cast %parallel_loop3A_114 : i32 to index
      %parallel_loop3A_118 = tpu.vector_load %arg8[%parallel_loop3A_117] {strides = array<i32>} : memref<4000xf32, #tpu.memory_space<vmem>>, vector<16xf32>,
      tpu.vector_store_idx %arg5[%parallel_loop3A_116], %parallel_loop3A_118 {add = true} : memref<32768xf32, #tpu.memory_space<vmem>>[vector<16xi32>], vector<16xf32>,
      %parallel_loop3A_119 = arith.index_cast %parallel_loop3A_114 : i32 to index
      %parallel_loop3A_120 = tpu.vector_load %arg9[%parallel_loop3A_119] {strides = array<i32>} : memref<4000xf32, #tpu.memory_space<vmem>>, vector<16xf32>,
      tpu.vector_store_idx %arg6[%parallel_loop3A_116], %parallel_loop3A_120 {add = true} : memref<32768xf32, #tpu.memory_space<vmem>>[vector<16xi32>], vector<16xf32>,
      tpu.vector_store_idx %arg7[%parallel_loop3A_116], %broadcast_in_dim3A_5 {add = true} : memref<32768xf32, #tpu.memory_space<vmem>>[vector<16xi32>], vector<16xf32>,
    } {sc.loop_unroll_factor = 5 : i64, sc.parallel_access}
    %parallel_loop3A_48 = arith.constant 0 : i32
    %parallel_loop3A_49 = arith.constant 2048 : i32
    %parallel_loop3A_50 = arith.constant 1 : i32
    scf.for %parallel_loop3A_112 = %parallel_loop3A_48 to %parallel_loop3A_49 step %parallel_loop3A_50  : i32 {
      %parallel_loop3A_113 = arith.constant 16 : i32
      %parallel_loop3A_114 = arith.muli %parallel_loop3A_112, %parallel_loop3A_113 : i32
      %parallel_loop3A_115 = arith.index_cast %parallel_loop3A_114 : i32 to index
      %parallel_loop3A_116 = tpu.vector_load %arg7[%parallel_loop3A_115] {strides = array<i32>} : memref<32768xf32, #tpu.memory_space<vmem>>, vector<16xf32>,
      %parallel_loop3A_117 = arith.constant 1.000000e+00 : f32
      %parallel_loop3A_118 = vector.broadcast %parallel_loop3A_117 : f32 to vector<16xf32>
      %parallel_loop3A_119 = arith.maximumf %parallel_loop3A_116, %parallel_loop3A_118 : vector<16xf32>
      %parallel_loop3A_120 = arith.constant 1.000000e+00 : f32
      %parallel_loop3A_121 = vector.broadcast %parallel_loop3A_120 : f32 to vector<16xf32>
      %parallel_loop3A_122 = arith.divf %parallel_loop3A_121, %parallel_loop3A_119 : vector<16xf32>
      %parallel_loop3A_123 = arith.index_cast %parallel_loop3A_114 : i32 to index
      %parallel_loop3A_124 = tpu.vector_load %arg7[%parallel_loop3A_123] {strides = array<i32>} : memref<32768xf32, #tpu.memory_space<vmem>>, vector<16xf32>,
      tpu.vector_store %arg7[%parallel_loop3A_123], %parallel_loop3A_122 {strides = array<i32>} : memref<32768xf32, #tpu.memory_space<vmem>>, vector<16xf32>,
    } {sc.loop_unroll_factor = 4 : i64, sc.parallel_access}
    %parallel_loop3A_51 = arith.constant 0 : i32
    %parallel_loop3A_52 = arith.constant 2048 : i32
    %parallel_loop3A_53 = arith.constant 1 : i32
    scf.for %parallel_loop3A_112 = %parallel_loop3A_51 to %parallel_loop3A_52 step %parallel_loop3A_53  : i32 {
      %parallel_loop3A_113 = arith.constant 16 : i32
      %parallel_loop3A_114 = arith.muli %parallel_loop3A_112, %parallel_loop3A_113 : i32
      %parallel_loop3A_115 = arith.index_cast %parallel_loop3A_114 : i32 to index
      %parallel_loop3A_116 = tpu.vector_load %arg5[%parallel_loop3A_115] {strides = array<i32>} : memref<32768xf32, #tpu.memory_space<vmem>>, vector<16xf32>,
      %parallel_loop3A_117 = arith.index_cast %parallel_loop3A_114 : i32 to index
      %parallel_loop3A_118 = tpu.vector_load %arg7[%parallel_loop3A_117] {strides = array<i32>} : memref<32768xf32, #tpu.memory_space<vmem>>, vector<16xf32>,
      %parallel_loop3A_119 = arith.mulf %parallel_loop3A_116, %parallel_loop3A_118 : vector<16xf32>
      %parallel_loop3A_120 = arith.index_cast %parallel_loop3A_114 : i32 to index
      %parallel_loop3A_121 = tpu.vector_load %arg5[%parallel_loop3A_120] {strides = array<i32>} : memref<32768xf32, #tpu.memory_space<vmem>>, vector<16xf32>,
      tpu.vector_store %arg5[%parallel_loop3A_120], %parallel_loop3A_119 {strides = array<i32>} : memref<32768xf32, #tpu.memory_space<vmem>>, vector<16xf32>,
      %parallel_loop3A_122 = arith.index_cast %parallel_loop3A_114 : i32 to index
      %parallel_loop3A_123 = tpu.vector_load %arg6[%parallel_loop3A_122] {strides = array<i32>} : memref<32768xf32, #tpu.memory_space<vmem>>, vector<16xf32>,
      %parallel_loop3A_124 = arith.index_cast %parallel_loop3A_114 : i32 to index
      %parallel_loop3A_125 = tpu.vector_load %arg7[%parallel_loop3A_124] {strides = array<i32>} : memref<32768xf32, #tpu.memory_space<vmem>>, vector<16xf32>,
      %parallel_loop3A_126 = arith.mulf %parallel_loop3A_123, %parallel_loop3A_125 : vector<16xf32>
      %parallel_loop3A_127 = arith.index_cast %parallel_loop3A_114 : i32 to index
      %parallel_loop3A_128 = tpu.vector_load %arg6[%parallel_loop3A_127] {strides = array<i32>} : memref<32768xf32, #tpu.memory_space<vmem>>, vector<16xf32>,
      tpu.vector_store %arg6[%parallel_loop3A_127], %parallel_loop3A_126 {strides = array<i32>} : memref<32768xf32, #tpu.memory_space<vmem>>, vector<16xf32>,
    } {sc.loop_unroll_factor = 4 : i64, sc.parallel_access}
    %mul3A_54 = arith.constant 32768 : i32
    %mul3A_55 = arith.muli %add3A_9, %mul3A_54 : i32
    "tpu.region"() ({
      %run_scoped3A = tpu.sem_alloc : memref<!tpu.dma_semaphore, #tpu.memory_space<semaphore_mem>>
      %dma_start3A_112 = tpu.memref_slice %arg4[%mul3A_55] : memref<4194304xf32, #tpu.memory_space<hbm>> -> memref<32768xf32, #tpu.memory_space<hbm>>
      %dma_start3A_113 = tpu.memref_slice %arg4[%mul3A_55] : memref<4194304xf32, #tpu.memory_space<hbm>> -> memref<32768xf32, #tpu.memory_space<hbm>>
      tpu.enqueue_dma source(%arg5 : memref<32768xf32, #tpu.memory_space<vmem>>) target(%dma_start3A_113 : memref<32768xf32, #tpu.memory_space<hbm>>) target_semaphore(%run_scoped3A : memref<!tpu.dma_semaphore, #tpu.memory_space<semaphore_mem>>)
      %dma_wait3A_114 = tpu.memref_slice %arg4[%mul3A_55] : memref<4194304xf32, #tpu.memory_space<hbm>> -> memref<32768xf32, #tpu.memory_space<hbm>>
      %dma_wait3A_115 = tpu.memref_slice %arg4[%mul3A_55] : memref<4194304xf32, #tpu.memory_space<hbm>> -> memref<32768xf32, #tpu.memory_space<hbm>>
      tpu.wait_dma2 semaphore(%run_scoped3A : memref<!tpu.dma_semaphore, #tpu.memory_space<semaphore_mem>>) src(%arg5 : memref<32768xf32, #tpu.memory_space<vmem>>) dst(%dma_wait3A_115 : memref<32768xf32, #tpu.memory_space<hbm>>)
      tpu.yield
    }) : () -> ()
    %add3A_56 = arith.constant 1 : i32
    %add3A_57 = arith.addi %add3A_9, %add3A_56 : i32
    %mul3A_58 = arith.constant 32768 : i32
    %mul3A_59 = arith.muli %add3A_57, %mul3A_58 : i32
    "tpu.region"() ({
      %run_scoped3A = tpu.sem_alloc : memref<!tpu.dma_semaphore, #tpu.memory_space<semaphore_mem>>
      %dma_start3A_112 = tpu.memref_slice %arg4[%mul3A_59] : memref<4194304xf32, #tpu.memory_space<hbm>> -> memref<32768xf32, #tpu.memory_space<hbm>>
      %dma_start3A_113 = tpu.memref_slice %arg4[%mul3A_59] : memref<4194304xf32, #tpu.memory_space<hbm>> -> memref<32768xf32, #tpu.memory_space<hbm>>
      tpu.enqueue_dma source(%arg6 : memref<32768xf32, #tpu.memory_space<vmem>>) target(%dma_start3A_113 : memref<32768xf32, #tpu.memory_space<hbm>>) target_semaphore(%run_scoped3A : memref<!tpu.dma_semaphore, #tpu.memory_space<semaphore_mem>>)
      %dma_wait3A_114 = tpu.memref_slice %arg4[%mul3A_59] : memref<4194304xf32, #tpu.memory_space<hbm>> -> memref<32768xf32, #tpu.memory_space<hbm>>
      %dma_wait3A_115 = tpu.memref_slice %arg4[%mul3A_59] : memref<4194304xf32, #tpu.memory_space<hbm>> -> memref<32768xf32, #tpu.memory_space<hbm>>
      tpu.wait_dma2 semaphore(%run_scoped3A : memref<!tpu.dma_semaphore, #tpu.memory_space<semaphore_mem>>) src(%arg6 : memref<32768xf32, #tpu.memory_space<vmem>>) dst(%dma_wait3A_115 : memref<32768xf32, #tpu.memory_space<hbm>>)
      tpu.yield
    }) : () -> ()
    %add3A_60 = arith.constant 2 : i32
    %add3A_61 = arith.addi %mul3A_2, %add3A_60 : i32
    %add3A_62 = arith.constant 0 : i32
    %add3A_63 = arith.addi %add3A_62, %add3A_61 : i32
    %mul3A_64 = arith.constant 100000 : i32
    %mul3A_65 = arith.muli %add3A_63, %mul3A_64 : i32
    %add3A_66 = arith.constant 100000 : i32
    %add3A_67 = arith.addi %mul3A_65, %add3A_66 : i32
    %parallel_loop3A_68 = arith.constant 0 : i32
    %parallel_loop3A_69 = arith.constant 2048 : i32
    %parallel_loop3A_70 = arith.constant 1 : i32
    scf.for %parallel_loop3A_112 = %parallel_loop3A_68 to %parallel_loop3A_69 step %parallel_loop3A_70  : i32 {
      %parallel_loop3A_113 = arith.constant 16 : i32
      %parallel_loop3A_114 = arith.muli %parallel_loop3A_112, %parallel_loop3A_113 : i32
      %parallel_loop3A_115 = arith.index_cast %parallel_loop3A_114 : i32 to index
      %parallel_loop3A_116 = tpu.vector_load %arg5[%parallel_loop3A_115] {strides = array<i32>} : memref<32768xf32, #tpu.memory_space<vmem>>, vector<16xf32>,
      tpu.vector_store %arg5[%parallel_loop3A_115], %broadcast_in_dim3A_3 {strides = array<i32>} : memref<32768xf32, #tpu.memory_space<vmem>>, vector<16xf32>,
      %parallel_loop3A_117 = arith.index_cast %parallel_loop3A_114 : i32 to index
      %parallel_loop3A_118 = tpu.vector_load %arg6[%parallel_loop3A_117] {strides = array<i32>} : memref<32768xf32, #tpu.memory_space<vmem>>, vector<16xf32>,
      tpu.vector_store %arg6[%parallel_loop3A_117], %broadcast_in_dim3A_3 {strides = array<i32>} : memref<32768xf32, #tpu.memory_space<vmem>>, vector<16xf32>,
    } {sc.loop_unroll_factor = 8 : i64, sc.parallel_access}
    %add3A_71 = arith.constant 0 : i32
    %add3A_72 = arith.addi %mul3A_65, %add3A_71 : i32
    %dma_start3A_73 = tpu.memref_slice %arg2[%add3A_72] : memref<12800000xf32, #tpu.memory_space<hbm>> -> memref<4000xf32, #tpu.memory_space<hbm>>
    %dma_start3A_74 = tpu.memref_slice %arg2[%add3A_72] : memref<12800000xf32, #tpu.memory_space<hbm>> -> memref<4000xf32, #tpu.memory_space<hbm>>
    tpu.enqueue_dma source(%dma_start3A_74 : memref<4000xf32, #tpu.memory_space<hbm>>) target(%arg8 : memref<4000xf32, #tpu.memory_space<vmem>>) target_semaphore(%arg14 : memref<!tpu.dma_semaphore, #tpu.memory_space<semaphore_mem>>)
    %add3A_75 = arith.constant 0 : i32
    %add3A_76 = arith.addi %add3A_67, %add3A_75 : i32
    %dma_start3A_77 = tpu.memref_slice %arg2[%add3A_76] : memref<12800000xf32, #tpu.memory_space<hbm>> -> memref<4000xf32, #tpu.memory_space<hbm>>
    %dma_start3A_78 = tpu.memref_slice %arg2[%add3A_76] : memref<12800000xf32, #tpu.memory_space<hbm>> -> memref<4000xf32, #tpu.memory_space<hbm>>
    tpu.enqueue_dma source(%dma_start3A_78 : memref<4000xf32, #tpu.memory_space<hbm>>) target(%arg9 : memref<4000xf32, #tpu.memory_space<vmem>>) target_semaphore(%arg14 : memref<!tpu.dma_semaphore, #tpu.memory_space<semaphore_mem>>)
    %dma_start3A_79 = arith.constant 0 : i32
    %dma_start3A_80 = tpu.memref_slice %arg3[%dma_start3A_79] : memref<100000xi32, #tpu.memory_space<hbm>> -> memref<4000xi32, #tpu.memory_space<hbm>>
    %dma_start3A_81 = arith.constant 0 : i32
    %dma_start3A_82 = tpu.memref_slice %arg3[%dma_start3A_81] : memref<100000xi32, #tpu.memory_space<hbm>> -> memref<4000xi32, #tpu.memory_space<hbm>>
    tpu.enqueue_dma source(%dma_start3A_82 : memref<4000xi32, #tpu.memory_space<hbm>>) target(%arg12 : memref<4000xi32, #tpu.memory_space<vmem>>) target_semaphore(%arg14 : memref<!tpu.dma_semaphore, #tpu.memory_space<semaphore_mem>>)
    %scan3A_83 = arith.constant 0 : i32
    %scan3A_84 = arith.constant 12 : i32
    %scan3A_85 = arith.addi %scan3A_83, %scan3A_84 : i32
    %scan3A_86 = arith.constant 1 : i32
    scf.for %scan3A_112 = %scan3A_83 to %scan3A_85 step %scan3A_86  : i32 {
      %mul3A_113 = arith.constant 2 : i32
      %mul3A_114 = arith.muli %scan3A_112, %mul3A_113 : i32
      %add3A_115 = arith.constant 0 : i32
      %add3A_116 = arith.addi %add3A_115, %mul3A_114 : i32
      %add3A_117 = arith.constant 1 : i32
      %add3A_118 = arith.addi %add3A_116, %add3A_117 : i32
      %mul3A_119 = arith.constant 4000 : i32
      %mul3A_120 = arith.muli %add3A_118, %mul3A_119 : i32
      %add3A_121 = arith.addi %mul3A_65, %mul3A_120 : i32
      %dma_start3A_122 = tpu.memref_slice %arg2[%add3A_121] : memref<12800000xf32, #tpu.memory_space<hbm>> -> memref<4000xf32, #tpu.memory_space<hbm>>
      %dma_start3A_123 = tpu.memref_slice %arg2[%add3A_121] : memref<12800000xf32, #tpu.memory_space<hbm>> -> memref<4000xf32, #tpu.memory_space<hbm>>
      tpu.enqueue_dma source(%dma_start3A_123 : memref<4000xf32, #tpu.memory_space<hbm>>) target(%arg10 : memref<4000xf32, #tpu.memory_space<vmem>>) target_semaphore(%arg15 : memref<!tpu.dma_semaphore, #tpu.memory_space<semaphore_mem>>)
      %add3A_124 = arith.addi %add3A_67, %mul3A_120 : i32
      %dma_start3A_125 = tpu.memref_slice %arg2[%add3A_124] : memref<12800000xf32, #tpu.memory_space<hbm>> -> memref<4000xf32, #tpu.memory_space<hbm>>
      %dma_start3A_126 = tpu.memref_slice %arg2[%add3A_124] : memref<12800000xf32, #tpu.memory_space<hbm>> -> memref<4000xf32, #tpu.memory_space<hbm>>
      tpu.enqueue_dma source(%dma_start3A_126 : memref<4000xf32, #tpu.memory_space<hbm>>) target(%arg11 : memref<4000xf32, #tpu.memory_space<vmem>>) target_semaphore(%arg15 : memref<!tpu.dma_semaphore, #tpu.memory_space<semaphore_mem>>)
      %add3A_127 = arith.constant 0 : i32
      %add3A_128 = arith.addi %add3A_127, %mul3A_120 : i32
      %dma_start3A_129 = tpu.memref_slice %arg3[%add3A_128] : memref<100000xi32, #tpu.memory_space<hbm>> -> memref<4000xi32, #tpu.memory_space<hbm>>
      %dma_start3A_130 = tpu.memref_slice %arg3[%add3A_128] : memref<100000xi32, #tpu.memory_space<hbm>> -> memref<4000xi32, #tpu.memory_space<hbm>>
      tpu.enqueue_dma source(%dma_start3A_130 : memref<4000xi32, #tpu.memory_space<hbm>>) target(%arg13 : memref<4000xi32, #tpu.memory_space<vmem>>) target_semaphore(%arg15 : memref<!tpu.dma_semaphore, #tpu.memory_space<semaphore_mem>>)
      %dma_wait3A_131 = arith.constant 0 : i32
      %dma_wait3A_132 = tpu.memref_slice %arg2[%dma_wait3A_131] : memref<12800000xf32, #tpu.memory_space<hbm>> -> memref<4000xf32, #tpu.memory_space<hbm>>
      %dma_wait3A_133 = arith.constant 0 : i32
      %dma_wait3A_134 = tpu.memref_slice %arg2[%dma_wait3A_133] : memref<12800000xf32, #tpu.memory_space<hbm>> -> memref<4000xf32, #tpu.memory_space<hbm>>
      tpu.wait_dma2 semaphore(%arg14 : memref<!tpu.dma_semaphore, #tpu.memory_space<semaphore_mem>>) src(%dma_wait3A_134 : memref<4000xf32, #tpu.memory_space<hbm>>) dst(%arg8 : memref<4000xf32, #tpu.memory_space<vmem>>)
      %dma_wait3A_135 = arith.constant 0 : i32
      %dma_wait3A_136 = tpu.memref_slice %arg2[%dma_wait3A_135] : memref<12800000xf32, #tpu.memory_space<hbm>> -> memref<4000xf32, #tpu.memory_space<hbm>>
      %dma_wait3A_137 = arith.constant 0 : i32
      %dma_wait3A_138 = tpu.memref_slice %arg2[%dma_wait3A_137] : memref<12800000xf32, #tpu.memory_space<hbm>> -> memref<4000xf32, #tpu.memory_space<hbm>>
      tpu.wait_dma2 semaphore(%arg14 : memref<!tpu.dma_semaphore, #tpu.memory_space<semaphore_mem>>) src(%dma_wait3A_138 : memref<4000xf32, #tpu.memory_space<hbm>>) dst(%arg9 : memref<4000xf32, #tpu.memory_space<vmem>>)
      %dma_wait3A_139 = arith.constant 0 : i32
      %dma_wait3A_140 = tpu.memref_slice %arg3[%dma_wait3A_139] : memref<100000xi32, #tpu.memory_space<hbm>> -> memref<4000xi32, #tpu.memory_space<hbm>>
      %dma_wait3A_141 = arith.constant 0 : i32
      %dma_wait3A_142 = tpu.memref_slice %arg3[%dma_wait3A_141] : memref<100000xi32, #tpu.memory_space<hbm>> -> memref<4000xi32, #tpu.memory_space<hbm>>
      tpu.wait_dma2 semaphore(%arg14 : memref<!tpu.dma_semaphore, #tpu.memory_space<semaphore_mem>>) src(%dma_wait3A_142 : memref<4000xi32, #tpu.memory_space<hbm>>) dst(%arg12 : memref<4000xi32, #tpu.memory_space<vmem>>)
      %parallel_loop3A_143 = arith.constant 0 : i32
      %parallel_loop3A_144 = arith.constant 250 : i32
      %parallel_loop3A_145 = arith.constant 1 : i32
      scf.for %parallel_loop3A_175 = %parallel_loop3A_143 to %parallel_loop3A_144 step %parallel_loop3A_145  : i32 {
        %parallel_loop3A_176 = arith.constant 16 : i32
        %parallel_loop3A_177 = arith.muli %parallel_loop3A_175, %parallel_loop3A_176 : i32
        %parallel_loop3A_178 = arith.index_cast %parallel_loop3A_177 : i32 to index
        %parallel_loop3A_179 = tpu.vector_load %arg12[%parallel_loop3A_178] {strides = array<i32>} : memref<4000xi32, #tpu.memory_space<vmem>>, vector<16xi32>,
        %parallel_loop3A_180 = arith.index_cast %parallel_loop3A_177 : i32 to index
        %parallel_loop3A_181 = tpu.vector_load %arg8[%parallel_loop3A_180] {strides = array<i32>} : memref<4000xf32, #tpu.memory_space<vmem>>, vector<16xf32>,
        tpu.vector_store_idx %arg5[%parallel_loop3A_179], %parallel_loop3A_181 {add = true} : memref<32768xf32, #tpu.memory_space<vmem>>[vector<16xi32>], vector<16xf32>,
        %parallel_loop3A_182 = arith.index_cast %parallel_loop3A_177 : i32 to index
        %parallel_loop3A_183 = tpu.vector_load %arg9[%parallel_loop3A_182] {strides = array<i32>} : memref<4000xf32, #tpu.memory_space<vmem>>, vector<16xf32>,
        tpu.vector_store_idx %arg6[%parallel_loop3A_179], %parallel_loop3A_183 {add = true} : memref<32768xf32, #tpu.memory_space<vmem>>[vector<16xi32>], vector<16xf32>,
      } {sc.loop_unroll_factor = 5 : i64, sc.parallel_access}
      %add3A_146 = arith.constant 2 : i32
      %add3A_147 = arith.addi %add3A_116, %add3A_146 : i32
      %mul3A_148 = arith.constant 4000 : i32
      %mul3A_149 = arith.muli %add3A_147, %mul3A_148 : i32
      %add3A_150 = arith.addi %mul3A_65, %mul3A_149 : i32
      %dma_start3A_151 = tpu.memref_slice %arg2[%add3A_150] : memref<12800000xf32, #tpu.memory_space<hbm>> -> memref<4000xf32, #tpu.memory_space<hbm>>
      %dma_start3A_152 = tpu.memref_slice %arg2[%add3A_150] : memref<12800000xf32, #tpu.memory_space<hbm>> -> memref<4000xf32, #tpu.memory_space<hbm>>
      tpu.enqueue_dma source(%dma_start3A_152 : memref<4000xf32, #tpu.memory_space<hbm>>) target(%arg8 : memref<4000xf32, #tpu.memory_space<vmem>>) target_semaphore(%arg14 : memref<!tpu.dma_semaphore, #tpu.memory_space<semaphore_mem>>)
      %add3A_153 = arith.addi %add3A_67, %mul3A_149 : i32
      %dma_start3A_154 = tpu.memref_slice %arg2[%add3A_153] : memref<12800000xf32, #tpu.memory_space<hbm>> -> memref<4000xf32, #tpu.memory_space<hbm>>
      %dma_start3A_155 = tpu.memref_slice %arg2[%add3A_153] : memref<12800000xf32, #tpu.memory_space<hbm>> -> memref<4000xf32, #tpu.memory_space<hbm>>
      tpu.enqueue_dma source(%dma_start3A_155 : memref<4000xf32, #tpu.memory_space<hbm>>) target(%arg9 : memref<4000xf32, #tpu.memory_space<vmem>>) target_semaphore(%arg14 : memref<!tpu.dma_semaphore, #tpu.memory_space<semaphore_mem>>)
      %add3A_156 = arith.constant 0 : i32
      %add3A_157 = arith.addi %add3A_156, %mul3A_149 : i32
      %dma_start3A_158 = tpu.memref_slice %arg3[%add3A_157] : memref<100000xi32, #tpu.memory_space<hbm>> -> memref<4000xi32, #tpu.memory_space<hbm>>
      %dma_start3A_159 = tpu.memref_slice %arg3[%add3A_157] : memref<100000xi32, #tpu.memory_space<hbm>> -> memref<4000xi32, #tpu.memory_space<hbm>>
      tpu.enqueue_dma source(%dma_start3A_159 : memref<4000xi32, #tpu.memory_space<hbm>>) target(%arg12 : memref<4000xi32, #tpu.memory_space<vmem>>) target_semaphore(%arg14 : memref<!tpu.dma_semaphore, #tpu.memory_space<semaphore_mem>>)
      %dma_wait3A_160 = arith.constant 0 : i32
      %dma_wait3A_161 = tpu.memref_slice %arg2[%dma_wait3A_160] : memref<12800000xf32, #tpu.memory_space<hbm>> -> memref<4000xf32, #tpu.memory_space<hbm>>
      %dma_wait3A_162 = arith.constant 0 : i32
      %dma_wait3A_163 = tpu.memref_slice %arg2[%dma_wait3A_162] : memref<12800000xf32, #tpu.memory_space<hbm>> -> memref<4000xf32, #tpu.memory_space<hbm>>
      tpu.wait_dma2 semaphore(%arg15 : memref<!tpu.dma_semaphore, #tpu.memory_space<semaphore_mem>>) src(%dma_wait3A_163 : memref<4000xf32, #tpu.memory_space<hbm>>) dst(%arg10 : memref<4000xf32, #tpu.memory_space<vmem>>)
      %dma_wait3A_164 = arith.constant 0 : i32
      %dma_wait3A_165 = tpu.memref_slice %arg2[%dma_wait3A_164] : memref<12800000xf32, #tpu.memory_space<hbm>> -> memref<4000xf32, #tpu.memory_space<hbm>>
      %dma_wait3A_166 = arith.constant 0 : i32
      %dma_wait3A_167 = tpu.memref_slice %arg2[%dma_wait3A_166] : memref<12800000xf32, #tpu.memory_space<hbm>> -> memref<4000xf32, #tpu.memory_space<hbm>>
      tpu.wait_dma2 semaphore(%arg15 : memref<!tpu.dma_semaphore, #tpu.memory_space<semaphore_mem>>) src(%dma_wait3A_167 : memref<4000xf32, #tpu.memory_space<hbm>>) dst(%arg11 : memref<4000xf32, #tpu.memory_space<vmem>>)
      %dma_wait3A_168 = arith.constant 0 : i32
      %dma_wait3A_169 = tpu.memref_slice %arg3[%dma_wait3A_168] : memref<100000xi32, #tpu.memory_space<hbm>> -> memref<4000xi32, #tpu.memory_space<hbm>>
      %dma_wait3A_170 = arith.constant 0 : i32
      %dma_wait3A_171 = tpu.memref_slice %arg3[%dma_wait3A_170] : memref<100000xi32, #tpu.memory_space<hbm>> -> memref<4000xi32, #tpu.memory_space<hbm>>
      tpu.wait_dma2 semaphore(%arg15 : memref<!tpu.dma_semaphore, #tpu.memory_space<semaphore_mem>>) src(%dma_wait3A_171 : memref<4000xi32, #tpu.memory_space<hbm>>) dst(%arg13 : memref<4000xi32, #tpu.memory_space<vmem>>)
      %parallel_loop3A_172 = arith.constant 0 : i32
      %parallel_loop3A_173 = arith.constant 250 : i32
      %parallel_loop3A_174 = arith.constant 1 : i32
      scf.for %parallel_loop3A_175 = %parallel_loop3A_172 to %parallel_loop3A_173 step %parallel_loop3A_174  : i32 {
        %parallel_loop3A_176 = arith.constant 16 : i32
        %parallel_loop3A_177 = arith.muli %parallel_loop3A_175, %parallel_loop3A_176 : i32
        %parallel_loop3A_178 = arith.index_cast %parallel_loop3A_177 : i32 to index
        %parallel_loop3A_179 = tpu.vector_load %arg13[%parallel_loop3A_178] {strides = array<i32>} : memref<4000xi32, #tpu.memory_space<vmem>>, vector<16xi32>,
        %parallel_loop3A_180 = arith.index_cast %parallel_loop3A_177 : i32 to index
        %parallel_loop3A_181 = tpu.vector_load %arg10[%parallel_loop3A_180] {strides = array<i32>} : memref<4000xf32, #tpu.memory_space<vmem>>, vector<16xf32>,
        tpu.vector_store_idx %arg5[%parallel_loop3A_179], %parallel_loop3A_181 {add = true} : memref<32768xf32, #tpu.memory_space<vmem>>[vector<16xi32>], vector<16xf32>,
        %parallel_loop3A_182 = arith.index_cast %parallel_loop3A_177 : i32 to index
        %parallel_loop3A_183 = tpu.vector_load %arg11[%parallel_loop3A_182] {strides = array<i32>} : memref<4000xf32, #tpu.memory_space<vmem>>, vector<16xf32>,
        tpu.vector_store_idx %arg6[%parallel_loop3A_179], %parallel_loop3A_183 {add = true} : memref<32768xf32, #tpu.memory_space<vmem>>[vector<16xi32>], vector<16xf32>,
      } {sc.loop_unroll_factor = 5 : i64, sc.parallel_access}
    }
    %scan3A_87 = arith.constant 12 : i32
    %dma_wait3A_88 = arith.constant 0 : i32
    %dma_wait3A_89 = tpu.memref_slice %arg2[%dma_wait3A_88] : memref<12800000xf32, #tpu.memory_space<hbm>> -> memref<4000xf32, #tpu.memory_space<hbm>>
    %dma_wait3A_90 = arith.constant 0 : i32
    %dma_wait3A_91 = tpu.memref_slice %arg2[%dma_wait3A_90] : memref<12800000xf32, #tpu.memory_space<hbm>> -> memref<4000xf32, #tpu.memory_space<hbm>>
    tpu.wait_dma2 semaphore(%arg14 : memref<!tpu.dma_semaphore, #tpu.memory_space<semaphore_mem>>) src(%dma_wait3A_91 : memref<4000xf32, #tpu.memory_space<hbm>>) dst(%arg8 : memref<4000xf32, #tpu.memory_space<vmem>>)
    %dma_wait3A_92 = arith.constant 0 : i32
    %dma_wait3A_93 = tpu.memref_slice %arg2[%dma_wait3A_92] : memref<12800000xf32, #tpu.memory_space<hbm>> -> memref<4000xf32, #tpu.memory_space<hbm>>
    %dma_wait3A_94 = arith.constant 0 : i32
    %dma_wait3A_95 = tpu.memref_slice %arg2[%dma_wait3A_94] : memref<12800000xf32, #tpu.memory_space<hbm>> -> memref<4000xf32, #tpu.memory_space<hbm>>
    tpu.wait_dma2 semaphore(%arg14 : memref<!tpu.dma_semaphore, #tpu.memory_space<semaphore_mem>>) src(%dma_wait3A_95 : memref<4000xf32, #tpu.memory_space<hbm>>) dst(%arg9 : memref<4000xf32, #tpu.memory_space<vmem>>)
    %dma_wait3A_96 = arith.constant 0 : i32
    %dma_wait3A_97 = tpu.memref_slice %arg3[%dma_wait3A_96] : memref<100000xi32, #tpu.memory_space<hbm>> -> memref<4000xi32, #tpu.memory_space<hbm>>
    %dma_wait3A_98 = arith.constant 0 : i32
    %dma_wait3A_99 = tpu.memref_slice %arg3[%dma_wait3A_98] : memref<100000xi32, #tpu.memory_space<hbm>> -> memref<4000xi32, #tpu.memory_space<hbm>>
    tpu.wait_dma2 semaphore(%arg14 : memref<!tpu.dma_semaphore, #tpu.memory_space<semaphore_mem>>) src(%dma_wait3A_99 : memref<4000xi32, #tpu.memory_space<hbm>>) dst(%arg12 : memref<4000xi32, #tpu.memory_space<vmem>>)
    %parallel_loop3A_100 = arith.constant 0 : i32
    %parallel_loop3A_101 = arith.constant 250 : i32
    %parallel_loop3A_102 = arith.constant 1 : i32
    scf.for %parallel_loop3A_112 = %parallel_loop3A_100 to %parallel_loop3A_101 step %parallel_loop3A_102  : i32 {
      %parallel_loop3A_113 = arith.constant 16 : i32
      %parallel_loop3A_114 = arith.muli %parallel_loop3A_112, %parallel_loop3A_113 : i32
      %parallel_loop3A_115 = arith.index_cast %parallel_loop3A_114 : i32 to index
      %parallel_loop3A_116 = tpu.vector_load %arg12[%parallel_loop3A_115] {strides = array<i32>} : memref<4000xi32, #tpu.memory_space<vmem>>, vector<16xi32>,
      %parallel_loop3A_117 = arith.index_cast %parallel_loop3A_114 : i32 to index
      %parallel_loop3A_118 = tpu.vector_load %arg8[%parallel_loop3A_117] {strides = array<i32>} : memref<4000xf32, #tpu.memory_space<vmem>>, vector<16xf32>,
      tpu.vector_store_idx %arg5[%parallel_loop3A_116], %parallel_loop3A_118 {add = true} : memref<32768xf32, #tpu.memory_space<vmem>>[vector<16xi32>], vector<16xf32>,
      %parallel_loop3A_119 = arith.index_cast %parallel_loop3A_114 : i32 to index
      %parallel_loop3A_120 = tpu.vector_load %arg9[%parallel_loop3A_119] {strides = array<i32>} : memref<4000xf32, #tpu.memory_space<vmem>>, vector<16xf32>,
      tpu.vector_store_idx %arg6[%parallel_loop3A_116], %parallel_loop3A_120 {add = true} : memref<32768xf32, #tpu.memory_space<vmem>>[vector<16xi32>], vector<16xf32>,
    } {sc.loop_unroll_factor = 5 : i64, sc.parallel_access}
    %parallel_loop3A_103 = arith.constant 0 : i32
    %parallel_loop3A_104 = arith.constant 2048 : i32
    %parallel_loop3A_105 = arith.constant 1 : i32
    scf.for %parallel_loop3A_112 = %parallel_loop3A_103 to %parallel_loop3A_104 step %parallel_loop3A_105  : i32 {
      %parallel_loop3A_113 = arith.constant 16 : i32
      %parallel_loop3A_114 = arith.muli %parallel_loop3A_112, %parallel_loop3A_113 : i32
      %parallel_loop3A_115 = arith.index_cast %parallel_loop3A_114 : i32 to index
      %parallel_loop3A_116 = tpu.vector_load %arg5[%parallel_loop3A_115] {strides = array<i32>} : memref<32768xf32, #tpu.memory_space<vmem>>, vector<16xf32>,
      %parallel_loop3A_117 = arith.index_cast %parallel_loop3A_114 : i32 to index
      %parallel_loop3A_118 = tpu.vector_load %arg7[%parallel_loop3A_117] {strides = array<i32>} : memref<32768xf32, #tpu.memory_space<vmem>>, vector<16xf32>,
      %parallel_loop3A_119 = arith.mulf %parallel_loop3A_116, %parallel_loop3A_118 : vector<16xf32>
      %parallel_loop3A_120 = arith.index_cast %parallel_loop3A_114 : i32 to index
      %parallel_loop3A_121 = tpu.vector_load %arg5[%parallel_loop3A_120] {strides = array<i32>} : memref<32768xf32, #tpu.memory_space<vmem>>, vector<16xf32>,
      tpu.vector_store %arg5[%parallel_loop3A_120], %parallel_loop3A_119 {strides = array<i32>} : memref<32768xf32, #tpu.memory_space<vmem>>, vector<16xf32>,
      %parallel_loop3A_122 = arith.index_cast %parallel_loop3A_114 : i32 to index
      %parallel_loop3A_123 = tpu.vector_load %arg6[%parallel_loop3A_122] {strides = array<i32>} : memref<32768xf32, #tpu.memory_space<vmem>>, vector<16xf32>,
      %parallel_loop3A_124 = arith.index_cast %parallel_loop3A_114 : i32 to index
      %parallel_loop3A_125 = tpu.vector_load %arg7[%parallel_loop3A_124] {strides = array<i32>} : memref<32768xf32, #tpu.memory_space<vmem>>, vector<16xf32>,
      %parallel_loop3A_126 = arith.mulf %parallel_loop3A_123, %parallel_loop3A_125 : vector<16xf32>
      %parallel_loop3A_127 = arith.index_cast %parallel_loop3A_114 : i32 to index
      %parallel_loop3A_128 = tpu.vector_load %arg6[%parallel_loop3A_127] {strides = array<i32>} : memref<32768xf32, #tpu.memory_space<vmem>>, vector<16xf32>,
      tpu.vector_store %arg6[%parallel_loop3A_127], %parallel_loop3A_126 {strides = array<i32>} : memref<32768xf32, #tpu.memory_space<vmem>>, vector<16xf32>,
    } {sc.loop_unroll_factor = 4 : i64, sc.parallel_access}
    %mul3A_106 = arith.constant 32768 : i32
    %mul3A_107 = arith.muli %add3A_61, %mul3A_106 : i32
    "tpu.region"() ({
      %run_scoped3A = tpu.sem_alloc : memref<!tpu.dma_semaphore, #tpu.memory_space<semaphore_mem>>
      %dma_start3A_112 = tpu.memref_slice %arg4[%mul3A_107] : memref<4194304xf32, #tpu.memory_space<hbm>> -> memref<32768xf32, #tpu.memory_space<hbm>>
      %dma_start3A_113 = tpu.memref_slice %arg4[%mul3A_107] : memref<4194304xf32, #tpu.memory_space<hbm>> -> memref<32768xf32, #tpu.memory_space<hbm>>
      tpu.enqueue_dma source(%arg5 : memref<32768xf32, #tpu.memory_space<vmem>>) target(%dma_start3A_113 : memref<32768xf32, #tpu.memory_space<hbm>>) target_semaphore(%run_scoped3A : memref<!tpu.dma_semaphore, #tpu.memory_space<semaphore_mem>>)
      %dma_wait3A_114 = tpu.memref_slice %arg4[%mul3A_107] : memref<4194304xf32, #tpu.memory_space<hbm>> -> memref<32768xf32, #tpu.memory_space<hbm>>
      %dma_wait3A_115 = tpu.memref_slice %arg4[%mul3A_107] : memref<4194304xf32, #tpu.memory_space<hbm>> -> memref<32768xf32, #tpu.memory_space<hbm>>
      tpu.wait_dma2 semaphore(%run_scoped3A : memref<!tpu.dma_semaphore, #tpu.memory_space<semaphore_mem>>) src(%arg5 : memref<32768xf32, #tpu.memory_space<vmem>>) dst(%dma_wait3A_115 : memref<32768xf32, #tpu.memory_space<hbm>>)
      tpu.yield
    }) : () -> ()
    %add3A_108 = arith.constant 1 : i32
    %add3A_109 = arith.addi %add3A_61, %add3A_108 : i32
    %mul3A_110 = arith.constant 32768 : i32
    %mul3A_111 = arith.muli %add3A_109, %mul3A_110 : i32
    "tpu.region"() ({
      %run_scoped3A = tpu.sem_alloc : memref<!tpu.dma_semaphore, #tpu.memory_space<semaphore_mem>>
      %dma_start3A_112 = tpu.memref_slice %arg4[%mul3A_111] : memref<4194304xf32, #tpu.memory_space<hbm>> -> memref<32768xf32, #tpu.memory_space<hbm>>
      %dma_start3A_113 = tpu.memref_slice %arg4[%mul3A_111] : memref<4194304xf32, #tpu.memory_space<hbm>> -> memref<32768xf32, #tpu.memory_space<hbm>>
      tpu.enqueue_dma source(%arg6 : memref<32768xf32, #tpu.memory_space<vmem>>) target(%dma_start3A_113 : memref<32768xf32, #tpu.memory_space<hbm>>) target_semaphore(%run_scoped3A : memref<!tpu.dma_semaphore, #tpu.memory_space<semaphore_mem>>)
      %dma_wait3A_114 = tpu.memref_slice %arg4[%mul3A_111] : memref<4194304xf32, #tpu.memory_space<hbm>> -> memref<32768xf32, #tpu.memory_space<hbm>>
      %dma_wait3A_115 = tpu.memref_slice %arg4[%mul3A_111] : memref<4194304xf32, #tpu.memory_space<hbm>> -> memref<32768xf32, #tpu.memory_space<hbm>>
      tpu.wait_dma2 semaphore(%run_scoped3A : memref<!tpu.dma_semaphore, #tpu.memory_space<semaphore_mem>>) src(%arg6 : memref<32768xf32, #tpu.memory_space<vmem>>) dst(%dma_wait3A_115 : memref<32768xf32, #tpu.memory_space<hbm>>)
      tpu.yield
    }) : () -> ()
    return
  }
}

#map = affine_map<(d0, d1) -> (0)>
module attributes {stable_mosaic.version = 14 : i64} {
  func.func @_sc_body(%arg0: i32, %arg1: i32, %arg2: memref<12800000xf32, #tpu.memory_space<hbm>>, %arg3: memref<100000xi32, #tpu.memory_space<hbm>>, %arg4: memref<4194304xf32, #tpu.memory_space<hbm>>, %arg5: memref<32768xf32, #tpu.memory_space<vmem>>, %arg6: memref<32768xf32, #tpu.memory_space<vmem>>, %arg7: memref<32768xf32, #tpu.memory_space<vmem>>, %arg8: memref<4000xf32, #tpu.memory_space<vmem>>, %arg9: memref<4000xf32, #tpu.memory_space<vmem>>, %arg10: memref<4000xf32, #tpu.memory_space<vmem>>, %arg11: memref<4000xf32, #tpu.memory_space<vmem>>, %arg12: memref<4000xi32, #tpu.memory_space<vmem>>, %arg13: memref<4000xi32, #tpu.memory_space<vmem>>, %arg14: memref<!tpu.dma_semaphore, #tpu.memory_space<semaphore_mem>>, %arg15: memref<!tpu.dma_semaphore, #tpu.memory_space<semaphore_mem>>) attributes {dimension_semantics = [#tpu.dimension_semantics<core_parallel>, #tpu.dimension_semantics<subcore_parallel>], iteration_bounds = array<i64: 2, 16>, scalar_prefetch = 0 : i64, scratch_operands = 11 : i64, tpu.core_type = #tpu.core_type<sc_vector_subcore>, window_params = [{transform_indices = #map}, {transform_indices = #map}, {transform_indices = #map}]} {
    %mul3A = arith.constant 2 : i32
    %mul3A_0 = arith.muli %arg1, %mul3A : i32
    %add3A = arith.addi %mul3A_0, %arg0 : i32
    %mul3A_1 = arith.constant 4 : i32
    %mul3A_2 = arith.muli %add3A, %mul3A_1 : i32
    %broadcast_in_dim3A = arith.constant 0.000000e+00 : f32
    %broadcast_in_dim3A_3 = vector.broadcast %broadcast_in_dim3A : f32 to vector<16xf32>
    %broadcast_in_dim3A_4 = arith.constant 1.000000e+00 : f32
    %broadcast_in_dim3A_5 = vector.broadcast %broadcast_in_dim3A_4 : f32 to vector<16xf32>
    %parallel_loop3A = arith.constant 0 : i32
    %parallel_loop3A_6 = arith.constant 2048 : i32
    %parallel_loop3A_7 = arith.constant 1 : i32
    scf.for %parallel_loop3A_112 = %parallel_loop3A to %parallel_loop3A_6 step %parallel_loop3A_7  : i32 {
      %parallel_loop3A_113 = arith.constant 16 : i32
      %parallel_loop3A_114 = arith.muli %parallel_loop3A_112, %parallel_loop3A_113 : i32
      %parallel_loop3A_115 = arith.index_cast %parallel_loop3A_114 : i32 to index
      %parallel_loop3A_116 = tpu.vector_load %arg7[%parallel_loop3A_115] {strides = array<i32>} : memref<32768xf32, #tpu.memory_space<vmem>>, vector<16xf32>,
      tpu.vector_store %arg7[%parallel_loop3A_115], %broadcast_in_dim3A_3 {strides = array<i32>} : memref<32768xf32, #tpu.memory_space<vmem>>, vector<16xf32>,
    } {sc.loop_unroll_factor = 8 : i64, sc.parallel_access}
    %add3A_8 = arith.constant 0 : i32
    %add3A_9 = arith.addi %mul3A_2, %add3A_8 : i32
    %add3A_10 = arith.constant 0 : i32
    %add3A_11 = arith.addi %add3A_10, %add3A_9 : i32
    %mul3A_12 = arith.constant 100000 : i32
    %mul3A_13 = arith.muli %add3A_11, %mul3A_12 : i32
    %add3A_14 = arith.constant 100000 : i32
    %add3A_15 = arith.addi %mul3A_13, %add3A_14 : i32
    %parallel_loop3A_16 = arith.constant 0 : i32
    %parallel_loop3A_17 = arith.constant 2048 : i32
    %parallel_loop3A_18 = arith.constant 1 : i32
    scf.for %parallel_loop3A_112 = %parallel_loop3A_16 to %parallel_loop3A_17 step %parallel_loop3A_18  : i32 {
      %parallel_loop3A_113 = arith.constant 16 : i32
      %parallel_loop3A_114 = arith.muli %parallel_loop3A_112, %parallel_loop3A_113 : i32
      %parallel_loop3A_115 = arith.index_cast %parallel_loop3A_114 : i32 to index
      %parallel_loop3A_116 = tpu.vector_load %arg5[%parallel_loop3A_115] {strides = array<i32>} : memref<32768xf32, #tpu.memory_space<vmem>>, vector<16xf32>,
      tpu.vector_store %arg5[%parallel_loop3A_115], %broadcast_in_dim3A_3 {strides = array<i32>} : memref<32768xf32, #tpu.memory_space<vmem>>, vector<16xf32>,
      %parallel_loop3A_117 = arith.index_cast %parallel_loop3A_114 : i32 to index
      %parallel_loop3A_118 = tpu.vector_load %arg6[%parallel_loop3A_117] {strides = array<i32>} : memref<32768xf32, #tpu.memory_space<vmem>>, vector<16xf32>,
      tpu.vector_store %arg6[%parallel_loop3A_117], %broadcast_in_dim3A_3 {strides = array<i32>} : memref<32768xf32, #tpu.memory_space<vmem>>, vector<16xf32>,
    } {sc.loop_unroll_factor = 8 : i64, sc.parallel_access}
    %add3A_19 = arith.constant 0 : i32
    %add3A_20 = arith.addi %mul3A_13, %add3A_19 : i32
    %dma_start3A = tpu.memref_slice %arg2[%add3A_20] : memref<12800000xf32, #tpu.memory_space<hbm>> -> memref<4000xf32, #tpu.memory_space<hbm>>
    %dma_start3A_21 = tpu.memref_slice %arg2[%add3A_20] : memref<12800000xf32, #tpu.memory_space<hbm>> -> memref<4000xf32, #tpu.memory_space<hbm>>
    tpu.enqueue_dma source(%dma_start3A_21 : memref<4000xf32, #tpu.memory_space<hbm>>) target(%arg8 : memref<4000xf32, #tpu.memory_space<vmem>>) target_semaphore(%arg14 : memref<!tpu.dma_semaphore, #tpu.memory_space<semaphore_mem>>)
    %add3A_22 = arith.constant 0 : i32
    %add3A_23 = arith.addi %add3A_15, %add3A_22 : i32
    %dma_start3A_24 = tpu.memref_slice %arg2[%add3A_23] : memref<12800000xf32, #tpu.memory_space<hbm>> -> memref<4000xf32, #tpu.memory_space<hbm>>
    %dma_start3A_25 = tpu.memref_slice %arg2[%add3A_23] : memref<12800000xf32, #tpu.memory_space<hbm>> -> memref<4000xf32, #tpu.memory_space<hbm>>
    tpu.enqueue_dma source(%dma_start3A_25 : memref<4000xf32, #tpu.memory_space<hbm>>) target(%arg9 : memref<4000xf32, #tpu.memory_space<vmem>>) target_semaphore(%arg14 : memref<!tpu.dma_semaphore, #tpu.memory_space<semaphore_mem>>)
    %dma_start3A_26 = arith.constant 0 : i32
    %dma_start3A_27 = tpu.memref_slice %arg3[%dma_start3A_26] : memref<100000xi32, #tpu.memory_space<hbm>> -> memref<4000xi32, #tpu.memory_space<hbm>>
    %dma_start3A_28 = arith.constant 0 : i32
    %dma_start3A_29 = tpu.memref_slice %arg3[%dma_start3A_28] : memref<100000xi32, #tpu.memory_space<hbm>> -> memref<4000xi32, #tpu.memory_space<hbm>>
    tpu.enqueue_dma source(%dma_start3A_29 : memref<4000xi32, #tpu.memory_space<hbm>>) target(%arg12 : memref<4000xi32, #tpu.memory_space<vmem>>) target_semaphore(%arg14 : memref<!tpu.dma_semaphore, #tpu.memory_space<semaphore_mem>>)
    %scan3A = arith.constant 0 : i32
    %scan3A_30 = arith.constant 12 : i32
    %scan3A_31 = arith.addi %scan3A, %scan3A_30 : i32
    %scan3A_32 = arith.constant 1 : i32
    scf.for %scan3A_112 = %scan3A to %scan3A_31 step %scan3A_32  : i32 {
      %mul3A_113 = arith.constant 2 : i32
      %mul3A_114 = arith.muli %scan3A_112, %mul3A_113 : i32
      %add3A_115 = arith.constant 0 : i32
      %add3A_116 = arith.addi %add3A_115, %mul3A_114 : i32
      %add3A_117 = arith.constant 1 : i32
      %add3A_118 = arith.addi %add3A_116, %add3A_117 : i32
      %mul3A_119 = arith.constant 4000 : i32
      %mul3A_120 = arith.muli %add3A_118, %mul3A_119 : i32
      %add3A_121 = arith.addi %mul3A_13, %mul3A_120 : i32
      %dma_start3A_122 = tpu.memref_slice %arg2[%add3A_121] : memref<12800000xf32, #tpu.memory_space<hbm>> -> memref<4000xf32, #tpu.memory_space<hbm>>
      %dma_start3A_123 = tpu.memref_slice %arg2[%add3A_121] : memref<12800000xf32, #tpu.memory_space<hbm>> -> memref<4000xf32, #tpu.memory_space<hbm>>
      tpu.enqueue_dma source(%dma_start3A_123 : memref<4000xf32, #tpu.memory_space<hbm>>) target(%arg10 : memref<4000xf32, #tpu.memory_space<vmem>>) target_semaphore(%arg15 : memref<!tpu.dma_semaphore, #tpu.memory_space<semaphore_mem>>)
      %add3A_124 = arith.addi %add3A_15, %mul3A_120 : i32
      %dma_start3A_125 = tpu.memref_slice %arg2[%add3A_124] : memref<12800000xf32, #tpu.memory_space<hbm>> -> memref<4000xf32, #tpu.memory_space<hbm>>
      %dma_start3A_126 = tpu.memref_slice %arg2[%add3A_124] : memref<12800000xf32, #tpu.memory_space<hbm>> -> memref<4000xf32, #tpu.memory_space<hbm>>
      tpu.enqueue_dma source(%dma_start3A_126 : memref<4000xf32, #tpu.memory_space<hbm>>) target(%arg11 : memref<4000xf32, #tpu.memory_space<vmem>>) target_semaphore(%arg15 : memref<!tpu.dma_semaphore, #tpu.memory_space<semaphore_mem>>)
      %add3A_127 = arith.constant 0 : i32
      %add3A_128 = arith.addi %add3A_127, %mul3A_120 : i32
      %dma_start3A_129 = tpu.memref_slice %arg3[%add3A_128] : memref<100000xi32, #tpu.memory_space<hbm>> -> memref<4000xi32, #tpu.memory_space<hbm>>
      %dma_start3A_130 = tpu.memref_slice %arg3[%add3A_128] : memref<100000xi32, #tpu.memory_space<hbm>> -> memref<4000xi32, #tpu.memory_space<hbm>>
      tpu.enqueue_dma source(%dma_start3A_130 : memref<4000xi32, #tpu.memory_space<hbm>>) target(%arg13 : memref<4000xi32, #tpu.memory_space<vmem>>) target_semaphore(%arg15 : memref<!tpu.dma_semaphore, #tpu.memory_space<semaphore_mem>>)
      %dma_wait3A_131 = arith.constant 0 : i32
      %dma_wait3A_132 = tpu.memref_slice %arg2[%dma_wait3A_131] : memref<12800000xf32, #tpu.memory_space<hbm>> -> memref<4000xf32, #tpu.memory_space<hbm>>
      %dma_wait3A_133 = arith.constant 0 : i32
      %dma_wait3A_134 = tpu.memref_slice %arg2[%dma_wait3A_133] : memref<12800000xf32, #tpu.memory_space<hbm>> -> memref<4000xf32, #tpu.memory_space<hbm>>
      tpu.wait_dma2 semaphore(%arg14 : memref<!tpu.dma_semaphore, #tpu.memory_space<semaphore_mem>>) src(%dma_wait3A_134 : memref<4000xf32, #tpu.memory_space<hbm>>) dst(%arg8 : memref<4000xf32, #tpu.memory_space<vmem>>)
      %dma_wait3A_135 = arith.constant 0 : i32
      %dma_wait3A_136 = tpu.memref_slice %arg2[%dma_wait3A_135] : memref<12800000xf32, #tpu.memory_space<hbm>> -> memref<4000xf32, #tpu.memory_space<hbm>>
      %dma_wait3A_137 = arith.constant 0 : i32
      %dma_wait3A_138 = tpu.memref_slice %arg2[%dma_wait3A_137] : memref<12800000xf32, #tpu.memory_space<hbm>> -> memref<4000xf32, #tpu.memory_space<hbm>>
      tpu.wait_dma2 semaphore(%arg14 : memref<!tpu.dma_semaphore, #tpu.memory_space<semaphore_mem>>) src(%dma_wait3A_138 : memref<4000xf32, #tpu.memory_space<hbm>>) dst(%arg9 : memref<4000xf32, #tpu.memory_space<vmem>>)
      %dma_wait3A_139 = arith.constant 0 : i32
      %dma_wait3A_140 = tpu.memref_slice %arg3[%dma_wait3A_139] : memref<100000xi32, #tpu.memory_space<hbm>> -> memref<4000xi32, #tpu.memory_space<hbm>>
      %dma_wait3A_141 = arith.constant 0 : i32
      %dma_wait3A_142 = tpu.memref_slice %arg3[%dma_wait3A_141] : memref<100000xi32, #tpu.memory_space<hbm>> -> memref<4000xi32, #tpu.memory_space<hbm>>
      tpu.wait_dma2 semaphore(%arg14 : memref<!tpu.dma_semaphore, #tpu.memory_space<semaphore_mem>>) src(%dma_wait3A_142 : memref<4000xi32, #tpu.memory_space<hbm>>) dst(%arg12 : memref<4000xi32, #tpu.memory_space<vmem>>)
      %parallel_loop3A_143 = arith.constant 0 : i32
      %parallel_loop3A_144 = arith.constant 250 : i32
      %parallel_loop3A_145 = arith.constant 1 : i32
      scf.for %parallel_loop3A_175 = %parallel_loop3A_143 to %parallel_loop3A_144 step %parallel_loop3A_145  : i32 {
        %parallel_loop3A_176 = arith.constant 16 : i32
        %parallel_loop3A_177 = arith.muli %parallel_loop3A_175, %parallel_loop3A_176 : i32
        %parallel_loop3A_178 = arith.index_cast %parallel_loop3A_177 : i32 to index
        %parallel_loop3A_179 = tpu.vector_load %arg12[%parallel_loop3A_178] {strides = array<i32>} : memref<4000xi32, #tpu.memory_space<vmem>>, vector<16xi32>,
        %parallel_loop3A_180 = arith.index_cast %parallel_loop3A_177 : i32 to index
        %parallel_loop3A_181 = tpu.vector_load %arg8[%parallel_loop3A_180] {strides = array<i32>} : memref<4000xf32, #tpu.memory_space<vmem>>, vector<16xf32>,
        tpu.vector_store_idx %arg5[%parallel_loop3A_179], %parallel_loop3A_181 {add = true} : memref<32768xf32, #tpu.memory_space<vmem>>[vector<16xi32>], vector<16xf32>,
        %parallel_loop3A_182 = arith.index_cast %parallel_loop3A_177 : i32 to index
        %parallel_loop3A_183 = tpu.vector_load %arg9[%parallel_loop3A_182] {strides = array<i32>} : memref<4000xf32, #tpu.memory_space<vmem>>, vector<16xf32>,
        tpu.vector_store_idx %arg6[%parallel_loop3A_179], %parallel_loop3A_183 {add = true} : memref<32768xf32, #tpu.memory_space<vmem>>[vector<16xi32>], vector<16xf32>,
        tpu.vector_store_idx %arg7[%parallel_loop3A_179], %broadcast_in_dim3A_5 {add = true} : memref<32768xf32, #tpu.memory_space<vmem>>[vector<16xi32>], vector<16xf32>,
      } {sc.loop_unroll_factor = 5 : i64, sc.parallel_access}
      %add3A_146 = arith.constant 2 : i32
      %add3A_147 = arith.addi %add3A_116, %add3A_146 : i32
      %mul3A_148 = arith.constant 4000 : i32
      %mul3A_149 = arith.muli %add3A_147, %mul3A_148 : i32
      %add3A_150 = arith.addi %mul3A_13, %mul3A_149 : i32
      %dma_start3A_151 = tpu.memref_slice %arg2[%add3A_150] : memref<12800000xf32, #tpu.memory_space<hbm>> -> memref<4000xf32, #tpu.memory_space<hbm>>
      %dma_start3A_152 = tpu.memref_slice %arg2[%add3A_150] : memref<12800000xf32, #tpu.memory_space<hbm>> -> memref<4000xf32, #tpu.memory_space<hbm>>
      tpu.enqueue_dma source(%dma_start3A_152 : memref<4000xf32, #tpu.memory_space<hbm>>) target(%arg8 : memref<4000xf32, #tpu.memory_space<vmem>>) target_semaphore(%arg14 : memref<!tpu.dma_semaphore, #tpu.memory_space<semaphore_mem>>)
      %add3A_153 = arith.addi %add3A_15, %mul3A_149 : i32
      %dma_start3A_154 = tpu.memref_slice %arg2[%add3A_153] : memref<12800000xf32, #tpu.memory_space<hbm>> -> memref<4000xf32, #tpu.memory_space<hbm>>
      %dma_start3A_155 = tpu.memref_slice %arg2[%add3A_153] : memref<12800000xf32, #tpu.memory_space<hbm>> -> memref<4000xf32, #tpu.memory_space<hbm>>
      tpu.enqueue_dma source(%dma_start3A_155 : memref<4000xf32, #tpu.memory_space<hbm>>) target(%arg9 : memref<4000xf32, #tpu.memory_space<vmem>>) target_semaphore(%arg14 : memref<!tpu.dma_semaphore, #tpu.memory_space<semaphore_mem>>)
      %add3A_156 = arith.constant 0 : i32
      %add3A_157 = arith.addi %add3A_156, %mul3A_149 : i32
      %dma_start3A_158 = tpu.memref_slice %arg3[%add3A_157] : memref<100000xi32, #tpu.memory_space<hbm>> -> memref<4000xi32, #tpu.memory_space<hbm>>
      %dma_start3A_159 = tpu.memref_slice %arg3[%add3A_157] : memref<100000xi32, #tpu.memory_space<hbm>> -> memref<4000xi32, #tpu.memory_space<hbm>>
      tpu.enqueue_dma source(%dma_start3A_159 : memref<4000xi32, #tpu.memory_space<hbm>>) target(%arg12 : memref<4000xi32, #tpu.memory_space<vmem>>) target_semaphore(%arg14 : memref<!tpu.dma_semaphore, #tpu.memory_space<semaphore_mem>>)
      %dma_wait3A_160 = arith.constant 0 : i32
      %dma_wait3A_161 = tpu.memref_slice %arg2[%dma_wait3A_160] : memref<12800000xf32, #tpu.memory_space<hbm>> -> memref<4000xf32, #tpu.memory_space<hbm>>
      %dma_wait3A_162 = arith.constant 0 : i32
      %dma_wait3A_163 = tpu.memref_slice %arg2[%dma_wait3A_162] : memref<12800000xf32, #tpu.memory_space<hbm>> -> memref<4000xf32, #tpu.memory_space<hbm>>
      tpu.wait_dma2 semaphore(%arg15 : memref<!tpu.dma_semaphore, #tpu.memory_space<semaphore_mem>>) src(%dma_wait3A_163 : memref<4000xf32, #tpu.memory_space<hbm>>) dst(%arg10 : memref<4000xf32, #tpu.memory_space<vmem>>)
      %dma_wait3A_164 = arith.constant 0 : i32
      %dma_wait3A_165 = tpu.memref_slice %arg2[%dma_wait3A_164] : memref<12800000xf32, #tpu.memory_space<hbm>> -> memref<4000xf32, #tpu.memory_space<hbm>>
      %dma_wait3A_166 = arith.constant 0 : i32
      %dma_wait3A_167 = tpu.memref_slice %arg2[%dma_wait3A_166] : memref<12800000xf32, #tpu.memory_space<hbm>> -> memref<4000xf32, #tpu.memory_space<hbm>>
      tpu.wait_dma2 semaphore(%arg15 : memref<!tpu.dma_semaphore, #tpu.memory_space<semaphore_mem>>) src(%dma_wait3A_167 : memref<4000xf32, #tpu.memory_space<hbm>>) dst(%arg11 : memref<4000xf32, #tpu.memory_space<vmem>>)
      %dma_wait3A_168 = arith.constant 0 : i32
      %dma_wait3A_169 = tpu.memref_slice %arg3[%dma_wait3A_168] : memref<100000xi32, #tpu.memory_space<hbm>> -> memref<4000xi32, #tpu.memory_space<hbm>>
      %dma_wait3A_170 = arith.constant 0 : i32
      %dma_wait3A_171 = tpu.memref_slice %arg3[%dma_wait3A_170] : memref<100000xi32, #tpu.memory_space<hbm>> -> memref<4000xi32, #tpu.memory_space<hbm>>
      tpu.wait_dma2 semaphore(%arg15 : memref<!tpu.dma_semaphore, #tpu.memory_space<semaphore_mem>>) src(%dma_wait3A_171 : memref<4000xi32, #tpu.memory_space<hbm>>) dst(%arg13 : memref<4000xi32, #tpu.memory_space<vmem>>)
      %parallel_loop3A_172 = arith.constant 0 : i32
      %parallel_loop3A_173 = arith.constant 250 : i32
      %parallel_loop3A_174 = arith.constant 1 : i32
      scf.for %parallel_loop3A_175 = %parallel_loop3A_172 to %parallel_loop3A_173 step %parallel_loop3A_174  : i32 {
        %parallel_loop3A_176 = arith.constant 16 : i32
        %parallel_loop3A_177 = arith.muli %parallel_loop3A_175, %parallel_loop3A_176 : i32
        %parallel_loop3A_178 = arith.index_cast %parallel_loop3A_177 : i32 to index
        %parallel_loop3A_179 = tpu.vector_load %arg13[%parallel_loop3A_178] {strides = array<i32>} : memref<4000xi32, #tpu.memory_space<vmem>>, vector<16xi32>,
        %parallel_loop3A_180 = arith.index_cast %parallel_loop3A_177 : i32 to index
        %parallel_loop3A_181 = tpu.vector_load %arg10[%parallel_loop3A_180] {strides = array<i32>} : memref<4000xf32, #tpu.memory_space<vmem>>, vector<16xf32>,
        tpu.vector_store_idx %arg5[%parallel_loop3A_179], %parallel_loop3A_181 {add = true} : memref<32768xf32, #tpu.memory_space<vmem>>[vector<16xi32>], vector<16xf32>,
        %parallel_loop3A_182 = arith.index_cast %parallel_loop3A_177 : i32 to index
        %parallel_loop3A_183 = tpu.vector_load %arg11[%parallel_loop3A_182] {strides = array<i32>} : memref<4000xf32, #tpu.memory_space<vmem>>, vector<16xf32>,
        tpu.vector_store_idx %arg6[%parallel_loop3A_179], %parallel_loop3A_183 {add = true} : memref<32768xf32, #tpu.memory_space<vmem>>[vector<16xi32>], vector<16xf32>,
        tpu.vector_store_idx %arg7[%parallel_loop3A_179], %broadcast_in_dim3A_5 {add = true} : memref<32768xf32, #tpu.memory_space<vmem>>[vector<16xi32>], vector<16xf32>,
      } {sc.loop_unroll_factor = 5 : i64, sc.parallel_access}
    }
    %scan3A_33 = arith.constant 12 : i32
    %dma_wait3A = arith.constant 0 : i32
    %dma_wait3A_34 = tpu.memref_slice %arg2[%dma_wait3A] : memref<12800000xf32, #tpu.memory_space<hbm>> -> memref<4000xf32, #tpu.memory_space<hbm>>
    %dma_wait3A_35 = arith.constant 0 : i32
    %dma_wait3A_36 = tpu.memref_slice %arg2[%dma_wait3A_35] : memref<12800000xf32, #tpu.memory_space<hbm>> -> memref<4000xf32, #tpu.memory_space<hbm>>
    tpu.wait_dma2 semaphore(%arg14 : memref<!tpu.dma_semaphore, #tpu.memory_space<semaphore_mem>>) src(%dma_wait3A_36 : memref<4000xf32, #tpu.memory_space<hbm>>) dst(%arg8 : memref<4000xf32, #tpu.memory_space<vmem>>)
    %dma_wait3A_37 = arith.constant 0 : i32
    %dma_wait3A_38 = tpu.memref_slice %arg2[%dma_wait3A_37] : memref<12800000xf32, #tpu.memory_space<hbm>> -> memref<4000xf32, #tpu.memory_space<hbm>>
    %dma_wait3A_39 = arith.constant 0 : i32
    %dma_wait3A_40 = tpu.memref_slice %arg2[%dma_wait3A_39] : memref<12800000xf32, #tpu.memory_space<hbm>> -> memref<4000xf32, #tpu.memory_space<hbm>>
    tpu.wait_dma2 semaphore(%arg14 : memref<!tpu.dma_semaphore, #tpu.memory_space<semaphore_mem>>) src(%dma_wait3A_40 : memref<4000xf32, #tpu.memory_space<hbm>>) dst(%arg9 : memref<4000xf32, #tpu.memory_space<vmem>>)
    %dma_wait3A_41 = arith.constant 0 : i32
    %dma_wait3A_42 = tpu.memref_slice %arg3[%dma_wait3A_41] : memref<100000xi32, #tpu.memory_space<hbm>> -> memref<4000xi32, #tpu.memory_space<hbm>>
    %dma_wait3A_43 = arith.constant 0 : i32
    %dma_wait3A_44 = tpu.memref_slice %arg3[%dma_wait3A_43] : memref<100000xi32, #tpu.memory_space<hbm>> -> memref<4000xi32, #tpu.memory_space<hbm>>
    tpu.wait_dma2 semaphore(%arg14 : memref<!tpu.dma_semaphore, #tpu.memory_space<semaphore_mem>>) src(%dma_wait3A_44 : memref<4000xi32, #tpu.memory_space<hbm>>) dst(%arg12 : memref<4000xi32, #tpu.memory_space<vmem>>)
    %parallel_loop3A_45 = arith.constant 0 : i32
    %parallel_loop3A_46 = arith.constant 250 : i32
    %parallel_loop3A_47 = arith.constant 1 : i32
    scf.for %parallel_loop3A_112 = %parallel_loop3A_45 to %parallel_loop3A_46 step %parallel_loop3A_47  : i32 {
      %parallel_loop3A_113 = arith.constant 16 : i32
      %parallel_loop3A_114 = arith.muli %parallel_loop3A_112, %parallel_loop3A_113 : i32
      %parallel_loop3A_115 = arith.index_cast %parallel_loop3A_114 : i32 to index
      %parallel_loop3A_116 = tpu.vector_load %arg12[%parallel_loop3A_115] {strides = array<i32>} : memref<4000xi32, #tpu.memory_space<vmem>>, vector<16xi32>,
      %parallel_loop3A_117 = arith.index_cast %parallel_loop3A_114 : i32 to index
      %parallel_loop3A_118 = tpu.vector_load %arg8[%parallel_loop3A_117] {strides = array<i32>} : memref<4000xf32, #tpu.memory_space<vmem>>, vector<16xf32>,
      tpu.vector_store_idx %arg5[%parallel_loop3A_116], %parallel_loop3A_118 {add = true} : memref<32768xf32, #tpu.memory_space<vmem>>[vector<16xi32>], vector<16xf32>,
      %parallel_loop3A_119 = arith.index_cast %parallel_loop3A_114 : i32 to index
      %parallel_loop3A_120 = tpu.vector_load %arg9[%parallel_loop3A_119] {strides = array<i32>} : memref<4000xf32, #tpu.memory_space<vmem>>, vector<16xf32>,
      tpu.vector_store_idx %arg6[%parallel_loop3A_116], %parallel_loop3A_120 {add = true} : memref<32768xf32, #tpu.memory_space<vmem>>[vector<16xi32>], vector<16xf32>,
      tpu.vector_store_idx %arg7[%parallel_loop3A_116], %broadcast_in_dim3A_5 {add = true} : memref<32768xf32, #tpu.memory_space<vmem>>[vector<16xi32>], vector<16xf32>,
    } {sc.loop_unroll_factor = 5 : i64, sc.parallel_access}
    %parallel_loop3A_48 = arith.constant 0 : i32
    %parallel_loop3A_49 = arith.constant 2048 : i32
    %parallel_loop3A_50 = arith.constant 1 : i32
    scf.for %parallel_loop3A_112 = %parallel_loop3A_48 to %parallel_loop3A_49 step %parallel_loop3A_50  : i32 {
      %parallel_loop3A_113 = arith.constant 16 : i32
      %parallel_loop3A_114 = arith.muli %parallel_loop3A_112, %parallel_loop3A_113 : i32
      %parallel_loop3A_115 = arith.index_cast %parallel_loop3A_114 : i32 to index
      %parallel_loop3A_116 = tpu.vector_load %arg7[%parallel_loop3A_115] {strides = array<i32>} : memref<32768xf32, #tpu.memory_space<vmem>>, vector<16xf32>,
      %parallel_loop3A_117 = arith.constant 1.000000e+00 : f32
      %parallel_loop3A_118 = vector.broadcast %parallel_loop3A_117 : f32 to vector<16xf32>
      %parallel_loop3A_119 = arith.maximumf %parallel_loop3A_116, %parallel_loop3A_118 : vector<16xf32>
      %parallel_loop3A_120 = arith.constant 1.000000e+00 : f32
      %parallel_loop3A_121 = vector.broadcast %parallel_loop3A_120 : f32 to vector<16xf32>
      %parallel_loop3A_122 = arith.divf %parallel_loop3A_121, %parallel_loop3A_119 : vector<16xf32>
      %parallel_loop3A_123 = arith.index_cast %parallel_loop3A_114 : i32 to index
      %parallel_loop3A_124 = tpu.vector_load %arg7[%parallel_loop3A_123] {strides = array<i32>} : memref<32768xf32, #tpu.memory_space<vmem>>, vector<16xf32>,
      tpu.vector_store %arg7[%parallel_loop3A_123], %parallel_loop3A_122 {strides = array<i32>} : memref<32768xf32, #tpu.memory_space<vmem>>, vector<16xf32>,
    } {sc.loop_unroll_factor = 4 : i64, sc.parallel_access}
    %parallel_loop3A_51 = arith.constant 0 : i32
    %parallel_loop3A_52 = arith.constant 2048 : i32
    %parallel_loop3A_53 = arith.constant 1 : i32
    scf.for %parallel_loop3A_112 = %parallel_loop3A_51 to %parallel_loop3A_52 step %parallel_loop3A_53  : i32 {
      %parallel_loop3A_113 = arith.constant 16 : i32
      %parallel_loop3A_114 = arith.muli %parallel_loop3A_112, %parallel_loop3A_113 : i32
      %parallel_loop3A_115 = arith.index_cast %parallel_loop3A_114 : i32 to index
      %parallel_loop3A_116 = tpu.vector_load %arg5[%parallel_loop3A_115] {strides = array<i32>} : memref<32768xf32, #tpu.memory_space<vmem>>, vector<16xf32>,
      %parallel_loop3A_117 = arith.index_cast %parallel_loop3A_114 : i32 to index
      %parallel_loop3A_118 = tpu.vector_load %arg7[%parallel_loop3A_117] {strides = array<i32>} : memref<32768xf32, #tpu.memory_space<vmem>>, vector<16xf32>,
      %parallel_loop3A_119 = arith.mulf %parallel_loop3A_116, %parallel_loop3A_118 : vector<16xf32>
      %parallel_loop3A_120 = arith.index_cast %parallel_loop3A_114 : i32 to index
      %parallel_loop3A_121 = tpu.vector_load %arg5[%parallel_loop3A_120] {strides = array<i32>} : memref<32768xf32, #tpu.memory_space<vmem>>, vector<16xf32>,
      tpu.vector_store %arg5[%parallel_loop3A_120], %parallel_loop3A_119 {strides = array<i32>} : memref<32768xf32, #tpu.memory_space<vmem>>, vector<16xf32>,
      %parallel_loop3A_122 = arith.index_cast %parallel_loop3A_114 : i32 to index
      %parallel_loop3A_123 = tpu.vector_load %arg6[%parallel_loop3A_122] {strides = array<i32>} : memref<32768xf32, #tpu.memory_space<vmem>>, vector<16xf32>,
      %parallel_loop3A_124 = arith.index_cast %parallel_loop3A_114 : i32 to index
      %parallel_loop3A_125 = tpu.vector_load %arg7[%parallel_loop3A_124] {strides = array<i32>} : memref<32768xf32, #tpu.memory_space<vmem>>, vector<16xf32>,
      %parallel_loop3A_126 = arith.mulf %parallel_loop3A_123, %parallel_loop3A_125 : vector<16xf32>
      %parallel_loop3A_127 = arith.index_cast %parallel_loop3A_114 : i32 to index
      %parallel_loop3A_128 = tpu.vector_load %arg6[%parallel_loop3A_127] {strides = array<i32>} : memref<32768xf32, #tpu.memory_space<vmem>>, vector<16xf32>,
      tpu.vector_store %arg6[%parallel_loop3A_127], %parallel_loop3A_126 {strides = array<i32>} : memref<32768xf32, #tpu.memory_space<vmem>>, vector<16xf32>,
    } {sc.loop_unroll_factor = 4 : i64, sc.parallel_access}
    %mul3A_54 = arith.constant 32768 : i32
    %mul3A_55 = arith.muli %add3A_9, %mul3A_54 : i32
    "tpu.region"() ({
      %run_scoped3A = tpu.sem_alloc : memref<!tpu.dma_semaphore, #tpu.memory_space<semaphore_mem>>
      %dma_start3A_112 = tpu.memref_slice %arg4[%mul3A_55] : memref<4194304xf32, #tpu.memory_space<hbm>> -> memref<32768xf32, #tpu.memory_space<hbm>>
      %dma_start3A_113 = tpu.memref_slice %arg4[%mul3A_55] : memref<4194304xf32, #tpu.memory_space<hbm>> -> memref<32768xf32, #tpu.memory_space<hbm>>
      tpu.enqueue_dma source(%arg5 : memref<32768xf32, #tpu.memory_space<vmem>>) target(%dma_start3A_113 : memref<32768xf32, #tpu.memory_space<hbm>>) target_semaphore(%run_scoped3A : memref<!tpu.dma_semaphore, #tpu.memory_space<semaphore_mem>>)
      %dma_wait3A_114 = tpu.memref_slice %arg4[%mul3A_55] : memref<4194304xf32, #tpu.memory_space<hbm>> -> memref<32768xf32, #tpu.memory_space<hbm>>
      %dma_wait3A_115 = tpu.memref_slice %arg4[%mul3A_55] : memref<4194304xf32, #tpu.memory_space<hbm>> -> memref<32768xf32, #tpu.memory_space<hbm>>
      tpu.wait_dma2 semaphore(%run_scoped3A : memref<!tpu.dma_semaphore, #tpu.memory_space<semaphore_mem>>) src(%arg5 : memref<32768xf32, #tpu.memory_space<vmem>>) dst(%dma_wait3A_115 : memref<32768xf32, #tpu.memory_space<hbm>>)
      tpu.yield
    }) : () -> ()
    %add3A_56 = arith.constant 1 : i32
    %add3A_57 = arith.addi %add3A_9, %add3A_56 : i32
    %mul3A_58 = arith.constant 32768 : i32
    %mul3A_59 = arith.muli %add3A_57, %mul3A_58 : i32
    "tpu.region"() ({
      %run_scoped3A = tpu.sem_alloc : memref<!tpu.dma_semaphore, #tpu.memory_space<semaphore_mem>>
      %dma_start3A_112 = tpu.memref_slice %arg4[%mul3A_59] : memref<4194304xf32, #tpu.memory_space<hbm>> -> memref<32768xf32, #tpu.memory_space<hbm>>
      %dma_start3A_113 = tpu.memref_slice %arg4[%mul3A_59] : memref<4194304xf32, #tpu.memory_space<hbm>> -> memref<32768xf32, #tpu.memory_space<hbm>>
      tpu.enqueue_dma source(%arg6 : memref<32768xf32, #tpu.memory_space<vmem>>) target(%dma_start3A_113 : memref<32768xf32, #tpu.memory_space<hbm>>) target_semaphore(%run_scoped3A : memref<!tpu.dma_semaphore, #tpu.memory_space<semaphore_mem>>)
      %dma_wait3A_114 = tpu.memref_slice %arg4[%mul3A_59] : memref<4194304xf32, #tpu.memory_space<hbm>> -> memref<32768xf32, #tpu.memory_space<hbm>>
      %dma_wait3A_115 = tpu.memref_slice %arg4[%mul3A_59] : memref<4194304xf32, #tpu.memory_space<hbm>> -> memref<32768xf32, #tpu.memory_space<hbm>>
      tpu.wait_dma2 semaphore(%run_scoped3A : memref<!tpu.dma_semaphore, #tpu.memory_space<semaphore_mem>>) src(%arg6 : memref<32768xf32, #tpu.memory_space<vmem>>) dst(%dma_wait3A_115 : memref<32768xf32, #tpu.memory_space<hbm>>)
      tpu.yield
    }) : () -> ()
    %add3A_60 = arith.constant 2 : i32
    %add3A_61 = arith.addi %mul3A_2, %add3A_60 : i32
    %add3A_62 = arith.constant 0 : i32
    %add3A_63 = arith.addi %add3A_62, %add3A_61 : i32
    %mul3A_64 = arith.constant 100000 : i32
    %mul3A_65 = arith.muli %add3A_63, %mul3A_64 : i32
    %add3A_66 = arith.constant 100000 : i32
    %add3A_67 = arith.addi %mul3A_65, %add3A_66 : i32
    %parallel_loop3A_68 = arith.constant 0 : i32
    %parallel_loop3A_69 = arith.constant 2048 : i32
    %parallel_loop3A_70 = arith.constant 1 : i32
    scf.for %parallel_loop3A_112 = %parallel_loop3A_68 to %parallel_loop3A_69 step %parallel_loop3A_70  : i32 {
      %parallel_loop3A_113 = arith.constant 16 : i32
      %parallel_loop3A_114 = arith.muli %parallel_loop3A_112, %parallel_loop3A_113 : i32
      %parallel_loop3A_115 = arith.index_cast %parallel_loop3A_114 : i32 to index
      %parallel_loop3A_116 = tpu.vector_load %arg5[%parallel_loop3A_115] {strides = array<i32>} : memref<32768xf32, #tpu.memory_space<vmem>>, vector<16xf32>,
      tpu.vector_store %arg5[%parallel_loop3A_115], %broadcast_in_dim3A_3 {strides = array<i32>} : memref<32768xf32, #tpu.memory_space<vmem>>, vector<16xf32>,
      %parallel_loop3A_117 = arith.index_cast %parallel_loop3A_114 : i32 to index
      %parallel_loop3A_118 = tpu.vector_load %arg6[%parallel_loop3A_117] {strides = array<i32>} : memref<32768xf32, #tpu.memory_space<vmem>>, vector<16xf32>,
      tpu.vector_store %arg6[%parallel_loop3A_117], %broadcast_in_dim3A_3 {strides = array<i32>} : memref<32768xf32, #tpu.memory_space<vmem>>, vector<16xf32>,
    } {sc.loop_unroll_factor = 8 : i64, sc.parallel_access}
    %add3A_71 = arith.constant 0 : i32
    %add3A_72 = arith.addi %mul3A_65, %add3A_71 : i32
    %dma_start3A_73 = tpu.memref_slice %arg2[%add3A_72] : memref<12800000xf32, #tpu.memory_space<hbm>> -> memref<4000xf32, #tpu.memory_space<hbm>>
    %dma_start3A_74 = tpu.memref_slice %arg2[%add3A_72] : memref<12800000xf32, #tpu.memory_space<hbm>> -> memref<4000xf32, #tpu.memory_space<hbm>>
    tpu.enqueue_dma source(%dma_start3A_74 : memref<4000xf32, #tpu.memory_space<hbm>>) target(%arg8 : memref<4000xf32, #tpu.memory_space<vmem>>) target_semaphore(%arg14 : memref<!tpu.dma_semaphore, #tpu.memory_space<semaphore_mem>>)
    %add3A_75 = arith.constant 0 : i32
    %add3A_76 = arith.addi %add3A_67, %add3A_75 : i32
    %dma_start3A_77 = tpu.memref_slice %arg2[%add3A_76] : memref<12800000xf32, #tpu.memory_space<hbm>> -> memref<4000xf32, #tpu.memory_space<hbm>>
    %dma_start3A_78 = tpu.memref_slice %arg2[%add3A_76] : memref<12800000xf32, #tpu.memory_space<hbm>> -> memref<4000xf32, #tpu.memory_space<hbm>>
    tpu.enqueue_dma source(%dma_start3A_78 : memref<4000xf32, #tpu.memory_space<hbm>>) target(%arg9 : memref<4000xf32, #tpu.memory_space<vmem>>) target_semaphore(%arg14 : memref<!tpu.dma_semaphore, #tpu.memory_space<semaphore_mem>>)
    %dma_start3A_79 = arith.constant 0 : i32
    %dma_start3A_80 = tpu.memref_slice %arg3[%dma_start3A_79] : memref<100000xi32, #tpu.memory_space<hbm>> -> memref<4000xi32, #tpu.memory_space<hbm>>
    %dma_start3A_81 = arith.constant 0 : i32
    %dma_start3A_82 = tpu.memref_slice %arg3[%dma_start3A_81] : memref<100000xi32, #tpu.memory_space<hbm>> -> memref<4000xi32, #tpu.memory_space<hbm>>
    tpu.enqueue_dma source(%dma_start3A_82 : memref<4000xi32, #tpu.memory_space<hbm>>) target(%arg12 : memref<4000xi32, #tpu.memory_space<vmem>>) target_semaphore(%arg14 : memref<!tpu.dma_semaphore, #tpu.memory_space<semaphore_mem>>)
    %scan3A_83 = arith.constant 0 : i32
    %scan3A_84 = arith.constant 12 : i32
    %scan3A_85 = arith.addi %scan3A_83, %scan3A_84 : i32
    %scan3A_86 = arith.constant 1 : i32
    scf.for %scan3A_112 = %scan3A_83 to %scan3A_85 step %scan3A_86  : i32 {
      %mul3A_113 = arith.constant 2 : i32
      %mul3A_114 = arith.muli %scan3A_112, %mul3A_113 : i32
      %add3A_115 = arith.constant 0 : i32
      %add3A_116 = arith.addi %add3A_115, %mul3A_114 : i32
      %add3A_117 = arith.constant 1 : i32
      %add3A_118 = arith.addi %add3A_116, %add3A_117 : i32
      %mul3A_119 = arith.constant 4000 : i32
      %mul3A_120 = arith.muli %add3A_118, %mul3A_119 : i32
      %add3A_121 = arith.addi %mul3A_65, %mul3A_120 : i32
      %dma_start3A_122 = tpu.memref_slice %arg2[%add3A_121] : memref<12800000xf32, #tpu.memory_space<hbm>> -> memref<4000xf32, #tpu.memory_space<hbm>>
      %dma_start3A_123 = tpu.memref_slice %arg2[%add3A_121] : memref<12800000xf32, #tpu.memory_space<hbm>> -> memref<4000xf32, #tpu.memory_space<hbm>>
      tpu.enqueue_dma source(%dma_start3A_123 : memref<4000xf32, #tpu.memory_space<hbm>>) target(%arg10 : memref<4000xf32, #tpu.memory_space<vmem>>) target_semaphore(%arg15 : memref<!tpu.dma_semaphore, #tpu.memory_space<semaphore_mem>>)
      %add3A_124 = arith.addi %add3A_67, %mul3A_120 : i32
      %dma_start3A_125 = tpu.memref_slice %arg2[%add3A_124] : memref<12800000xf32, #tpu.memory_space<hbm>> -> memref<4000xf32, #tpu.memory_space<hbm>>
      %dma_start3A_126 = tpu.memref_slice %arg2[%add3A_124] : memref<12800000xf32, #tpu.memory_space<hbm>> -> memref<4000xf32, #tpu.memory_space<hbm>>
      tpu.enqueue_dma source(%dma_start3A_126 : memref<4000xf32, #tpu.memory_space<hbm>>) target(%arg11 : memref<4000xf32, #tpu.memory_space<vmem>>) target_semaphore(%arg15 : memref<!tpu.dma_semaphore, #tpu.memory_space<semaphore_mem>>)
      %add3A_127 = arith.constant 0 : i32
      %add3A_128 = arith.addi %add3A_127, %mul3A_120 : i32
      %dma_start3A_129 = tpu.memref_slice %arg3[%add3A_128] : memref<100000xi32, #tpu.memory_space<hbm>> -> memref<4000xi32, #tpu.memory_space<hbm>>
      %dma_start3A_130 = tpu.memref_slice %arg3[%add3A_128] : memref<100000xi32, #tpu.memory_space<hbm>> -> memref<4000xi32, #tpu.memory_space<hbm>>
      tpu.enqueue_dma source(%dma_start3A_130 : memref<4000xi32, #tpu.memory_space<hbm>>) target(%arg13 : memref<4000xi32, #tpu.memory_space<vmem>>) target_semaphore(%arg15 : memref<!tpu.dma_semaphore, #tpu.memory_space<semaphore_mem>>)
      %dma_wait3A_131 = arith.constant 0 : i32
      %dma_wait3A_132 = tpu.memref_slice %arg2[%dma_wait3A_131] : memref<12800000xf32, #tpu.memory_space<hbm>> -> memref<4000xf32, #tpu.memory_space<hbm>>
      %dma_wait3A_133 = arith.constant 0 : i32
      %dma_wait3A_134 = tpu.memref_slice %arg2[%dma_wait3A_133] : memref<12800000xf32, #tpu.memory_space<hbm>> -> memref<4000xf32, #tpu.memory_space<hbm>>
      tpu.wait_dma2 semaphore(%arg14 : memref<!tpu.dma_semaphore, #tpu.memory_space<semaphore_mem>>) src(%dma_wait3A_134 : memref<4000xf32, #tpu.memory_space<hbm>>) dst(%arg8 : memref<4000xf32, #tpu.memory_space<vmem>>)
      %dma_wait3A_135 = arith.constant 0 : i32
      %dma_wait3A_136 = tpu.memref_slice %arg2[%dma_wait3A_135] : memref<12800000xf32, #tpu.memory_space<hbm>> -> memref<4000xf32, #tpu.memory_space<hbm>>
      %dma_wait3A_137 = arith.constant 0 : i32
      %dma_wait3A_138 = tpu.memref_slice %arg2[%dma_wait3A_137] : memref<12800000xf32, #tpu.memory_space<hbm>> -> memref<4000xf32, #tpu.memory_space<hbm>>
      tpu.wait_dma2 semaphore(%arg14 : memref<!tpu.dma_semaphore, #tpu.memory_space<semaphore_mem>>) src(%dma_wait3A_138 : memref<4000xf32, #tpu.memory_space<hbm>>) dst(%arg9 : memref<4000xf32, #tpu.memory_space<vmem>>)
      %dma_wait3A_139 = arith.constant 0 : i32
      %dma_wait3A_140 = tpu.memref_slice %arg3[%dma_wait3A_139] : memref<100000xi32, #tpu.memory_space<hbm>> -> memref<4000xi32, #tpu.memory_space<hbm>>
      %dma_wait3A_141 = arith.constant 0 : i32
      %dma_wait3A_142 = tpu.memref_slice %arg3[%dma_wait3A_141] : memref<100000xi32, #tpu.memory_space<hbm>> -> memref<4000xi32, #tpu.memory_space<hbm>>
      tpu.wait_dma2 semaphore(%arg14 : memref<!tpu.dma_semaphore, #tpu.memory_space<semaphore_mem>>) src(%dma_wait3A_142 : memref<4000xi32, #tpu.memory_space<hbm>>) dst(%arg12 : memref<4000xi32, #tpu.memory_space<vmem>>)
      %parallel_loop3A_143 = arith.constant 0 : i32
      %parallel_loop3A_144 = arith.constant 250 : i32
      %parallel_loop3A_145 = arith.constant 1 : i32
      scf.for %parallel_loop3A_175 = %parallel_loop3A_143 to %parallel_loop3A_144 step %parallel_loop3A_145  : i32 {
        %parallel_loop3A_176 = arith.constant 16 : i32
        %parallel_loop3A_177 = arith.muli %parallel_loop3A_175, %parallel_loop3A_176 : i32
        %parallel_loop3A_178 = arith.index_cast %parallel_loop3A_177 : i32 to index
        %parallel_loop3A_179 = tpu.vector_load %arg12[%parallel_loop3A_178] {strides = array<i32>} : memref<4000xi32, #tpu.memory_space<vmem>>, vector<16xi32>,
        %parallel_loop3A_180 = arith.index_cast %parallel_loop3A_177 : i32 to index
        %parallel_loop3A_181 = tpu.vector_load %arg8[%parallel_loop3A_180] {strides = array<i32>} : memref<4000xf32, #tpu.memory_space<vmem>>, vector<16xf32>,
        tpu.vector_store_idx %arg5[%parallel_loop3A_179], %parallel_loop3A_181 {add = true} : memref<32768xf32, #tpu.memory_space<vmem>>[vector<16xi32>], vector<16xf32>,
        %parallel_loop3A_182 = arith.index_cast %parallel_loop3A_177 : i32 to index
        %parallel_loop3A_183 = tpu.vector_load %arg9[%parallel_loop3A_182] {strides = array<i32>} : memref<4000xf32, #tpu.memory_space<vmem>>, vector<16xf32>,
        tpu.vector_store_idx %arg6[%parallel_loop3A_179], %parallel_loop3A_183 {add = true} : memref<32768xf32, #tpu.memory_space<vmem>>[vector<16xi32>], vector<16xf32>,
      } {sc.loop_unroll_factor = 5 : i64, sc.parallel_access}
      %add3A_146 = arith.constant 2 : i32
      %add3A_147 = arith.addi %add3A_116, %add3A_146 : i32
      %mul3A_148 = arith.constant 4000 : i32
      %mul3A_149 = arith.muli %add3A_147, %mul3A_148 : i32
      %add3A_150 = arith.addi %mul3A_65, %mul3A_149 : i32
      %dma_start3A_151 = tpu.memref_slice %arg2[%add3A_150] : memref<12800000xf32, #tpu.memory_space<hbm>> -> memref<4000xf32, #tpu.memory_space<hbm>>
      %dma_start3A_152 = tpu.memref_slice %arg2[%add3A_150] : memref<12800000xf32, #tpu.memory_space<hbm>> -> memref<4000xf32, #tpu.memory_space<hbm>>
      tpu.enqueue_dma source(%dma_start3A_152 : memref<4000xf32, #tpu.memory_space<hbm>>) target(%arg8 : memref<4000xf32, #tpu.memory_space<vmem>>) target_semaphore(%arg14 : memref<!tpu.dma_semaphore, #tpu.memory_space<semaphore_mem>>)
      %add3A_153 = arith.addi %add3A_67, %mul3A_149 : i32
      %dma_start3A_154 = tpu.memref_slice %arg2[%add3A_153] : memref<12800000xf32, #tpu.memory_space<hbm>> -> memref<4000xf32, #tpu.memory_space<hbm>>
      %dma_start3A_155 = tpu.memref_slice %arg2[%add3A_153] : memref<12800000xf32, #tpu.memory_space<hbm>> -> memref<4000xf32, #tpu.memory_space<hbm>>
      tpu.enqueue_dma source(%dma_start3A_155 : memref<4000xf32, #tpu.memory_space<hbm>>) target(%arg9 : memref<4000xf32, #tpu.memory_space<vmem>>) target_semaphore(%arg14 : memref<!tpu.dma_semaphore, #tpu.memory_space<semaphore_mem>>)
      %add3A_156 = arith.constant 0 : i32
      %add3A_157 = arith.addi %add3A_156, %mul3A_149 : i32
      %dma_start3A_158 = tpu.memref_slice %arg3[%add3A_157] : memref<100000xi32, #tpu.memory_space<hbm>> -> memref<4000xi32, #tpu.memory_space<hbm>>
      %dma_start3A_159 = tpu.memref_slice %arg3[%add3A_157] : memref<100000xi32, #tpu.memory_space<hbm>> -> memref<4000xi32, #tpu.memory_space<hbm>>
      tpu.enqueue_dma source(%dma_start3A_159 : memref<4000xi32, #tpu.memory_space<hbm>>) target(%arg12 : memref<4000xi32, #tpu.memory_space<vmem>>) target_semaphore(%arg14 : memref<!tpu.dma_semaphore, #tpu.memory_space<semaphore_mem>>)
      %dma_wait3A_160 = arith.constant 0 : i32
      %dma_wait3A_161 = tpu.memref_slice %arg2[%dma_wait3A_160] : memref<12800000xf32, #tpu.memory_space<hbm>> -> memref<4000xf32, #tpu.memory_space<hbm>>
      %dma_wait3A_162 = arith.constant 0 : i32
      %dma_wait3A_163 = tpu.memref_slice %arg2[%dma_wait3A_162] : memref<12800000xf32, #tpu.memory_space<hbm>> -> memref<4000xf32, #tpu.memory_space<hbm>>
      tpu.wait_dma2 semaphore(%arg15 : memref<!tpu.dma_semaphore, #tpu.memory_space<semaphore_mem>>) src(%dma_wait3A_163 : memref<4000xf32, #tpu.memory_space<hbm>>) dst(%arg10 : memref<4000xf32, #tpu.memory_space<vmem>>)
      %dma_wait3A_164 = arith.constant 0 : i32
      %dma_wait3A_165 = tpu.memref_slice %arg2[%dma_wait3A_164] : memref<12800000xf32, #tpu.memory_space<hbm>> -> memref<4000xf32, #tpu.memory_space<hbm>>
      %dma_wait3A_166 = arith.constant 0 : i32
      %dma_wait3A_167 = tpu.memref_slice %arg2[%dma_wait3A_166] : memref<12800000xf32, #tpu.memory_space<hbm>> -> memref<4000xf32, #tpu.memory_space<hbm>>
      tpu.wait_dma2 semaphore(%arg15 : memref<!tpu.dma_semaphore, #tpu.memory_space<semaphore_mem>>) src(%dma_wait3A_167 : memref<4000xf32, #tpu.memory_space<hbm>>) dst(%arg11 : memref<4000xf32, #tpu.memory_space<vmem>>)
      %dma_wait3A_168 = arith.constant 0 : i32
      %dma_wait3A_169 = tpu.memref_slice %arg3[%dma_wait3A_168] : memref<100000xi32, #tpu.memory_space<hbm>> -> memref<4000xi32, #tpu.memory_space<hbm>>
      %dma_wait3A_170 = arith.constant 0 : i32
      %dma_wait3A_171 = tpu.memref_slice %arg3[%dma_wait3A_170] : memref<100000xi32, #tpu.memory_space<hbm>> -> memref<4000xi32, #tpu.memory_space<hbm>>
      tpu.wait_dma2 semaphore(%arg15 : memref<!tpu.dma_semaphore, #tpu.memory_space<semaphore_mem>>) src(%dma_wait3A_171 : memref<4000xi32, #tpu.memory_space<hbm>>) dst(%arg13 : memref<4000xi32, #tpu.memory_space<vmem>>)
      %parallel_loop3A_172 = arith.constant 0 : i32
      %parallel_loop3A_173 = arith.constant 250 : i32
      %parallel_loop3A_174 = arith.constant 1 : i32
      scf.for %parallel_loop3A_175 = %parallel_loop3A_172 to %parallel_loop3A_173 step %parallel_loop3A_174  : i32 {
        %parallel_loop3A_176 = arith.constant 16 : i32
        %parallel_loop3A_177 = arith.muli %parallel_loop3A_175, %parallel_loop3A_176 : i32
        %parallel_loop3A_178 = arith.index_cast %parallel_loop3A_177 : i32 to index
        %parallel_loop3A_179 = tpu.vector_load %arg13[%parallel_loop3A_178] {strides = array<i32>} : memref<4000xi32, #tpu.memory_space<vmem>>, vector<16xi32>,
        %parallel_loop3A_180 = arith.index_cast %parallel_loop3A_177 : i32 to index
        %parallel_loop3A_181 = tpu.vector_load %arg10[%parallel_loop3A_180] {strides = array<i32>} : memref<4000xf32, #tpu.memory_space<vmem>>, vector<16xf32>,
        tpu.vector_store_idx %arg5[%parallel_loop3A_179], %parallel_loop3A_181 {add = true} : memref<32768xf32, #tpu.memory_space<vmem>>[vector<16xi32>], vector<16xf32>,
        %parallel_loop3A_182 = arith.index_cast %parallel_loop3A_177 : i32 to index
        %parallel_loop3A_183 = tpu.vector_load %arg11[%parallel_loop3A_182] {strides = array<i32>} : memref<4000xf32, #tpu.memory_space<vmem>>, vector<16xf32>,
        tpu.vector_store_idx %arg6[%parallel_loop3A_179], %parallel_loop3A_183 {add = true} : memref<32768xf32, #tpu.memory_space<vmem>>[vector<16xi32>], vector<16xf32>,
      } {sc.loop_unroll_factor = 5 : i64, sc.parallel_access}
    }
    %scan3A_87 = arith.constant 12 : i32
    %dma_wait3A_88 = arith.constant 0 : i32
    %dma_wait3A_89 = tpu.memref_slice %arg2[%dma_wait3A_88] : memref<12800000xf32, #tpu.memory_space<hbm>> -> memref<4000xf32, #tpu.memory_space<hbm>>
    %dma_wait3A_90 = arith.constant 0 : i32
    %dma_wait3A_91 = tpu.memref_slice %arg2[%dma_wait3A_90] : memref<12800000xf32, #tpu.memory_space<hbm>> -> memref<4000xf32, #tpu.memory_space<hbm>>
    tpu.wait_dma2 semaphore(%arg14 : memref<!tpu.dma_semaphore, #tpu.memory_space<semaphore_mem>>) src(%dma_wait3A_91 : memref<4000xf32, #tpu.memory_space<hbm>>) dst(%arg8 : memref<4000xf32, #tpu.memory_space<vmem>>)
    %dma_wait3A_92 = arith.constant 0 : i32
    %dma_wait3A_93 = tpu.memref_slice %arg2[%dma_wait3A_92] : memref<12800000xf32, #tpu.memory_space<hbm>> -> memref<4000xf32, #tpu.memory_space<hbm>>
    %dma_wait3A_94 = arith.constant 0 : i32
    %dma_wait3A_95 = tpu.memref_slice %arg2[%dma_wait3A_94] : memref<12800000xf32, #tpu.memory_space<hbm>> -> memref<4000xf32, #tpu.memory_space<hbm>>
    tpu.wait_dma2 semaphore(%arg14 : memref<!tpu.dma_semaphore, #tpu.memory_space<semaphore_mem>>) src(%dma_wait3A_95 : memref<4000xf32, #tpu.memory_space<hbm>>) dst(%arg9 : memref<4000xf32, #tpu.memory_space<vmem>>)
    %dma_wait3A_96 = arith.constant 0 : i32
    %dma_wait3A_97 = tpu.memref_slice %arg3[%dma_wait3A_96] : memref<100000xi32, #tpu.memory_space<hbm>> -> memref<4000xi32, #tpu.memory_space<hbm>>
    %dma_wait3A_98 = arith.constant 0 : i32
    %dma_wait3A_99 = tpu.memref_slice %arg3[%dma_wait3A_98] : memref<100000xi32, #tpu.memory_space<hbm>> -> memref<4000xi32, #tpu.memory_space<hbm>>
    tpu.wait_dma2 semaphore(%arg14 : memref<!tpu.dma_semaphore, #tpu.memory_space<semaphore_mem>>) src(%dma_wait3A_99 : memref<4000xi32, #tpu.memory_space<hbm>>) dst(%arg12 : memref<4000xi32, #tpu.memory_space<vmem>>)
    %parallel_loop3A_100 = arith.constant 0 : i32
    %parallel_loop3A_101 = arith.constant 250 : i32
    %parallel_loop3A_102 = arith.constant 1 : i32
    scf.for %parallel_loop3A_112 = %parallel_loop3A_100 to %parallel_loop3A_101 step %parallel_loop3A_102  : i32 {
      %parallel_loop3A_113 = arith.constant 16 : i32
      %parallel_loop3A_114 = arith.muli %parallel_loop3A_112, %parallel_loop3A_113 : i32
      %parallel_loop3A_115 = arith.index_cast %parallel_loop3A_114 : i32 to index
      %parallel_loop3A_116 = tpu.vector_load %arg12[%parallel_loop3A_115] {strides = array<i32>} : memref<4000xi32, #tpu.memory_space<vmem>>, vector<16xi32>,
      %parallel_loop3A_117 = arith.index_cast %parallel_loop3A_114 : i32 to index
      %parallel_loop3A_118 = tpu.vector_load %arg8[%parallel_loop3A_117] {strides = array<i32>} : memref<4000xf32, #tpu.memory_space<vmem>>, vector<16xf32>,
      tpu.vector_store_idx %arg5[%parallel_loop3A_116], %parallel_loop3A_118 {add = true} : memref<32768xf32, #tpu.memory_space<vmem>>[vector<16xi32>], vector<16xf32>,
      %parallel_loop3A_119 = arith.index_cast %parallel_loop3A_114 : i32 to index
      %parallel_loop3A_120 = tpu.vector_load %arg9[%parallel_loop3A_119] {strides = array<i32>} : memref<4000xf32, #tpu.memory_space<vmem>>, vector<16xf32>,
      tpu.vector_store_idx %arg6[%parallel_loop3A_116], %parallel_loop3A_120 {add = true} : memref<32768xf32, #tpu.memory_space<vmem>>[vector<16xi32>], vector<16xf32>,
    } {sc.loop_unroll_factor = 5 : i64, sc.parallel_access}
    %parallel_loop3A_103 = arith.constant 0 : i32
    %parallel_loop3A_104 = arith.constant 2048 : i32
    %parallel_loop3A_105 = arith.constant 1 : i32
    scf.for %parallel_loop3A_112 = %parallel_loop3A_103 to %parallel_loop3A_104 step %parallel_loop3A_105  : i32 {
      %parallel_loop3A_113 = arith.constant 16 : i32
      %parallel_loop3A_114 = arith.muli %parallel_loop3A_112, %parallel_loop3A_113 : i32
      %parallel_loop3A_115 = arith.index_cast %parallel_loop3A_114 : i32 to index
      %parallel_loop3A_116 = tpu.vector_load %arg5[%parallel_loop3A_115] {strides = array<i32>} : memref<32768xf32, #tpu.memory_space<vmem>>, vector<16xf32>,
      %parallel_loop3A_117 = arith.index_cast %parallel_loop3A_114 : i32 to index
      %parallel_loop3A_118 = tpu.vector_load %arg7[%parallel_loop3A_117] {strides = array<i32>} : memref<32768xf32, #tpu.memory_space<vmem>>, vector<16xf32>,
      %parallel_loop3A_119 = arith.mulf %parallel_loop3A_116, %parallel_loop3A_118 : vector<16xf32>
      %parallel_loop3A_120 = arith.index_cast %parallel_loop3A_114 : i32 to index
      %parallel_loop3A_121 = tpu.vector_load %arg5[%parallel_loop3A_120] {strides = array<i32>} : memref<32768xf32, #tpu.memory_space<vmem>>, vector<16xf32>,
      tpu.vector_store %arg5[%parallel_loop3A_120], %parallel_loop3A_119 {strides = array<i32>} : memref<32768xf32, #tpu.memory_space<vmem>>, vector<16xf32>,
      %parallel_loop3A_122 = arith.index_cast %parallel_loop3A_114 : i32 to index
      %parallel_loop3A_123 = tpu.vector_load %arg6[%parallel_loop3A_122] {strides = array<i32>} : memref<32768xf32, #tpu.memory_space<vmem>>, vector<16xf32>,
      %parallel_loop3A_124 = arith.index_cast %parallel_loop3A_114 : i32 to index
      %parallel_loop3A_125 = tpu.vector_load %arg7[%parallel_loop3A_124] {strides = array<i32>} : memref<32768xf32, #tpu.memory_space<vmem>>, vector<16xf32>,
      %parallel_loop3A_126 = arith.mulf %parallel_loop3A_123, %parallel_loop3A_125 : vector<16xf32>
      %parallel_loop3A_127 = arith.index_cast %parallel_loop3A_114 : i32 to index
      %parallel_loop3A_128 = tpu.vector_load %arg6[%parallel_loop3A_127] {strides = array<i32>} : memref<32768xf32, #tpu.memory_space<vmem>>, vector<16xf32>,
      tpu.vector_store %arg6[%parallel_loop3A_127], %parallel_loop3A_126 {strides = array<i32>} : memref<32768xf32, #tpu.memory_space<vmem>>, vector<16xf32>,
    } {sc.loop_unroll_factor = 4 : i64, sc.parallel_access}
    %mul3A_106 = arith.constant 32768 : i32
    %mul3A_107 = arith.muli %add3A_61, %mul3A_106 : i32
    "tpu.region"() ({
      %run_scoped3A = tpu.sem_alloc : memref<!tpu.dma_semaphore, #tpu.memory_space<semaphore_mem>>
      %dma_start3A_112 = tpu.memref_slice %arg4[%mul3A_107] : memref<4194304xf32, #tpu.memory_space<hbm>> -> memref<32768xf32, #tpu.memory_space<hbm>>
      %dma_start3A_113 = tpu.memref_slice %arg4[%mul3A_107] : memref<4194304xf32, #tpu.memory_space<hbm>> -> memref<32768xf32, #tpu.memory_space<hbm>>
      tpu.enqueue_dma source(%arg5 : memref<32768xf32, #tpu.memory_space<vmem>>) target(%dma_start3A_113 : memref<32768xf32, #tpu.memory_space<hbm>>) target_semaphore(%run_scoped3A : memref<!tpu.dma_semaphore, #tpu.memory_space<semaphore_mem>>)
      %dma_wait3A_114 = tpu.memref_slice %arg4[%mul3A_107] : memref<4194304xf32, #tpu.memory_space<hbm>> -> memref<32768xf32, #tpu.memory_space<hbm>>
      %dma_wait3A_115 = tpu.memref_slice %arg4[%mul3A_107] : memref<4194304xf32, #tpu.memory_space<hbm>> -> memref<32768xf32, #tpu.memory_space<hbm>>
      tpu.wait_dma2 semaphore(%run_scoped3A : memref<!tpu.dma_semaphore, #tpu.memory_space<semaphore_mem>>) src(%arg5 : memref<32768xf32, #tpu.memory_space<vmem>>) dst(%dma_wait3A_115 : memref<32768xf32, #tpu.memory_space<hbm>>)
      tpu.yield
    }) : () -> ()
    %add3A_108 = arith.constant 1 : i32
    %add3A_109 = arith.addi %add3A_61, %add3A_108 : i32
    %mul3A_110 = arith.constant 32768 : i32
    %mul3A_111 = arith.muli %add3A_109, %mul3A_110 : i32
    "tpu.region"() ({
      %run_scoped3A = tpu.sem_alloc : memref<!tpu.dma_semaphore, #tpu.memory_space<semaphore_mem>>
      %dma_start3A_112 = tpu.memref_slice %arg4[%mul3A_111] : memref<4194304xf32, #tpu.memory_space<hbm>> -> memref<32768xf32, #tpu.memory_space<hbm>>
      %dma_start3A_113 = tpu.memref_slice %arg4[%mul3A_111] : memref<4194304xf32, #tpu.memory_space<hbm>> -> memref<32768xf32, #tpu.memory_space<hbm>>
      tpu.enqueue_dma source(%arg6 : memref<32768xf32, #tpu.memory_space<vmem>>) target(%dma_start3A_113 : memref<32768xf32, #tpu.memory_space<hbm>>) target_semaphore(%run_scoped3A : memref<!tpu.dma_semaphore, #tpu.memory_space<semaphore_mem>>)
      %dma_wait3A_114 = tpu.memref_slice %arg4[%mul3A_111] : memref<4194304xf32, #tpu.memory_space<hbm>> -> memref<32768xf32, #tpu.memory_space<hbm>>
      %dma_wait3A_115 = tpu.memref_slice %arg4[%mul3A_111] : memref<4194304xf32, #tpu.memory_space<hbm>> -> memref<32768xf32, #tpu.memory_space<hbm>>
      tpu.wait_dma2 semaphore(%run_scoped3A : memref<!tpu.dma_semaphore, #tpu.memory_space<semaphore_mem>>) src(%arg6 : memref<32768xf32, #tpu.memory_space<vmem>>) dst(%dma_wait3A_115 : memref<32768xf32, #tpu.memory_space<hbm>>)
      tpu.yield
    }) : () -> ()
    return
  }
}

module attributes {stable_mosaic.version = 14 : i64} {
  func.func @_coords_body(%arg0: memref<4x3x100000xf32, #tpu.memory_space<vmem>>, %arg1: memref<4x3x100000xf32, #tpu.memory_space<vmem>>, %arg2: memref<4x100000xi32, #tpu.memory_space<vmem>>) attributes {dimension_semantics = [], scalar_prefetch = 0 : i64, scratch_operands = 0 : i64, tpu.core_type = #tpu.core_type<tc>} {
    %get3A = arith.constant 0 : index
    %get3A_0 = arith.constant 0 : index
    %get3A_1 = arith.constant 0 : index
    %get3A_2 = vector.load %arg0[%get3A, %get3A_0, %get3A_1] : memref<4x3x100000xf32, #tpu.memory_space<vmem>>, vector<4x3x100000xf32>
    %add3A = arith.constant 1.000000e+00 : f32
    %add3A_3 = vector.broadcast %add3A : f32 to vector<4x3x100000xf32>
    %add3A_4 = arith.addf %get3A_2, %add3A_3 : vector<4x3x100000xf32>
    %div3A = arith.constant 2.000000e+00 : f32
    %div3A_5 = vector.broadcast %div3A : f32 to vector<4x3x100000xf32>
    %div3A_6 = arith.divf %add3A_4, %div3A_5 : vector<4x3x100000xf32>
    %mul3A = arith.constant 3.200000e+01 : f32
    %mul3A_7 = vector.broadcast %mul3A : f32 to vector<4x3x100000xf32>
    %mul3A_8 = arith.mulf %div3A_6, %mul3A_7 : vector<4x3x100000xf32>
    %jit3A = arith.constant 0.000000e+00 : f32
    %jit3A_9 = arith.constant 3.100000e+01 : f32
    %max3A = vector.broadcast %jit3A : f32 to vector<4x3x100000xf32>
    %max3A_10 = arith.maximumf %max3A, %mul3A_8 : vector<4x3x100000xf32>
    %min3A = vector.broadcast %jit3A_9 : f32 to vector<4x3x100000xf32>
    %min3A_11 = arith.minimumf %min3A, %max3A_10 : vector<4x3x100000xf32>
    %swap3A = arith.constant 0 : index
    %swap3A_12 = arith.constant 0 : index
    %swap3A_13 = arith.constant 0 : index
    %swap3A_14 = vector.load %arg1[%swap3A, %swap3A_12, %swap3A_13] : memref<4x3x100000xf32, #tpu.memory_space<vmem>>, vector<4x3x100000xf32>
    tpu.vector_store %arg1[%swap3A, %swap3A_12, %swap3A_13], %min3A_11 {strides = array<i32>} : memref<4x3x100000xf32, #tpu.memory_space<vmem>>, vector<4x3x100000xf32>,
    %round3A = math.roundeven %min3A_11 : vector<4x3x100000xf32>
    %convert_element_type3A = arith.fptosi %round3A : vector<4x3x100000xf32> to vector<4x3x100000xi32>
    %slice3A = vector.extract_strided_slice %convert_element_type3A {offsets = [0, 0, 0], sizes = [4, 1, 100000], strides = [1, 1, 1]} : vector<4x3x100000xi32> to vector<4x1x100000xi32>
    %squeeze3A = vector.shape_cast %slice3A : vector<4x1x100000xi32> to vector<4x100000xi32>
    %mul3A_15 = arith.constant 32 : i32
    %mul3A_16 = vector.broadcast %mul3A_15 : i32 to vector<4x100000xi32>
    %mul3A_17 = arith.muli %squeeze3A, %mul3A_16 : vector<4x100000xi32>
    %slice3A_18 = vector.extract_strided_slice %convert_element_type3A {offsets = [0, 1, 0], sizes = [4, 1, 100000], strides = [1, 1, 1]} : vector<4x3x100000xi32> to vector<4x1x100000xi32>
    %squeeze3A_19 = vector.shape_cast %slice3A_18 : vector<4x1x100000xi32> to vector<4x100000xi32>
    %add3A_20 = arith.addi %mul3A_17, %squeeze3A_19 : vector<4x100000xi32>
    %mul3A_21 = arith.constant 32 : i32
    %mul3A_22 = vector.broadcast %mul3A_21 : i32 to vector<4x100000xi32>
    %mul3A_23 = arith.muli %add3A_20, %mul3A_22 : vector<4x100000xi32>
    %slice3A_24 = vector.extract_strided_slice %convert_element_type3A {offsets = [0, 2, 0], sizes = [4, 1, 100000], strides = [1, 1, 1]} : vector<4x3x100000xi32> to vector<4x1x100000xi32>
    %squeeze3A_25 = vector.shape_cast %slice3A_24 : vector<4x1x100000xi32> to vector<4x100000xi32>
    %add3A_26 = arith.addi %mul3A_23, %squeeze3A_25 : vector<4x100000xi32>
    %swap3A_27 = arith.constant 0 : index
    %swap3A_28 = arith.constant 0 : index
    %swap3A_29 = vector.load %arg2[%swap3A_27, %swap3A_28] : memref<4x100000xi32, #tpu.memory_space<vmem>>, vector<4x100000xi32>
    tpu.vector_store %arg2[%swap3A_27, %swap3A_28], %add3A_26 {strides = array<i32>} : memref<4x100000xi32, #tpu.memory_space<vmem>>, vector<4x100000xi32>,
    return
  }
}

</mosaic_0001>

<sc_bundles>
// kernel: kernel.10.cloned.1.call-start
scs
__scs_entry_jumppad:
0x0: {  	(pc) =	sbr.rel $0x88, $3  }
0x1: {  	(tag) =	ssettag $0x0;
	lr =	simm.s32 $0x1  }
0x2: {  	[smem:$0x3F9F] =	sst lr;
	_ =	strace $0xD0000000  }
0x3: {  	_ = 	snop  }
0x4: {  	_ = 	snop  }
0x5: {  	_ = 	snop  }
0x6: {  	_ = 	snop  }
0x7: {  	_ = 	snop  }
__scs_overlays_trampoline_lowered:
0x8: {  	[smem:$0x3FAE] =	sst s0  }
0x9: {  	[smem:$0x3FAF] =	sst s1  }
0xa: {  	[smem:$0x3FB0] =	sst s2  }
0xb: {  	[smem:$0x3FB1] =	sst s3  }
0xc: {  	[smem:$0x3FB2] =	sst s4  }
0xd: {  	[smem:$0x3FB3] =	sst s5  }
0xe: {  	[smem:$0x3FB4] =	sst s6  }
0xf: {  	[smem:$0x3FB5] =	sst s7  }
0x10: {  	[smem:$0x3FB6] =	sst s8  }
0x11: {  	[smem:$0x3FB7] =	sst s9;
	s0 =	simm.s32 @!p0 $0x0  }
0x12: {  	s1 =	sld [smem:$0x3F9D];
	s0 =	simm.s32 @p0 $0x1  }
0x13: {  	[smem:$0x3FB8] =	sst s0;
	s0 =	simm.s32 @!p1 $0x0  }
0x14: {  	s2 =	sld [smem:$0x3F9C];
	s0 =	simm.s32 @p1 $0x1  }
0x15: {  	[smem:$0x3FB9] =	sst s0;
	s0 =	simm.s32 @!p2 $0x0  }
0x16: {  	s3 =	sld [smem:$0x3FDB];
	s0 =	simm.s32 @p2 $0x1  }
0x17: {  	s4 =	simm.s32 $0x1BF5;
	[smem:$0x3FBB] =	sst s0  }
0x18: {  	s0 =	sld [smem:$0x3F9E];
	_ =	swait.ge [sflag:s4], $0x0  }
0x19: {  	s7 =	sld [smem:$0x3F9F]  }
0x1a: {  	s8 =	sadd.s32 $0xFFFFE003, lr  }
0x1b: {  	s9 =	sadd.s32 $0xFFFFFEF7, lr;
	s5 =	simm.s32 $0xFFFFFFFF;
	p2 =	slt.u32 s8, $0xFFFFF086  }
0x1c: {  	p1 =	slt.u32 s9, $0xF7A;
	s5 =	simm.s32 @!p2 $0x0  }
0x1d: {  	s5 =	simm.s32 @p1 $0x1;
	p0 =	seq.s32 s7, s2  }
0x1e: {  	s7 =	smul.u32 @!p0 $0xF7A, s2;
	p2 =	seq.s32 @!p0 s5, $0x0  }
0x1f: {  	s9 =	smul.u32 $0xF7A, s1;
	s8 =	simm.s32 @!p0 $0x1BF5;
	p2 =	por !p2, p0  }
0x20: {  	[sflag:s8] =	ssyncset.s32 @!p0 $0xFFFFF086;
	s6 =	sadd.s32 @!p0 s3, s7;
	s7 =	simm.s32 @!p0 $0x108  }
0x21: {  	s3 =	sadd.s32 s3, s9;
	s6 =	sadd.s32 @!p0 $0x88, s6;
	s7 =	simm.s32 @p2 $0x1082  }
0x22: {  	[simem:s7], [sflag:s8] =	dma.local @!p0 [hbm:s6], $0xF7A  }
0x23: {  	s9 =	sor.u32 $0xD0000000, s2;
	s6 =	simm.s32 $0x108;
	_ =	swait.ge @!p0 [sflag:s8], $0x0  }
0x24: {  	s3 =	sadd.s32 $0x88, s3;
	s6 =	simm.s32 @!p1 $0x1082;
	[sflag:s4] =	ssyncset.s32 $0xFFFFF086  }
0x25: {  	[simem:s6], [sflag:s4] =	dma.local [hbm:s3], $0xF7A  }
0x26: {  	[smem:$0x3F9F] =	sst s1;
	(tag) =	ssettag s2;
	_ =	strace s9  }
0x27: {  	s1 =	sld [smem:$0x3FAF]  }
0x28: {  	s2 =	sld [smem:$0x3FB0]  }
0x29: {  	s4 =	sld [smem:$0x3FB2]  }
0x2a: {  	p0 =	seq.s32 s5, $0x0;
	s5 =	sld [smem:$0x3FB3]  }
0x2b: {  	s6 =	sld [smem:$0x3FB4]  }
0x2c: {  	s7 =	sld [smem:$0x3FB5]  }
0x2d: {  	s3 =	simm.s32 $0x108;
	s8 =	sld [smem:$0x3FB6]  }
0x2e: {  	s3 =	simm.s32 @!p0 $0x1082;
	s9 =	sld [smem:$0x3FB7]  }
0x2f: {  	lr =	sadd.s32 s0, s3;
	s0 =	sld [smem:$0x3FAE]  }
0x30: {  	s3 =	sld [smem:$0x3FB1]  }
0x31: {  	[smem:$0x3FBA] =	sst s10  }
0x32: {  	s10 =	sld [smem:$0x3FB8];
	_ =	sdelay $0x3  }
0x33: {  	p0 =	seq.s32 s10, $0x1;
	s10 =	sld [smem:$0x3FBA];
	_ =	sdelay $0x3  }
0x34: {  	[smem:$0x3FBA] =	sst s10  }
0x35: {  	s10 =	sld [smem:$0x3FB9];
	_ =	sdelay $0x3  }
0x36: {  	p1 =	seq.s32 s10, $0x1;
	s10 =	sld [smem:$0x3FBA];
	_ =	sdelay $0x3  }
0x37: {  	[smem:$0x3FBA] =	sst s10  }
0x38: {  	s10 =	sld [smem:$0x3FBB]  }
0x39: {  	_ = 	snop;
	(pc) =	sbr.ind lr, $3  }
0x3a: {  	_ = 	snop  }
0x3b: {  	_ = 	snop  }
0x3c: {  	p2 =	seq.s32 s10, $0x1;
	s10 =	sld [smem:$0x3FBA]  }
0x3d: {  	_ =	shalt  }
0x3e: {  	_ =	shalt  }
0x3f: {  	_ =	shalt  }
0x40: {  	_ =	shalt  }
0x41: {  	_ =	shalt  }
0x42: {  	_ =	shalt  }
0x43: {  	_ =	shalt  }
0x44: {  	_ =	shalt  }
0x45: {  	_ =	shalt  }
0x46: {  	_ =	shalt  }
0x47: {  	_ =	shalt  }
0x48: {  	_ =	shalt  }
0x49: {  	_ =	shalt  }
0x4a: {  	_ =	shalt  }
0x4b: {  	_ =	shalt  }
0x4c: {  	_ =	shalt  }
0x4d: {  	_ =	shalt  }
0x4e: {  	_ =	shalt  }
0x4f: {  	_ =	shalt  }
0x50: {  	_ =	shalt  }
0x51: {  	_ =	shalt  }
0x52: {  	_ =	shalt  }
0x53: {  	_ =	shalt  }
0x54: {  	_ =	shalt  }
0x55: {  	_ =	shalt  }
0x56: {  	_ =	shalt  }
0x57: {  	_ =	shalt  }
0x58: {  	_ =	shalt  }
0x59: {  	_ =	shalt  }
0x5a: {  	_ =	shalt  }
0x5b: {  	_ =	shalt  }
0x5c: {  	_ =	shalt  }
0x5d: {  	_ =	shalt  }
0x5e: {  	_ =	shalt  }
0x5f: {  	_ =	shalt  }
0x60: {  	_ =	shalt  }
0x61: {  	_ =	shalt  }
0x62: {  	_ =	shalt  }
0x63: {  	_ =	shalt  }
0x64: {  	_ =	shalt  }
0x65: {  	_ =	shalt  }
0x66: {  	_ =	shalt  }
0x67: {  	_ =	shalt  }
0x68: {  	_ =	shalt  }
0x69: {  	_ =	shalt  }
0x6a: {  	_ =	shalt  }
0x6b: {  	_ =	shalt  }
0x6c: {  	_ =	shalt  }
0x6d: {  	_ =	shalt  }
0x6e: {  	_ =	shalt  }
0x6f: {  	_ =	shalt  }
0x70: {  	_ =	shalt  }
0x71: {  	_ =	shalt  }
0x72: {  	_ =	shalt  }
0x73: {  	_ =	shalt  }
0x74: {  	_ =	shalt  }
0x75: {  	_ =	shalt  }
0x76: {  	_ =	shalt  }
0x77: {  	_ =	shalt  }
0x78: {  	_ =	shalt  }
0x79: {  	_ =	shalt  }
0x7a: {  	_ =	shalt  }
0x7b: {  	_ =	shalt  }
0x7c: {  	_ =	shalt  }
0x7d: {  	_ =	shalt  }
0x7e: {  	_ =	shalt  }
0x7f: {  	_ =	shalt  }
0x80: {  	_ =	shalt  }
0x81: {  	_ =	shalt  }
0x82: {  	_ =	shalt  }
0x83: {  	_ =	shalt  }
0x84: {  	_ =	shalt  }
0x85: {  	_ =	shalt  }
0x86: {  	_ =	shalt  }
0x87: {  	_ =	shalt  }
.Lfunc_end0:
.L_simem_size_0:
called_computation.1_lowered:
.L_overlay_start_0:
0x88: {  	s2 =	sld [smem:$0x3FD9]  }
0x89: {  	s3 =	sld [smem:$0x3FFE];
	_ =	sdelay $0x1  }
0x8a: {  	s1 =	srdreg.scid  }
0x8b: {  	s0 =	sand.u32 $0x1, s1  }
0x8c: {  	s17 =	sshll.u32 s0, $0xA;
	s2 =	sadd.s32 s3, s2  }
0x8d: {  	s2 =	sadd.s32 s2, s17  }
0x8e: {  	[smem:$0x3FC6] =	sst s2  }
0x8f: {  	_ = 	snop  }
0x90: {  	(tm) =	ssettm $0x1  }
0x91: {  	s18 =	sld [smem:$0x3FFB];
	_ =	sdelay $0x3  }
0x92: {  	_ =	strace s18  }
0x93: {  	s2 =	sld [smem:$0x3FFC];
	_ =	sdelay $0x3  }
0x94: {  	_ =	strace s2  }
0x95: {  	s2 =	sld [smem:$0x3FFD];
	_ =	sdelay $0x3  }
0x96: {  	_ =	strace s2  }
0x97: {  	_ =	strace $0x8FFFFFFF  }
0x98: {  	s19 =	sld [smem:$0x3FDB];
	_ =	sdelay $0x1  }
0x99: {  	s20 =	simm.s32 $_scs_section_size  }
0x9a: {  	s4 =	simm.s32 $_size__tile_overlayer_lowered;
	s5 =	simm.s32 $_tile_overlayer_lowered  }
0x9b: {  	s6 =	simm.s32 $0x1BFF;
	s21 =	sshll.u32 s5, $0x1;
	s3 =	sadd.s32 s20, s19  }
0x9c: {  	s22 =	simm.s32 $0x0;
	s4 =	sshll.u32 s4, $0x1;
	s5 =	sadd.s32 s21, s3  }
0x9d: {  	[timem:s22], [sflag:s6] =	dma.local [hbm:s5], s4  }
0x9e: {  	_ =	swait.ge [sflag:s6], s4  }
0x9f: {  	s4 =	ssub.s32 $0x0, s4;
	[sflag:s6] =	ssyncset.done $0x0  }
0xa0: {  	[sflag:s6] =	ssyncadd.s32 s4;
	_ =	sdelay $0x1  }
0xa1: {  	s23 =	simm.s32 $0x1B8B  }
0xa2: {  	_ =	swait.ge [sflag:s23], $0x1  }
0xa3: {  	[sflag:s23] =	ssyncset.done $0x0  }
0xa4: {  	[sflag:s23] =	ssyncadd.s32 $0xFFFFFFFF  }
0xa5: {  	s4 =	sld [smem:$0x0]  }
0xa6: {  	s5 =	sand.u32 $0xFFFFFFFE, s1  }
0xa7: {  	p0 =	sne.s32 s1, s5  }
0xa8: {  	s5 =	sshll.u32 @p0 s5, $0xE  }
0xa9: {  	s5 =	sadd.s32 @p0 $0x11B8D, s5;
	s6 =	sshll.u32 @p0 s4, $0x11  }
0xaa: {  	s5 =	sor.u32 @p0 s6, s5  }
0xab: {  	[sflag:s5] =	ssyncadd.remote.s32 @p0 $0x1;
	_ =	sdelay $0x1  }
0xac: {  	s5 =	simm.s32 @p0 $0x1B8D  }
0xad: {  	_ =	swait.eq @p0 [sflag:s5], $0x1  }
0xae: {  	[sflag:s5] =	ssyncadd.s32 @p0 $0xFFFFFFFF  }
0xaf: {  	s6 =	sshll.u32 @!p0 s1, $0xE  }
0xb0: {  	s6 =	sor.u32 @!p0 $0x4000, s6;
	s5 =	simm.s32 @!p0 $0x1B8D  }
0xb1: {  	s4 =	sshll.u32 @!p0 s4, $0x11;
	s6 =	sadd.s32 @!p0 $0x11B8D, s6;
	_ =	swait.eq @!p0 [sflag:s5], $0x1  }
0xb2: {  	s4 =	sor.u32 @!p0 s4, s6;
	[sflag:s5] =	ssyncadd.s32 @!p0 $0xFFFFFFFF  }
0xb3: {  	s25 =	simm.s32 $0x1B8E;
	s24 =	sld [smem:$0x3FFE];
	[sflag:s4] =	ssyncadd.remote.s32 @!p0 $0x1  }
0xb4: {  	s26 =	simm.s32 $execute0_lowered;
	[smem:$0x3FD2] =	sst s25  }
0xb5: {  	s5 =	sshll.u32 s26, $0x1;
	_ =	strace $0x8000004C;
	[dreg:$0x1] =	wrdreg $0xFFFFFFFF  }
0xb6: {  	s28 =	simm.s32 $_size_execute0_lowered;
	s3 =	sadd.s32 s3, s5;
	[dreg:$0x0] =	wrdreg $0x0  }
0xb7: {  	s5 =	sshll.u32 s28, $0x1;
	[dreg:$0x2] =	wrdreg s3  }
0xb8: {  	[dreg:$0x3] =	wrdreg s5  }
0xb9: {  	[dreg:$0x4] =	wrdreg $0xC0  }
0xba: {  	_ =	task [dreg:s22], $0x5FFFF  }
0xbb: {  	[dreg:$0x1] =	wrdreg $0xFFFFFFFF  }
0xbc: {  	[dreg:$0x0] =	wrdreg $0x60  }
0xbd: {  	[dreg:$0x2] =	wrdreg s24  }
0xbe: {  	[dreg:$0x3] =	wrdreg $0xA  }
0xbf: {  	_ =	task.clear_ibuf [dreg:s22], $0x4FFFF;
	_ =	strace $0x9000004C  }
0xc0: {  	s29 =	simm.s32 $0xA;
	_ =	strace $0x8000004E  }
0xc1: {  	_ =	swait.ge [sflag:s29], $0x1  }
0xc2: {  	[sflag:s29] =	ssyncadd.s32 $0xFFFFFFFF  }
0xc3: {  	_ =	strace $0x9000004E  }
0xc4: {  	_ =	sfence  }
0xc5: {  	s30 =	sld [smem:$0x0];
	_ =	sdelay $0x2  }
0xc6: {  	s31 =	sshll.u32 s1, $0xD;
	s1 =	sshrl.u32 s1, $0x2  }
0xc7: {  	s4 =	sand.u32 $0x4000, s31;
	s1 =	sadd.s32 s1, s30  }
0xc8: {  	s0 =	sor.u32 s4, s0;
	s1 =	sshll.u32 s1, $0x11  }
0xc9: {  	s0 =	sor.u32 s1, s0  }
0xca: {  	s0 =	sadd.s32 $0x8F2B, s0  }
0xcb: {  	[sflag:s0] =	ssyncadd.remote.s32 $0x1  }
0xcc: {  	_ =	sfence.sel $0xFFFF  }
0xcd: {  	[dreg:$0x0] =	wrdreg $0xFFFFFFFF;
	(pc) =	sbr.abs _section_cstart, $3  }
0xce: {  	[dreg:$0x1] =	wrdreg $0xFFFFFFFF  }
0xcf: {  	_ =	task.clear_ibuf [dreg:s22], $0x2FFFF;
	_ =	strace $0x9FFFFFFF  }
0xd0: {  	(tm) =	ssettm $0x7FFFFFFF  }
0xd1: {  	_ =	shalt  }
tec
execute0_lowered:
.L_overlay_start_1:
0x0: {  	(tag) =	ssettag $0x1  }
0x1: {  	s0 =	rddreg [dreg:$0x0]  }
0x2: {  	s2 =	simm.s32 $0x0;
	s1 =	srdreg.scid;
	s4 =	stileid.u32  }
0x3: {  	s18 =	simm.s32 $0x18000;
	s19 =	simm.s32 $0x19000;
	s20 =	simm.s32 $0x1C000  }
0x4: {  	s21 =	simm.s32 $0x1A000;
	s22 =	simm.s32 $0x1B000;
	s28 =	simm.s32 $0x2  }
0x5: {  	s29 =	simm.s32 $0x3;
	s30 =	simm.s32 $0x0;
	[smem:$0x7FF] =	sst s2  }
0x6: {  	s3 =	sadd.s32 $0x30E600, s0;
	s1 =	sand.u32 $0x1, s1;
	s5 =	sshll.u32 s4, $0x1  }
0x7: {  	s4 =	sadd.s32 $0x652C00, s0;
	s6 =	ssub.s32 $0x2, s1;
	s1 =	sor.u32 s1, s5  }
0x8: {  	s0 =	sadd.s32 $0x759000, s0;
	_ =	strace $0x8000004D;
	s5 =	smul.u32 $0x61A80, s1  }
0x9: {  	s7 =	sshrl.u32 s6, $0x1;
	s8 =	sshll.u32 s1, $0x2;
	s1 =	sshll.u32 s1, $0xE  }
0xa: {  	s9 =	ssub.s32 s6, s7;
	s8 =	sor.u32 $0x2, s8;
	s6 =	sadd.s32 $0x186A0, s5  }
0xb: {  	s10 =	sshrl.u32 s5, $0x3;
	s7 =	smul.u32 $0x186A0, s8;
	s26 =	sshll.u32 s8, $0xC  }
0xc: {  	s17 =	smax.u32 s9, $0x1;
	s10 =	sadd.s32 s3, s10;
	s23 =	sshrl.u32 s6, $0x3  }
0xd: {  	[dreg:$0x2] =	wrdreg s10;
	s10 =	sadd.s32 s3, s23;
	s11 =	sadd.s32 $0x186A0, s7  }
0xe: {  	[dreg:$0x3] =	wrdreg s10;
	s10 =	sadd.s32 s0, s1;
	s0 =	sadd.s32 s0, s26  }
0xf: {  	s12 =	sshrl.u32 s11, $0x3;
	s1 =	sadd.s32 $0x1000, s10;
	[dreg:$0x7] =	wrdreg s0  }
0x10: {  	s24 =	sshrl.u32 s7, $0x3;
	s25 =	sadd.s32 s3, s12;
	[dreg:$0x4] =	wrdreg s1  }
0x11: {  	s23 =	simm.s32 $0x1D000;
	s31 =	sadd.s32 $0x3000, s10;
	[dreg:$0x6] =	wrdreg s25  }
0x12: {  	s26 =	simm.s32 $0x10000;
	s1 =	sadd.s32 s3, s24;
	[dreg:$0x8] =	wrdreg s31  }
0x13: {  	v0 =	vimm.f32 $0.0e+00;
	v1 =	vimm.f32 $1.000000000e+00;
	s24 =	simm.s32 $0x1;
	s25 =	simm.s32 $0x8000;
	[dreg:$0x5] =	wrdreg s1  }
.LBB2_1:
0x14: {  	s8 =	simm.s32 $0x10040  }
0x15: {  	[tilespmem:s8+$0xFFFFFFC0] =	vst v0  }
0x16: {  	[tilespmem:s8+$0x30] =	vst v0  }
0x17: {  	[tilespmem:s8+$0x20] =	vst v0  }
0x18: {  	[tilespmem:s8+$0x10] =	vst v0  }
0x19: {  	[tilespmem:s8+$0x0] =	vst v0  }
0x1a: {  	[tilespmem:s8+$0xFFFFFFF0] =	vst v0  }
0x1b: {  	s9 =	simm.s32 $0x0;
	s0 =	simm.s32 $0x8040;
	[tilespmem:s8+$0xFFFFFFE0] =	vst v0  }
.LBB2_2:
0x1c: {  	s9 =	sadd.s32 $0x8, s9;
	[tilespmem:s8+$0xFFFFFFD0] =	vst v0;
	s8 =	sadd.s32 $0x80, s8;
	s1 =	simm.s32 $0x40  }
0x1d: {  	[tilespmem:s8+$0xFFFFFFC0] =	vst v0;
	p0 =	slt.u32 s9, $0x7F8  }
0x1e: {  	[tilespmem:s8+$0x30] =	vst v0  }
.Ltmp0:
0x1f: {  	[tilespmem:s8+$0x20] =	vst v0;
	(pc) =	sbr.rel @p0 .LBB2_2-.Ltmp0, $4  }
0x20: {  	[tilespmem:s8+$0x10] =	vst v0  }
0x21: {  	[tilespmem:s8+$0x0] =	vst v0  }
0x22: {  	[tilespmem:s8+$0xFFFFFFF0] =	vst v0  }
0x23: {  	[tilespmem:s8+$0xFFFFFFE0] =	vst v0  }
0x24: {  	[tilespmem:s8+$0xFFFFFFD0] =	vst v0  }
0x25: {  	[tilespmem:s1+$0x30] =	vst v0  }
0x26: {  	[tilespmem:s1+$0xFFFFFFF0] =	vst v0  }
0x27: {  	[tilespmem:s1+$0xFFFFFFC0] =	vst v0  }
0x28: {  	[tilespmem:s1+$0xFFFFFFE0] =	vst v0  }
0x29: {  	[tilespmem:s1+$0x10] =	vst v0  }
0x2a: {  	[tilespmem:s1+$0x20] =	vst v0  }
0x2b: {  	[tilespmem:s1+$0x0] =	vst v0  }
0x2c: {  	[tilespmem:s1+$0xFFFFFFD0] =	vst v0  }
0x2d: {  	[tilespmem:s0+$0xFFFFFFC0] =	vst v0  }
0x2e: {  	[tilespmem:s0+$0x30] =	vst v0  }
0x2f: {  	[tilespmem:s0+$0x20] =	vst v0  }
0x30: {  	[tilespmem:s0+$0x10] =	vst v0  }
0x31: {  	[tilespmem:s0+$0xFFFFFFE0] =	vst v0  }
0x32: {  	[tilespmem:s0+$0x0] =	vst v0  }
0x33: {  	s8 =	simm.s32 $0x0;
	[tilespmem:s0+$0xFFFFFFF0] =	vst v0  }
.LBB2_4:
0x34: {  	s8 =	sadd.s32 $0x8, s8;
	[tilespmem:s0+$0xFFFFFFD0] =	vst v0;
	s1 =	sadd.s32 $0x80, s1;
	s0 =	sadd.s32 $0x80, s0  }
0x35: {  	[tilespmem:s1+$0x30] =	vst v0;
	p0 =	slt.u32 s8, $0x7F8  }
0x36: {  	[tilespmem:s1+$0xFFFFFFF0] =	vst v0  }
0x37: {  	[tilespmem:s1+$0xFFFFFFC0] =	vst v0  }
0x38: {  	[tilespmem:s0+$0xFFFFFFC0] =	vst v0  }
0x39: {  	[tilespmem:s0+$0x30] =	vst v0  }
0x3a: {  	[tilespmem:s1+$0xFFFFFFE0] =	vst v0  }
0x3b: {  	[tilespmem:s1+$0x10] =	vst v0  }
0x3c: {  	[tilespmem:s1+$0x20] =	vst v0  }
0x3d: {  	[tilespmem:s0+$0x20] =	vst v0  }
0x3e: {  	[tilespmem:s0+$0x10] =	vst v0  }
.Ltmp1:
0x3f: {  	[tilespmem:s0+$0xFFFFFFE0] =	vst v0;
	(pc) =	sbr.rel @p0 .LBB2_4-.Ltmp1, $4  }
0x40: {  	[tilespmem:s1+$0x0] =	vst v0  }
0x41: {  	[tilespmem:s0+$0x0] =	vst v0  }
0x42: {  	[tilespmem:s0+$0xFFFFFFF0] =	vst v0  }
0x43: {  	[tilespmem:s1+$0xFFFFFFD0] =	vst v0  }
0x44: {  	[tilespmem:s0+$0xFFFFFFD0] =	vst v0  }
0x45: {  	s31 =	simm.s32 $0x0;
	s0 =	rddreg [dreg:$0x2]  }
0x46: {  	[tilespmem:s18], [sflag:$0x1] =	stream.linear.gather [hbm4b:s0+s31], $0xFA0, $0x38;
	[tilespmem:$0x1E000] =	vst v63  }
0x47: {  	s16 =	rddreg [dreg:$0x3]  }
0x48: {  	[tilespmem:s19], [sflag:$0x1] =	stream.linear.gather [hbm4b:s16+s31], $0xFA0, $0x38;
	[tilespmem:$0x1E000] =	vst v63  }
0x49: {  	_ = 	snop  }
0x4a: {  	[tilespmem:s20], [sflag:$0x1] =	stream.linear.gather [hbm4b:s4+s31], $0xFA0, $0x38;
	[tilespmem:$0x1E000] =	vst v63  }
.LBB2_6:
0x4b: {  	s0 =	smul.u32 $0x1F40, s31;
	_ =	sdelay $0x1  }
0x4c: {  	s1 =	sadd.s32 $0xFA0, s0  }
0x4d: {  	s8 =	sadd.s32 s5, s1  }
0x4e: {  	s8 =	sshrl.u32 s8, $0x3  }
0x4f: {  	s15 =	sadd.s32 s6, s1;
	s8 =	sadd.s32 s3, s8  }
0x50: {  	[tilespmem:s21], [sflag:$0x2] =	stream.linear.gather [hbm4b:s8+s2], $0xFA0, $0x38;
	[tilespmem:$0x1E000] =	vst v63  }
0x51: {  	s8 =	sshrl.u32 s15, $0x3  }
0x52: {  	s1 =	sshrl.u32 s1, $0x3;
	s8 =	sadd.s32 s3, s8  }
0x53: {  	[tilespmem:s22], [sflag:$0x2] =	stream.linear.gather [hbm4b:s8+s2], $0xFA0, $0x38;
	[tilespmem:$0x1E000] =	vst v63  }
0x54: {  	s1 =	sadd.s32 s4, s1  }
0x55: {  	[tilespmem:s23], [sflag:$0x2] =	stream.linear.gather [hbm4b:s1+s2], $0xFA0, $0x38;
	[tilespmem:$0x1E000] =	vst v63  }
0x56: {  	_ =	swait.ge [sflag:s24], $0xFA0  }
0x57: {  	[sflag:s24] =	ssyncset.done $0x0  }
0x58: {  	[sflag:s24] =	ssyncadd.s32 $0xFFFFF060  }
0x59: {  	_ =	swait.ge [sflag:s24], $0xFA0  }
0x5a: {  	[sflag:s24] =	ssyncset.done $0x0  }
0x5b: {  	[sflag:s24] =	ssyncadd.s32 $0xFFFFF060  }
0x5c: {  	_ =	swait.ge [sflag:s24], $0xFA0  }
0x5d: {  	[sflag:s24] =	ssyncset.done $0x0  }
0x5e: {  	s16 =	simm.s32 $0x1C020;
	[sflag:s24] =	ssyncadd.s32 $0xFFFFF060  }
0x5f: {  	v3 =	vld [tilespmem:s16+$0x20]  }
0x60: {  	v4 =	vld [tilespmem:s16+$0xFFFFFFF0]  }
0x61: {  	s1 =	simm.s32 $0x18020;
	v5 =	vld [tilespmem:s16+$0x0]  }
0x62: {  	v6 =	vld [tilespmem:s1+$0x20]  }
0x63: {  	v7 =	vld [tilespmem:s16+$0xFFFFFFE0]  }
0x64: {  	v2 =	vld [tilespmem:s16+$0x10]  }
0x65: {  	v9 =	vld [tilespmem:s1+$0xFFFFFFF0]  }
0x66: {  	v8 =	vld [tilespmem:s1+$0xFFFFFFE0]  }
0x67: {  	v10 =	vld [tilespmem:s1+$0x0]  }
0x68: {  	v11 =	vld [tilespmem:s1+$0x10]  }
0x69: {  	[tilespmem:v3+s2+$0x0] =	vst.idx.add.f32.msk $0xffff, v6  }
0x6a: {  	[tilespmem:v4+s2+$0x0] =	vst.idx.add.f32.msk $0xffff, v9  }
0x6b: {  	[tilespmem:v7+s2+$0x0] =	vst.idx.add.f32.msk $0xffff, v8  }
0x6c: {  	s8 =	simm.s32 $0x19020;
	[tilespmem:v5+s2+$0x0] =	vst.idx.add.f32.msk $0xffff, v10  }
0x6d: {  	v6 =	vld [tilespmem:s8+$0x20]  }
0x6e: {  	v61 =	vld [tilespmem:s8+$0xFFFFFFF0]  }
0x6f: {  	[tilespmem:v2+s2+$0x0] =	vst.idx.add.f32.msk $0xffff, v11  }
0x70: {  	v62 =	vld [tilespmem:s8+$0x0]  }
0x71: {  	v63 =	vld [tilespmem:s8+$0x10]  }
0x72: {  	[tilespmem:v3+s25+$0x0] =	vst.idx.add.f32.msk $0xffff, v6  }
0x73: {  	[tilespmem:v4+s25+$0x0] =	vst.idx.add.f32.msk $0xffff, v61  }
0x74: {  	[tilespmem:v3+s26+$0x0] =	vst.idx.add.f32.msk $0xffff, v1  }
0x75: {  	v3 =	vld [tilespmem:s8+$0xFFFFFFE0]  }
0x76: {  	[tilespmem:v5+s25+$0x0] =	vst.idx.add.f32.msk $0xffff, v62  }
0x77: {  	[tilespmem:v2+s25+$0x0] =	vst.idx.add.f32.msk $0xffff, v63  }
0x78: {  	[tilespmem:v4+s26+$0x0] =	vst.idx.add.f32.msk $0xffff, v1  }
0x79: {  	[tilespmem:v5+s26+$0x0] =	vst.idx.add.f32.msk $0xffff, v1  }
0x7a: {  	[tilespmem:v7+s25+$0x0] =	vst.idx.add.f32.msk $0xffff, v3  }
0x7b: {  	s9 =	simm.s32 $0x0;
	s12 =	simm.s32 $0x1C070;
	[tilespmem:v7+s26+$0x0] =	vst.idx.add.f32.msk $0xffff, v1  }
.LBB2_7:
0x7c: {  	v3 =	vld [tilespmem:s12+$0x20]  }
0x7d: {  	s9 =	sadd.s32 $0x5, s9;
	v4 =	vld [tilespmem:s12+$0xFFFFFFF0]  }
0x7e: {  	s1 =	sadd.s32 $0x50, s1;
	p0 =	slt.u32 s9, $0xF5;
	v5 =	vld [tilespmem:s12+$0x0]  }
0x7f: {  	v6 =	vld [tilespmem:s1+$0x20]  }
0x80: {  	v7 =	vld [tilespmem:s12+$0x10]  }
0x81: {  	v8 =	vld [tilespmem:s12+$0xFFFFFFE0]  }
0x82: {  	v9 =	vld [tilespmem:s1+$0xFFFFFFE0]  }
0x83: {  	v10 =	vld [tilespmem:s1+$0xFFFFFFF0]  }
0x84: {  	s8 =	sadd.s32 $0x50, s8;
	[tilespmem:v3+s2+$0x0] =	vst.idx.add.f32.msk $0xffff, v6  }
0x85: {  	v6 =	vld [tilespmem:s8+$0x20]  }
0x86: {  	v11 =	vld [tilespmem:s1+$0x0]  }
0x87: {  	v12 =	vld [tilespmem:s1+$0x10]  }
0x88: {  	[tilespmem:v4+s2+$0x0] =	vst.idx.add.f32.msk $0xffff, v10  }
0x89: {  	[tilespmem:v8+s2+$0x0] =	vst.idx.add.f32.msk $0xffff, v9  }
0x8a: {  	[tilespmem:v3+s25+$0x0] =	vst.idx.add.f32.msk $0xffff, v6  }
0x8b: {  	[tilespmem:v3+s26+$0x0] =	vst.idx.add.f32.msk $0xffff, v1  }
0x8c: {  	[tilespmem:v5+s2+$0x0] =	vst.idx.add.f32.msk $0xffff, v11  }
0x8d: {  	[tilespmem:v7+s2+$0x0] =	vst.idx.add.f32.msk $0xffff, v12  }
0x8e: {  	v3 =	vld [tilespmem:s8+$0xFFFFFFE0]  }
0x8f: {  	v6 =	vld [tilespmem:s8+$0xFFFFFFF0]  }
0x90: {  	v9 =	vld [tilespmem:s8+$0x0]  }
0x91: {  	v10 =	vld [tilespmem:s8+$0x10]  }
0x92: {  	[tilespmem:v2+s26+$0x0] =	vst.idx.add.f32.msk $0xffff, v1;
	v2 =	vmov v7  }
0x93: {  	[tilespmem:v8+s25+$0x0] =	vst.idx.add.f32.msk $0xffff, v3  }
0x94: {  	[tilespmem:v8+s26+$0x0] =	vst.idx.add.f32.msk $0xffff, v1  }
.Ltmp2:
0x95: {  	[tilespmem:v4+s25+$0x0] =	vst.idx.add.f32.msk $0xffff, v6;
	(pc) =	sbr.rel @p0 .LBB2_7-.Ltmp2, $4  }
0x96: {  	[tilespmem:v4+s26+$0x0] =	vst.idx.add.f32.msk $0xffff, v1  }
0x97: {  	[tilespmem:v5+s25+$0x0] =	vst.idx.add.f32.msk $0xffff, v9  }
0x98: {  	[tilespmem:v5+s26+$0x0] =	vst.idx.add.f32.msk $0xffff, v1  }
0x99: {  	s12 =	sadd.s32 $0x50, s12;
	[tilespmem:v7+s25+$0x0] =	vst.idx.add.f32.msk $0xffff, v10  }
0x9a: {  	_ = 	snop  }
0x9b: {  	s0 =	sadd.s32 $0x1F40, s0  }
0x9c: {  	s1 =	sadd.s32 s5, s0  }
0x9d: {  	s1 =	sshrl.u32 s1, $0x3  }
0x9e: {  	[tilespmem:v2+s26+$0x0] =	vst.idx.add.f32.msk $0xffff, v1;
	s15 =	sadd.s32 s6, s0;
	s1 =	sadd.s32 s3, s1  }
0x9f: {  	[tilespmem:s18], [sflag:$0x1] =	stream.linear.gather [hbm4b:s1+s2], $0xFA0, $0x38;
	[tilespmem:$0x1E000] =	vst v63  }
0xa0: {  	s1 =	sshrl.u32 s15, $0x3  }
0xa1: {  	s0 =	sshrl.u32 s0, $0x3;
	s1 =	sadd.s32 s3, s1  }
0xa2: {  	[tilespmem:s19], [sflag:$0x1] =	stream.linear.gather [hbm4b:s1+s2], $0xFA0, $0x38;
	[tilespmem:$0x1E000] =	vst v63  }
0xa3: {  	s0 =	sadd.s32 s4, s0  }
0xa4: {  	[tilespmem:s20], [sflag:$0x1] =	stream.linear.gather [hbm4b:s0+s2], $0xFA0, $0x38;
	[tilespmem:$0x1E000] =	vst v63  }
0xa5: {  	_ =	swait.ge [sflag:s28], $0xFA0  }
0xa6: {  	[sflag:s28] =	ssyncset.done $0x0  }
0xa7: {  	[sflag:s28] =	ssyncadd.s32 $0xFFFFF060  }
0xa8: {  	_ =	swait.ge [sflag:s28], $0xFA0  }
0xa9: {  	[sflag:s28] =	ssyncset.done $0x0  }
0xaa: {  	[sflag:s28] =	ssyncadd.s32 $0xFFFFF060  }
0xab: {  	_ =	swait.ge [sflag:s28], $0xFA0  }
0xac: {  	[sflag:s28] =	ssyncset.done $0x0  }
0xad: {  	s16 =	simm.s32 $0x1D020;
	[sflag:s28] =	ssyncadd.s32 $0xFFFFF060  }
0xae: {  	v3 =	vld [tilespmem:s16+$0x20]  }
0xaf: {  	v4 =	vld [tilespmem:s16+$0xFFFFFFF0]  }
0xb0: {  	s0 =	simm.s32 $0x1A020;
	v5 =	vld [tilespmem:s16+$0x0]  }
0xb1: {  	v6 =	vld [tilespmem:s0+$0x20]  }
0xb2: {  	v7 =	vld [tilespmem:s16+$0xFFFFFFE0]  }
0xb3: {  	v2 =	vld [tilespmem:s16+$0x10]  }
0xb4: {  	v9 =	vld [tilespmem:s0+$0xFFFFFFF0]  }
0xb5: {  	v8 =	vld [tilespmem:s0+$0xFFFFFFE0]  }
0xb6: {  	v10 =	vld [tilespmem:s0+$0x0]  }
0xb7: {  	v11 =	vld [tilespmem:s0+$0x10]  }
0xb8: {  	[tilespmem:v3+s2+$0x0] =	vst.idx.add.f32.msk $0xffff, v6  }
0xb9: {  	[tilespmem:v4+s2+$0x0] =	vst.idx.add.f32.msk $0xffff, v9  }
0xba: {  	[tilespmem:v7+s2+$0x0] =	vst.idx.add.f32.msk $0xffff, v8  }
0xbb: {  	s1 =	simm.s32 $0x1B020;
	[tilespmem:v5+s2+$0x0] =	vst.idx.add.f32.msk $0xffff, v10  }
0xbc: {  	v6 =	vld [tilespmem:s1+$0x20]  }
0xbd: {  	v61 =	vld [tilespmem:s1+$0xFFFFFFF0]  }
0xbe: {  	[tilespmem:v2+s2+$0x0] =	vst.idx.add.f32.msk $0xffff, v11  }
0xbf: {  	v62 =	vld [tilespmem:s1+$0x0]  }
0xc0: {  	v63 =	vld [tilespmem:s1+$0x10]  }
0xc1: {  	[tilespmem:v3+s25+$0x0] =	vst.idx.add.f32.msk $0xffff, v6  }
0xc2: {  	[tilespmem:v4+s25+$0x0] =	vst.idx.add.f32.msk $0xffff, v61  }
0xc3: {  	[tilespmem:v3+s26+$0x0] =	vst.idx.add.f32.msk $0xffff, v1  }
0xc4: {  	v3 =	vld [tilespmem:s1+$0xFFFFFFE0]  }
0xc5: {  	[tilespmem:v5+s25+$0x0] =	vst.idx.add.f32.msk $0xffff, v62  }
0xc6: {  	[tilespmem:v2+s25+$0x0] =	vst.idx.add.f32.msk $0xffff, v63  }
0xc7: {  	[tilespmem:v4+s26+$0x0] =	vst.idx.add.f32.msk $0xffff, v1  }
0xc8: {  	[tilespmem:v5+s26+$0x0] =	vst.idx.add.f32.msk $0xffff, v1  }
0xc9: {  	[tilespmem:v7+s25+$0x0] =	vst.idx.add.f32.msk $0xffff, v3  }
0xca: {  	s8 =	simm.s32 $0x0;
	s9 =	simm.s32 $0x1D070;
	[tilespmem:v7+s26+$0x0] =	vst.idx.add.f32.msk $0xffff, v1  }
.LBB2_9:
0xcb: {  	v3 =	vld [tilespmem:s9+$0x20]  }
0xcc: {  	s8 =	sadd.s32 $0x5, s8;
	v4 =	vld [tilespmem:s9+$0xFFFFFFF0]  }
0xcd: {  	s0 =	sadd.s32 $0x50, s0;
	p0 =	slt.u32 s8, $0xF5;
	v5 =	vld [tilespmem:s9+$0x0]  }
0xce: {  	v6 =	vld [tilespmem:s0+$0x20]  }
0xcf: {  	v7 =	vld [tilespmem:s9+$0x10]  }
0xd0: {  	v8 =	vld [tilespmem:s9+$0xFFFFFFE0]  }
0xd1: {  	v9 =	vld [tilespmem:s0+$0xFFFFFFE0]  }
0xd2: {  	v10 =	vld [tilespmem:s0+$0xFFFFFFF0]  }
0xd3: {  	s1 =	sadd.s32 $0x50, s1;
	[tilespmem:v3+s2+$0x0] =	vst.idx.add.f32.msk $0xffff, v6  }
0xd4: {  	v6 =	vld [tilespmem:s1+$0x20]  }
0xd5: {  	v11 =	vld [tilespmem:s0+$0x0]  }
0xd6: {  	v12 =	vld [tilespmem:s0+$0x10]  }
0xd7: {  	[tilespmem:v4+s2+$0x0] =	vst.idx.add.f32.msk $0xffff, v10  }
0xd8: {  	[tilespmem:v8+s2+$0x0] =	vst.idx.add.f32.msk $0xffff, v9  }
0xd9: {  	[tilespmem:v3+s25+$0x0] =	vst.idx.add.f32.msk $0xffff, v6  }
0xda: {  	[tilespmem:v3+s26+$0x0] =	vst.idx.add.f32.msk $0xffff, v1  }
0xdb: {  	[tilespmem:v5+s2+$0x0] =	vst.idx.add.f32.msk $0xffff, v11  }
0xdc: {  	[tilespmem:v7+s2+$0x0] =	vst.idx.add.f32.msk $0xffff, v12  }
0xdd: {  	v3 =	vld [tilespmem:s1+$0xFFFFFFE0]  }
0xde: {  	v6 =	vld [tilespmem:s1+$0xFFFFFFF0]  }
0xdf: {  	v9 =	vld [tilespmem:s1+$0x0]  }
0xe0: {  	v10 =	vld [tilespmem:s1+$0x10]  }
0xe1: {  	[tilespmem:v2+s26+$0x0] =	vst.idx.add.f32.msk $0xffff, v1;
	v2 =	vmov v7  }
0xe2: {  	[tilespmem:v8+s25+$0x0] =	vst.idx.add.f32.msk $0xffff, v3  }
0xe3: {  	[tilespmem:v8+s26+$0x0] =	vst.idx.add.f32.msk $0xffff, v1  }
.Ltmp3:
0xe4: {  	[tilespmem:v4+s25+$0x0] =	vst.idx.add.f32.msk $0xffff, v6;
	(pc) =	sbr.rel @p0 .LBB2_9-.Ltmp3, $4  }
0xe5: {  	[tilespmem:v4+s26+$0x0] =	vst.idx.add.f32.msk $0xffff, v1  }
0xe6: {  	[tilespmem:v5+s25+$0x0] =	vst.idx.add.f32.msk $0xffff, v9  }
0xe7: {  	[tilespmem:v5+s26+$0x0] =	vst.idx.add.f32.msk $0xffff, v1  }
0xe8: {  	s9 =	sadd.s32 $0x50, s9;
	[tilespmem:v7+s25+$0x0] =	vst.idx.add.f32.msk $0xffff, v10  }
0xe9: {  	s31 =	sadd.s32 $0x1, s31  }
0xea: {  	p0 =	sne.s32 s31, $0xC  }
.Ltmp4:
0xeb: {  	_ = 	snop;
	(pc) =	sbr.rel @p0 .LBB2_6-.Ltmp4, $2  }
0xec: {  	_ =	sdelay $0x2  }
0xed: {  	[tilespmem:v2+s26+$0x0] =	vst.idx.add.f32.msk $0xffff, v1  }
0xee: {  	_ =	swait.ge [sflag:s24], $0xFA0  }
0xef: {  	[sflag:s24] =	ssyncset.done $0x0  }
0xf0: {  	[sflag:s24] =	ssyncadd.s32 $0xFFFFF060  }
0xf1: {  	_ =	swait.ge [sflag:s24], $0xFA0  }
0xf2: {  	[sflag:s24] =	ssyncset.done $0x0  }
0xf3: {  	[sflag:s24] =	ssyncadd.s32 $0xFFFFF060  }
0xf4: {  	_ =	swait.ge [sflag:s24], $0xFA0  }
0xf5: {  	[sflag:s24] =	ssyncset.done $0x0  }
0xf6: {  	s1 =	simm.s32 $0x1C020;
	[sflag:s24] =	ssyncadd.s32 $0xFFFFF060  }
0xf7: {  	v3 =	vld [tilespmem:s1+$0x20]  }
0xf8: {  	v4 =	vld [tilespmem:s1+$0xFFFFFFF0]  }
0xf9: {  	s0 =	simm.s32 $0x18020;
	v5 =	vld [tilespmem:s1+$0x0]  }
0xfa: {  	v6 =	vld [tilespmem:s0+$0x20]  }
0xfb: {  	v7 =	vld [tilespmem:s1+$0xFFFFFFE0]  }
0xfc: {  	v2 =	vld [tilespmem:s1+$0x10]  }
0xfd: {  	v9 =	vld [tilespmem:s0+$0xFFFFFFF0]  }
0xfe: {  	v8 =	vld [tilespmem:s0+$0xFFFFFFE0]  }
0xff: {  	v10 =	vld [tilespmem:s0+$0x0]  }
0x100: {  	v11 =	vld [tilespmem:s0+$0x10]  }
0x101: {  	[tilespmem:v3+s2+$0x0] =	vst.idx.add.f32.msk $0xffff, v6  }
0x102: {  	[tilespmem:v4+s2+$0x0] =	vst.idx.add.f32.msk $0xffff, v9  }
0x103: {  	[tilespmem:v7+s2+$0x0] =	vst.idx.add.f32.msk $0xffff, v8  }
0x104: {  	s1 =	simm.s32 $0x19020;
	[tilespmem:v5+s2+$0x0] =	vst.idx.add.f32.msk $0xffff, v10  }
0x105: {  	v6 =	vld [tilespmem:s1+$0x20]  }
0x106: {  	v61 =	vld [tilespmem:s1+$0xFFFFFFF0]  }
0x107: {  	[tilespmem:v2+s2+$0x0] =	vst.idx.add.f32.msk $0xffff, v11  }
0x108: {  	v62 =	vld [tilespmem:s1+$0x0]  }
0x109: {  	v63 =	vld [tilespmem:s1+$0x10]  }
0x10a: {  	[tilespmem:v3+s25+$0x0] =	vst.idx.add.f32.msk $0xffff, v6  }
0x10b: {  	[tilespmem:v4+s25+$0x0] =	vst.idx.add.f32.msk $0xffff, v61  }
0x10c: {  	[tilespmem:v3+s26+$0x0] =	vst.idx.add.f32.msk $0xffff, v1  }
0x10d: {  	v3 =	vld [tilespmem:s1+$0xFFFFFFE0]  }
0x10e: {  	[tilespmem:v5+s25+$0x0] =	vst.idx.add.f32.msk $0xffff, v62  }
0x10f: {  	[tilespmem:v2+s25+$0x0] =	vst.idx.add.f32.msk $0xffff, v63  }
0x110: {  	[tilespmem:v4+s26+$0x0] =	vst.idx.add.f32.msk $0xffff, v1  }
0x111: {  	[tilespmem:v5+s26+$0x0] =	vst.idx.add.f32.msk $0xffff, v1  }
0x112: {  	[tilespmem:v7+s25+$0x0] =	vst.idx.add.f32.msk $0xffff, v3  }
0x113: {  	s8 =	simm.s32 $0x0;
	s31 =	simm.s32 $0x10020;
	s9 =	simm.s32 $0x1C070;
	[tilespmem:v7+s26+$0x0] =	vst.idx.add.f32.msk $0xffff, v1  }
.LBB2_12:
0x114: {  	v3 =	vld [tilespmem:s9+$0x20]  }
0x115: {  	s8 =	sadd.s32 $0x5, s8;
	v4 =	vld [tilespmem:s9+$0xFFFFFFF0]  }
0x116: {  	s0 =	sadd.s32 $0x50, s0;
	p0 =	slt.u32 s8, $0xF5;
	v5 =	vld [tilespmem:s9+$0x0]  }
0x117: {  	v6 =	vld [tilespmem:s0+$0x20]  }
0x118: {  	v7 =	vld [tilespmem:s9+$0x10]  }
0x119: {  	v8 =	vld [tilespmem:s9+$0xFFFFFFE0]  }
0x11a: {  	v9 =	vld [tilespmem:s0+$0xFFFFFFE0]  }
0x11b: {  	v10 =	vld [tilespmem:s0+$0xFFFFFFF0]  }
0x11c: {  	s1 =	sadd.s32 $0x50, s1;
	[tilespmem:v3+s2+$0x0] =	vst.idx.add.f32.msk $0xffff, v6  }
0x11d: {  	v6 =	vld [tilespmem:s1+$0x20]  }
0x11e: {  	v11 =	vld [tilespmem:s0+$0x0]  }
0x11f: {  	v12 =	vld [tilespmem:s0+$0x10]  }
0x120: {  	[tilespmem:v4+s2+$0x0] =	vst.idx.add.f32.msk $0xffff, v10  }
0x121: {  	[tilespmem:v8+s2+$0x0] =	vst.idx.add.f32.msk $0xffff, v9  }
0x122: {  	[tilespmem:v3+s25+$0x0] =	vst.idx.add.f32.msk $0xffff, v6  }
0x123: {  	[tilespmem:v3+s26+$0x0] =	vst.idx.add.f32.msk $0xffff, v1  }
0x124: {  	[tilespmem:v5+s2+$0x0] =	vst.idx.add.f32.msk $0xffff, v11  }
0x125: {  	[tilespmem:v7+s2+$0x0] =	vst.idx.add.f32.msk $0xffff, v12  }
0x126: {  	v3 =	vld [tilespmem:s1+$0xFFFFFFE0]  }
0x127: {  	v6 =	vld [tilespmem:s1+$0xFFFFFFF0]  }
0x128: {  	v9 =	vld [tilespmem:s1+$0x0]  }
0x129: {  	v10 =	vld [tilespmem:s1+$0x10]  }
0x12a: {  	[tilespmem:v2+s26+$0x0] =	vst.idx.add.f32.msk $0xffff, v1;
	v2 =	vmov v7  }
0x12b: {  	[tilespmem:v8+s25+$0x0] =	vst.idx.add.f32.msk $0xffff, v3  }
0x12c: {  	[tilespmem:v8+s26+$0x0] =	vst.idx.add.f32.msk $0xffff, v1  }
.Ltmp5:
0x12d: {  	[tilespmem:v4+s25+$0x0] =	vst.idx.add.f32.msk $0xffff, v6;
	(pc) =	sbr.rel @p0 .LBB2_12-.Ltmp5, $4  }
0x12e: {  	[tilespmem:v4+s26+$0x0] =	vst.idx.add.f32.msk $0xffff, v1  }
0x12f: {  	[tilespmem:v5+s25+$0x0] =	vst.idx.add.f32.msk $0xffff, v9  }
0x130: {  	[tilespmem:v5+s26+$0x0] =	vst.idx.add.f32.msk $0xffff, v1  }
0x131: {  	s9 =	sadd.s32 $0x50, s9;
	[tilespmem:v7+s25+$0x0] =	vst.idx.add.f32.msk $0xffff, v10  }
0x132: {  	_ =	sdelay $0x3  }
0x133: {  	[tilespmem:v2+s26+$0x0] =	vst.idx.add.f32.msk $0xffff, v1  }
0x134: {  	v2 =	vld [tilespmem:s31+$0x10]  }
0x135: {  	v3 =	vld [tilespmem:s31+$0x0];
	_ =	sdelay $0x2  }
0x136: {  	v4 =	vld [tilespmem:s31+$0xFFFFFFF0]  }
0x137: {  	s0 =	simm.s32 $0x10060;
	v5 =	vld [tilespmem:s31+$0xFFFFFFE0];
	v2 =	vmax.f32 v2, $1.000000000e+00  }
0x138: {  	v3 =	vmax.f32 v3, $1.000000000e+00;
	(erf) = vrcp.f32 v2;
	v2 =	vld [tilespmem:s0+$0x10]  }
0x139: {  	(erf) = vrcp.f32 v3;
	v3 =	vld [tilespmem:s0+$0x0]  }
0x13a: {  	v6 =	vld [tilespmem:s0+$0xFFFFFFF0]  }
0x13b: {  	v7 =	vld [tilespmem:s0+$0xFFFFFFE0];
	v4 =	vmax.f32 v4, $1.000000000e+00  }
0x13c: {  	v5 =	vmax.f32 v5, $1.000000000e+00;
	(erf) = vrcp.f32 v4  }
0x13d: {  	s9 =	simm.s32 $0x100A0;
	(erf) = vrcp.f32 v5;
	v2 =	vmax.f32 v2, $1.000000000e+00  }
0x13e: {  	v8 =	vld [tilespmem:s9+$0x10];
	v3 =	vmax.f32 v3, $1.000000000e+00;
	(erf) = vrcp.f32 v2  }
0x13f: {  	v4 =	vmax.f32 v6, $1.000000000e+00;
	(erf) = vrcp.f32 v3  }
0x140: {  	v5 =	vmax.f32 v7, $1.000000000e+00;
	v2 =	vld [tilespmem:s9+$0xFFFFFFF0];
	(erf) = vrcp.f32 v4  }
0x141: {  	v3 =	vld [tilespmem:s9+$0x0];
	v6 =	vpop (erf);
	(erf) = vrcp.f32 v5  }
0x142: {  	s1 =	simm.s32 $0x4;
	s15 =	simm.s32 $0x8;
	v4 =	vld [tilespmem:s9+$0xFFFFFFE0]  }
0x143: {  	s16 =	simm.s32 $0x100E0;
	s14 =	simm.s32 $0x10020;
	s13 =	simm.s32 $0x10060;
	v5 =	vmax.f32 v8, $1.000000000e+00;
	[tilespmem:s31+$0x10] =	vst v6;
	v6 =	vpop (erf)  }
.LBB2_14:
0x144: {  	s15 =	sadd.s32 $0x4, s15  }
0x145: {  	v7 =	vld [tilespmem:s16+$0x10];
	[tilespmem:s14+$0x0] =	vst v6;
	s8 =	simm.s32 $0x8020;
	s12 =	simm.s32 $0x20;
	v6 =	vpop (erf);
	p0 =	slt.u32 s15, $0x7FC  }
.Ltmp6:
0x146: {  	v8 =	vmax.f32 v2, $1.000000000e+00;
	v2 =	vld [tilespmem:s16+$0xFFFFFFF0];
	v9 =	vmax.f32 v3, $1.000000000e+00;
	(erf) = vrcp.f32 v5;
	[tilespmem:s14+$0xFFFFFFF0] =	vst v6;
	v5 =	vpop (erf);
	(pc) =	sbr.rel @p0 .LBB2_14-.Ltmp6, $4  }
0x147: {  	v3 =	vld [tilespmem:s16+$0x0];
	v10 =	vmax.f32 v4, $1.000000000e+00;
	(erf) = vrcp.f32 v9;
	[tilespmem:s14+$0xFFFFFFE0] =	vst v5;
	s14 =	smov.u32 s13;
	s13 =	smov.u32 s9;
	s9 =	smov.u32 s16  }
0x148: {  	v4 =	vld [tilespmem:s16+$0xFFFFFFE0];
	(erf) = vrcp.f32 v8  }
0x149: {  	(erf) = vrcp.f32 v10;
	v6 =	vpop (erf)  }
0x14a: {  	s16 =	sadd.s32 $0x40, s16;
	v5 =	vmax.f32 v7, $1.000000000e+00;
	[tilespmem:s14+$0x10] =	vst v6;
	v6 =	vpop (erf)  }
0x14b: {  	_ = 	snop  }
0x14c: {  	(erf) = vrcp.f32 v5;
	v2 =	vmax.f32 v2, $1.000000000e+00;
	v3 =	vmax.f32 v3, $1.000000000e+00  }
0x14d: {  	(erf) = vrcp.f32 v3;
	v3 =	vmax.f32 v4, $1.000000000e+00  }
0x14e: {  	(erf) = vrcp.f32 v2  }
0x14f: {  	[tilespmem:s14+$0x0] =	vst v6;
	v2 =	vpop (erf);
	(erf) = vrcp.f32 v3  }
0x150: {  	[tilespmem:s14+$0xFFFFFFF0] =	vst v2;
	v3 =	vpop (erf)  }
0x151: {  	[tilespmem:s14+$0xFFFFFFE0] =	vst v3;
	v2 =	vpop (erf)  }
0x152: {  	[tilespmem:s13+$0x10] =	vst v2;
	v2 =	vpop (erf)  }
0x153: {  	[tilespmem:s13+$0x0] =	vst v2;
	v2 =	vpop (erf)  }
0x154: {  	[tilespmem:s13+$0xFFFFFFF0] =	vst v2;
	v2 =	vpop (erf)  }
0x155: {  	[tilespmem:s13+$0xFFFFFFE0] =	vst v2;
	v2 =	vpop (erf)  }
0x156: {  	[tilespmem:s9+$0x10] =	vst v2;
	v2 =	vpop (erf)  }
0x157: {  	[tilespmem:s9+$0x0] =	vst v2;
	v2 =	vpop (erf)  }
0x158: {  	[tilespmem:s9+$0xFFFFFFF0] =	vst v2;
	v2 =	vpop (erf)  }
0x159: {  	[tilespmem:s9+$0xFFFFFFE0] =	vst v2  }
0x15a: {  	v2 =	vld [tilespmem:s12+$0x10]  }
0x15b: {  	v3 =	vld [tilespmem:s31+$0x10]  }
0x15c: {  	v4 =	vld [tilespmem:s31+$0xFFFFFFE0]  }
0x15d: {  	v5 =	vld [tilespmem:s12+$0xFFFFFFF0]  }
0x15e: {  	v6 =	vld [tilespmem:s31+$0xFFFFFFF0]  }
0x15f: {  	v7 =	vld [tilespmem:s12+$0x0]  }
0x160: {  	v8 =	vld [tilespmem:s31+$0x0]  }
0x161: {  	v9 =	vld [tilespmem:s0+$0x10]  }
0x162: {  	s16 =	simm.s32 $0x60;
	v10 =	vld [tilespmem:s0+$0xFFFFFFE0]  }
0x163: {  	v11 =	vld [tilespmem:s16+$0xFFFFFFF0]  }
0x164: {  	v12 =	vld [tilespmem:s0+$0xFFFFFFF0]  }
0x165: {  	v13 =	vld [tilespmem:s16+$0x0];
	v2 =	vmul.f32 v3, v2  }
0x166: {  	v3 =	vld [tilespmem:s12+$0xFFFFFFE0]  }
0x167: {  	v14 =	vld [tilespmem:s0+$0x0];
	[tilespmem:s12+$0x10] =	vst v2;
	v2 =	vmul.f32 v6, v5  }
0x168: {  	v5 =	vld [tilespmem:s8+$0x10]  }
0x169: {  	[tilespmem:s12+$0xFFFFFFF0] =	vst v2;
	v2 =	vmul.f32 v8, v7;
	v8 =	vld [tilespmem:s16+$0x10]  }
0x16a: {  	v6 =	vld [tilespmem:s31+$0x10]  }
0x16b: {  	v3 =	vmul.f32 v4, v3;
	v4 =	vld [tilespmem:s8+$0xFFFFFFF0]  }
0x16c: {  	v7 =	vld [tilespmem:s31+$0xFFFFFFF0];
	[tilespmem:s12+$0x0] =	vst v2  }
0x16d: {  	[tilespmem:s12+$0xFFFFFFE0] =	vst v3;
	v2 =	vld [tilespmem:s8+$0x0]  }
0x16e: {  	v3 =	vld [tilespmem:s8+$0xFFFFFFE0];
	v8 =	vmul.f32 v9, v8  }
0x16f: {  	v9 =	vld [tilespmem:s16+$0xFFFFFFE0]  }
0x170: {  	s9 =	simm.s32 $0x8060;
	v5 =	vmul.f32 v6, v5;
	v6 =	vld [tilespmem:s31+$0xFFFFFFE0];
	[tilespmem:s16+$0x10] =	vst v8  }
0x171: {  	v8 =	vmul.f32 v12, v11;
	v11 =	vld [tilespmem:s9+$0x10]  }
0x172: {  	[tilespmem:s8+$0x10] =	vst v5;
	v4 =	vmul.f32 v7, v4;
	v63 =	vld [tilespmem:s0+$0x10]  }
0x173: {  	v5 =	vld [tilespmem:s31+$0x0];
	[tilespmem:s16+$0xFFFFFFF0] =	vst v8;
	v8 =	vmul.f32 v14, v13  }
0x174: {  	[tilespmem:s8+$0xFFFFFFF0] =	vst v4;
	v9 =	vmul.f32 v10, v9;
	v4 =	vld [tilespmem:s9+$0xFFFFFFF0]  }
0x175: {  	v7 =	vld [tilespmem:s0+$0xFFFFFFF0];
	v10 =	vmul.f32 v6, v3;
	[tilespmem:s16+$0x0] =	vst v8  }
0x176: {  	[tilespmem:s16+$0xFFFFFFE0] =	vst v9;
	v6 =	vld [tilespmem:s9+$0x0]  }
0x177: {  	s13 =	simm.s32 $0x10060;
	s12 =	simm.s32 $0xA0;
	[tilespmem:s8+$0xFFFFFFE0] =	vst v10;
	v3 =	vld [tilespmem:s9+$0xFFFFFFE0];
	v8 =	vmul.f32 v63, v11  }
.LBB2_16:
0x178: {  	v9 =	vld [tilespmem:s12+$0x10];
	s0 =	sadd.s32 $0x40, s0;
	v10 =	vmul.f32 v5, v2  }
0x179: {  	v5 =	vld [tilespmem:s0+$0x10];
	[tilespmem:s9+$0x10] =	vst v8  }
0x17a: {  	s1 =	sadd.s32 $0x4, s1;
	v8 =	vld [tilespmem:s0+$0xFFFFFFE0];
	v4 =	vmul.f32 v7, v4;
	[tilespmem:s8+$0x0] =	vst v10;
	s8 =	smov.u32 s9  }
0x17b: {  	p0 =	slt.u32 s1, $0x7FC;
	v7 =	vld [tilespmem:s12+$0xFFFFFFF0];
	v2 =	vmov v6  }
0x17c: {  	v6 =	vld [tilespmem:s0+$0xFFFFFFF0];
	[tilespmem:s9+$0xFFFFFFF0] =	vst v4  }
0x17d: {  	v4 =	vld [tilespmem:s12+$0x0]  }
0x17e: {  	v10 =	vld [tilespmem:s0+$0x0];
	v5 =	vmul.f32 v5, v9  }
0x17f: {  	v9 =	vld [tilespmem:s12+$0xFFFFFFE0]  }
0x180: {  	s9 =	sadd.s32 $0x40, s9;
	[tilespmem:s12+$0x10] =	vst v5;
	v11 =	vld [tilespmem:s13+$0xFFFFFFE0]  }
0x181: {  	v5 =	vmul.f32 v6, v7;
	v12 =	vld [tilespmem:s9+$0x10]  }
0x182: {  	v13 =	vld [tilespmem:s0+$0x10]  }
.Ltmp7:
0x183: {  	[tilespmem:s12+$0xFFFFFFF0] =	vst v5;
	v6 =	vmul.f32 v10, v4;
	v5 =	vld [tilespmem:s13+$0x0];
	s13 =	smov.u32 s0;
	(pc) =	sbr.rel @p0 .LBB2_16-.Ltmp7, $4  }
0x184: {  	v8 =	vmul.f32 v8, v9;
	v4 =	vld [tilespmem:s9+$0xFFFFFFF0]  }
0x185: {  	v7 =	vld [tilespmem:s0+$0xFFFFFFF0];
	[tilespmem:s12+$0x0] =	vst v6;
	v9 =	vmul.f32 v11, v3  }
0x186: {  	[tilespmem:s12+$0xFFFFFFE0] =	vst v8;
	v6 =	vld [tilespmem:s9+$0x0]  }
0x187: {  	s12 =	sadd.s32 $0x40, s12;
	v3 =	vld [tilespmem:s9+$0xFFFFFFE0];
	v8 =	vmul.f32 v13, v12;
	[tilespmem:s8+$0xFFFFFFE0] =	vst v9  }
0x188: {  	v9 =	vld [tilespmem:s13+$0xFFFFFFE0]  }
0x189: {  	v10 =	vld [tilespmem:s13+$0x0];
	_ =	sdelay $0x1  }
0x18a: {  	v2 =	vmul.f32 v5, v2  }
0x18b: {  	[tilespmem:s9+$0x10] =	vst v8;
	v4 =	vmul.f32 v7, v4  }
0x18c: {  	[tilespmem:s8+$0x0] =	vst v2;
	v2 =	vmul.f32 v9, v3  }
0x18d: {  	[tilespmem:s9+$0xFFFFFFF0] =	vst v4;
	v3 =	vmul.f32 v10, v6  }
0x18e: {  	[tilespmem:s9+$0xFFFFFFE0] =	vst v2  }
0x18f: {  	[tilespmem:s9+$0x0] =	vst v3  }
0x190: {  	[hbm4b:s10+s2] =	stream.linear.scatter [tilespmem:s2], [sflag:$0x3], $0x8000, $0x38;
	[tilespmem:$0x1E000] =	vst v63  }
0x191: {  	_ =	swait.ge [sflag:s29], $0x8000  }
0x192: {  	[sflag:s29] =	ssyncset.done $0x0  }
0x193: {  	s0 =	rddreg [dreg:$0x4];
	[sflag:s29] =	ssyncadd.s32 $0xFFFF8000  }
0x194: {  	[hbm4b:s0+s2] =	stream.linear.scatter [tilespmem:s25], [sflag:$0x3], $0x8000, $0x38;
	[tilespmem:$0x1E000] =	vst v63  }
0x195: {  	_ =	swait.ge [sflag:s29], $0x8000  }
0x196: {  	[sflag:s29] =	ssyncset.done $0x0  }
0x197: {  	s0 =	simm.s32 $0x40;
	[sflag:s29] =	ssyncadd.s32 $0xFFFF8000  }
0x198: {  	[tilespmem:s0+$0x30] =	vst v0  }
0x199: {  	[tilespmem:s0+$0xFFFFFFF0] =	vst v0  }
0x19a: {  	[tilespmem:s0+$0xFFFFFFC0] =	vst v0  }
0x19b: {  	[tilespmem:s0+$0xFFFFFFE0] =	vst v0  }
0x19c: {  	[tilespmem:s0+$0x10] =	vst v0  }
0x19d: {  	[tilespmem:s0+$0x20] =	vst v0  }
0x19e: {  	[tilespmem:s0+$0x0] =	vst v0  }
0x19f: {  	s1 =	simm.s32 $0x8040;
	[tilespmem:s0+$0xFFFFFFD0] =	vst v0  }
0x1a0: {  	[tilespmem:s1+$0xFFFFFFC0] =	vst v0  }
0x1a1: {  	[tilespmem:s1+$0x30] =	vst v0  }
0x1a2: {  	[tilespmem:s1+$0x20] =	vst v0  }
0x1a3: {  	[tilespmem:s1+$0x10] =	vst v0  }
0x1a4: {  	[tilespmem:s1+$0xFFFFFFE0] =	vst v0  }
0x1a5: {  	[tilespmem:s1+$0x0] =	vst v0  }
0x1a6: {  	s8 =	simm.s32 $0x0;
	[tilespmem:s1+$0xFFFFFFF0] =	vst v0  }
.LBB2_18:
0x1a7: {  	s8 =	sadd.s32 $0x8, s8;
	[tilespmem:s1+$0xFFFFFFD0] =	vst v0;
	s0 =	sadd.s32 $0x80, s0;
	s1 =	sadd.s32 $0x80, s1  }
0x1a8: {  	[tilespmem:s0+$0x30] =	vst v0;
	p0 =	slt.u32 s8, $0x7F8  }
0x1a9: {  	[tilespmem:s0+$0xFFFFFFF0] =	vst v0  }
0x1aa: {  	[tilespmem:s0+$0xFFFFFFC0] =	vst v0  }
0x1ab: {  	[tilespmem:s1+$0xFFFFFFC0] =	vst v0  }
0x1ac: {  	[tilespmem:s1+$0x30] =	vst v0  }
0x1ad: {  	[tilespmem:s0+$0xFFFFFFE0] =	vst v0  }
0x1ae: {  	[tilespmem:s0+$0x10] =	vst v0  }
0x1af: {  	[tilespmem:s0+$0x20] =	vst v0  }
0x1b0: {  	[tilespmem:s1+$0x20] =	vst v0  }
0x1b1: {  	[tilespmem:s1+$0x10] =	vst v0  }
.Ltmp8:
0x1b2: {  	[tilespmem:s1+$0xFFFFFFE0] =	vst v0;
	(pc) =	sbr.rel @p0 .LBB2_18-.Ltmp8, $4  }
0x1b3: {  	[tilespmem:s0+$0x0] =	vst v0  }
0x1b4: {  	[tilespmem:s1+$0x0] =	vst v0  }
0x1b5: {  	[tilespmem:s1+$0xFFFFFFF0] =	vst v0  }
0x1b6: {  	[tilespmem:s0+$0xFFFFFFD0] =	vst v0  }
0x1b7: {  	[tilespmem:s1+$0xFFFFFFD0] =	vst v0  }
0x1b8: {  	s31 =	simm.s32 $0x0;
	s0 =	rddreg [dreg:$0x5]  }
0x1b9: {  	[tilespmem:s18], [sflag:$0x1] =	stream.linear.gather [hbm4b:s0+s31], $0xFA0, $0x38;
	[tilespmem:$0x1E000] =	vst v63  }
0x1ba: {  	s16 =	rddreg [dreg:$0x6]  }
0x1bb: {  	[tilespmem:s19], [sflag:$0x1] =	stream.linear.gather [hbm4b:s16+s31], $0xFA0, $0x38;
	[tilespmem:$0x1E000] =	vst v63  }
0x1bc: {  	_ = 	snop  }
0x1bd: {  	[tilespmem:s20], [sflag:$0x1] =	stream.linear.gather [hbm4b:s4+s31], $0xFA0, $0x38;
	[tilespmem:$0x1E000] =	vst v63  }
.LBB2_20:
0x1be: {  	s0 =	smul.u32 $0x1F40, s31;
	_ =	sdelay $0x1  }
0x1bf: {  	s1 =	sadd.s32 $0xFA0, s0  }
0x1c0: {  	s8 =	sadd.s32 s7, s1  }
0x1c1: {  	s8 =	sshrl.u32 s8, $0x3  }
0x1c2: {  	s15 =	sadd.s32 s11, s1;
	s8 =	sadd.s32 s3, s8  }
0x1c3: {  	[tilespmem:s21], [sflag:$0x2] =	stream.linear.gather [hbm4b:s8+s2], $0xFA0, $0x38;
	[tilespmem:$0x1E000] =	vst v63  }
0x1c4: {  	s8 =	sshrl.u32 s15, $0x3  }
0x1c5: {  	s1 =	sshrl.u32 s1, $0x3;
	s8 =	sadd.s32 s3, s8  }
0x1c6: {  	[tilespmem:s22], [sflag:$0x2] =	stream.linear.gather [hbm4b:s8+s2], $0xFA0, $0x38;
	[tilespmem:$0x1E000] =	vst v63  }
0x1c7: {  	s1 =	sadd.s32 s4, s1  }
0x1c8: {  	[tilespmem:s23], [sflag:$0x2] =	stream.linear.gather [hbm4b:s1+s2], $0xFA0, $0x38;
	[tilespmem:$0x1E000] =	vst v63  }
0x1c9: {  	_ =	swait.ge [sflag:s24], $0xFA0  }
0x1ca: {  	[sflag:s24] =	ssyncset.done $0x0  }
0x1cb: {  	[sflag:s24] =	ssyncadd.s32 $0xFFFFF060  }
0x1cc: {  	_ =	swait.ge [sflag:s24], $0xFA0  }
0x1cd: {  	[sflag:s24] =	ssyncset.done $0x0  }
0x1ce: {  	[sflag:s24] =	ssyncadd.s32 $0xFFFFF060  }
0x1cf: {  	_ =	swait.ge [sflag:s24], $0xFA0  }
0x1d0: {  	[sflag:s24] =	ssyncset.done $0x0  }
0x1d1: {  	s16 =	simm.s32 $0x1C020;
	[sflag:s24] =	ssyncadd.s32 $0xFFFFF060  }
0x1d2: {  	v3 =	vld [tilespmem:s16+$0x20]  }
0x1d3: {  	v4 =	vld [tilespmem:s16+$0xFFFFFFF0]  }
0x1d4: {  	s1 =	simm.s32 $0x18020;
	v5 =	vld [tilespmem:s16+$0x0]  }
0x1d5: {  	v6 =	vld [tilespmem:s1+$0x20]  }
0x1d6: {  	v7 =	vld [tilespmem:s16+$0xFFFFFFE0]  }
0x1d7: {  	v2 =	vld [tilespmem:s16+$0x10]  }
0x1d8: {  	v9 =	vld [tilespmem:s1+$0xFFFFFFF0]  }
0x1d9: {  	v8 =	vld [tilespmem:s1+$0xFFFFFFE0]  }
0x1da: {  	v10 =	vld [tilespmem:s1+$0x0]  }
0x1db: {  	v11 =	vld [tilespmem:s1+$0x10]  }
0x1dc: {  	[tilespmem:v3+s2+$0x0] =	vst.idx.add.f32.msk $0xffff, v6  }
0x1dd: {  	[tilespmem:v4+s2+$0x0] =	vst.idx.add.f32.msk $0xffff, v9  }
0x1de: {  	[tilespmem:v7+s2+$0x0] =	vst.idx.add.f32.msk $0xffff, v8  }
0x1df: {  	s8 =	simm.s32 $0x19020;
	[tilespmem:v5+s2+$0x0] =	vst.idx.add.f32.msk $0xffff, v10  }
0x1e0: {  	v6 =	vld [tilespmem:s8+$0x20]  }
0x1e1: {  	[tilespmem:v2+s2+$0x0] =	vst.idx.add.f32.msk $0xffff, v11  }
0x1e2: {  	v61 =	vld [tilespmem:s8+$0xFFFFFFE0]  }
0x1e3: {  	v62 =	vld [tilespmem:s8+$0xFFFFFFF0]  }
0x1e4: {  	v63 =	vld [tilespmem:s8+$0x0]  }
0x1e5: {  	[tilespmem:v3+s25+$0x0] =	vst.idx.add.f32.msk $0xffff, v6  }
0x1e6: {  	v3 =	vld [tilespmem:s8+$0x10];
	_ =	sdelay $0x1  }
0x1e7: {  	[tilespmem:v7+s25+$0x0] =	vst.idx.add.f32.msk $0xffff, v61  }
0x1e8: {  	[tilespmem:v4+s25+$0x0] =	vst.idx.add.f32.msk $0xffff, v62  }
0x1e9: {  	s9 =	simm.s32 $0x0;
	s12 =	simm.s32 $0x1C070;
	[tilespmem:v5+s25+$0x0] =	vst.idx.add.f32.msk $0xffff, v63  }
.LBB2_21:
0x1ea: {  	v4 =	vld [tilespmem:s12+$0x20];
	s9 =	sadd.s32 $0x5, s9;
	v5 =	vmov v3  }
0x1eb: {  	v6 =	vld [tilespmem:s12+$0xFFFFFFF0];
	p0 =	slt.u32 s9, $0xF5  }
0x1ec: {  	s1 =	sadd.s32 $0x50, s1;
	v7 =	vld [tilespmem:s12+$0x0]  }
0x1ed: {  	v3 =	vld [tilespmem:s1+$0x20]  }
0x1ee: {  	v8 =	vld [tilespmem:s12+$0x10]  }
0x1ef: {  	v9 =	vld [tilespmem:s12+$0xFFFFFFE0]  }
0x1f0: {  	v10 =	vld [tilespmem:s1+$0xFFFFFFE0]  }
0x1f1: {  	v11 =	vld [tilespmem:s1+$0xFFFFFFF0]  }
0x1f2: {  	s8 =	sadd.s32 $0x50, s8;
	[tilespmem:v4+s2+$0x0] =	vst.idx.add.f32.msk $0xffff, v3  }
0x1f3: {  	v3 =	vld [tilespmem:s8+$0x20]  }
0x1f4: {  	v12 =	vld [tilespmem:s1+$0x0]  }
0x1f5: {  	v13 =	vld [tilespmem:s1+$0x10]  }
0x1f6: {  	[tilespmem:v6+s2+$0x0] =	vst.idx.add.f32.msk $0xffff, v11  }
0x1f7: {  	[tilespmem:v9+s2+$0x0] =	vst.idx.add.f32.msk $0xffff, v10  }
0x1f8: {  	[tilespmem:v4+s25+$0x0] =	vst.idx.add.f32.msk $0xffff, v3  }
0x1f9: {  	[tilespmem:v7+s2+$0x0] =	vst.idx.add.f32.msk $0xffff, v12  }
0x1fa: {  	[tilespmem:v8+s2+$0x0] =	vst.idx.add.f32.msk $0xffff, v13  }
0x1fb: {  	v4 =	vld [tilespmem:s8+$0xFFFFFFE0]  }
0x1fc: {  	v10 =	vld [tilespmem:s8+$0xFFFFFFF0]  }
0x1fd: {  	v11 =	vld [tilespmem:s8+$0x0]  }
.Ltmp9:
0x1fe: {  	v3 =	vld [tilespmem:s8+$0x10];
	(pc) =	sbr.rel @p0 .LBB2_21-.Ltmp9, $4  }
0x1ff: {  	[tilespmem:v2+s25+$0x0] =	vst.idx.add.f32.msk $0xffff, v5;
	v2 =	vmov v8  }
0x200: {  	[tilespmem:v9+s25+$0x0] =	vst.idx.add.f32.msk $0xffff, v4  }
0x201: {  	[tilespmem:v6+s25+$0x0] =	vst.idx.add.f32.msk $0xffff, v10  }
0x202: {  	s12 =	sadd.s32 $0x50, s12;
	[tilespmem:v7+s25+$0x0] =	vst.idx.add.f32.msk $0xffff, v11  }
0x203: {  	_ = 	snop  }
0x204: {  	s0 =	sadd.s32 $0x1F40, s0  }
0x205: {  	s1 =	sadd.s32 s7, s0  }
0x206: {  	s1 =	sshrl.u32 s1, $0x3  }
0x207: {  	[tilespmem:v2+s25+$0x0] =	vst.idx.add.f32.msk $0xffff, v3;
	s15 =	sadd.s32 s11, s0;
	s1 =	sadd.s32 s3, s1  }
0x208: {  	[tilespmem:s18], [sflag:$0x1] =	stream.linear.gather [hbm4b:s1+s2], $0xFA0, $0x38;
	[tilespmem:$0x1E000] =	vst v63  }
0x209: {  	s1 =	sshrl.u32 s15, $0x3  }
0x20a: {  	s0 =	sshrl.u32 s0, $0x3;
	s1 =	sadd.s32 s3, s1  }
0x20b: {  	[tilespmem:s19], [sflag:$0x1] =	stream.linear.gather [hbm4b:s1+s2], $0xFA0, $0x38;
	[tilespmem:$0x1E000] =	vst v63  }
0x20c: {  	s0 =	sadd.s32 s4, s0  }
0x20d: {  	[tilespmem:s20], [sflag:$0x1] =	stream.linear.gather [hbm4b:s0+s2], $0xFA0, $0x38;
	[tilespmem:$0x1E000] =	vst v63  }
0x20e: {  	_ =	swait.ge [sflag:s28], $0xFA0  }
0x20f: {  	[sflag:s28] =	ssyncset.done $0x0  }
0x210: {  	[sflag:s28] =	ssyncadd.s32 $0xFFFFF060  }
0x211: {  	_ =	swait.ge [sflag:s28], $0xFA0  }
0x212: {  	[sflag:s28] =	ssyncset.done $0x0  }
0x213: {  	[sflag:s28] =	ssyncadd.s32 $0xFFFFF060  }
0x214: {  	_ =	swait.ge [sflag:s28], $0xFA0  }
0x215: {  	[sflag:s28] =	ssyncset.done $0x0  }
0x216: {  	s16 =	simm.s32 $0x1D020;
	[sflag:s28] =	ssyncadd.s32 $0xFFFFF060  }
0x217: {  	v3 =	vld [tilespmem:s16+$0x20]  }
0x218: {  	v4 =	vld [tilespmem:s16+$0xFFFFFFF0]  }
0x219: {  	s0 =	simm.s32 $0x1A020;
	v5 =	vld [tilespmem:s16+$0x0]  }
0x21a: {  	v6 =	vld [tilespmem:s0+$0x20]  }
0x21b: {  	v7 =	vld [tilespmem:s16+$0xFFFFFFE0]  }
0x21c: {  	v2 =	vld [tilespmem:s16+$0x10]  }
0x21d: {  	v9 =	vld [tilespmem:s0+$0xFFFFFFF0]  }
0x21e: {  	v8 =	vld [tilespmem:s0+$0xFFFFFFE0]  }
0x21f: {  	v10 =	vld [tilespmem:s0+$0x0]  }
0x220: {  	v11 =	vld [tilespmem:s0+$0x10]  }
0x221: {  	[tilespmem:v3+s2+$0x0] =	vst.idx.add.f32.msk $0xffff, v6  }
0x222: {  	[tilespmem:v4+s2+$0x0] =	vst.idx.add.f32.msk $0xffff, v9  }
0x223: {  	[tilespmem:v7+s2+$0x0] =	vst.idx.add.f32.msk $0xffff, v8  }
0x224: {  	s1 =	simm.s32 $0x1B020;
	[tilespmem:v5+s2+$0x0] =	vst.idx.add.f32.msk $0xffff, v10  }
0x225: {  	v6 =	vld [tilespmem:s1+$0x20]  }
0x226: {  	[tilespmem:v2+s2+$0x0] =	vst.idx.add.f32.msk $0xffff, v11  }
0x227: {  	v61 =	vld [tilespmem:s1+$0xFFFFFFE0]  }
0x228: {  	v62 =	vld [tilespmem:s1+$0xFFFFFFF0]  }
0x229: {  	v63 =	vld [tilespmem:s1+$0x0]  }
0x22a: {  	[tilespmem:v3+s25+$0x0] =	vst.idx.add.f32.msk $0xffff, v6  }
0x22b: {  	v3 =	vld [tilespmem:s1+$0x10];
	_ =	sdelay $0x1  }
0x22c: {  	[tilespmem:v7+s25+$0x0] =	vst.idx.add.f32.msk $0xffff, v61  }
0x22d: {  	[tilespmem:v4+s25+$0x0] =	vst.idx.add.f32.msk $0xffff, v62  }
0x22e: {  	s8 =	simm.s32 $0x0;
	s9 =	simm.s32 $0x1D070;
	[tilespmem:v5+s25+$0x0] =	vst.idx.add.f32.msk $0xffff, v63  }
.LBB2_23:
0x22f: {  	v4 =	vld [tilespmem:s9+$0x20];
	s8 =	sadd.s32 $0x5, s8;
	v5 =	vmov v3  }
0x230: {  	v6 =	vld [tilespmem:s9+$0xFFFFFFF0];
	p0 =	slt.u32 s8, $0xF5  }
0x231: {  	s0 =	sadd.s32 $0x50, s0;
	v7 =	vld [tilespmem:s9+$0x0]  }
0x232: {  	v3 =	vld [tilespmem:s0+$0x20]  }
0x233: {  	v8 =	vld [tilespmem:s9+$0x10]  }
0x234: {  	v9 =	vld [tilespmem:s9+$0xFFFFFFE0]  }
0x235: {  	v10 =	vld [tilespmem:s0+$0xFFFFFFE0]  }
0x236: {  	v11 =	vld [tilespmem:s0+$0xFFFFFFF0]  }
0x237: {  	s1 =	sadd.s32 $0x50, s1;
	[tilespmem:v4+s2+$0x0] =	vst.idx.add.f32.msk $0xffff, v3  }
0x238: {  	v3 =	vld [tilespmem:s1+$0x20]  }
0x239: {  	v12 =	vld [tilespmem:s0+$0x0]  }
0x23a: {  	v13 =	vld [tilespmem:s0+$0x10]  }
0x23b: {  	[tilespmem:v6+s2+$0x0] =	vst.idx.add.f32.msk $0xffff, v11  }
0x23c: {  	[tilespmem:v9+s2+$0x0] =	vst.idx.add.f32.msk $0xffff, v10  }
0x23d: {  	[tilespmem:v4+s25+$0x0] =	vst.idx.add.f32.msk $0xffff, v3  }
0x23e: {  	[tilespmem:v7+s2+$0x0] =	vst.idx.add.f32.msk $0xffff, v12  }
0x23f: {  	[tilespmem:v8+s2+$0x0] =	vst.idx.add.f32.msk $0xffff, v13  }
0x240: {  	v4 =	vld [tilespmem:s1+$0xFFFFFFE0]  }
0x241: {  	v10 =	vld [tilespmem:s1+$0xFFFFFFF0]  }
0x242: {  	v11 =	vld [tilespmem:s1+$0x0]  }
.Ltmp10:
0x243: {  	v3 =	vld [tilespmem:s1+$0x10];
	(pc) =	sbr.rel @p0 .LBB2_23-.Ltmp10, $4  }
0x244: {  	[tilespmem:v2+s25+$0x0] =	vst.idx.add.f32.msk $0xffff, v5;
	v2 =	vmov v8  }
0x245: {  	[tilespmem:v9+s25+$0x0] =	vst.idx.add.f32.msk $0xffff, v4  }
0x246: {  	[tilespmem:v6+s25+$0x0] =	vst.idx.add.f32.msk $0xffff, v10  }
0x247: {  	s9 =	sadd.s32 $0x50, s9;
	[tilespmem:v7+s25+$0x0] =	vst.idx.add.f32.msk $0xffff, v11  }
0x248: {  	s31 =	sadd.s32 $0x1, s31  }
0x249: {  	p0 =	sne.s32 s31, $0xC  }
.Ltmp11:
0x24a: {  	_ = 	snop;
	(pc) =	sbr.rel @p0 .LBB2_20-.Ltmp11, $2  }
0x24b: {  	_ =	sdelay $0x2  }
0x24c: {  	[tilespmem:v2+s25+$0x0] =	vst.idx.add.f32.msk $0xffff, v3  }
0x24d: {  	_ =	swait.ge [sflag:s24], $0xFA0  }
0x24e: {  	[sflag:s24] =	ssyncset.done $0x0  }
0x24f: {  	[sflag:s24] =	ssyncadd.s32 $0xFFFFF060  }
0x250: {  	_ =	swait.ge [sflag:s24], $0xFA0  }
0x251: {  	[sflag:s24] =	ssyncset.done $0x0  }
0x252: {  	[sflag:s24] =	ssyncadd.s32 $0xFFFFF060  }
0x253: {  	_ =	swait.ge [sflag:s24], $0xFA0  }
0x254: {  	[sflag:s24] =	ssyncset.done $0x0  }
0x255: {  	s0 =	simm.s32 $0x1C020;
	[sflag:s24] =	ssyncadd.s32 $0xFFFFF060  }
0x256: {  	v3 =	vld [tilespmem:s0+$0x20]  }
0x257: {  	v4 =	vld [tilespmem:s0+$0xFFFFFFF0]  }
0x258: {  	s1 =	simm.s32 $0x18020;
	v5 =	vld [tilespmem:s0+$0x0]  }
0x259: {  	v6 =	vld [tilespmem:s1+$0x20]  }
0x25a: {  	v7 =	vld [tilespmem:s0+$0xFFFFFFE0]  }
0x25b: {  	v2 =	vld [tilespmem:s0+$0x10]  }
0x25c: {  	v9 =	vld [tilespmem:s1+$0xFFFFFFF0]  }
0x25d: {  	v8 =	vld [tilespmem:s1+$0xFFFFFFE0]  }
0x25e: {  	v10 =	vld [tilespmem:s1+$0x0]  }
0x25f: {  	v11 =	vld [tilespmem:s1+$0x10]  }
0x260: {  	[tilespmem:v3+s2+$0x0] =	vst.idx.add.f32.msk $0xffff, v6  }
0x261: {  	[tilespmem:v4+s2+$0x0] =	vst.idx.add.f32.msk $0xffff, v9  }
0x262: {  	[tilespmem:v7+s2+$0x0] =	vst.idx.add.f32.msk $0xffff, v8  }
0x263: {  	s8 =	simm.s32 $0x19020;
	[tilespmem:v5+s2+$0x0] =	vst.idx.add.f32.msk $0xffff, v10  }
0x264: {  	v6 =	vld [tilespmem:s8+$0x20]  }
0x265: {  	[tilespmem:v2+s2+$0x0] =	vst.idx.add.f32.msk $0xffff, v11  }
0x266: {  	v61 =	vld [tilespmem:s8+$0xFFFFFFE0]  }
0x267: {  	v62 =	vld [tilespmem:s8+$0xFFFFFFF0]  }
0x268: {  	v63 =	vld [tilespmem:s8+$0x0]  }
0x269: {  	[tilespmem:v3+s25+$0x0] =	vst.idx.add.f32.msk $0xffff, v6  }
0x26a: {  	v3 =	vld [tilespmem:s8+$0x10];
	_ =	sdelay $0x1  }
0x26b: {  	[tilespmem:v7+s25+$0x0] =	vst.idx.add.f32.msk $0xffff, v61  }
0x26c: {  	[tilespmem:v4+s25+$0x0] =	vst.idx.add.f32.msk $0xffff, v62  }
0x26d: {  	s12 =	simm.s32 $0x0;
	s31 =	simm.s32 $0x1C070;
	[tilespmem:v5+s25+$0x0] =	vst.idx.add.f32.msk $0xffff, v63  }
.LBB2_26:
0x26e: {  	v4 =	vld [tilespmem:s31+$0x20];
	s12 =	sadd.s32 $0x5, s12;
	v5 =	vmov v3  }
0x26f: {  	v6 =	vld [tilespmem:s31+$0xFFFFFFF0];
	p0 =	slt.u32 s12, $0xF5  }
0x270: {  	s1 =	sadd.s32 $0x50, s1;
	v7 =	vld [tilespmem:s31+$0x0]  }
0x271: {  	v3 =	vld [tilespmem:s1+$0x20]  }
0x272: {  	v8 =	vld [tilespmem:s31+$0x10]  }
0x273: {  	v9 =	vld [tilespmem:s31+$0xFFFFFFE0]  }
0x274: {  	v10 =	vld [tilespmem:s1+$0xFFFFFFE0]  }
0x275: {  	v11 =	vld [tilespmem:s1+$0xFFFFFFF0]  }
0x276: {  	s8 =	sadd.s32 $0x50, s8;
	[tilespmem:v4+s2+$0x0] =	vst.idx.add.f32.msk $0xffff, v3  }
0x277: {  	v3 =	vld [tilespmem:s8+$0x20]  }
0x278: {  	v12 =	vld [tilespmem:s1+$0x0]  }
0x279: {  	v13 =	vld [tilespmem:s1+$0x10]  }
0x27a: {  	[tilespmem:v6+s2+$0x0] =	vst.idx.add.f32.msk $0xffff, v11  }
0x27b: {  	s13 =	simm.s32 $0x20;
	[tilespmem:v9+s2+$0x0] =	vst.idx.add.f32.msk $0xffff, v10  }
0x27c: {  	s0 =	simm.s32 $0x8020;
	s9 =	simm.s32 $0x10020;
	[tilespmem:v4+s25+$0x0] =	vst.idx.add.f32.msk $0xffff, v3  }
0x27d: {  	[tilespmem:v7+s2+$0x0] =	vst.idx.add.f32.msk $0xffff, v12  }
0x27e: {  	[tilespmem:v8+s2+$0x0] =	vst.idx.add.f32.msk $0xffff, v13  }
0x27f: {  	v4 =	vld [tilespmem:s8+$0xFFFFFFE0]  }
0x280: {  	v10 =	vld [tilespmem:s8+$0xFFFFFFF0]  }
0x281: {  	v11 =	vld [tilespmem:s8+$0x0]  }
.Ltmp12:
0x282: {  	v3 =	vld [tilespmem:s8+$0x10];
	(pc) =	sbr.rel @p0 .LBB2_26-.Ltmp12, $4  }
0x283: {  	[tilespmem:v2+s25+$0x0] =	vst.idx.add.f32.msk $0xffff, v5;
	v2 =	vmov v8  }
0x284: {  	[tilespmem:v9+s25+$0x0] =	vst.idx.add.f32.msk $0xffff, v4  }
0x285: {  	[tilespmem:v6+s25+$0x0] =	vst.idx.add.f32.msk $0xffff, v10  }
0x286: {  	s31 =	sadd.s32 $0x50, s31;
	[tilespmem:v7+s25+$0x0] =	vst.idx.add.f32.msk $0xffff, v11  }
0x287: {  	_ =	sdelay $0x3  }
0x288: {  	[tilespmem:v2+s25+$0x0] =	vst.idx.add.f32.msk $0xffff, v3  }
0x289: {  	v2 =	vld [tilespmem:s13+$0x10]  }
0x28a: {  	v3 =	vld [tilespmem:s9+$0x10]  }
0x28b: {  	v4 =	vld [tilespmem:s9+$0xFFFFFFE0]  }
0x28c: {  	v5 =	vld [tilespmem:s13+$0xFFFFFFF0]  }
0x28d: {  	v6 =	vld [tilespmem:s9+$0xFFFFFFF0]  }
0x28e: {  	v7 =	vld [tilespmem:s13+$0x0]  }
0x28f: {  	s1 =	simm.s32 $0x10060;
	v8 =	vld [tilespmem:s9+$0x0]  }
0x290: {  	v9 =	vld [tilespmem:s1+$0x10]  }
0x291: {  	s12 =	simm.s32 $0x60;
	v10 =	vld [tilespmem:s1+$0xFFFFFFE0]  }
0x292: {  	v11 =	vld [tilespmem:s12+$0xFFFFFFF0]  }
0x293: {  	v12 =	vld [tilespmem:s1+$0xFFFFFFF0]  }
0x294: {  	v13 =	vld [tilespmem:s12+$0x0];
	v2 =	vmul.f32 v3, v2  }
0x295: {  	v3 =	vld [tilespmem:s13+$0xFFFFFFE0]  }
0x296: {  	v14 =	vld [tilespmem:s1+$0x0];
	[tilespmem:s13+$0x10] =	vst v2;
	v2 =	vmul.f32 v6, v5  }
0x297: {  	v5 =	vld [tilespmem:s0+$0x10]  }
0x298: {  	[tilespmem:s13+$0xFFFFFFF0] =	vst v2;
	v2 =	vmul.f32 v8, v7;
	v8 =	vld [tilespmem:s12+$0x10]  }
0x299: {  	v6 =	vld [tilespmem:s9+$0x10]  }
0x29a: {  	v3 =	vmul.f32 v4, v3;
	v4 =	vld [tilespmem:s0+$0xFFFFFFF0]  }
0x29b: {  	v7 =	vld [tilespmem:s9+$0xFFFFFFF0];
	[tilespmem:s13+$0x0] =	vst v2  }
0x29c: {  	[tilespmem:s13+$0xFFFFFFE0] =	vst v3;
	v2 =	vld [tilespmem:s0+$0x0]  }
0x29d: {  	v3 =	vld [tilespmem:s0+$0xFFFFFFE0];
	v8 =	vmul.f32 v9, v8  }
0x29e: {  	v9 =	vld [tilespmem:s12+$0xFFFFFFE0]  }
0x29f: {  	s8 =	simm.s32 $0x8060;
	v5 =	vmul.f32 v6, v5;
	v6 =	vld [tilespmem:s9+$0xFFFFFFE0];
	[tilespmem:s12+$0x10] =	vst v8  }
0x2a0: {  	v8 =	vmul.f32 v12, v11;
	v11 =	vld [tilespmem:s8+$0x10]  }
0x2a1: {  	[tilespmem:s0+$0x10] =	vst v5;
	v4 =	vmul.f32 v7, v4;
	v63 =	vld [tilespmem:s1+$0x10]  }
0x2a2: {  	v5 =	vld [tilespmem:s9+$0x0];
	[tilespmem:s12+$0xFFFFFFF0] =	vst v8;
	v8 =	vmul.f32 v14, v13  }
0x2a3: {  	[tilespmem:s0+$0xFFFFFFF0] =	vst v4;
	v9 =	vmul.f32 v10, v9;
	v4 =	vld [tilespmem:s8+$0xFFFFFFF0]  }
0x2a4: {  	v7 =	vld [tilespmem:s1+$0xFFFFFFF0];
	v10 =	vmul.f32 v6, v3;
	[tilespmem:s12+$0x0] =	vst v8  }
0x2a5: {  	[tilespmem:s12+$0xFFFFFFE0] =	vst v9;
	v6 =	vld [tilespmem:s8+$0x0]  }
0x2a6: {  	s13 =	simm.s32 $0x10060;
	s9 =	simm.s32 $0x4;
	s12 =	simm.s32 $0xA0;
	[tilespmem:s0+$0xFFFFFFE0] =	vst v10;
	v3 =	vld [tilespmem:s8+$0xFFFFFFE0];
	v8 =	vmul.f32 v63, v11  }
.LBB2_28:
0x2a7: {  	v9 =	vld [tilespmem:s12+$0x10];
	s1 =	sadd.s32 $0x40, s1;
	v10 =	vmul.f32 v5, v2  }
0x2a8: {  	v5 =	vld [tilespmem:s1+$0x10];
	[tilespmem:s8+$0x10] =	vst v8  }
0x2a9: {  	s9 =	sadd.s32 $0x4, s9;
	v8 =	vld [tilespmem:s1+$0xFFFFFFE0];
	v4 =	vmul.f32 v7, v4;
	[tilespmem:s0+$0x0] =	vst v10;
	s0 =	smov.u32 s8  }
0x2aa: {  	p0 =	slt.u32 s9, $0x7FC;
	v7 =	vld [tilespmem:s12+$0xFFFFFFF0];
	v2 =	vmov v6  }
0x2ab: {  	v6 =	vld [tilespmem:s1+$0xFFFFFFF0];
	[tilespmem:s8+$0xFFFFFFF0] =	vst v4  }
0x2ac: {  	v4 =	vld [tilespmem:s12+$0x0]  }
0x2ad: {  	v10 =	vld [tilespmem:s1+$0x0];
	v5 =	vmul.f32 v5, v9  }
0x2ae: {  	v9 =	vld [tilespmem:s12+$0xFFFFFFE0]  }
0x2af: {  	s8 =	sadd.s32 $0x40, s8;
	[tilespmem:s12+$0x10] =	vst v5;
	v11 =	vld [tilespmem:s13+$0xFFFFFFE0]  }
0x2b0: {  	v5 =	vmul.f32 v6, v7;
	v12 =	vld [tilespmem:s8+$0x10]  }
0x2b1: {  	v13 =	vld [tilespmem:s1+$0x10]  }
.Ltmp13:
0x2b2: {  	[tilespmem:s12+$0xFFFFFFF0] =	vst v5;
	v6 =	vmul.f32 v10, v4;
	v5 =	vld [tilespmem:s13+$0x0];
	s13 =	smov.u32 s1;
	(pc) =	sbr.rel @p0 .LBB2_28-.Ltmp13, $4  }
0x2b3: {  	v8 =	vmul.f32 v8, v9;
	v4 =	vld [tilespmem:s8+$0xFFFFFFF0]  }
0x2b4: {  	v7 =	vld [tilespmem:s1+$0xFFFFFFF0];
	[tilespmem:s12+$0x0] =	vst v6;
	v9 =	vmul.f32 v11, v3  }
0x2b5: {  	[tilespmem:s12+$0xFFFFFFE0] =	vst v8;
	v6 =	vld [tilespmem:s8+$0x0]  }
0x2b6: {  	s12 =	sadd.s32 $0x40, s12;
	v3 =	vld [tilespmem:s8+$0xFFFFFFE0];
	v8 =	vmul.f32 v13, v12;
	[tilespmem:s0+$0xFFFFFFE0] =	vst v9  }
0x2b7: {  	v9 =	vld [tilespmem:s13+$0xFFFFFFE0]  }
0x2b8: {  	v10 =	vld [tilespmem:s13+$0x0];
	_ =	sdelay $0x1  }
0x2b9: {  	v2 =	vmul.f32 v5, v2  }
0x2ba: {  	[tilespmem:s8+$0x10] =	vst v8;
	v4 =	vmul.f32 v7, v4  }
0x2bb: {  	[tilespmem:s0+$0x0] =	vst v2;
	v2 =	vmul.f32 v9, v3  }
0x2bc: {  	[tilespmem:s8+$0xFFFFFFF0] =	vst v4;
	v3 =	vmul.f32 v10, v6  }
0x2bd: {  	[tilespmem:s8+$0xFFFFFFE0] =	vst v2  }
0x2be: {  	[tilespmem:s8+$0x0] =	vst v3  }
0x2bf: {  	s0 =	rddreg [dreg:$0x7]  }
0x2c0: {  	[hbm4b:s0+s2] =	stream.linear.scatter [tilespmem:s2], [sflag:$0x3], $0x8000, $0x38;
	[tilespmem:$0x1E000] =	vst v63  }
0x2c1: {  	s30 =	sadd.s32 $0x1, s30;
	_ =	swait.ge [sflag:s29], $0x8000  }
0x2c2: {  	p0 =	sne.s32 s30, s17;
	[sflag:s29] =	ssyncset.done $0x0  }
.Ltmp14:
0x2c3: {  	s31 =	rddreg [dreg:$0x8];
	[sflag:s29] =	ssyncadd.s32 $0xFFFF8000;
	(pc) =	sbr.rel @p0 .LBB2_1-.Ltmp14, $4  }
0x2c4: {  	[hbm4b:s31+s2] =	stream.linear.scatter [tilespmem:s25], [sflag:$0x3], $0x8000, $0x38;
	[tilespmem:$0x1E000] =	vst v63  }
0x2c5: {  	_ =	swait.ge [sflag:s29], $0x8000  }
0x2c6: {  	[sflag:s29] =	ssyncset.done $0x0  }
0x2c7: {  	[sflag:s29] =	ssyncadd.s32 $0xFFFF8000  }
0x2c8: {  	_ =	sfence.sel $0x180000  }
0x2c9: {  	[bflag:$0x0] =	sbarrier.arrive $0xFFFF  }
0x2ca: {  	_ =	strace $0x9000004D  }
0x2cb: {  	s0 =	stileid.u32;
	[bflag:$0x2] =	sbarrier.arrive $0xFFFF  }
0x2cc: {  	p0 =	sne.s32 s0, $0x0;
	s0 =	rddreg [dreg:$0x1]  }
0x2cd: {  	s0 =	sadd.s32 @!p0 $0x100000, s0  }
0x2ce: {  	[sflag:s0] =	ssyncadd.tile.s32 @!p0 $0x1;
	_ =	shalt  }
.Lfunc_end2:
_tile_overlayer_lowered:
.L_overlay_start_2:
0x2cf: {  	(tag) =	ssettag $0x2  }
0x2d0: {  	s0 =	rddreg [dreg:$0x0];
	s2 =	stileid.u32  }
0x2d1: {  	s1 =	rddreg [dreg:$0x1];
	p0 =	sne.s32 s2, $0x0  }
0x2d2: {  	s3 =	rddreg [dreg:$0x2];
	[bflag:$0x3] =	sbarrier.arrive $0xFFFF;
	s2 =	simm.s32 @!p0 $0x1C03  }
0x2d3: {  	[timem:s3], [sflag:s2] =	dma.local @!p0 [hbm:s0], s1  }
0x2d4: {  	s0 =	simm.s32 @!p0 $0x3  }
0x2d5: {  	_ =	swait.ge @!p0 [sflag:s0], s1  }
0x2d6: {  	s1 =	ssub.s32 @!p0 $0x0, s1;
	[sflag:s0] =	ssyncset.done @!p0 $0x0  }
0x2d7: {  	[sflag:s0] =	ssyncadd.s32 @!p0 s1  }
0x2d8: {  	[bflag:$0x3] =	sbarrier.arrive $0xFFFF  }
0x2d9: {  	_ =	shalt  }

// kernel: kernel.13.cloned.1.call-start
scs
__scs_entry_jumppad:
0x0: {  	(pc) =	sbr.rel $0x88, $3  }
0x1: {  	(tag) =	ssettag $0x0;
	lr =	simm.s32 $0x1  }
0x2: {  	[smem:$0x3F9F] =	sst lr;
	_ =	strace $0xD0000000  }
0x3: {  	_ = 	snop  }
0x4: {  	_ = 	snop  }
0x5: {  	_ = 	snop  }
0x6: {  	_ = 	snop  }
0x7: {  	_ = 	snop  }
__scs_overlays_trampoline_lowered:
0x8: {  	[smem:$0x3FAE] =	sst s0  }
0x9: {  	[smem:$0x3FAF] =	sst s1  }
0xa: {  	[smem:$0x3FB0] =	sst s2  }
0xb: {  	[smem:$0x3FB1] =	sst s3  }
0xc: {  	[smem:$0x3FB2] =	sst s4  }
0xd: {  	[smem:$0x3FB3] =	sst s5  }
0xe: {  	[smem:$0x3FB4] =	sst s6  }
0xf: {  	[smem:$0x3FB5] =	sst s7  }
0x10: {  	[smem:$0x3FB6] =	sst s8  }
0x11: {  	[smem:$0x3FB7] =	sst s9;
	s0 =	simm.s32 @!p0 $0x0  }
0x12: {  	s1 =	sld [smem:$0x3F9D];
	s0 =	simm.s32 @p0 $0x1  }
0x13: {  	[smem:$0x3FB8] =	sst s0;
	s0 =	simm.s32 @!p1 $0x0  }
0x14: {  	s2 =	sld [smem:$0x3F9C];
	s0 =	simm.s32 @p1 $0x1  }
0x15: {  	[smem:$0x3FB9] =	sst s0;
	s0 =	simm.s32 @!p2 $0x0  }
0x16: {  	s3 =	sld [smem:$0x3FDB];
	s0 =	simm.s32 @p2 $0x1  }
0x17: {  	s4 =	simm.s32 $0x1BF5;
	[smem:$0x3FBB] =	sst s0  }
0x18: {  	s0 =	sld [smem:$0x3F9E];
	_ =	swait.ge [sflag:s4], $0x0  }
0x19: {  	s7 =	sld [smem:$0x3F9F]  }
0x1a: {  	s8 =	sadd.s32 $0xFFFFE003, lr  }
0x1b: {  	s9 =	sadd.s32 $0xFFFFFEF7, lr;
	s5 =	simm.s32 $0xFFFFFFFF;
	p2 =	slt.u32 s8, $0xFFFFF086  }
0x1c: {  	p1 =	slt.u32 s9, $0xF7A;
	s5 =	simm.s32 @!p2 $0x0  }
0x1d: {  	s5 =	simm.s32 @p1 $0x1;
	p0 =	seq.s32 s7, s2  }
0x1e: {  	s7 =	smul.u32 @!p0 $0xF7A, s2;
	p2 =	seq.s32 @!p0 s5, $0x0  }
0x1f: {  	s9 =	smul.u32 $0xF7A, s1;
	s8 =	simm.s32 @!p0 $0x1BF5;
	p2 =	por !p2, p0  }
0x20: {  	[sflag:s8] =	ssyncset.s32 @!p0 $0xFFFFF086;
	s6 =	sadd.s32 @!p0 s3, s7;
	s7 =	simm.s32 @!p0 $0x108  }
0x21: {  	s3 =	sadd.s32 s3, s9;
	s6 =	sadd.s32 @!p0 $0x88, s6;
	s7 =	simm.s32 @p2 $0x1082  }
0x22: {  	[simem:s7], [sflag:s8] =	dma.local @!p0 [hbm:s6], $0xF7A  }
0x23: {  	s9 =	sor.u32 $0xD0000000, s2;
	s6 =	simm.s32 $0x108;
	_ =	swait.ge @!p0 [sflag:s8], $0x0  }
0x24: {  	s3 =	sadd.s32 $0x88, s3;
	s6 =	simm.s32 @!p1 $0x1082;
	[sflag:s4] =	ssyncset.s32 $0xFFFFF086  }
0x25: {  	[simem:s6], [sflag:s4] =	dma.local [hbm:s3], $0xF7A  }
0x26: {  	[smem:$0x3F9F] =	sst s1;
	(tag) =	ssettag s2;
	_ =	strace s9  }
0x27: {  	s1 =	sld [smem:$0x3FAF]  }
0x28: {  	s2 =	sld [smem:$0x3FB0]  }
0x29: {  	s4 =	sld [smem:$0x3FB2]  }
0x2a: {  	p0 =	seq.s32 s5, $0x0;
	s5 =	sld [smem:$0x3FB3]  }
0x2b: {  	s6 =	sld [smem:$0x3FB4]  }
0x2c: {  	s7 =	sld [smem:$0x3FB5]  }
0x2d: {  	s3 =	simm.s32 $0x108;
	s8 =	sld [smem:$0x3FB6]  }
0x2e: {  	s3 =	simm.s32 @!p0 $0x1082;
	s9 =	sld [smem:$0x3FB7]  }
0x2f: {  	lr =	sadd.s32 s0, s3;
	s0 =	sld [smem:$0x3FAE]  }
0x30: {  	s3 =	sld [smem:$0x3FB1]  }
0x31: {  	[smem:$0x3FBA] =	sst s10  }
0x32: {  	s10 =	sld [smem:$0x3FB8];
	_ =	sdelay $0x3  }
0x33: {  	p0 =	seq.s32 s10, $0x1;
	s10 =	sld [smem:$0x3FBA];
	_ =	sdelay $0x3  }
0x34: {  	[smem:$0x3FBA] =	sst s10  }
0x35: {  	s10 =	sld [smem:$0x3FB9];
	_ =	sdelay $0x3  }
0x36: {  	p1 =	seq.s32 s10, $0x1;
	s10 =	sld [smem:$0x3FBA];
	_ =	sdelay $0x3  }
0x37: {  	[smem:$0x3FBA] =	sst s10  }
0x38: {  	s10 =	sld [smem:$0x3FBB]  }
0x39: {  	_ = 	snop;
	(pc) =	sbr.ind lr, $3  }
0x3a: {  	_ = 	snop  }
0x3b: {  	_ = 	snop  }
0x3c: {  	p2 =	seq.s32 s10, $0x1;
	s10 =	sld [smem:$0x3FBA]  }
0x3d: {  	_ =	shalt  }
0x3e: {  	_ =	shalt  }
0x3f: {  	_ =	shalt  }
0x40: {  	_ =	shalt  }
0x41: {  	_ =	shalt  }
0x42: {  	_ =	shalt  }
0x43: {  	_ =	shalt  }
0x44: {  	_ =	shalt  }
0x45: {  	_ =	shalt  }
0x46: {  	_ =	shalt  }
0x47: {  	_ =	shalt  }
0x48: {  	_ =	shalt  }
0x49: {  	_ =	shalt  }
0x4a: {  	_ =	shalt  }
0x4b: {  	_ =	shalt  }
0x4c: {  	_ =	shalt  }
0x4d: {  	_ =	shalt  }
0x4e: {  	_ =	shalt  }
0x4f: {  	_ =	shalt  }
0x50: {  	_ =	shalt  }
0x51: {  	_ =	shalt  }
0x52: {  	_ =	shalt  }
0x53: {  	_ =	shalt  }
0x54: {  	_ =	shalt  }
0x55: {  	_ =	shalt  }
0x56: {  	_ =	shalt  }
0x57: {  	_ =	shalt  }
0x58: {  	_ =	shalt  }
0x59: {  	_ =	shalt  }
0x5a: {  	_ =	shalt  }
0x5b: {  	_ =	shalt  }
0x5c: {  	_ =	shalt  }
0x5d: {  	_ =	shalt  }
0x5e: {  	_ =	shalt  }
0x5f: {  	_ =	shalt  }
0x60: {  	_ =	shalt  }
0x61: {  	_ =	shalt  }
0x62: {  	_ =	shalt  }
0x63: {  	_ =	shalt  }
0x64: {  	_ =	shalt  }
0x65: {  	_ =	shalt  }
0x66: {  	_ =	shalt  }
0x67: {  	_ =	shalt  }
0x68: {  	_ =	shalt  }
0x69: {  	_ =	shalt  }
0x6a: {  	_ =	shalt  }
0x6b: {  	_ =	shalt  }
0x6c: {  	_ =	shalt  }
0x6d: {  	_ =	shalt  }
0x6e: {  	_ =	shalt  }
0x6f: {  	_ =	shalt  }
0x70: {  	_ =	shalt  }
0x71: {  	_ =	shalt  }
0x72: {  	_ =	shalt  }
0x73: {  	_ =	shalt  }
0x74: {  	_ =	shalt  }
0x75: {  	_ =	shalt  }
0x76: {  	_ =	shalt  }
0x77: {  	_ =	shalt  }
0x78: {  	_ =	shalt  }
0x79: {  	_ =	shalt  }
0x7a: {  	_ =	shalt  }
0x7b: {  	_ =	shalt  }
0x7c: {  	_ =	shalt  }
0x7d: {  	_ =	shalt  }
0x7e: {  	_ =	shalt  }
0x7f: {  	_ =	shalt  }
0x80: {  	_ =	shalt  }
0x81: {  	_ =	shalt  }
0x82: {  	_ =	shalt  }
0x83: {  	_ =	shalt  }
0x84: {  	_ =	shalt  }
0x85: {  	_ =	shalt  }
0x86: {  	_ =	shalt  }
0x87: {  	_ =	shalt  }
.Lfunc_end0:
.L_simem_size_0:
called_computation.2_lowered:
.L_overlay_start_0:
0x88: {  	s2 =	sld [smem:$0x3FD9]  }
0x89: {  	s3 =	sld [smem:$0x3FFE];
	_ =	sdelay $0x1  }
0x8a: {  	s1 =	srdreg.scid  }
0x8b: {  	s0 =	sand.u32 $0x1, s1  }
0x8c: {  	s17 =	sshll.u32 s0, $0xA;
	s2 =	sadd.s32 s3, s2  }
0x8d: {  	s2 =	sadd.s32 s2, s17  }
0x8e: {  	[smem:$0x3FC6] =	sst s2  }
0x8f: {  	_ = 	snop  }
0x90: {  	(tm) =	ssettm $0x1  }
0x91: {  	s18 =	sld [smem:$0x3FFB];
	_ =	sdelay $0x3  }
0x92: {  	_ =	strace s18  }
0x93: {  	s2 =	sld [smem:$0x3FFC];
	_ =	sdelay $0x3  }
0x94: {  	_ =	strace s2  }
0x95: {  	s2 =	sld [smem:$0x3FFD];
	_ =	sdelay $0x3  }
0x96: {  	_ =	strace s2  }
0x97: {  	_ =	strace $0x8FFFFFFF  }
0x98: {  	s19 =	sld [smem:$0x3FDB];
	_ =	sdelay $0x1  }
0x99: {  	s20 =	simm.s32 $_scs_section_size  }
0x9a: {  	s4 =	simm.s32 $_size__tile_overlayer_lowered;
	s5 =	simm.s32 $_tile_overlayer_lowered  }
0x9b: {  	s6 =	simm.s32 $0x1BFF;
	s21 =	sshll.u32 s5, $0x1;
	s3 =	sadd.s32 s20, s19  }
0x9c: {  	s22 =	simm.s32 $0x0;
	s4 =	sshll.u32 s4, $0x1;
	s5 =	sadd.s32 s21, s3  }
0x9d: {  	[timem:s22], [sflag:s6] =	dma.local [hbm:s5], s4  }
0x9e: {  	_ =	swait.ge [sflag:s6], s4  }
0x9f: {  	s4 =	ssub.s32 $0x0, s4;
	[sflag:s6] =	ssyncset.done $0x0  }
0xa0: {  	[sflag:s6] =	ssyncadd.s32 s4;
	_ =	sdelay $0x1  }
0xa1: {  	s23 =	simm.s32 $0x1B8B  }
0xa2: {  	_ =	swait.ge [sflag:s23], $0x1  }
0xa3: {  	[sflag:s23] =	ssyncset.done $0x0  }
0xa4: {  	[sflag:s23] =	ssyncadd.s32 $0xFFFFFFFF  }
0xa5: {  	s4 =	sld [smem:$0x0]  }
0xa6: {  	s5 =	sand.u32 $0xFFFFFFFE, s1  }
0xa7: {  	p0 =	sne.s32 s1, s5  }
0xa8: {  	s5 =	sshll.u32 @p0 s5, $0xE  }
0xa9: {  	s5 =	sadd.s32 @p0 $0x11B8D, s5;
	s6 =	sshll.u32 @p0 s4, $0x11  }
0xaa: {  	s5 =	sor.u32 @p0 s6, s5  }
0xab: {  	[sflag:s5] =	ssyncadd.remote.s32 @p0 $0x1;
	_ =	sdelay $0x1  }
0xac: {  	s5 =	simm.s32 @p0 $0x1B8D  }
0xad: {  	_ =	swait.eq @p0 [sflag:s5], $0x1  }
0xae: {  	[sflag:s5] =	ssyncadd.s32 @p0 $0xFFFFFFFF  }
0xaf: {  	s6 =	sshll.u32 @!p0 s1, $0xE  }
0xb0: {  	s6 =	sor.u32 @!p0 $0x4000, s6;
	s5 =	simm.s32 @!p0 $0x1B8D  }
0xb1: {  	s4 =	sshll.u32 @!p0 s4, $0x11;
	s6 =	sadd.s32 @!p0 $0x11B8D, s6;
	_ =	swait.eq @!p0 [sflag:s5], $0x1  }
0xb2: {  	s4 =	sor.u32 @!p0 s4, s6;
	[sflag:s5] =	ssyncadd.s32 @!p0 $0xFFFFFFFF  }
0xb3: {  	s25 =	simm.s32 $0x1B8E;
	s24 =	sld [smem:$0x3FFE];
	[sflag:s4] =	ssyncadd.remote.s32 @!p0 $0x1  }
0xb4: {  	s26 =	simm.s32 $execute0_lowered;
	[smem:$0x3FD2] =	sst s25  }
0xb5: {  	s5 =	sshll.u32 s26, $0x1;
	_ =	strace $0x80000049;
	[dreg:$0x1] =	wrdreg $0xFFFFFFFF  }
0xb6: {  	s28 =	simm.s32 $_size_execute0_lowered;
	s3 =	sadd.s32 s3, s5;
	[dreg:$0x0] =	wrdreg $0x0  }
0xb7: {  	s5 =	sshll.u32 s28, $0x1;
	[dreg:$0x2] =	wrdreg s3  }
0xb8: {  	[dreg:$0x3] =	wrdreg s5  }
0xb9: {  	[dreg:$0x4] =	wrdreg $0xC0  }
0xba: {  	_ =	task [dreg:s22], $0x5FFFF  }
0xbb: {  	[dreg:$0x1] =	wrdreg $0xFFFFFFFF  }
0xbc: {  	[dreg:$0x0] =	wrdreg $0x60  }
0xbd: {  	[dreg:$0x2] =	wrdreg s24  }
0xbe: {  	[dreg:$0x3] =	wrdreg $0xB  }
0xbf: {  	_ =	task.clear_ibuf [dreg:s22], $0x4FFFF;
	_ =	strace $0x90000049  }
0xc0: {  	s29 =	simm.s32 $0xB;
	_ =	strace $0x8000004B  }
0xc1: {  	_ =	swait.ge [sflag:s29], $0x1  }
0xc2: {  	[sflag:s29] =	ssyncadd.s32 $0xFFFFFFFF  }
0xc3: {  	_ =	strace $0x9000004B  }
0xc4: {  	_ =	sfence  }
0xc5: {  	s30 =	sld [smem:$0x0];
	_ =	sdelay $0x2  }
0xc6: {  	s31 =	sshll.u32 s1, $0xD;
	s1 =	sshrl.u32 s1, $0x2  }
0xc7: {  	s4 =	sand.u32 $0x4000, s31;
	s1 =	sadd.s32 s1, s30  }
0xc8: {  	s0 =	sor.u32 s4, s0;
	s1 =	sshll.u32 s1, $0x11  }
0xc9: {  	s0 =	sor.u32 s1, s0  }
0xca: {  	s0 =	sadd.s32 $0x8F2B, s0  }
0xcb: {  	[sflag:s0] =	ssyncadd.remote.s32 $0x1  }
0xcc: {  	_ =	sfence.sel $0xFFFF  }
0xcd: {  	[dreg:$0x0] =	wrdreg $0xFFFFFFFF;
	(pc) =	sbr.abs _section_cstart, $3  }
0xce: {  	[dreg:$0x1] =	wrdreg $0xFFFFFFFF  }
0xcf: {  	_ =	task.clear_ibuf [dreg:s22], $0x2FFFF;
	_ =	strace $0x9FFFFFFF  }
0xd0: {  	(tm) =	ssettm $0x7FFFFFFF  }
0xd1: {  	_ =	shalt  }
tec
execute0_lowered:
.L_overlay_start_1:
0x0: {  	(tag) =	ssettag $0x1  }
0x1: {  	s0 =	rddreg [dreg:$0x0]  }
0x2: {  	s2 =	simm.s32 $0x0;
	s1 =	srdreg.scid;
	s4 =	stileid.u32  }
0x3: {  	s18 =	simm.s32 $0x18000;
	s19 =	simm.s32 $0x19000;
	s20 =	simm.s32 $0x1C000  }
0x4: {  	s21 =	simm.s32 $0x1A000;
	s22 =	simm.s32 $0x1B000;
	s28 =	simm.s32 $0x2  }
0x5: {  	s29 =	simm.s32 $0x3;
	s30 =	simm.s32 $0x0;
	[smem:$0x7FF] =	sst s2  }
0x6: {  	s3 =	sadd.s32 $0x187C00, s0;
	s1 =	sand.u32 $0x1, s1;
	s5 =	sshll.u32 s4, $0x1  }
0x7: {  	s4 =	sadd.s32 $0x64FA00, s0;
	s6 =	ssub.s32 $0x2, s1;
	s1 =	sor.u32 s1, s5  }
0x8: {  	s0 =	sadd.s32 $0x6D9000, s0;
	_ =	strace $0x8000004A;
	s5 =	smul.u32 $0x61A80, s1  }
0x9: {  	s7 =	sshrl.u32 s6, $0x1;
	s8 =	sshll.u32 s1, $0x2;
	s1 =	sshll.u32 s1, $0xE  }
0xa: {  	s9 =	ssub.s32 s6, s7;
	s8 =	sor.u32 $0x2, s8;
	s6 =	sadd.s32 $0x186A0, s5  }
0xb: {  	s10 =	sshrl.u32 s5, $0x3;
	s7 =	smul.u32 $0x186A0, s8;
	s26 =	sshll.u32 s8, $0xC  }
0xc: {  	s17 =	smax.u32 s9, $0x1;
	s10 =	sadd.s32 s3, s10;
	s23 =	sshrl.u32 s6, $0x3  }
0xd: {  	[dreg:$0x2] =	wrdreg s10;
	s10 =	sadd.s32 s3, s23;
	s11 =	sadd.s32 $0x186A0, s7  }
0xe: {  	[dreg:$0x3] =	wrdreg s10;
	s10 =	sadd.s32 s0, s1;
	s0 =	sadd.s32 s0, s26  }
0xf: {  	s12 =	sshrl.u32 s11, $0x3;
	s1 =	sadd.s32 $0x1000, s10;
	[dreg:$0x7] =	wrdreg s0  }
0x10: {  	s24 =	sshrl.u32 s7, $0x3;
	s25 =	sadd.s32 s3, s12;
	[dreg:$0x4] =	wrdreg s1  }
0x11: {  	s23 =	simm.s32 $0x1D000;
	s31 =	sadd.s32 $0x3000, s10;
	[dreg:$0x6] =	wrdreg s25  }
0x12: {  	s26 =	simm.s32 $0x10000;
	s1 =	sadd.s32 s3, s24;
	[dreg:$0x8] =	wrdreg s31  }
0x13: {  	v0 =	vimm.f32 $0.0e+00;
	v1 =	vimm.f32 $1.000000000e+00;
	s24 =	simm.s32 $0x1;
	s25 =	simm.s32 $0x8000;
	[dreg:$0x5] =	wrdreg s1  }
.LBB2_1:
0x14: {  	s8 =	simm.s32 $0x10040  }
0x15: {  	[tilespmem:s8+$0xFFFFFFC0] =	vst v0  }
0x16: {  	[tilespmem:s8+$0x30] =	vst v0  }
0x17: {  	[tilespmem:s8+$0x20] =	vst v0  }
0x18: {  	[tilespmem:s8+$0x10] =	vst v0  }
0x19: {  	[tilespmem:s8+$0x0] =	vst v0  }
0x1a: {  	[tilespmem:s8+$0xFFFFFFF0] =	vst v0  }
0x1b: {  	s9 =	simm.s32 $0x0;
	s0 =	simm.s32 $0x8040;
	[tilespmem:s8+$0xFFFFFFE0] =	vst v0  }
.LBB2_2:
0x1c: {  	s9 =	sadd.s32 $0x8, s9;
	[tilespmem:s8+$0xFFFFFFD0] =	vst v0;
	s8 =	sadd.s32 $0x80, s8;
	s1 =	simm.s32 $0x40  }
0x1d: {  	[tilespmem:s8+$0xFFFFFFC0] =	vst v0;
	p0 =	slt.u32 s9, $0x7F8  }
0x1e: {  	[tilespmem:s8+$0x30] =	vst v0  }
.Ltmp0:
0x1f: {  	[tilespmem:s8+$0x20] =	vst v0;
	(pc) =	sbr.rel @p0 .LBB2_2-.Ltmp0, $4  }
0x20: {  	[tilespmem:s8+$0x10] =	vst v0  }
0x21: {  	[tilespmem:s8+$0x0] =	vst v0  }
0x22: {  	[tilespmem:s8+$0xFFFFFFF0] =	vst v0  }
0x23: {  	[tilespmem:s8+$0xFFFFFFE0] =	vst v0  }
0x24: {  	[tilespmem:s8+$0xFFFFFFD0] =	vst v0  }
0x25: {  	[tilespmem:s1+$0x30] =	vst v0  }
0x26: {  	[tilespmem:s1+$0xFFFFFFF0] =	vst v0  }
0x27: {  	[tilespmem:s1+$0xFFFFFFC0] =	vst v0  }
0x28: {  	[tilespmem:s1+$0xFFFFFFE0] =	vst v0  }
0x29: {  	[tilespmem:s1+$0x10] =	vst v0  }
0x2a: {  	[tilespmem:s1+$0x20] =	vst v0  }
0x2b: {  	[tilespmem:s1+$0x0] =	vst v0  }
0x2c: {  	[tilespmem:s1+$0xFFFFFFD0] =	vst v0  }
0x2d: {  	[tilespmem:s0+$0xFFFFFFC0] =	vst v0  }
0x2e: {  	[tilespmem:s0+$0x30] =	vst v0  }
0x2f: {  	[tilespmem:s0+$0x20] =	vst v0  }
0x30: {  	[tilespmem:s0+$0x10] =	vst v0  }
0x31: {  	[tilespmem:s0+$0xFFFFFFE0] =	vst v0  }
0x32: {  	[tilespmem:s0+$0x0] =	vst v0  }
0x33: {  	s8 =	simm.s32 $0x0;
	[tilespmem:s0+$0xFFFFFFF0] =	vst v0  }
.LBB2_4:
0x34: {  	s8 =	sadd.s32 $0x8, s8;
	[tilespmem:s0+$0xFFFFFFD0] =	vst v0;
	s1 =	sadd.s32 $0x80, s1;
	s0 =	sadd.s32 $0x80, s0  }
0x35: {  	[tilespmem:s1+$0x30] =	vst v0;
	p0 =	slt.u32 s8, $0x7F8  }
0x36: {  	[tilespmem:s1+$0xFFFFFFF0] =	vst v0  }
0x37: {  	[tilespmem:s1+$0xFFFFFFC0] =	vst v0  }
0x38: {  	[tilespmem:s0+$0xFFFFFFC0] =	vst v0  }
0x39: {  	[tilespmem:s0+$0x30] =	vst v0  }
0x3a: {  	[tilespmem:s1+$0xFFFFFFE0] =	vst v0  }
0x3b: {  	[tilespmem:s1+$0x10] =	vst v0  }
0x3c: {  	[tilespmem:s1+$0x20] =	vst v0  }
0x3d: {  	[tilespmem:s0+$0x20] =	vst v0  }
0x3e: {  	[tilespmem:s0+$0x10] =	vst v0  }
.Ltmp1:
0x3f: {  	[tilespmem:s0+$0xFFFFFFE0] =	vst v0;
	(pc) =	sbr.rel @p0 .LBB2_4-.Ltmp1, $4  }
0x40: {  	[tilespmem:s1+$0x0] =	vst v0  }
0x41: {  	[tilespmem:s0+$0x0] =	vst v0  }
0x42: {  	[tilespmem:s0+$0xFFFFFFF0] =	vst v0  }
0x43: {  	[tilespmem:s1+$0xFFFFFFD0] =	vst v0  }
0x44: {  	[tilespmem:s0+$0xFFFFFFD0] =	vst v0  }
0x45: {  	s31 =	simm.s32 $0x0;
	s0 =	rddreg [dreg:$0x2]  }
0x46: {  	[tilespmem:s18], [sflag:$0x1] =	stream.linear.gather [hbm4b:s0+s31], $0xFA0, $0x38;
	[tilespmem:$0x1E000] =	vst v63  }
0x47: {  	s16 =	rddreg [dreg:$0x3]  }
0x48: {  	[tilespmem:s19], [sflag:$0x1] =	stream.linear.gather [hbm4b:s16+s31], $0xFA0, $0x38;
	[tilespmem:$0x1E000] =	vst v63  }
0x49: {  	_ = 	snop  }
0x4a: {  	[tilespmem:s20], [sflag:$0x1] =	stream.linear.gather [hbm4b:s4+s31], $0xFA0, $0x38;
	[tilespmem:$0x1E000] =	vst v63  }
.LBB2_6:
0x4b: {  	s0 =	smul.u32 $0x1F40, s31;
	_ =	sdelay $0x1  }
0x4c: {  	s1 =	sadd.s32 $0xFA0, s0  }
0x4d: {  	s8 =	sadd.s32 s5, s1  }
0x4e: {  	s8 =	sshrl.u32 s8, $0x3  }
0x4f: {  	s15 =	sadd.s32 s6, s1;
	s8 =	sadd.s32 s3, s8  }
0x50: {  	[tilespmem:s21], [sflag:$0x2] =	stream.linear.gather [hbm4b:s8+s2], $0xFA0, $0x38;
	[tilespmem:$0x1E000] =	vst v63  }
0x51: {  	s8 =	sshrl.u32 s15, $0x3  }
0x52: {  	s1 =	sshrl.u32 s1, $0x3;
	s8 =	sadd.s32 s3, s8  }
0x53: {  	[tilespmem:s22], [sflag:$0x2] =	stream.linear.gather [hbm4b:s8+s2], $0xFA0, $0x38;
	[tilespmem:$0x1E000] =	vst v63  }
0x54: {  	s1 =	sadd.s32 s4, s1  }
0x55: {  	[tilespmem:s23], [sflag:$0x2] =	stream.linear.gather [hbm4b:s1+s2], $0xFA0, $0x38;
	[tilespmem:$0x1E000] =	vst v63  }
0x56: {  	_ =	swait.ge [sflag:s24], $0xFA0  }
0x57: {  	[sflag:s24] =	ssyncset.done $0x0  }
0x58: {  	[sflag:s24] =	ssyncadd.s32 $0xFFFFF060  }
0x59: {  	_ =	swait.ge [sflag:s24], $0xFA0  }
0x5a: {  	[sflag:s24] =	ssyncset.done $0x0  }
0x5b: {  	[sflag:s24] =	ssyncadd.s32 $0xFFFFF060  }
0x5c: {  	_ =	swait.ge [sflag:s24], $0xFA0  }
0x5d: {  	[sflag:s24] =	ssyncset.done $0x0  }
0x5e: {  	s16 =	simm.s32 $0x1C020;
	[sflag:s24] =	ssyncadd.s32 $0xFFFFF060  }
0x5f: {  	v3 =	vld [tilespmem:s16+$0x20]  }
0x60: {  	v4 =	vld [tilespmem:s16+$0xFFFFFFF0]  }
0x61: {  	s1 =	simm.s32 $0x18020;
	v5 =	vld [tilespmem:s16+$0x0]  }
0x62: {  	v6 =	vld [tilespmem:s1+$0x20]  }
0x63: {  	v7 =	vld [tilespmem:s16+$0xFFFFFFE0]  }
0x64: {  	v2 =	vld [tilespmem:s16+$0x10]  }
0x65: {  	v9 =	vld [tilespmem:s1+$0xFFFFFFF0]  }
0x66: {  	v8 =	vld [tilespmem:s1+$0xFFFFFFE0]  }
0x67: {  	v10 =	vld [tilespmem:s1+$0x0]  }
0x68: {  	v11 =	vld [tilespmem:s1+$0x10]  }
0x69: {  	[tilespmem:v3+s2+$0x0] =	vst.idx.add.f32.msk $0xffff, v6  }
0x6a: {  	[tilespmem:v4+s2+$0x0] =	vst.idx.add.f32.msk $0xffff, v9  }
0x6b: {  	[tilespmem:v7+s2+$0x0] =	vst.idx.add.f32.msk $0xffff, v8  }
0x6c: {  	s8 =	simm.s32 $0x19020;
	[tilespmem:v5+s2+$0x0] =	vst.idx.add.f32.msk $0xffff, v10  }
0x6d: {  	v6 =	vld [tilespmem:s8+$0x20]  }
0x6e: {  	v61 =	vld [tilespmem:s8+$0xFFFFFFF0]  }
0x6f: {  	[tilespmem:v2+s2+$0x0] =	vst.idx.add.f32.msk $0xffff, v11  }
0x70: {  	v62 =	vld [tilespmem:s8+$0x0]  }
0x71: {  	v63 =	vld [tilespmem:s8+$0x10]  }
0x72: {  	[tilespmem:v3+s25+$0x0] =	vst.idx.add.f32.msk $0xffff, v6  }
0x73: {  	[tilespmem:v4+s25+$0x0] =	vst.idx.add.f32.msk $0xffff, v61  }
0x74: {  	[tilespmem:v3+s26+$0x0] =	vst.idx.add.f32.msk $0xffff, v1  }
0x75: {  	v3 =	vld [tilespmem:s8+$0xFFFFFFE0]  }
0x76: {  	[tilespmem:v5+s25+$0x0] =	vst.idx.add.f32.msk $0xffff, v62  }
0x77: {  	[tilespmem:v2+s25+$0x0] =	vst.idx.add.f32.msk $0xffff, v63  }
0x78: {  	[tilespmem:v4+s26+$0x0] =	vst.idx.add.f32.msk $0xffff, v1  }
0x79: {  	[tilespmem:v5+s26+$0x0] =	vst.idx.add.f32.msk $0xffff, v1  }
0x7a: {  	[tilespmem:v7+s25+$0x0] =	vst.idx.add.f32.msk $0xffff, v3  }
0x7b: {  	s9 =	simm.s32 $0x0;
	s12 =	simm.s32 $0x1C070;
	[tilespmem:v7+s26+$0x0] =	vst.idx.add.f32.msk $0xffff, v1  }
.LBB2_7:
0x7c: {  	v3 =	vld [tilespmem:s12+$0x20]  }
0x7d: {  	s9 =	sadd.s32 $0x5, s9;
	v4 =	vld [tilespmem:s12+$0xFFFFFFF0]  }
0x7e: {  	s1 =	sadd.s32 $0x50, s1;
	p0 =	slt.u32 s9, $0xF5;
	v5 =	vld [tilespmem:s12+$0x0]  }
0x7f: {  	v6 =	vld [tilespmem:s1+$0x20]  }
0x80: {  	v7 =	vld [tilespmem:s12+$0x10]  }
0x81: {  	v8 =	vld [tilespmem:s12+$0xFFFFFFE0]  }
0x82: {  	v9 =	vld [tilespmem:s1+$0xFFFFFFE0]  }
0x83: {  	v10 =	vld [tilespmem:s1+$0xFFFFFFF0]  }
0x84: {  	s8 =	sadd.s32 $0x50, s8;
	[tilespmem:v3+s2+$0x0] =	vst.idx.add.f32.msk $0xffff, v6  }
0x85: {  	v6 =	vld [tilespmem:s8+$0x20]  }
0x86: {  	v11 =	vld [tilespmem:s1+$0x0]  }
0x87: {  	v12 =	vld [tilespmem:s1+$0x10]  }
0x88: {  	[tilespmem:v4+s2+$0x0] =	vst.idx.add.f32.msk $0xffff, v10  }
0x89: {  	[tilespmem:v8+s2+$0x0] =	vst.idx.add.f32.msk $0xffff, v9  }
0x8a: {  	[tilespmem:v3+s25+$0x0] =	vst.idx.add.f32.msk $0xffff, v6  }
0x8b: {  	[tilespmem:v3+s26+$0x0] =	vst.idx.add.f32.msk $0xffff, v1  }
0x8c: {  	[tilespmem:v5+s2+$0x0] =	vst.idx.add.f32.msk $0xffff, v11  }
0x8d: {  	[tilespmem:v7+s2+$0x0] =	vst.idx.add.f32.msk $0xffff, v12  }
0x8e: {  	v3 =	vld [tilespmem:s8+$0xFFFFFFE0]  }
0x8f: {  	v6 =	vld [tilespmem:s8+$0xFFFFFFF0]  }
0x90: {  	v9 =	vld [tilespmem:s8+$0x0]  }
0x91: {  	v10 =	vld [tilespmem:s8+$0x10]  }
0x92: {  	[tilespmem:v2+s26+$0x0] =	vst.idx.add.f32.msk $0xffff, v1;
	v2 =	vmov v7  }
0x93: {  	[tilespmem:v8+s25+$0x0] =	vst.idx.add.f32.msk $0xffff, v3  }
0x94: {  	[tilespmem:v8+s26+$0x0] =	vst.idx.add.f32.msk $0xffff, v1  }
.Ltmp2:
0x95: {  	[tilespmem:v4+s25+$0x0] =	vst.idx.add.f32.msk $0xffff, v6;
	(pc) =	sbr.rel @p0 .LBB2_7-.Ltmp2, $4  }
0x96: {  	[tilespmem:v4+s26+$0x0] =	vst.idx.add.f32.msk $0xffff, v1  }
0x97: {  	[tilespmem:v5+s25+$0x0] =	vst.idx.add.f32.msk $0xffff, v9  }
0x98: {  	[tilespmem:v5+s26+$0x0] =	vst.idx.add.f32.msk $0xffff, v1  }
0x99: {  	s12 =	sadd.s32 $0x50, s12;
	[tilespmem:v7+s25+$0x0] =	vst.idx.add.f32.msk $0xffff, v10  }
0x9a: {  	_ = 	snop  }
0x9b: {  	s0 =	sadd.s32 $0x1F40, s0  }
0x9c: {  	s1 =	sadd.s32 s5, s0  }
0x9d: {  	s1 =	sshrl.u32 s1, $0x3  }
0x9e: {  	[tilespmem:v2+s26+$0x0] =	vst.idx.add.f32.msk $0xffff, v1;
	s15 =	sadd.s32 s6, s0;
	s1 =	sadd.s32 s3, s1  }
0x9f: {  	[tilespmem:s18], [sflag:$0x1] =	stream.linear.gather [hbm4b:s1+s2], $0xFA0, $0x38;
	[tilespmem:$0x1E000] =	vst v63  }
0xa0: {  	s1 =	sshrl.u32 s15, $0x3  }
0xa1: {  	s0 =	sshrl.u32 s0, $0x3;
	s1 =	sadd.s32 s3, s1  }
0xa2: {  	[tilespmem:s19], [sflag:$0x1] =	stream.linear.gather [hbm4b:s1+s2], $0xFA0, $0x38;
	[tilespmem:$0x1E000] =	vst v63  }
0xa3: {  	s0 =	sadd.s32 s4, s0  }
0xa4: {  	[tilespmem:s20], [sflag:$0x1] =	stream.linear.gather [hbm4b:s0+s2], $0xFA0, $0x38;
	[tilespmem:$0x1E000] =	vst v63  }
0xa5: {  	_ =	swait.ge [sflag:s28], $0xFA0  }
0xa6: {  	[sflag:s28] =	ssyncset.done $0x0  }
0xa7: {  	[sflag:s28] =	ssyncadd.s32 $0xFFFFF060  }
0xa8: {  	_ =	swait.ge [sflag:s28], $0xFA0  }
0xa9: {  	[sflag:s28] =	ssyncset.done $0x0  }
0xaa: {  	[sflag:s28] =	ssyncadd.s32 $0xFFFFF060  }
0xab: {  	_ =	swait.ge [sflag:s28], $0xFA0  }
0xac: {  	[sflag:s28] =	ssyncset.done $0x0  }
0xad: {  	s16 =	simm.s32 $0x1D020;
	[sflag:s28] =	ssyncadd.s32 $0xFFFFF060  }
0xae: {  	v3 =	vld [tilespmem:s16+$0x20]  }
0xaf: {  	v4 =	vld [tilespmem:s16+$0xFFFFFFF0]  }
0xb0: {  	s0 =	simm.s32 $0x1A020;
	v5 =	vld [tilespmem:s16+$0x0]  }
0xb1: {  	v6 =	vld [tilespmem:s0+$0x20]  }
0xb2: {  	v7 =	vld [tilespmem:s16+$0xFFFFFFE0]  }
0xb3: {  	v2 =	vld [tilespmem:s16+$0x10]  }
0xb4: {  	v9 =	vld [tilespmem:s0+$0xFFFFFFF0]  }
0xb5: {  	v8 =	vld [tilespmem:s0+$0xFFFFFFE0]  }
0xb6: {  	v10 =	vld [tilespmem:s0+$0x0]  }
0xb7: {  	v11 =	vld [tilespmem:s0+$0x10]  }
0xb8: {  	[tilespmem:v3+s2+$0x0] =	vst.idx.add.f32.msk $0xffff, v6  }
0xb9: {  	[tilespmem:v4+s2+$0x0] =	vst.idx.add.f32.msk $0xffff, v9  }
0xba: {  	[tilespmem:v7+s2+$0x0] =	vst.idx.add.f32.msk $0xffff, v8  }
0xbb: {  	s1 =	simm.s32 $0x1B020;
	[tilespmem:v5+s2+$0x0] =	vst.idx.add.f32.msk $0xffff, v10  }
0xbc: {  	v6 =	vld [tilespmem:s1+$0x20]  }
0xbd: {  	v61 =	vld [tilespmem:s1+$0xFFFFFFF0]  }
0xbe: {  	[tilespmem:v2+s2+$0x0] =	vst.idx.add.f32.msk $0xffff, v11  }
0xbf: {  	v62 =	vld [tilespmem:s1+$0x0]  }
0xc0: {  	v63 =	vld [tilespmem:s1+$0x10]  }
0xc1: {  	[tilespmem:v3+s25+$0x0] =	vst.idx.add.f32.msk $0xffff, v6  }
0xc2: {  	[tilespmem:v4+s25+$0x0] =	vst.idx.add.f32.msk $0xffff, v61  }
0xc3: {  	[tilespmem:v3+s26+$0x0] =	vst.idx.add.f32.msk $0xffff, v1  }
0xc4: {  	v3 =	vld [tilespmem:s1+$0xFFFFFFE0]  }
0xc5: {  	[tilespmem:v5+s25+$0x0] =	vst.idx.add.f32.msk $0xffff, v62  }
0xc6: {  	[tilespmem:v2+s25+$0x0] =	vst.idx.add.f32.msk $0xffff, v63  }
0xc7: {  	[tilespmem:v4+s26+$0x0] =	vst.idx.add.f32.msk $0xffff, v1  }
0xc8: {  	[tilespmem:v5+s26+$0x0] =	vst.idx.add.f32.msk $0xffff, v1  }
0xc9: {  	[tilespmem:v7+s25+$0x0] =	vst.idx.add.f32.msk $0xffff, v3  }
0xca: {  	s8 =	simm.s32 $0x0;
	s9 =	simm.s32 $0x1D070;
	[tilespmem:v7+s26+$0x0] =	vst.idx.add.f32.msk $0xffff, v1  }
.LBB2_9:
0xcb: {  	v3 =	vld [tilespmem:s9+$0x20]  }
0xcc: {  	s8 =	sadd.s32 $0x5, s8;
	v4 =	vld [tilespmem:s9+$0xFFFFFFF0]  }
0xcd: {  	s0 =	sadd.s32 $0x50, s0;
	p0 =	slt.u32 s8, $0xF5;
	v5 =	vld [tilespmem:s9+$0x0]  }
0xce: {  	v6 =	vld [tilespmem:s0+$0x20]  }
0xcf: {  	v7 =	vld [tilespmem:s9+$0x10]  }
0xd0: {  	v8 =	vld [tilespmem:s9+$0xFFFFFFE0]  }
0xd1: {  	v9 =	vld [tilespmem:s0+$0xFFFFFFE0]  }
0xd2: {  	v10 =	vld [tilespmem:s0+$0xFFFFFFF0]  }
0xd3: {  	s1 =	sadd.s32 $0x50, s1;
	[tilespmem:v3+s2+$0x0] =	vst.idx.add.f32.msk $0xffff, v6  }
0xd4: {  	v6 =	vld [tilespmem:s1+$0x20]  }
0xd5: {  	v11 =	vld [tilespmem:s0+$0x0]  }
0xd6: {  	v12 =	vld [tilespmem:s0+$0x10]  }
0xd7: {  	[tilespmem:v4+s2+$0x0] =	vst.idx.add.f32.msk $0xffff, v10  }
0xd8: {  	[tilespmem:v8+s2+$0x0] =	vst.idx.add.f32.msk $0xffff, v9  }
0xd9: {  	[tilespmem:v3+s25+$0x0] =	vst.idx.add.f32.msk $0xffff, v6  }
0xda: {  	[tilespmem:v3+s26+$0x0] =	vst.idx.add.f32.msk $0xffff, v1  }
0xdb: {  	[tilespmem:v5+s2+$0x0] =	vst.idx.add.f32.msk $0xffff, v11  }
0xdc: {  	[tilespmem:v7+s2+$0x0] =	vst.idx.add.f32.msk $0xffff, v12  }
0xdd: {  	v3 =	vld [tilespmem:s1+$0xFFFFFFE0]  }
0xde: {  	v6 =	vld [tilespmem:s1+$0xFFFFFFF0]  }
0xdf: {  	v9 =	vld [tilespmem:s1+$0x0]  }
0xe0: {  	v10 =	vld [tilespmem:s1+$0x10]  }
0xe1: {  	[tilespmem:v2+s26+$0x0] =	vst.idx.add.f32.msk $0xffff, v1;
	v2 =	vmov v7  }
0xe2: {  	[tilespmem:v8+s25+$0x0] =	vst.idx.add.f32.msk $0xffff, v3  }
0xe3: {  	[tilespmem:v8+s26+$0x0] =	vst.idx.add.f32.msk $0xffff, v1  }
.Ltmp3:
0xe4: {  	[tilespmem:v4+s25+$0x0] =	vst.idx.add.f32.msk $0xffff, v6;
	(pc) =	sbr.rel @p0 .LBB2_9-.Ltmp3, $4  }
0xe5: {  	[tilespmem:v4+s26+$0x0] =	vst.idx.add.f32.msk $0xffff, v1  }
0xe6: {  	[tilespmem:v5+s25+$0x0] =	vst.idx.add.f32.msk $0xffff, v9  }
0xe7: {  	[tilespmem:v5+s26+$0x0] =	vst.idx.add.f32.msk $0xffff, v1  }
0xe8: {  	s9 =	sadd.s32 $0x50, s9;
	[tilespmem:v7+s25+$0x0] =	vst.idx.add.f32.msk $0xffff, v10  }
0xe9: {  	s31 =	sadd.s32 $0x1, s31  }
0xea: {  	p0 =	sne.s32 s31, $0xC  }
.Ltmp4:
0xeb: {  	_ = 	snop;
	(pc) =	sbr.rel @p0 .LBB2_6-.Ltmp4, $2  }
0xec: {  	_ =	sdelay $0x2  }
0xed: {  	[tilespmem:v2+s26+$0x0] =	vst.idx.add.f32.msk $0xffff, v1  }
0xee: {  	_ =	swait.ge [sflag:s24], $0xFA0  }
0xef: {  	[sflag:s24] =	ssyncset.done $0x0  }
0xf0: {  	[sflag:s24] =	ssyncadd.s32 $0xFFFFF060  }
0xf1: {  	_ =	swait.ge [sflag:s24], $0xFA0  }
0xf2: {  	[sflag:s24] =	ssyncset.done $0x0  }
0xf3: {  	[sflag:s24] =	ssyncadd.s32 $0xFFFFF060  }
0xf4: {  	_ =	swait.ge [sflag:s24], $0xFA0  }
0xf5: {  	[sflag:s24] =	ssyncset.done $0x0  }
0xf6: {  	s1 =	simm.s32 $0x1C020;
	[sflag:s24] =	ssyncadd.s32 $0xFFFFF060  }
0xf7: {  	v3 =	vld [tilespmem:s1+$0x20]  }
0xf8: {  	v4 =	vld [tilespmem:s1+$0xFFFFFFF0]  }
0xf9: {  	s0 =	simm.s32 $0x18020;
	v5 =	vld [tilespmem:s1+$0x0]  }
0xfa: {  	v6 =	vld [tilespmem:s0+$0x20]  }
0xfb: {  	v7 =	vld [tilespmem:s1+$0xFFFFFFE0]  }
0xfc: {  	v2 =	vld [tilespmem:s1+$0x10]  }
0xfd: {  	v9 =	vld [tilespmem:s0+$0xFFFFFFF0]  }
0xfe: {  	v8 =	vld [tilespmem:s0+$0xFFFFFFE0]  }
0xff: {  	v10 =	vld [tilespmem:s0+$0x0]  }
0x100: {  	v11 =	vld [tilespmem:s0+$0x10]  }
0x101: {  	[tilespmem:v3+s2+$0x0] =	vst.idx.add.f32.msk $0xffff, v6  }
0x102: {  	[tilespmem:v4+s2+$0x0] =	vst.idx.add.f32.msk $0xffff, v9  }
0x103: {  	[tilespmem:v7+s2+$0x0] =	vst.idx.add.f32.msk $0xffff, v8  }
0x104: {  	s1 =	simm.s32 $0x19020;
	[tilespmem:v5+s2+$0x0] =	vst.idx.add.f32.msk $0xffff, v10  }
0x105: {  	v6 =	vld [tilespmem:s1+$0x20]  }
0x106: {  	v61 =	vld [tilespmem:s1+$0xFFFFFFF0]  }
0x107: {  	[tilespmem:v2+s2+$0x0] =	vst.idx.add.f32.msk $0xffff, v11  }
0x108: {  	v62 =	vld [tilespmem:s1+$0x0]  }
0x109: {  	v63 =	vld [tilespmem:s1+$0x10]  }
0x10a: {  	[tilespmem:v3+s25+$0x0] =	vst.idx.add.f32.msk $0xffff, v6  }
0x10b: {  	[tilespmem:v4+s25+$0x0] =	vst.idx.add.f32.msk $0xffff, v61  }
0x10c: {  	[tilespmem:v3+s26+$0x0] =	vst.idx.add.f32.msk $0xffff, v1  }
0x10d: {  	v3 =	vld [tilespmem:s1+$0xFFFFFFE0]  }
0x10e: {  	[tilespmem:v5+s25+$0x0] =	vst.idx.add.f32.msk $0xffff, v62  }
0x10f: {  	[tilespmem:v2+s25+$0x0] =	vst.idx.add.f32.msk $0xffff, v63  }
0x110: {  	[tilespmem:v4+s26+$0x0] =	vst.idx.add.f32.msk $0xffff, v1  }
0x111: {  	[tilespmem:v5+s26+$0x0] =	vst.idx.add.f32.msk $0xffff, v1  }
0x112: {  	[tilespmem:v7+s25+$0x0] =	vst.idx.add.f32.msk $0xffff, v3  }
0x113: {  	s8 =	simm.s32 $0x0;
	s31 =	simm.s32 $0x10020;
	s9 =	simm.s32 $0x1C070;
	[tilespmem:v7+s26+$0x0] =	vst.idx.add.f32.msk $0xffff, v1  }
.LBB2_12:
0x114: {  	v3 =	vld [tilespmem:s9+$0x20]  }
0x115: {  	s8 =	sadd.s32 $0x5, s8;
	v4 =	vld [tilespmem:s9+$0xFFFFFFF0]  }
0x116: {  	s0 =	sadd.s32 $0x50, s0;
	p0 =	slt.u32 s8, $0xF5;
	v5 =	vld [tilespmem:s9+$0x0]  }
0x117: {  	v6 =	vld [tilespmem:s0+$0x20]  }
0x118: {  	v7 =	vld [tilespmem:s9+$0x10]  }
0x119: {  	v8 =	vld [tilespmem:s9+$0xFFFFFFE0]  }
0x11a: {  	v9 =	vld [tilespmem:s0+$0xFFFFFFE0]  }
0x11b: {  	v10 =	vld [tilespmem:s0+$0xFFFFFFF0]  }
0x11c: {  	s1 =	sadd.s32 $0x50, s1;
	[tilespmem:v3+s2+$0x0] =	vst.idx.add.f32.msk $0xffff, v6  }
0x11d: {  	v6 =	vld [tilespmem:s1+$0x20]  }
0x11e: {  	v11 =	vld [tilespmem:s0+$0x0]  }
0x11f: {  	v12 =	vld [tilespmem:s0+$0x10]  }
0x120: {  	[tilespmem:v4+s2+$0x0] =	vst.idx.add.f32.msk $0xffff, v10  }
0x121: {  	[tilespmem:v8+s2+$0x0] =	vst.idx.add.f32.msk $0xffff, v9  }
0x122: {  	[tilespmem:v3+s25+$0x0] =	vst.idx.add.f32.msk $0xffff, v6  }
0x123: {  	[tilespmem:v3+s26+$0x0] =	vst.idx.add.f32.msk $0xffff, v1  }
0x124: {  	[tilespmem:v5+s2+$0x0] =	vst.idx.add.f32.msk $0xffff, v11  }
0x125: {  	[tilespmem:v7+s2+$0x0] =	vst.idx.add.f32.msk $0xffff, v12  }
0x126: {  	v3 =	vld [tilespmem:s1+$0xFFFFFFE0]  }
0x127: {  	v6 =	vld [tilespmem:s1+$0xFFFFFFF0]  }
0x128: {  	v9 =	vld [tilespmem:s1+$0x0]  }
0x129: {  	v10 =	vld [tilespmem:s1+$0x10]  }
0x12a: {  	[tilespmem:v2+s26+$0x0] =	vst.idx.add.f32.msk $0xffff, v1;
	v2 =	vmov v7  }
0x12b: {  	[tilespmem:v8+s25+$0x0] =	vst.idx.add.f32.msk $0xffff, v3  }
0x12c: {  	[tilespmem:v8+s26+$0x0] =	vst.idx.add.f32.msk $0xffff, v1  }
.Ltmp5:
0x12d: {  	[tilespmem:v4+s25+$0x0] =	vst.idx.add.f32.msk $0xffff, v6;
	(pc) =	sbr.rel @p0 .LBB2_12-.Ltmp5, $4  }
0x12e: {  	[tilespmem:v4+s26+$0x0] =	vst.idx.add.f32.msk $0xffff, v1  }
0x12f: {  	[tilespmem:v5+s25+$0x0] =	vst.idx.add.f32.msk $0xffff, v9  }
0x130: {  	[tilespmem:v5+s26+$0x0] =	vst.idx.add.f32.msk $0xffff, v1  }
0x131: {  	s9 =	sadd.s32 $0x50, s9;
	[tilespmem:v7+s25+$0x0] =	vst.idx.add.f32.msk $0xffff, v10  }
0x132: {  	_ =	sdelay $0x3  }
0x133: {  	[tilespmem:v2+s26+$0x0] =	vst.idx.add.f32.msk $0xffff, v1  }
0x134: {  	v2 =	vld [tilespmem:s31+$0x10]  }
0x135: {  	v3 =	vld [tilespmem:s31+$0x0];
	_ =	sdelay $0x2  }
0x136: {  	v4 =	vld [tilespmem:s31+$0xFFFFFFF0]  }
0x137: {  	s0 =	simm.s32 $0x10060;
	v5 =	vld [tilespmem:s31+$0xFFFFFFE0];
	v2 =	vmax.f32 v2, $1.000000000e+00  }
0x138: {  	v3 =	vmax.f32 v3, $1.000000000e+00;
	(erf) = vrcp.f32 v2;
	v2 =	vld [tilespmem:s0+$0x10]  }
0x139: {  	(erf) = vrcp.f32 v3;
	v3 =	vld [tilespmem:s0+$0x0]  }
0x13a: {  	v6 =	vld [tilespmem:s0+$0xFFFFFFF0]  }
0x13b: {  	v7 =	vld [tilespmem:s0+$0xFFFFFFE0];
	v4 =	vmax.f32 v4, $1.000000000e+00  }
0x13c: {  	v5 =	vmax.f32 v5, $1.000000000e+00;
	(erf) = vrcp.f32 v4  }
0x13d: {  	s9 =	simm.s32 $0x100A0;
	(erf) = vrcp.f32 v5;
	v2 =	vmax.f32 v2, $1.000000000e+00  }
0x13e: {  	v8 =	vld [tilespmem:s9+$0x10];
	v3 =	vmax.f32 v3, $1.000000000e+00;
	(erf) = vrcp.f32 v2  }
0x13f: {  	v4 =	vmax.f32 v6, $1.000000000e+00;
	(erf) = vrcp.f32 v3  }
0x140: {  	v5 =	vmax.f32 v7, $1.000000000e+00;
	v2 =	vld [tilespmem:s9+$0xFFFFFFF0];
	(erf) = vrcp.f32 v4  }
0x141: {  	v3 =	vld [tilespmem:s9+$0x0];
	v6 =	vpop (erf);
	(erf) = vrcp.f32 v5  }
0x142: {  	s1 =	simm.s32 $0x4;
	s15 =	simm.s32 $0x8;
	v4 =	vld [tilespmem:s9+$0xFFFFFFE0]  }
0x143: {  	s16 =	simm.s32 $0x100E0;
	s14 =	simm.s32 $0x10020;
	s13 =	simm.s32 $0x10060;
	v5 =	vmax.f32 v8, $1.000000000e+00;
	[tilespmem:s31+$0x10] =	vst v6;
	v6 =	vpop (erf)  }
.LBB2_14:
0x144: {  	s15 =	sadd.s32 $0x4, s15  }
0x145: {  	v7 =	vld [tilespmem:s16+$0x10];
	[tilespmem:s14+$0x0] =	vst v6;
	s8 =	simm.s32 $0x8020;
	s12 =	simm.s32 $0x20;
	v6 =	vpop (erf);
	p0 =	slt.u32 s15, $0x7FC  }
.Ltmp6:
0x146: {  	v8 =	vmax.f32 v2, $1.000000000e+00;
	v2 =	vld [tilespmem:s16+$0xFFFFFFF0];
	v9 =	vmax.f32 v3, $1.000000000e+00;
	(erf) = vrcp.f32 v5;
	[tilespmem:s14+$0xFFFFFFF0] =	vst v6;
	v5 =	vpop (erf);
	(pc) =	sbr.rel @p0 .LBB2_14-.Ltmp6, $4  }
0x147: {  	v3 =	vld [tilespmem:s16+$0x0];
	v10 =	vmax.f32 v4, $1.000000000e+00;
	(erf) = vrcp.f32 v9;
	[tilespmem:s14+$0xFFFFFFE0] =	vst v5;
	s14 =	smov.u32 s13;
	s13 =	smov.u32 s9;
	s9 =	smov.u32 s16  }
0x148: {  	v4 =	vld [tilespmem:s16+$0xFFFFFFE0];
	(erf) = vrcp.f32 v8  }
0x149: {  	(erf) = vrcp.f32 v10;
	v6 =	vpop (erf)  }
0x14a: {  	s16 =	sadd.s32 $0x40, s16;
	v5 =	vmax.f32 v7, $1.000000000e+00;
	[tilespmem:s14+$0x10] =	vst v6;
	v6 =	vpop (erf)  }
0x14b: {  	_ = 	snop  }
0x14c: {  	(erf) = vrcp.f32 v5;
	v2 =	vmax.f32 v2, $1.000000000e+00;
	v3 =	vmax.f32 v3, $1.000000000e+00  }
0x14d: {  	(erf) = vrcp.f32 v3;
	v3 =	vmax.f32 v4, $1.000000000e+00  }
0x14e: {  	(erf) = vrcp.f32 v2  }
0x14f: {  	[tilespmem:s14+$0x0] =	vst v6;
	v2 =	vpop (erf);
	(erf) = vrcp.f32 v3  }
0x150: {  	[tilespmem:s14+$0xFFFFFFF0] =	vst v2;
	v3 =	vpop (erf)  }
0x151: {  	[tilespmem:s14+$0xFFFFFFE0] =	vst v3;
	v2 =	vpop (erf)  }
0x152: {  	[tilespmem:s13+$0x10] =	vst v2;
	v2 =	vpop (erf)  }
0x153: {  	[tilespmem:s13+$0x0] =	vst v2;
	v2 =	vpop (erf)  }
0x154: {  	[tilespmem:s13+$0xFFFFFFF0] =	vst v2;
	v2 =	vpop (erf)  }
0x155: {  	[tilespmem:s13+$0xFFFFFFE0] =	vst v2;
	v2 =	vpop (erf)  }
0x156: {  	[tilespmem:s9+$0x10] =	vst v2;
	v2 =	vpop (erf)  }
0x157: {  	[tilespmem:s9+$0x0] =	vst v2;
	v2 =	vpop (erf)  }
0x158: {  	[tilespmem:s9+$0xFFFFFFF0] =	vst v2;
	v2 =	vpop (erf)  }
0x159: {  	[tilespmem:s9+$0xFFFFFFE0] =	vst v2  }
0x15a: {  	v2 =	vld [tilespmem:s12+$0x10]  }
0x15b: {  	v3 =	vld [tilespmem:s31+$0x10]  }
0x15c: {  	v4 =	vld [tilespmem:s31+$0xFFFFFFE0]  }
0x15d: {  	v5 =	vld [tilespmem:s12+$0xFFFFFFF0]  }
0x15e: {  	v6 =	vld [tilespmem:s31+$0xFFFFFFF0]  }
0x15f: {  	v7 =	vld [tilespmem:s12+$0x0]  }
0x160: {  	v8 =	vld [tilespmem:s31+$0x0]  }
0x161: {  	v9 =	vld [tilespmem:s0+$0x10]  }
0x162: {  	s16 =	simm.s32 $0x60;
	v10 =	vld [tilespmem:s0+$0xFFFFFFE0]  }
0x163: {  	v11 =	vld [tilespmem:s16+$0xFFFFFFF0]  }
0x164: {  	v12 =	vld [tilespmem:s0+$0xFFFFFFF0]  }
0x165: {  	v13 =	vld [tilespmem:s16+$0x0];
	v2 =	vmul.f32 v3, v2  }
0x166: {  	v3 =	vld [tilespmem:s12+$0xFFFFFFE0]  }
0x167: {  	v14 =	vld [tilespmem:s0+$0x0];
	[tilespmem:s12+$0x10] =	vst v2;
	v2 =	vmul.f32 v6, v5  }
0x168: {  	v5 =	vld [tilespmem:s8+$0x10]  }
0x169: {  	[tilespmem:s12+$0xFFFFFFF0] =	vst v2;
	v2 =	vmul.f32 v8, v7;
	v8 =	vld [tilespmem:s16+$0x10]  }
0x16a: {  	v6 =	vld [tilespmem:s31+$0x10]  }
0x16b: {  	v3 =	vmul.f32 v4, v3;
	v4 =	vld [tilespmem:s8+$0xFFFFFFF0]  }
0x16c: {  	v7 =	vld [tilespmem:s31+$0xFFFFFFF0];
	[tilespmem:s12+$0x0] =	vst v2  }
0x16d: {  	[tilespmem:s12+$0xFFFFFFE0] =	vst v3;
	v2 =	vld [tilespmem:s8+$0x0]  }
0x16e: {  	v3 =	vld [tilespmem:s8+$0xFFFFFFE0];
	v8 =	vmul.f32 v9, v8  }
0x16f: {  	v9 =	vld [tilespmem:s16+$0xFFFFFFE0]  }
0x170: {  	s9 =	simm.s32 $0x8060;
	v5 =	vmul.f32 v6, v5;
	v6 =	vld [tilespmem:s31+$0xFFFFFFE0];
	[tilespmem:s16+$0x10] =	vst v8  }
0x171: {  	v8 =	vmul.f32 v12, v11;
	v11 =	vld [tilespmem:s9+$0x10]  }
0x172: {  	[tilespmem:s8+$0x10] =	vst v5;
	v4 =	vmul.f32 v7, v4;
	v63 =	vld [tilespmem:s0+$0x10]  }
0x173: {  	v5 =	vld [tilespmem:s31+$0x0];
	[tilespmem:s16+$0xFFFFFFF0] =	vst v8;
	v8 =	vmul.f32 v14, v13  }
0x174: {  	[tilespmem:s8+$0xFFFFFFF0] =	vst v4;
	v9 =	vmul.f32 v10, v9;
	v4 =	vld [tilespmem:s9+$0xFFFFFFF0]  }
0x175: {  	v7 =	vld [tilespmem:s0+$0xFFFFFFF0];
	v10 =	vmul.f32 v6, v3;
	[tilespmem:s16+$0x0] =	vst v8  }
0x176: {  	[tilespmem:s16+$0xFFFFFFE0] =	vst v9;
	v6 =	vld [tilespmem:s9+$0x0]  }
0x177: {  	s13 =	simm.s32 $0x10060;
	s12 =	simm.s32 $0xA0;
	[tilespmem:s8+$0xFFFFFFE0] =	vst v10;
	v3 =	vld [tilespmem:s9+$0xFFFFFFE0];
	v8 =	vmul.f32 v63, v11  }
.LBB2_16:
0x178: {  	v9 =	vld [tilespmem:s12+$0x10];
	s0 =	sadd.s32 $0x40, s0;
	v10 =	vmul.f32 v5, v2  }
0x179: {  	v5 =	vld [tilespmem:s0+$0x10];
	[tilespmem:s9+$0x10] =	vst v8  }
0x17a: {  	s1 =	sadd.s32 $0x4, s1;
	v8 =	vld [tilespmem:s0+$0xFFFFFFE0];
	v4 =	vmul.f32 v7, v4;
	[tilespmem:s8+$0x0] =	vst v10;
	s8 =	smov.u32 s9  }
0x17b: {  	p0 =	slt.u32 s1, $0x7FC;
	v7 =	vld [tilespmem:s12+$0xFFFFFFF0];
	v2 =	vmov v6  }
0x17c: {  	v6 =	vld [tilespmem:s0+$0xFFFFFFF0];
	[tilespmem:s9+$0xFFFFFFF0] =	vst v4  }
0x17d: {  	v4 =	vld [tilespmem:s12+$0x0]  }
0x17e: {  	v10 =	vld [tilespmem:s0+$0x0];
	v5 =	vmul.f32 v5, v9  }
0x17f: {  	v9 =	vld [tilespmem:s12+$0xFFFFFFE0]  }
0x180: {  	s9 =	sadd.s32 $0x40, s9;
	[tilespmem:s12+$0x10] =	vst v5;
	v11 =	vld [tilespmem:s13+$0xFFFFFFE0]  }
0x181: {  	v5 =	vmul.f32 v6, v7;
	v12 =	vld [tilespmem:s9+$0x10]  }
0x182: {  	v13 =	vld [tilespmem:s0+$0x10]  }
.Ltmp7:
0x183: {  	[tilespmem:s12+$0xFFFFFFF0] =	vst v5;
	v6 =	vmul.f32 v10, v4;
	v5 =	vld [tilespmem:s13+$0x0];
	s13 =	smov.u32 s0;
	(pc) =	sbr.rel @p0 .LBB2_16-.Ltmp7, $4  }
0x184: {  	v8 =	vmul.f32 v8, v9;
	v4 =	vld [tilespmem:s9+$0xFFFFFFF0]  }
0x185: {  	v7 =	vld [tilespmem:s0+$0xFFFFFFF0];
	[tilespmem:s12+$0x0] =	vst v6;
	v9 =	vmul.f32 v11, v3  }
0x186: {  	[tilespmem:s12+$0xFFFFFFE0] =	vst v8;
	v6 =	vld [tilespmem:s9+$0x0]  }
0x187: {  	s12 =	sadd.s32 $0x40, s12;
	v3 =	vld [tilespmem:s9+$0xFFFFFFE0];
	v8 =	vmul.f32 v13, v12;
	[tilespmem:s8+$0xFFFFFFE0] =	vst v9  }
0x188: {  	v9 =	vld [tilespmem:s13+$0xFFFFFFE0]  }
0x189: {  	v10 =	vld [tilespmem:s13+$0x0];
	_ =	sdelay $0x1  }
0x18a: {  	v2 =	vmul.f32 v5, v2  }
0x18b: {  	[tilespmem:s9+$0x10] =	vst v8;
	v4 =	vmul.f32 v7, v4  }
0x18c: {  	[tilespmem:s8+$0x0] =	vst v2;
	v2 =	vmul.f32 v9, v3  }
0x18d: {  	[tilespmem:s9+$0xFFFFFFF0] =	vst v4;
	v3 =	vmul.f32 v10, v6  }
0x18e: {  	[tilespmem:s9+$0xFFFFFFE0] =	vst v2  }
0x18f: {  	[tilespmem:s9+$0x0] =	vst v3  }
0x190: {  	[hbm4b:s10+s2] =	stream.linear.scatter [tilespmem:s2], [sflag:$0x3], $0x8000, $0x38;
	[tilespmem:$0x1E000] =	vst v63  }
0x191: {  	_ =	swait.ge [sflag:s29], $0x8000  }
0x192: {  	[sflag:s29] =	ssyncset.done $0x0  }
0x193: {  	s0 =	rddreg [dreg:$0x4];
	[sflag:s29] =	ssyncadd.s32 $0xFFFF8000  }
0x194: {  	[hbm4b:s0+s2] =	stream.linear.scatter [tilespmem:s25], [sflag:$0x3], $0x8000, $0x38;
	[tilespmem:$0x1E000] =	vst v63  }
0x195: {  	_ =	swait.ge [sflag:s29], $0x8000  }
0x196: {  	[sflag:s29] =	ssyncset.done $0x0  }
0x197: {  	s0 =	simm.s32 $0x40;
	[sflag:s29] =	ssyncadd.s32 $0xFFFF8000  }
0x198: {  	[tilespmem:s0+$0x30] =	vst v0  }
0x199: {  	[tilespmem:s0+$0xFFFFFFF0] =	vst v0  }
0x19a: {  	[tilespmem:s0+$0xFFFFFFC0] =	vst v0  }
0x19b: {  	[tilespmem:s0+$0xFFFFFFE0] =	vst v0  }
0x19c: {  	[tilespmem:s0+$0x10] =	vst v0  }
0x19d: {  	[tilespmem:s0+$0x20] =	vst v0  }
0x19e: {  	[tilespmem:s0+$0x0] =	vst v0  }
0x19f: {  	s1 =	simm.s32 $0x8040;
	[tilespmem:s0+$0xFFFFFFD0] =	vst v0  }
0x1a0: {  	[tilespmem:s1+$0xFFFFFFC0] =	vst v0  }
0x1a1: {  	[tilespmem:s1+$0x30] =	vst v0  }
0x1a2: {  	[tilespmem:s1+$0x20] =	vst v0  }
0x1a3: {  	[tilespmem:s1+$0x10] =	vst v0  }
0x1a4: {  	[tilespmem:s1+$0xFFFFFFE0] =	vst v0  }
0x1a5: {  	[tilespmem:s1+$0x0] =	vst v0  }
0x1a6: {  	s8 =	simm.s32 $0x0;
	[tilespmem:s1+$0xFFFFFFF0] =	vst v0  }
.LBB2_18:
0x1a7: {  	s8 =	sadd.s32 $0x8, s8;
	[tilespmem:s1+$0xFFFFFFD0] =	vst v0;
	s0 =	sadd.s32 $0x80, s0;
	s1 =	sadd.s32 $0x80, s1  }
0x1a8: {  	[tilespmem:s0+$0x30] =	vst v0;
	p0 =	slt.u32 s8, $0x7F8  }
0x1a9: {  	[tilespmem:s0+$0xFFFFFFF0] =	vst v0  }
0x1aa: {  	[tilespmem:s0+$0xFFFFFFC0] =	vst v0  }
0x1ab: {  	[tilespmem:s1+$0xFFFFFFC0] =	vst v0  }
0x1ac: {  	[tilespmem:s1+$0x30] =	vst v0  }
0x1ad: {  	[tilespmem:s0+$0xFFFFFFE0] =	vst v0  }
0x1ae: {  	[tilespmem:s0+$0x10] =	vst v0  }
0x1af: {  	[tilespmem:s0+$0x20] =	vst v0  }
0x1b0: {  	[tilespmem:s1+$0x20] =	vst v0  }
0x1b1: {  	[tilespmem:s1+$0x10] =	vst v0  }
.Ltmp8:
0x1b2: {  	[tilespmem:s1+$0xFFFFFFE0] =	vst v0;
	(pc) =	sbr.rel @p0 .LBB2_18-.Ltmp8, $4  }
0x1b3: {  	[tilespmem:s0+$0x0] =	vst v0  }
0x1b4: {  	[tilespmem:s1+$0x0] =	vst v0  }
0x1b5: {  	[tilespmem:s1+$0xFFFFFFF0] =	vst v0  }
0x1b6: {  	[tilespmem:s0+$0xFFFFFFD0] =	vst v0  }
0x1b7: {  	[tilespmem:s1+$0xFFFFFFD0] =	vst v0  }
0x1b8: {  	s31 =	simm.s32 $0x0;
	s0 =	rddreg [dreg:$0x5]  }
0x1b9: {  	[tilespmem:s18], [sflag:$0x1] =	stream.linear.gather [hbm4b:s0+s31], $0xFA0, $0x38;
	[tilespmem:$0x1E000] =	vst v63  }
0x1ba: {  	s16 =	rddreg [dreg:$0x6]  }
0x1bb: {  	[tilespmem:s19], [sflag:$0x1] =	stream.linear.gather [hbm4b:s16+s31], $0xFA0, $0x38;
	[tilespmem:$0x1E000] =	vst v63  }
0x1bc: {  	_ = 	snop  }
0x1bd: {  	[tilespmem:s20], [sflag:$0x1] =	stream.linear.gather [hbm4b:s4+s31], $0xFA0, $0x38;
	[tilespmem:$0x1E000] =	vst v63  }
.LBB2_20:
0x1be: {  	s0 =	smul.u32 $0x1F40, s31;
	_ =	sdelay $0x1  }
0x1bf: {  	s1 =	sadd.s32 $0xFA0, s0  }
0x1c0: {  	s8 =	sadd.s32 s7, s1  }
0x1c1: {  	s8 =	sshrl.u32 s8, $0x3  }
0x1c2: {  	s15 =	sadd.s32 s11, s1;
	s8 =	sadd.s32 s3, s8  }
0x1c3: {  	[tilespmem:s21], [sflag:$0x2] =	stream.linear.gather [hbm4b:s8+s2], $0xFA0, $0x38;
	[tilespmem:$0x1E000] =	vst v63  }
0x1c4: {  	s8 =	sshrl.u32 s15, $0x3  }
0x1c5: {  	s1 =	sshrl.u32 s1, $0x3;
	s8 =	sadd.s32 s3, s8  }
0x1c6: {  	[tilespmem:s22], [sflag:$0x2] =	stream.linear.gather [hbm4b:s8+s2], $0xFA0, $0x38;
	[tilespmem:$0x1E000] =	vst v63  }
0x1c7: {  	s1 =	sadd.s32 s4, s1  }
0x1c8: {  	[tilespmem:s23], [sflag:$0x2] =	stream.linear.gather [hbm4b:s1+s2], $0xFA0, $0x38;
	[tilespmem:$0x1E000] =	vst v63  }
0x1c9: {  	_ =	swait.ge [sflag:s24], $0xFA0  }
0x1ca: {  	[sflag:s24] =	ssyncset.done $0x0  }
0x1cb: {  	[sflag:s24] =	ssyncadd.s32 $0xFFFFF060  }
0x1cc: {  	_ =	swait.ge [sflag:s24], $0xFA0  }
0x1cd: {  	[sflag:s24] =	ssyncset.done $0x0  }
0x1ce: {  	[sflag:s24] =	ssyncadd.s32 $0xFFFFF060  }
0x1cf: {  	_ =	swait.ge [sflag:s24], $0xFA0  }
0x1d0: {  	[sflag:s24] =	ssyncset.done $0x0  }
0x1d1: {  	s16 =	simm.s32 $0x1C020;
	[sflag:s24] =	ssyncadd.s32 $0xFFFFF060  }
0x1d2: {  	v3 =	vld [tilespmem:s16+$0x20]  }
0x1d3: {  	v4 =	vld [tilespmem:s16+$0xFFFFFFF0]  }
0x1d4: {  	s1 =	simm.s32 $0x18020;
	v5 =	vld [tilespmem:s16+$0x0]  }
0x1d5: {  	v6 =	vld [tilespmem:s1+$0x20]  }
0x1d6: {  	v7 =	vld [tilespmem:s16+$0xFFFFFFE0]  }
0x1d7: {  	v2 =	vld [tilespmem:s16+$0x10]  }
0x1d8: {  	v9 =	vld [tilespmem:s1+$0xFFFFFFF0]  }
0x1d9: {  	v8 =	vld [tilespmem:s1+$0xFFFFFFE0]  }
0x1da: {  	v10 =	vld [tilespmem:s1+$0x0]  }
0x1db: {  	v11 =	vld [tilespmem:s1+$0x10]  }
0x1dc: {  	[tilespmem:v3+s2+$0x0] =	vst.idx.add.f32.msk $0xffff, v6  }
0x1dd: {  	[tilespmem:v4+s2+$0x0] =	vst.idx.add.f32.msk $0xffff, v9  }
0x1de: {  	[tilespmem:v7+s2+$0x0] =	vst.idx.add.f32.msk $0xffff, v8  }
0x1df: {  	s8 =	simm.s32 $0x19020;
	[tilespmem:v5+s2+$0x0] =	vst.idx.add.f32.msk $0xffff, v10  }
0x1e0: {  	v6 =	vld [tilespmem:s8+$0x20]  }
0x1e1: {  	[tilespmem:v2+s2+$0x0] =	vst.idx.add.f32.msk $0xffff, v11  }
0x1e2: {  	v61 =	vld [tilespmem:s8+$0xFFFFFFE0]  }
0x1e3: {  	v62 =	vld [tilespmem:s8+$0xFFFFFFF0]  }
0x1e4: {  	v63 =	vld [tilespmem:s8+$0x0]  }
0x1e5: {  	[tilespmem:v3+s25+$0x0] =	vst.idx.add.f32.msk $0xffff, v6  }
0x1e6: {  	v3 =	vld [tilespmem:s8+$0x10];
	_ =	sdelay $0x1  }
0x1e7: {  	[tilespmem:v7+s25+$0x0] =	vst.idx.add.f32.msk $0xffff, v61  }
0x1e8: {  	[tilespmem:v4+s25+$0x0] =	vst.idx.add.f32.msk $0xffff, v62  }
0x1e9: {  	s9 =	simm.s32 $0x0;
	s12 =	simm.s32 $0x1C070;
	[tilespmem:v5+s25+$0x0] =	vst.idx.add.f32.msk $0xffff, v63  }
.LBB2_21:
0x1ea: {  	v4 =	vld [tilespmem:s12+$0x20];
	s9 =	sadd.s32 $0x5, s9;
	v5 =	vmov v3  }
0x1eb: {  	v6 =	vld [tilespmem:s12+$0xFFFFFFF0];
	p0 =	slt.u32 s9, $0xF5  }
0x1ec: {  	s1 =	sadd.s32 $0x50, s1;
	v7 =	vld [tilespmem:s12+$0x0]  }
0x1ed: {  	v3 =	vld [tilespmem:s1+$0x20]  }
0x1ee: {  	v8 =	vld [tilespmem:s12+$0x10]  }
0x1ef: {  	v9 =	vld [tilespmem:s12+$0xFFFFFFE0]  }
0x1f0: {  	v10 =	vld [tilespmem:s1+$0xFFFFFFE0]  }
0x1f1: {  	v11 =	vld [tilespmem:s1+$0xFFFFFFF0]  }
0x1f2: {  	s8 =	sadd.s32 $0x50, s8;
	[tilespmem:v4+s2+$0x0] =	vst.idx.add.f32.msk $0xffff, v3  }
0x1f3: {  	v3 =	vld [tilespmem:s8+$0x20]  }
0x1f4: {  	v12 =	vld [tilespmem:s1+$0x0]  }
0x1f5: {  	v13 =	vld [tilespmem:s1+$0x10]  }
0x1f6: {  	[tilespmem:v6+s2+$0x0] =	vst.idx.add.f32.msk $0xffff, v11  }
0x1f7: {  	[tilespmem:v9+s2+$0x0] =	vst.idx.add.f32.msk $0xffff, v10  }
0x1f8: {  	[tilespmem:v4+s25+$0x0] =	vst.idx.add.f32.msk $0xffff, v3  }
0x1f9: {  	[tilespmem:v7+s2+$0x0] =	vst.idx.add.f32.msk $0xffff, v12  }
0x1fa: {  	[tilespmem:v8+s2+$0x0] =	vst.idx.add.f32.msk $0xffff, v13  }
0x1fb: {  	v4 =	vld [tilespmem:s8+$0xFFFFFFE0]  }
0x1fc: {  	v10 =	vld [tilespmem:s8+$0xFFFFFFF0]  }
0x1fd: {  	v11 =	vld [tilespmem:s8+$0x0]  }
.Ltmp9:
0x1fe: {  	v3 =	vld [tilespmem:s8+$0x10];
	(pc) =	sbr.rel @p0 .LBB2_21-.Ltmp9, $4  }
0x1ff: {  	[tilespmem:v2+s25+$0x0] =	vst.idx.add.f32.msk $0xffff, v5;
	v2 =	vmov v8  }
0x200: {  	[tilespmem:v9+s25+$0x0] =	vst.idx.add.f32.msk $0xffff, v4  }
0x201: {  	[tilespmem:v6+s25+$0x0] =	vst.idx.add.f32.msk $0xffff, v10  }
0x202: {  	s12 =	sadd.s32 $0x50, s12;
	[tilespmem:v7+s25+$0x0] =	vst.idx.add.f32.msk $0xffff, v11  }
0x203: {  	_ = 	snop  }
0x204: {  	s0 =	sadd.s32 $0x1F40, s0  }
0x205: {  	s1 =	sadd.s32 s7, s0  }
0x206: {  	s1 =	sshrl.u32 s1, $0x3  }
0x207: {  	[tilespmem:v2+s25+$0x0] =	vst.idx.add.f32.msk $0xffff, v3;
	s15 =	sadd.s32 s11, s0;
	s1 =	sadd.s32 s3, s1  }
0x208: {  	[tilespmem:s18], [sflag:$0x1] =	stream.linear.gather [hbm4b:s1+s2], $0xFA0, $0x38;
	[tilespmem:$0x1E000] =	vst v63  }
0x209: {  	s1 =	sshrl.u32 s15, $0x3  }
0x20a: {  	s0 =	sshrl.u32 s0, $0x3;
	s1 =	sadd.s32 s3, s1  }
0x20b: {  	[tilespmem:s19], [sflag:$0x1] =	stream.linear.gather [hbm4b:s1+s2], $0xFA0, $0x38;
	[tilespmem:$0x1E000] =	vst v63  }
0x20c: {  	s0 =	sadd.s32 s4, s0  }
0x20d: {  	[tilespmem:s20], [sflag:$0x1] =	stream.linear.gather [hbm4b:s0+s2], $0xFA0, $0x38;
	[tilespmem:$0x1E000] =	vst v63  }
0x20e: {  	_ =	swait.ge [sflag:s28], $0xFA0  }
0x20f: {  	[sflag:s28] =	ssyncset.done $0x0  }
0x210: {  	[sflag:s28] =	ssyncadd.s32 $0xFFFFF060  }
0x211: {  	_ =	swait.ge [sflag:s28], $0xFA0  }
0x212: {  	[sflag:s28] =	ssyncset.done $0x0  }
0x213: {  	[sflag:s28] =	ssyncadd.s32 $0xFFFFF060  }
0x214: {  	_ =	swait.ge [sflag:s28], $0xFA0  }
0x215: {  	[sflag:s28] =	ssyncset.done $0x0  }
0x216: {  	s16 =	simm.s32 $0x1D020;
	[sflag:s28] =	ssyncadd.s32 $0xFFFFF060  }
0x217: {  	v3 =	vld [tilespmem:s16+$0x20]  }
0x218: {  	v4 =	vld [tilespmem:s16+$0xFFFFFFF0]  }
0x219: {  	s0 =	simm.s32 $0x1A020;
	v5 =	vld [tilespmem:s16+$0x0]  }
0x21a: {  	v6 =	vld [tilespmem:s0+$0x20]  }
0x21b: {  	v7 =	vld [tilespmem:s16+$0xFFFFFFE0]  }
0x21c: {  	v2 =	vld [tilespmem:s16+$0x10]  }
0x21d: {  	v9 =	vld [tilespmem:s0+$0xFFFFFFF0]  }
0x21e: {  	v8 =	vld [tilespmem:s0+$0xFFFFFFE0]  }
0x21f: {  	v10 =	vld [tilespmem:s0+$0x0]  }
0x220: {  	v11 =	vld [tilespmem:s0+$0x10]  }
0x221: {  	[tilespmem:v3+s2+$0x0] =	vst.idx.add.f32.msk $0xffff, v6  }
0x222: {  	[tilespmem:v4+s2+$0x0] =	vst.idx.add.f32.msk $0xffff, v9  }
0x223: {  	[tilespmem:v7+s2+$0x0] =	vst.idx.add.f32.msk $0xffff, v8  }
0x224: {  	s1 =	simm.s32 $0x1B020;
	[tilespmem:v5+s2+$0x0] =	vst.idx.add.f32.msk $0xffff, v10  }
0x225: {  	v6 =	vld [tilespmem:s1+$0x20]  }
0x226: {  	[tilespmem:v2+s2+$0x0] =	vst.idx.add.f32.msk $0xffff, v11  }
0x227: {  	v61 =	vld [tilespmem:s1+$0xFFFFFFE0]  }
0x228: {  	v62 =	vld [tilespmem:s1+$0xFFFFFFF0]  }
0x229: {  	v63 =	vld [tilespmem:s1+$0x0]  }
0x22a: {  	[tilespmem:v3+s25+$0x0] =	vst.idx.add.f32.msk $0xffff, v6  }
0x22b: {  	v3 =	vld [tilespmem:s1+$0x10];
	_ =	sdelay $0x1  }
0x22c: {  	[tilespmem:v7+s25+$0x0] =	vst.idx.add.f32.msk $0xffff, v61  }
0x22d: {  	[tilespmem:v4+s25+$0x0] =	vst.idx.add.f32.msk $0xffff, v62  }
0x22e: {  	s8 =	simm.s32 $0x0;
	s9 =	simm.s32 $0x1D070;
	[tilespmem:v5+s25+$0x0] =	vst.idx.add.f32.msk $0xffff, v63  }
.LBB2_23:
0x22f: {  	v4 =	vld [tilespmem:s9+$0x20];
	s8 =	sadd.s32 $0x5, s8;
	v5 =	vmov v3  }
0x230: {  	v6 =	vld [tilespmem:s9+$0xFFFFFFF0];
	p0 =	slt.u32 s8, $0xF5  }
0x231: {  	s0 =	sadd.s32 $0x50, s0;
	v7 =	vld [tilespmem:s9+$0x0]  }
0x232: {  	v3 =	vld [tilespmem:s0+$0x20]  }
0x233: {  	v8 =	vld [tilespmem:s9+$0x10]  }
0x234: {  	v9 =	vld [tilespmem:s9+$0xFFFFFFE0]  }
0x235: {  	v10 =	vld [tilespmem:s0+$0xFFFFFFE0]  }
0x236: {  	v11 =	vld [tilespmem:s0+$0xFFFFFFF0]  }
0x237: {  	s1 =	sadd.s32 $0x50, s1;
	[tilespmem:v4+s2+$0x0] =	vst.idx.add.f32.msk $0xffff, v3  }
0x238: {  	v3 =	vld [tilespmem:s1+$0x20]  }
0x239: {  	v12 =	vld [tilespmem:s0+$0x0]  }
0x23a: {  	v13 =	vld [tilespmem:s0+$0x10]  }
0x23b: {  	[tilespmem:v6+s2+$0x0] =	vst.idx.add.f32.msk $0xffff, v11  }
0x23c: {  	[tilespmem:v9+s2+$0x0] =	vst.idx.add.f32.msk $0xffff, v10  }
0x23d: {  	[tilespmem:v4+s25+$0x0] =	vst.idx.add.f32.msk $0xffff, v3  }
0x23e: {  	[tilespmem:v7+s2+$0x0] =	vst.idx.add.f32.msk $0xffff, v12  }
0x23f: {  	[tilespmem:v8+s2+$0x0] =	vst.idx.add.f32.msk $0xffff, v13  }
0x240: {  	v4 =	vld [tilespmem:s1+$0xFFFFFFE0]  }
0x241: {  	v10 =	vld [tilespmem:s1+$0xFFFFFFF0]  }
0x242: {  	v11 =	vld [tilespmem:s1+$0x0]  }
.Ltmp10:
0x243: {  	v3 =	vld [tilespmem:s1+$0x10];
	(pc) =	sbr.rel @p0 .LBB2_23-.Ltmp10, $4  }
0x244: {  	[tilespmem:v2+s25+$0x0] =	vst.idx.add.f32.msk $0xffff, v5;
	v2 =	vmov v8  }
0x245: {  	[tilespmem:v9+s25+$0x0] =	vst.idx.add.f32.msk $0xffff, v4  }
0x246: {  	[tilespmem:v6+s25+$0x0] =	vst.idx.add.f32.msk $0xffff, v10  }
0x247: {  	s9 =	sadd.s32 $0x50, s9;
	[tilespmem:v7+s25+$0x0] =	vst.idx.add.f32.msk $0xffff, v11  }
0x248: {  	s31 =	sadd.s32 $0x1, s31  }
0x249: {  	p0 =	sne.s32 s31, $0xC  }
.Ltmp11:
0x24a: {  	_ = 	snop;
	(pc) =	sbr.rel @p0 .LBB2_20-.Ltmp11, $2  }
0x24b: {  	_ =	sdelay $0x2  }
0x24c: {  	[tilespmem:v2+s25+$0x0] =	vst.idx.add.f32.msk $0xffff, v3  }
0x24d: {  	_ =	swait.ge [sflag:s24], $0xFA0  }
0x24e: {  	[sflag:s24] =	ssyncset.done $0x0  }
0x24f: {  	[sflag:s24] =	ssyncadd.s32 $0xFFFFF060  }
0x250: {  	_ =	swait.ge [sflag:s24], $0xFA0  }
0x251: {  	[sflag:s24] =	ssyncset.done $0x0  }
0x252: {  	[sflag:s24] =	ssyncadd.s32 $0xFFFFF060  }
0x253: {  	_ =	swait.ge [sflag:s24], $0xFA0  }
0x254: {  	[sflag:s24] =	ssyncset.done $0x0  }
0x255: {  	s0 =	simm.s32 $0x1C020;
	[sflag:s24] =	ssyncadd.s32 $0xFFFFF060  }
0x256: {  	v3 =	vld [tilespmem:s0+$0x20]  }
0x257: {  	v4 =	vld [tilespmem:s0+$0xFFFFFFF0]  }
0x258: {  	s1 =	simm.s32 $0x18020;
	v5 =	vld [tilespmem:s0+$0x0]  }
0x259: {  	v6 =	vld [tilespmem:s1+$0x20]  }
0x25a: {  	v7 =	vld [tilespmem:s0+$0xFFFFFFE0]  }
0x25b: {  	v2 =	vld [tilespmem:s0+$0x10]  }
0x25c: {  	v9 =	vld [tilespmem:s1+$0xFFFFFFF0]  }
0x25d: {  	v8 =	vld [tilespmem:s1+$0xFFFFFFE0]  }
0x25e: {  	v10 =	vld [tilespmem:s1+$0x0]  }
0x25f: {  	v11 =	vld [tilespmem:s1+$0x10]  }
0x260: {  	[tilespmem:v3+s2+$0x0] =	vst.idx.add.f32.msk $0xffff, v6  }
0x261: {  	[tilespmem:v4+s2+$0x0] =	vst.idx.add.f32.msk $0xffff, v9  }
0x262: {  	[tilespmem:v7+s2+$0x0] =	vst.idx.add.f32.msk $0xffff, v8  }
0x263: {  	s8 =	simm.s32 $0x19020;
	[tilespmem:v5+s2+$0x0] =	vst.idx.add.f32.msk $0xffff, v10  }
0x264: {  	v6 =	vld [tilespmem:s8+$0x20]  }
0x265: {  	[tilespmem:v2+s2+$0x0] =	vst.idx.add.f32.msk $0xffff, v11  }
0x266: {  	v61 =	vld [tilespmem:s8+$0xFFFFFFE0]  }
0x267: {  	v62 =	vld [tilespmem:s8+$0xFFFFFFF0]  }
0x268: {  	v63 =	vld [tilespmem:s8+$0x0]  }
0x269: {  	[tilespmem:v3+s25+$0x0] =	vst.idx.add.f32.msk $0xffff, v6  }
0x26a: {  	v3 =	vld [tilespmem:s8+$0x10];
	_ =	sdelay $0x1  }
0x26b: {  	[tilespmem:v7+s25+$0x0] =	vst.idx.add.f32.msk $0xffff, v61  }
0x26c: {  	[tilespmem:v4+s25+$0x0] =	vst.idx.add.f32.msk $0xffff, v62  }
0x26d: {  	s12 =	simm.s32 $0x0;
	s31 =	simm.s32 $0x1C070;
	[tilespmem:v5+s25+$0x0] =	vst.idx.add.f32.msk $0xffff, v63  }
.LBB2_26:
0x26e: {  	v4 =	vld [tilespmem:s31+$0x20];
	s12 =	sadd.s32 $0x5, s12;
	v5 =	vmov v3  }
0x26f: {  	v6 =	vld [tilespmem:s31+$0xFFFFFFF0];
	p0 =	slt.u32 s12, $0xF5  }
0x270: {  	s1 =	sadd.s32 $0x50, s1;
	v7 =	vld [tilespmem:s31+$0x0]  }
0x271: {  	v3 =	vld [tilespmem:s1+$0x20]  }
0x272: {  	v8 =	vld [tilespmem:s31+$0x10]  }
0x273: {  	v9 =	vld [tilespmem:s31+$0xFFFFFFE0]  }
0x274: {  	v10 =	vld [tilespmem:s1+$0xFFFFFFE0]  }
0x275: {  	v11 =	vld [tilespmem:s1+$0xFFFFFFF0]  }
0x276: {  	s8 =	sadd.s32 $0x50, s8;
	[tilespmem:v4+s2+$0x0] =	vst.idx.add.f32.msk $0xffff, v3  }
0x277: {  	v3 =	vld [tilespmem:s8+$0x20]  }
0x278: {  	v12 =	vld [tilespmem:s1+$0x0]  }
0x279: {  	v13 =	vld [tilespmem:s1+$0x10]  }
0x27a: {  	[tilespmem:v6+s2+$0x0] =	vst.idx.add.f32.msk $0xffff, v11  }
0x27b: {  	s13 =	simm.s32 $0x20;
	[tilespmem:v9+s2+$0x0] =	vst.idx.add.f32.msk $0xffff, v10  }
0x27c: {  	s0 =	simm.s32 $0x8020;
	s9 =	simm.s32 $0x10020;
	[tilespmem:v4+s25+$0x0] =	vst.idx.add.f32.msk $0xffff, v3  }
0x27d: {  	[tilespmem:v7+s2+$0x0] =	vst.idx.add.f32.msk $0xffff, v12  }
0x27e: {  	[tilespmem:v8+s2+$0x0] =	vst.idx.add.f32.msk $0xffff, v13  }
0x27f: {  	v4 =	vld [tilespmem:s8+$0xFFFFFFE0]  }
0x280: {  	v10 =	vld [tilespmem:s8+$0xFFFFFFF0]  }
0x281: {  	v11 =	vld [tilespmem:s8+$0x0]  }
.Ltmp12:
0x282: {  	v3 =	vld [tilespmem:s8+$0x10];
	(pc) =	sbr.rel @p0 .LBB2_26-.Ltmp12, $4  }
0x283: {  	[tilespmem:v2+s25+$0x0] =	vst.idx.add.f32.msk $0xffff, v5;
	v2 =	vmov v8  }
0x284: {  	[tilespmem:v9+s25+$0x0] =	vst.idx.add.f32.msk $0xffff, v4  }
0x285: {  	[tilespmem:v6+s25+$0x0] =	vst.idx.add.f32.msk $0xffff, v10  }
0x286: {  	s31 =	sadd.s32 $0x50, s31;
	[tilespmem:v7+s25+$0x0] =	vst.idx.add.f32.msk $0xffff, v11  }
0x287: {  	_ =	sdelay $0x3  }
0x288: {  	[tilespmem:v2+s25+$0x0] =	vst.idx.add.f32.msk $0xffff, v3  }
0x289: {  	v2 =	vld [tilespmem:s13+$0x10]  }
0x28a: {  	v3 =	vld [tilespmem:s9+$0x10]  }
0x28b: {  	v4 =	vld [tilespmem:s9+$0xFFFFFFE0]  }
0x28c: {  	v5 =	vld [tilespmem:s13+$0xFFFFFFF0]  }
0x28d: {  	v6 =	vld [tilespmem:s9+$0xFFFFFFF0]  }
0x28e: {  	v7 =	vld [tilespmem:s13+$0x0]  }
0x28f: {  	s1 =	simm.s32 $0x10060;
	v8 =	vld [tilespmem:s9+$0x0]  }
0x290: {  	v9 =	vld [tilespmem:s1+$0x10]  }
0x291: {  	s12 =	simm.s32 $0x60;
	v10 =	vld [tilespmem:s1+$0xFFFFFFE0]  }
0x292: {  	v11 =	vld [tilespmem:s12+$0xFFFFFFF0]  }
0x293: {  	v12 =	vld [tilespmem:s1+$0xFFFFFFF0]  }
0x294: {  	v13 =	vld [tilespmem:s12+$0x0];
	v2 =	vmul.f32 v3, v2  }
0x295: {  	v3 =	vld [tilespmem:s13+$0xFFFFFFE0]  }
0x296: {  	v14 =	vld [tilespmem:s1+$0x0];
	[tilespmem:s13+$0x10] =	vst v2;
	v2 =	vmul.f32 v6, v5  }
0x297: {  	v5 =	vld [tilespmem:s0+$0x10]  }
0x298: {  	[tilespmem:s13+$0xFFFFFFF0] =	vst v2;
	v2 =	vmul.f32 v8, v7;
	v8 =	vld [tilespmem:s12+$0x10]  }
0x299: {  	v6 =	vld [tilespmem:s9+$0x10]  }
0x29a: {  	v3 =	vmul.f32 v4, v3;
	v4 =	vld [tilespmem:s0+$0xFFFFFFF0]  }
0x29b: {  	v7 =	vld [tilespmem:s9+$0xFFFFFFF0];
	[tilespmem:s13+$0x0] =	vst v2  }
0x29c: {  	[tilespmem:s13+$0xFFFFFFE0] =	vst v3;
	v2 =	vld [tilespmem:s0+$0x0]  }
0x29d: {  	v3 =	vld [tilespmem:s0+$0xFFFFFFE0];
	v8 =	vmul.f32 v9, v8  }
0x29e: {  	v9 =	vld [tilespmem:s12+$0xFFFFFFE0]  }
0x29f: {  	s8 =	simm.s32 $0x8060;
	v5 =	vmul.f32 v6, v5;
	v6 =	vld [tilespmem:s9+$0xFFFFFFE0];
	[tilespmem:s12+$0x10] =	vst v8  }
0x2a0: {  	v8 =	vmul.f32 v12, v11;
	v11 =	vld [tilespmem:s8+$0x10]  }
0x2a1: {  	[tilespmem:s0+$0x10] =	vst v5;
	v4 =	vmul.f32 v7, v4;
	v63 =	vld [tilespmem:s1+$0x10]  }
0x2a2: {  	v5 =	vld [tilespmem:s9+$0x0];
	[tilespmem:s12+$0xFFFFFFF0] =	vst v8;
	v8 =	vmul.f32 v14, v13  }
0x2a3: {  	[tilespmem:s0+$0xFFFFFFF0] =	vst v4;
	v9 =	vmul.f32 v10, v9;
	v4 =	vld [tilespmem:s8+$0xFFFFFFF0]  }
0x2a4: {  	v7 =	vld [tilespmem:s1+$0xFFFFFFF0];
	v10 =	vmul.f32 v6, v3;
	[tilespmem:s12+$0x0] =	vst v8  }
0x2a5: {  	[tilespmem:s12+$0xFFFFFFE0] =	vst v9;
	v6 =	vld [tilespmem:s8+$0x0]  }
0x2a6: {  	s13 =	simm.s32 $0x10060;
	s9 =	simm.s32 $0x4;
	s12 =	simm.s32 $0xA0;
	[tilespmem:s0+$0xFFFFFFE0] =	vst v10;
	v3 =	vld [tilespmem:s8+$0xFFFFFFE0];
	v8 =	vmul.f32 v63, v11  }
.LBB2_28:
0x2a7: {  	v9 =	vld [tilespmem:s12+$0x10];
	s1 =	sadd.s32 $0x40, s1;
	v10 =	vmul.f32 v5, v2  }
0x2a8: {  	v5 =	vld [tilespmem:s1+$0x10];
	[tilespmem:s8+$0x10] =	vst v8  }
0x2a9: {  	s9 =	sadd.s32 $0x4, s9;
	v8 =	vld [tilespmem:s1+$0xFFFFFFE0];
	v4 =	vmul.f32 v7, v4;
	[tilespmem:s0+$0x0] =	vst v10;
	s0 =	smov.u32 s8  }
0x2aa: {  	p0 =	slt.u32 s9, $0x7FC;
	v7 =	vld [tilespmem:s12+$0xFFFFFFF0];
	v2 =	vmov v6  }
0x2ab: {  	v6 =	vld [tilespmem:s1+$0xFFFFFFF0];
	[tilespmem:s8+$0xFFFFFFF0] =	vst v4  }
0x2ac: {  	v4 =	vld [tilespmem:s12+$0x0]  }
0x2ad: {  	v10 =	vld [tilespmem:s1+$0x0];
	v5 =	vmul.f32 v5, v9  }
0x2ae: {  	v9 =	vld [tilespmem:s12+$0xFFFFFFE0]  }
0x2af: {  	s8 =	sadd.s32 $0x40, s8;
	[tilespmem:s12+$0x10] =	vst v5;
	v11 =	vld [tilespmem:s13+$0xFFFFFFE0]  }
0x2b0: {  	v5 =	vmul.f32 v6, v7;
	v12 =	vld [tilespmem:s8+$0x10]  }
0x2b1: {  	v13 =	vld [tilespmem:s1+$0x10]  }
.Ltmp13:
0x2b2: {  	[tilespmem:s12+$0xFFFFFFF0] =	vst v5;
	v6 =	vmul.f32 v10, v4;
	v5 =	vld [tilespmem:s13+$0x0];
	s13 =	smov.u32 s1;
	(pc) =	sbr.rel @p0 .LBB2_28-.Ltmp13, $4  }
0x2b3: {  	v8 =	vmul.f32 v8, v9;
	v4 =	vld [tilespmem:s8+$0xFFFFFFF0]  }
0x2b4: {  	v7 =	vld [tilespmem:s1+$0xFFFFFFF0];
	[tilespmem:s12+$0x0] =	vst v6;
	v9 =	vmul.f32 v11, v3  }
0x2b5: {  	[tilespmem:s12+$0xFFFFFFE0] =	vst v8;
	v6 =	vld [tilespmem:s8+$0x0]  }
0x2b6: {  	s12 =	sadd.s32 $0x40, s12;
	v3 =	vld [tilespmem:s8+$0xFFFFFFE0];
	v8 =	vmul.f32 v13, v12;
	[tilespmem:s0+$0xFFFFFFE0] =	vst v9  }
0x2b7: {  	v9 =	vld [tilespmem:s13+$0xFFFFFFE0]  }
0x2b8: {  	v10 =	vld [tilespmem:s13+$0x0];
	_ =	sdelay $0x1  }
0x2b9: {  	v2 =	vmul.f32 v5, v2  }
0x2ba: {  	[tilespmem:s8+$0x10] =	vst v8;
	v4 =	vmul.f32 v7, v4  }
0x2bb: {  	[tilespmem:s0+$0x0] =	vst v2;
	v2 =	vmul.f32 v9, v3  }
0x2bc: {  	[tilespmem:s8+$0xFFFFFFF0] =	vst v4;
	v3 =	vmul.f32 v10, v6  }
0x2bd: {  	[tilespmem:s8+$0xFFFFFFE0] =	vst v2  }
0x2be: {  	[tilespmem:s8+$0x0] =	vst v3  }
0x2bf: {  	s0 =	rddreg [dreg:$0x7]  }
0x2c0: {  	[hbm4b:s0+s2] =	stream.linear.scatter [tilespmem:s2], [sflag:$0x3], $0x8000, $0x38;
	[tilespmem:$0x1E000] =	vst v63  }
0x2c1: {  	s30 =	sadd.s32 $0x1, s30;
	_ =	swait.ge [sflag:s29], $0x8000  }
0x2c2: {  	p0 =	sne.s32 s30, s17;
	[sflag:s29] =	ssyncset.done $0x0  }
.Ltmp14:
0x2c3: {  	s31 =	rddreg [dreg:$0x8];
	[sflag:s29] =	ssyncadd.s32 $0xFFFF8000;
	(pc) =	sbr.rel @p0 .LBB2_1-.Ltmp14, $4  }
0x2c4: {  	[hbm4b:s31+s2] =	stream.linear.scatter [tilespmem:s25], [sflag:$0x3], $0x8000, $0x38;
	[tilespmem:$0x1E000] =	vst v63  }
0x2c5: {  	_ =	swait.ge [sflag:s29], $0x8000  }
0x2c6: {  	[sflag:s29] =	ssyncset.done $0x0  }
0x2c7: {  	[sflag:s29] =	ssyncadd.s32 $0xFFFF8000  }
0x2c8: {  	_ =	sfence.sel $0x180000  }
0x2c9: {  	[bflag:$0x0] =	sbarrier.arrive $0xFFFF  }
0x2ca: {  	_ =	strace $0x9000004A  }
0x2cb: {  	s0 =	stileid.u32;
	[bflag:$0x2] =	sbarrier.arrive $0xFFFF  }
0x2cc: {  	p0 =	sne.s32 s0, $0x0;
	s0 =	rddreg [dreg:$0x1]  }
0x2cd: {  	s0 =	sadd.s32 @!p0 $0x100000, s0  }
0x2ce: {  	[sflag:s0] =	ssyncadd.tile.s32 @!p0 $0x1;
	_ =	shalt  }
.Lfunc_end2:
_tile_overlayer_lowered:
.L_overlay_start_2:
0x2cf: {  	(tag) =	ssettag $0x2  }
0x2d0: {  	s0 =	rddreg [dreg:$0x0];
	s2 =	stileid.u32  }
0x2d1: {  	s1 =	rddreg [dreg:$0x1];
	p0 =	sne.s32 s2, $0x0  }
0x2d2: {  	s3 =	rddreg [dreg:$0x2];
	[bflag:$0x3] =	sbarrier.arrive $0xFFFF;
	s2 =	simm.s32 @!p0 $0x1C03  }
0x2d3: {  	[timem:s3], [sflag:s2] =	dma.local @!p0 [hbm:s0], s1  }
0x2d4: {  	s0 =	simm.s32 @!p0 $0x3  }
0x2d5: {  	_ =	swait.ge @!p0 [sflag:s0], s1  }
0x2d6: {  	s1 =	ssub.s32 @!p0 $0x0, s1;
	[sflag:s0] =	ssyncset.done @!p0 $0x0  }
0x2d7: {  	[sflag:s0] =	ssyncadd.s32 @!p0 s1  }
0x2d8: {  	[bflag:$0x3] =	sbarrier.arrive $0xFFFF  }
0x2d9: {  	_ =	shalt  }

// kernel: kernel.16.cloned.1.call-start
scs
__scs_entry_jumppad:
0x0: {  	(pc) =	sbr.rel $0x88, $3  }
0x1: {  	(tag) =	ssettag $0x0;
	lr =	simm.s32 $0x1  }
0x2: {  	[smem:$0x3F9F] =	sst lr;
	_ =	strace $0xD0000000  }
0x3: {  	_ = 	snop  }
0x4: {  	_ = 	snop  }
0x5: {  	_ = 	snop  }
0x6: {  	_ = 	snop  }
0x7: {  	_ = 	snop  }
__scs_overlays_trampoline_lowered:
0x8: {  	[smem:$0x3FAE] =	sst s0  }
0x9: {  	[smem:$0x3FAF] =	sst s1  }
0xa: {  	[smem:$0x3FB0] =	sst s2  }
0xb: {  	[smem:$0x3FB1] =	sst s3  }
0xc: {  	[smem:$0x3FB2] =	sst s4  }
0xd: {  	[smem:$0x3FB3] =	sst s5  }
0xe: {  	[smem:$0x3FB4] =	sst s6  }
0xf: {  	[smem:$0x3FB5] =	sst s7  }
0x10: {  	[smem:$0x3FB6] =	sst s8  }
0x11: {  	[smem:$0x3FB7] =	sst s9;
	s0 =	simm.s32 @!p0 $0x0  }
0x12: {  	s1 =	sld [smem:$0x3F9D];
	s0 =	simm.s32 @p0 $0x1  }
0x13: {  	[smem:$0x3FB8] =	sst s0;
	s0 =	simm.s32 @!p1 $0x0  }
0x14: {  	s2 =	sld [smem:$0x3F9C];
	s0 =	simm.s32 @p1 $0x1  }
0x15: {  	[smem:$0x3FB9] =	sst s0;
	s0 =	simm.s32 @!p2 $0x0  }
0x16: {  	s3 =	sld [smem:$0x3FDB];
	s0 =	simm.s32 @p2 $0x1  }
0x17: {  	s4 =	simm.s32 $0x1BF5;
	[smem:$0x3FBB] =	sst s0  }
0x18: {  	s0 =	sld [smem:$0x3F9E];
	_ =	swait.ge [sflag:s4], $0x0  }
0x19: {  	s7 =	sld [smem:$0x3F9F]  }
0x1a: {  	s8 =	sadd.s32 $0xFFFFE003, lr  }
0x1b: {  	s9 =	sadd.s32 $0xFFFFFEF7, lr;
	s5 =	simm.s32 $0xFFFFFFFF;
	p2 =	slt.u32 s8, $0xFFFFF086  }
0x1c: {  	p1 =	slt.u32 s9, $0xF7A;
	s5 =	simm.s32 @!p2 $0x0  }
0x1d: {  	s5 =	simm.s32 @p1 $0x1;
	p0 =	seq.s32 s7, s2  }
0x1e: {  	s7 =	smul.u32 @!p0 $0xF7A, s2;
	p2 =	seq.s32 @!p0 s5, $0x0  }
0x1f: {  	s9 =	smul.u32 $0xF7A, s1;
	s8 =	simm.s32 @!p0 $0x1BF5;
	p2 =	por !p2, p0  }
0x20: {  	[sflag:s8] =	ssyncset.s32 @!p0 $0xFFFFF086;
	s6 =	sadd.s32 @!p0 s3, s7;
	s7 =	simm.s32 @!p0 $0x108  }
0x21: {  	s3 =	sadd.s32 s3, s9;
	s6 =	sadd.s32 @!p0 $0x88, s6;
	s7 =	simm.s32 @p2 $0x1082  }
0x22: {  	[simem:s7], [sflag:s8] =	dma.local @!p0 [hbm:s6], $0xF7A  }
0x23: {  	s9 =	sor.u32 $0xD0000000, s2;
	s6 =	simm.s32 $0x108;
	_ =	swait.ge @!p0 [sflag:s8], $0x0  }
0x24: {  	s3 =	sadd.s32 $0x88, s3;
	s6 =	simm.s32 @!p1 $0x1082;
	[sflag:s4] =	ssyncset.s32 $0xFFFFF086  }
0x25: {  	[simem:s6], [sflag:s4] =	dma.local [hbm:s3], $0xF7A  }
0x26: {  	[smem:$0x3F9F] =	sst s1;
	(tag) =	ssettag s2;
	_ =	strace s9  }
0x27: {  	s1 =	sld [smem:$0x3FAF]  }
0x28: {  	s2 =	sld [smem:$0x3FB0]  }
0x29: {  	s4 =	sld [smem:$0x3FB2]  }
0x2a: {  	p0 =	seq.s32 s5, $0x0;
	s5 =	sld [smem:$0x3FB3]  }
0x2b: {  	s6 =	sld [smem:$0x3FB4]  }
0x2c: {  	s7 =	sld [smem:$0x3FB5]  }
0x2d: {  	s3 =	simm.s32 $0x108;
	s8 =	sld [smem:$0x3FB6]  }
0x2e: {  	s3 =	simm.s32 @!p0 $0x1082;
	s9 =	sld [smem:$0x3FB7]  }
0x2f: {  	lr =	sadd.s32 s0, s3;
	s0 =	sld [smem:$0x3FAE]  }
0x30: {  	s3 =	sld [smem:$0x3FB1]  }
0x31: {  	[smem:$0x3FBA] =	sst s10  }
0x32: {  	s10 =	sld [smem:$0x3FB8];
	_ =	sdelay $0x3  }
0x33: {  	p0 =	seq.s32 s10, $0x1;
	s10 =	sld [smem:$0x3FBA];
	_ =	sdelay $0x3  }
0x34: {  	[smem:$0x3FBA] =	sst s10  }
0x35: {  	s10 =	sld [smem:$0x3FB9];
	_ =	sdelay $0x3  }
0x36: {  	p1 =	seq.s32 s10, $0x1;
	s10 =	sld [smem:$0x3FBA];
	_ =	sdelay $0x3  }
0x37: {  	[smem:$0x3FBA] =	sst s10  }
0x38: {  	s10 =	sld [smem:$0x3FBB]  }
0x39: {  	_ = 	snop;
	(pc) =	sbr.ind lr, $3  }
0x3a: {  	_ = 	snop  }
0x3b: {  	_ = 	snop  }
0x3c: {  	p2 =	seq.s32 s10, $0x1;
	s10 =	sld [smem:$0x3FBA]  }
0x3d: {  	_ =	shalt  }
0x3e: {  	_ =	shalt  }
0x3f: {  	_ =	shalt  }
0x40: {  	_ =	shalt  }
0x41: {  	_ =	shalt  }
0x42: {  	_ =	shalt  }
0x43: {  	_ =	shalt  }
0x44: {  	_ =	shalt  }
0x45: {  	_ =	shalt  }
0x46: {  	_ =	shalt  }
0x47: {  	_ =	shalt  }
0x48: {  	_ =	shalt  }
0x49: {  	_ =	shalt  }
0x4a: {  	_ =	shalt  }
0x4b: {  	_ =	shalt  }
0x4c: {  	_ =	shalt  }
0x4d: {  	_ =	shalt  }
0x4e: {  	_ =	shalt  }
0x4f: {  	_ =	shalt  }
0x50: {  	_ =	shalt  }
0x51: {  	_ =	shalt  }
0x52: {  	_ =	shalt  }
0x53: {  	_ =	shalt  }
0x54: {  	_ =	shalt  }
0x55: {  	_ =	shalt  }
0x56: {  	_ =	shalt  }
0x57: {  	_ =	shalt  }
0x58: {  	_ =	shalt  }
0x59: {  	_ =	shalt  }
0x5a: {  	_ =	shalt  }
0x5b: {  	_ =	shalt  }
0x5c: {  	_ =	shalt  }
0x5d: {  	_ =	shalt  }
0x5e: {  	_ =	shalt  }
0x5f: {  	_ =	shalt  }
0x60: {  	_ =	shalt  }
0x61: {  	_ =	shalt  }
0x62: {  	_ =	shalt  }
0x63: {  	_ =	shalt  }
0x64: {  	_ =	shalt  }
0x65: {  	_ =	shalt  }
0x66: {  	_ =	shalt  }
0x67: {  	_ =	shalt  }
0x68: {  	_ =	shalt  }
0x69: {  	_ =	shalt  }
0x6a: {  	_ =	shalt  }
0x6b: {  	_ =	shalt  }
0x6c: {  	_ =	shalt  }
0x6d: {  	_ =	shalt  }
0x6e: {  	_ =	shalt  }
0x6f: {  	_ =	shalt  }
0x70: {  	_ =	shalt  }
0x71: {  	_ =	shalt  }
0x72: {  	_ =	shalt  }
0x73: {  	_ =	shalt  }
0x74: {  	_ =	shalt  }
0x75: {  	_ =	shalt  }
0x76: {  	_ =	shalt  }
0x77: {  	_ =	shalt  }
0x78: {  	_ =	shalt  }
0x79: {  	_ =	shalt  }
0x7a: {  	_ =	shalt  }
0x7b: {  	_ =	shalt  }
0x7c: {  	_ =	shalt  }
0x7d: {  	_ =	shalt  }
0x7e: {  	_ =	shalt  }
0x7f: {  	_ =	shalt  }
0x80: {  	_ =	shalt  }
0x81: {  	_ =	shalt  }
0x82: {  	_ =	shalt  }
0x83: {  	_ =	shalt  }
0x84: {  	_ =	shalt  }
0x85: {  	_ =	shalt  }
0x86: {  	_ =	shalt  }
0x87: {  	_ =	shalt  }
.Lfunc_end0:
.L_simem_size_0:
called_computation.3_lowered:
.L_overlay_start_0:
0x88: {  	s2 =	sld [smem:$0x3FD9]  }
0x89: {  	s3 =	sld [smem:$0x3FFE];
	_ =	sdelay $0x1  }
0x8a: {  	s1 =	srdreg.scid  }
0x8b: {  	s0 =	sand.u32 $0x1, s1  }
0x8c: {  	s16 =	sshll.u32 s0, $0xA;
	s2 =	sadd.s32 s3, s2  }
0x8d: {  	s2 =	sadd.s32 s2, s16  }
0x8e: {  	[smem:$0x3FC6] =	sst s2  }
0x8f: {  	_ = 	snop  }
0x90: {  	(tm) =	ssettm $0x1  }
0x91: {  	s17 =	sld [smem:$0x3FFB];
	_ =	sdelay $0x3  }
0x92: {  	_ =	strace s17  }
0x93: {  	s2 =	sld [smem:$0x3FFC];
	_ =	sdelay $0x3  }
0x94: {  	_ =	strace s2  }
0x95: {  	s2 =	sld [smem:$0x3FFD];
	_ =	sdelay $0x3  }
0x96: {  	_ =	strace s2  }
0x97: {  	_ =	strace $0x8FFFFFFF  }
0x98: {  	s18 =	sld [smem:$0x3FDB];
	_ =	sdelay $0x1  }
0x99: {  	s19 =	simm.s32 $_scs_section_size  }
0x9a: {  	s4 =	simm.s32 $_size__tile_overlayer_lowered;
	s5 =	simm.s32 $_tile_overlayer_lowered  }
0x9b: {  	s22 =	simm.s32 $0x1BFF;
	s21 =	sshll.u32 s5, $0x1;
	s2 =	sadd.s32 s19, s18  }
0x9c: {  	s6 =	simm.s32 $0x0;
	s20 =	sshll.u32 s4, $0x1;
	s4 =	sadd.s32 s21, s2  }
0x9d: {  	[timem:s6], [sflag:s22] =	dma.local [hbm:s4], s20  }
0x9e: {  	_ =	swait.ge [sflag:s22], s20  }
0x9f: {  	s3 =	ssub.s32 $0x0, s20;
	[sflag:s22] =	ssyncset.done $0x0  }
0xa0: {  	[sflag:s22] =	ssyncadd.s32 s3;
	_ =	sdelay $0x1  }
0xa1: {  	s23 =	simm.s32 $0x1B8B  }
0xa2: {  	_ =	swait.ge [sflag:s23], $0x1  }
0xa3: {  	[sflag:s23] =	ssyncset.done $0x0  }
0xa4: {  	s25 =	simm.s32 $0x1B8E;
	s24 =	sld [smem:$0x3FFE];
	[sflag:s23] =	ssyncadd.s32 $0xFFFFFFFF  }
0xa5: {  	s26 =	simm.s32 $execute0_lowered;
	[smem:$0x3FD2] =	sst s25  }
0xa6: {  	s4 =	sshll.u32 s26, $0x1;
	_ =	strace $0x80000046;
	[dreg:$0x1] =	wrdreg $0xFFFFFFFF  }
0xa7: {  	s28 =	simm.s32 $_size_execute0_lowered;
	s2 =	sadd.s32 s2, s4;
	[dreg:$0x0] =	wrdreg $0x0  }
0xa8: {  	s4 =	sshll.u32 s28, $0x1;
	[dreg:$0x2] =	wrdreg s2  }
0xa9: {  	[dreg:$0x3] =	wrdreg s4  }
0xaa: {  	[dreg:$0x4] =	wrdreg $0xC0  }
0xab: {  	_ =	task [dreg:s6], $0x5FFFF  }
0xac: {  	[dreg:$0x1] =	wrdreg $0xFFFFFFFF  }
0xad: {  	[dreg:$0x0] =	wrdreg $0x60  }
0xae: {  	[dreg:$0x2] =	wrdreg s24  }
0xaf: {  	[dreg:$0x3] =	wrdreg $0xC  }
0xb0: {  	_ =	task.clear_ibuf [dreg:s6], $0x4FFFF;
	_ =	strace $0x90000046  }
0xb1: {  	s29 =	simm.s32 $0xC;
	_ =	strace $0x80000048  }
0xb2: {  	_ =	swait.ge [sflag:s29], $0x1  }
0xb3: {  	[sflag:s29] =	ssyncadd.s32 $0xFFFFFFFF  }
0xb4: {  	_ =	strace $0x90000048  }
0xb5: {  	_ =	sfence  }
0xb6: {  	s30 =	sld [smem:$0x0];
	_ =	sdelay $0x2  }
0xb7: {  	s31 =	sshll.u32 s1, $0xD;
	s1 =	sshrl.u32 s1, $0x2  }
0xb8: {  	s3 =	sand.u32 $0x4000, s31;
	s1 =	sadd.s32 s1, s30  }
0xb9: {  	s0 =	sor.u32 s3, s0;
	s1 =	sshll.u32 s1, $0x11  }
0xba: {  	s0 =	sor.u32 s1, s0  }
0xbb: {  	s0 =	sadd.s32 $0x8F2B, s0  }
0xbc: {  	[sflag:s0] =	ssyncadd.remote.s32 $0x1  }
0xbd: {  	_ =	sfence.sel $0xFFFF  }
0xbe: {  	[dreg:$0x0] =	wrdreg $0xFFFFFFFF;
	(pc) =	sbr.abs _section_cstart, $3  }
0xbf: {  	[dreg:$0x1] =	wrdreg $0xFFFFFFFF  }
0xc0: {  	_ =	task.clear_ibuf [dreg:s6], $0x2FFFF;
	_ =	strace $0x9FFFFFFF  }
0xc1: {  	(tm) =	ssettm $0x7FFFFFFF  }
tec
execute0_lowered:
.L_overlay_start_1:
0x0: {  	(tag) =	ssettag $0x1  }
0x1: {  	s0 =	rddreg [dreg:$0x0]  }
0x2: {  	s2 =	simm.s32 $0x0;
	s1 =	srdreg.scid;
	s4 =	stileid.u32  }
0x3: {  	s18 =	simm.s32 $0x18000;
	s19 =	simm.s32 $0x19000;
	s20 =	simm.s32 $0x1C000  }
0x4: {  	s21 =	simm.s32 $0x1A000;
	s22 =	simm.s32 $0x1B000;
	s28 =	simm.s32 $0x2  }
0x5: {  	s29 =	simm.s32 $0x3;
	s30 =	simm.s32 $0x0;
	[smem:$0x7FF] =	sst s2  }
0x6: {  	s3 =	sadd.s32 $0x1200, s0;
	s1 =	sand.u32 $0x1, s1;
	s5 =	sshll.u32 s4, $0x1  }
0x7: {  	s4 =	sadd.s32 $0x64C800, s0;
	s6 =	ssub.s32 $0x2, s1;
	s1 =	sor.u32 s1, s5  }
0x8: {  	s0 =	sadd.s32 $0x659000, s0;
	_ =	strace $0x80000047;
	s5 =	smul.u32 $0x61A80, s1  }
0x9: {  	s7 =	sshrl.u32 s6, $0x1;
	s8 =	sshll.u32 s1, $0x2;
	s1 =	sshll.u32 s1, $0xE  }
0xa: {  	s9 =	ssub.s32 s6, s7;
	s8 =	sor.u32 $0x2, s8;
	s6 =	sadd.s32 $0x186A0, s5  }
0xb: {  	s10 =	sshrl.u32 s5, $0x3;
	s7 =	smul.u32 $0x186A0, s8;
	s26 =	sshll.u32 s8, $0xC  }
0xc: {  	s17 =	smax.u32 s9, $0x1;
	s10 =	sadd.s32 s3, s10;
	s23 =	sshrl.u32 s6, $0x3  }
0xd: {  	[dreg:$0x2] =	wrdreg s10;
	s10 =	sadd.s32 s3, s23;
	s11 =	sadd.s32 $0x186A0, s7  }
0xe: {  	[dreg:$0x3] =	wrdreg s10;
	s10 =	sadd.s32 s0, s1;
	s0 =	sadd.s32 s0, s26  }
0xf: {  	s12 =	sshrl.u32 s11, $0x3;
	s1 =	sadd.s32 $0x1000, s10;
	[dreg:$0x7] =	wrdreg s0  }
0x10: {  	s24 =	sshrl.u32 s7, $0x3;
	s25 =	sadd.s32 s3, s12;
	[dreg:$0x4] =	wrdreg s1  }
0x11: {  	s23 =	simm.s32 $0x1D000;
	s31 =	sadd.s32 $0x3000, s10;
	[dreg:$0x6] =	wrdreg s25  }
0x12: {  	s26 =	simm.s32 $0x10000;
	s1 =	sadd.s32 s3, s24;
	[dreg:$0x8] =	wrdreg s31  }
0x13: {  	v0 =	vimm.f32 $0.0e+00;
	v1 =	vimm.f32 $1.000000000e+00;
	s24 =	simm.s32 $0x1;
	s25 =	simm.s32 $0x8000;
	[dreg:$0x5] =	wrdreg s1  }
.LBB2_1:
0x14: {  	s8 =	simm.s32 $0x10040  }
0x15: {  	[tilespmem:s8+$0xFFFFFFC0] =	vst v0  }
0x16: {  	[tilespmem:s8+$0x30] =	vst v0  }
0x17: {  	[tilespmem:s8+$0x20] =	vst v0  }
0x18: {  	[tilespmem:s8+$0x10] =	vst v0  }
0x19: {  	[tilespmem:s8+$0x0] =	vst v0  }
0x1a: {  	[tilespmem:s8+$0xFFFFFFF0] =	vst v0  }
0x1b: {  	s9 =	simm.s32 $0x0;
	s0 =	simm.s32 $0x8040;
	[tilespmem:s8+$0xFFFFFFE0] =	vst v0  }
.LBB2_2:
0x1c: {  	s9 =	sadd.s32 $0x8, s9;
	[tilespmem:s8+$0xFFFFFFD0] =	vst v0;
	s8 =	sadd.s32 $0x80, s8;
	s1 =	simm.s32 $0x40  }
0x1d: {  	[tilespmem:s8+$0xFFFFFFC0] =	vst v0;
	p0 =	slt.u32 s9, $0x7F8  }
0x1e: {  	[tilespmem:s8+$0x30] =	vst v0  }
.Ltmp0:
0x1f: {  	[tilespmem:s8+$0x20] =	vst v0;
	(pc) =	sbr.rel @p0 .LBB2_2-.Ltmp0, $4  }
0x20: {  	[tilespmem:s8+$0x10] =	vst v0  }
0x21: {  	[tilespmem:s8+$0x0] =	vst v0  }
0x22: {  	[tilespmem:s8+$0xFFFFFFF0] =	vst v0  }
0x23: {  	[tilespmem:s8+$0xFFFFFFE0] =	vst v0  }
0x24: {  	[tilespmem:s8+$0xFFFFFFD0] =	vst v0  }
0x25: {  	[tilespmem:s1+$0x30] =	vst v0  }
0x26: {  	[tilespmem:s1+$0xFFFFFFF0] =	vst v0  }
0x27: {  	[tilespmem:s1+$0xFFFFFFC0] =	vst v0  }
0x28: {  	[tilespmem:s1+$0xFFFFFFE0] =	vst v0  }
0x29: {  	[tilespmem:s1+$0x10] =	vst v0  }
0x2a: {  	[tilespmem:s1+$0x20] =	vst v0  }
0x2b: {  	[tilespmem:s1+$0x0] =	vst v0  }
0x2c: {  	[tilespmem:s1+$0xFFFFFFD0] =	vst v0  }
0x2d: {  	[tilespmem:s0+$0xFFFFFFC0] =	vst v0  }
0x2e: {  	[tilespmem:s0+$0x30] =	vst v0  }
0x2f: {  	[tilespmem:s0+$0x20] =	vst v0  }
0x30: {  	[tilespmem:s0+$0x10] =	vst v0  }
0x31: {  	[tilespmem:s0+$0xFFFFFFE0] =	vst v0  }
0x32: {  	[tilespmem:s0+$0x0] =	vst v0  }
0x33: {  	s8 =	simm.s32 $0x0;
	[tilespmem:s0+$0xFFFFFFF0] =	vst v0  }
.LBB2_4:
0x34: {  	s8 =	sadd.s32 $0x8, s8;
	[tilespmem:s0+$0xFFFFFFD0] =	vst v0;
	s1 =	sadd.s32 $0x80, s1;
	s0 =	sadd.s32 $0x80, s0  }
0x35: {  	[tilespmem:s1+$0x30] =	vst v0;
	p0 =	slt.u32 s8, $0x7F8  }
0x36: {  	[tilespmem:s1+$0xFFFFFFF0] =	vst v0  }
0x37: {  	[tilespmem:s1+$0xFFFFFFC0] =	vst v0  }
0x38: {  	[tilespmem:s0+$0xFFFFFFC0] =	vst v0  }
0x39: {  	[tilespmem:s0+$0x30] =	vst v0  }
0x3a: {  	[tilespmem:s1+$0xFFFFFFE0] =	vst v0  }
0x3b: {  	[tilespmem:s1+$0x10] =	vst v0  }
0x3c: {  	[tilespmem:s1+$0x20] =	vst v0  }
0x3d: {  	[tilespmem:s0+$0x20] =	vst v0  }
0x3e: {  	[tilespmem:s0+$0x10] =	vst v0  }
.Ltmp1:
0x3f: {  	[tilespmem:s0+$0xFFFFFFE0] =	vst v0;
	(pc) =	sbr.rel @p0 .LBB2_4-.Ltmp1, $4  }
0x40: {  	[tilespmem:s1+$0x0] =	vst v0  }
0x41: {  	[tilespmem:s0+$0x0] =	vst v0  }
0x42: {  	[tilespmem:s0+$0xFFFFFFF0] =	vst v0  }
0x43: {  	[tilespmem:s1+$0xFFFFFFD0] =	vst v0  }
0x44: {  	[tilespmem:s0+$0xFFFFFFD0] =	vst v0  }
0x45: {  	s31 =	simm.s32 $0x0;
	s0 =	rddreg [dreg:$0x2]  }
0x46: {  	[tilespmem:s18], [sflag:$0x1] =	stream.linear.gather [hbm4b:s0+s31], $0xFA0, $0x38;
	[tilespmem:$0x1E000] =	vst v63  }
0x47: {  	s16 =	rddreg [dreg:$0x3]  }
0x48: {  	[tilespmem:s19], [sflag:$0x1] =	stream.linear.gather [hbm4b:s16+s31], $0xFA0, $0x38;
	[tilespmem:$0x1E000] =	vst v63  }
0x49: {  	_ = 	snop  }
0x4a: {  	[tilespmem:s20], [sflag:$0x1] =	stream.linear.gather [hbm4b:s4+s31], $0xFA0, $0x38;
	[tilespmem:$0x1E000] =	vst v63  }
.LBB2_6:
0x4b: {  	s0 =	smul.u32 $0x1F40, s31;
	_ =	sdelay $0x1  }
0x4c: {  	s1 =	sadd.s32 $0xFA0, s0  }
0x4d: {  	s8 =	sadd.s32 s5, s1  }
0x4e: {  	s8 =	sshrl.u32 s8, $0x3  }
0x4f: {  	s15 =	sadd.s32 s6, s1;
	s8 =	sadd.s32 s3, s8  }
0x50: {  	[tilespmem:s21], [sflag:$0x2] =	stream.linear.gather [hbm4b:s8+s2], $0xFA0, $0x38;
	[tilespmem:$0x1E000] =	vst v63  }
0x51: {  	s8 =	sshrl.u32 s15, $0x3  }
0x52: {  	s1 =	sshrl.u32 s1, $0x3;
	s8 =	sadd.s32 s3, s8  }
0x53: {  	[tilespmem:s22], [sflag:$0x2] =	stream.linear.gather [hbm4b:s8+s2], $0xFA0, $0x38;
	[tilespmem:$0x1E000] =	vst v63  }
0x54: {  	s1 =	sadd.s32 s4, s1  }
0x55: {  	[tilespmem:s23], [sflag:$0x2] =	stream.linear.gather [hbm4b:s1+s2], $0xFA0, $0x38;
	[tilespmem:$0x1E000] =	vst v63  }
0x56: {  	_ =	swait.ge [sflag:s24], $0xFA0  }
0x57: {  	[sflag:s24] =	ssyncset.done $0x0  }
0x58: {  	[sflag:s24] =	ssyncadd.s32 $0xFFFFF060  }
0x59: {  	_ =	swait.ge [sflag:s24], $0xFA0  }
0x5a: {  	[sflag:s24] =	ssyncset.done $0x0  }
0x5b: {  	[sflag:s24] =	ssyncadd.s32 $0xFFFFF060  }
0x5c: {  	_ =	swait.ge [sflag:s24], $0xFA0  }
0x5d: {  	[sflag:s24] =	ssyncset.done $0x0  }
0x5e: {  	s16 =	simm.s32 $0x1C020;
	[sflag:s24] =	ssyncadd.s32 $0xFFFFF060  }
0x5f: {  	v3 =	vld [tilespmem:s16+$0x20]  }
0x60: {  	v4 =	vld [tilespmem:s16+$0xFFFFFFF0]  }
0x61: {  	s1 =	simm.s32 $0x18020;
	v5 =	vld [tilespmem:s16+$0x0]  }
0x62: {  	v6 =	vld [tilespmem:s1+$0x20]  }
0x63: {  	v7 =	vld [tilespmem:s16+$0xFFFFFFE0]  }
0x64: {  	v2 =	vld [tilespmem:s16+$0x10]  }
0x65: {  	v9 =	vld [tilespmem:s1+$0xFFFFFFF0]  }
0x66: {  	v8 =	vld [tilespmem:s1+$0xFFFFFFE0]  }
0x67: {  	v10 =	vld [tilespmem:s1+$0x0]  }
0x68: {  	v11 =	vld [tilespmem:s1+$0x10]  }
0x69: {  	[tilespmem:v3+s2+$0x0] =	vst.idx.add.f32.msk $0xffff, v6  }
0x6a: {  	[tilespmem:v4+s2+$0x0] =	vst.idx.add.f32.msk $0xffff, v9  }
0x6b: {  	[tilespmem:v7+s2+$0x0] =	vst.idx.add.f32.msk $0xffff, v8  }
0x6c: {  	s8 =	simm.s32 $0x19020;
	[tilespmem:v5+s2+$0x0] =	vst.idx.add.f32.msk $0xffff, v10  }
0x6d: {  	v6 =	vld [tilespmem:s8+$0x20]  }
0x6e: {  	v61 =	vld [tilespmem:s8+$0xFFFFFFF0]  }
0x6f: {  	[tilespmem:v2+s2+$0x0] =	vst.idx.add.f32.msk $0xffff, v11  }
0x70: {  	v62 =	vld [tilespmem:s8+$0x0]  }
0x71: {  	v63 =	vld [tilespmem:s8+$0x10]  }
0x72: {  	[tilespmem:v3+s25+$0x0] =	vst.idx.add.f32.msk $0xffff, v6  }
0x73: {  	[tilespmem:v4+s25+$0x0] =	vst.idx.add.f32.msk $0xffff, v61  }
0x74: {  	[tilespmem:v3+s26+$0x0] =	vst.idx.add.f32.msk $0xffff, v1  }
0x75: {  	v3 =	vld [tilespmem:s8+$0xFFFFFFE0]  }
0x76: {  	[tilespmem:v5+s25+$0x0] =	vst.idx.add.f32.msk $0xffff, v62  }
0x77: {  	[tilespmem:v2+s25+$0x0] =	vst.idx.add.f32.msk $0xffff, v63  }
0x78: {  	[tilespmem:v4+s26+$0x0] =	vst.idx.add.f32.msk $0xffff, v1  }
0x79: {  	[tilespmem:v5+s26+$0x0] =	vst.idx.add.f32.msk $0xffff, v1  }
0x7a: {  	[tilespmem:v7+s25+$0x0] =	vst.idx.add.f32.msk $0xffff, v3  }
0x7b: {  	s9 =	simm.s32 $0x0;
	s12 =	simm.s32 $0x1C070;
	[tilespmem:v7+s26+$0x0] =	vst.idx.add.f32.msk $0xffff, v1  }
.LBB2_7:
0x7c: {  	v3 =	vld [tilespmem:s12+$0x20]  }
0x7d: {  	s9 =	sadd.s32 $0x5, s9;
	v4 =	vld [tilespmem:s12+$0xFFFFFFF0]  }
0x7e: {  	s1 =	sadd.s32 $0x50, s1;
	p0 =	slt.u32 s9, $0xF5;
	v5 =	vld [tilespmem:s12+$0x0]  }
0x7f: {  	v6 =	vld [tilespmem:s1+$0x20]  }
0x80: {  	v7 =	vld [tilespmem:s12+$0x10]  }
0x81: {  	v8 =	vld [tilespmem:s12+$0xFFFFFFE0]  }
0x82: {  	v9 =	vld [tilespmem:s1+$0xFFFFFFE0]  }
0x83: {  	v10 =	vld [tilespmem:s1+$0xFFFFFFF0]  }
0x84: {  	s8 =	sadd.s32 $0x50, s8;
	[tilespmem:v3+s2+$0x0] =	vst.idx.add.f32.msk $0xffff, v6  }
0x85: {  	v6 =	vld [tilespmem:s8+$0x20]  }
0x86: {  	v11 =	vld [tilespmem:s1+$0x0]  }
0x87: {  	v12 =	vld [tilespmem:s1+$0x10]  }
0x88: {  	[tilespmem:v4+s2+$0x0] =	vst.idx.add.f32.msk $0xffff, v10  }
0x89: {  	[tilespmem:v8+s2+$0x0] =	vst.idx.add.f32.msk $0xffff, v9  }
0x8a: {  	[tilespmem:v3+s25+$0x0] =	vst.idx.add.f32.msk $0xffff, v6  }
0x8b: {  	[tilespmem:v3+s26+$0x0] =	vst.idx.add.f32.msk $0xffff, v1  }
0x8c: {  	[tilespmem:v5+s2+$0x0] =	vst.idx.add.f32.msk $0xffff, v11  }
0x8d: {  	[tilespmem:v7+s2+$0x0] =	vst.idx.add.f32.msk $0xffff, v12  }
0x8e: {  	v3 =	vld [tilespmem:s8+$0xFFFFFFE0]  }
0x8f: {  	v6 =	vld [tilespmem:s8+$0xFFFFFFF0]  }
0x90: {  	v9 =	vld [tilespmem:s8+$0x0]  }
0x91: {  	v10 =	vld [tilespmem:s8+$0x10]  }
0x92: {  	[tilespmem:v2+s26+$0x0] =	vst.idx.add.f32.msk $0xffff, v1;
	v2 =	vmov v7  }
0x93: {  	[tilespmem:v8+s25+$0x0] =	vst.idx.add.f32.msk $0xffff, v3  }
0x94: {  	[tilespmem:v8+s26+$0x0] =	vst.idx.add.f32.msk $0xffff, v1  }
.Ltmp2:
0x95: {  	[tilespmem:v4+s25+$0x0] =	vst.idx.add.f32.msk $0xffff, v6;
	(pc) =	sbr.rel @p0 .LBB2_7-.Ltmp2, $4  }
0x96: {  	[tilespmem:v4+s26+$0x0] =	vst.idx.add.f32.msk $0xffff, v1  }
0x97: {  	[tilespmem:v5+s25+$0x0] =	vst.idx.add.f32.msk $0xffff, v9  }
0x98: {  	[tilespmem:v5+s26+$0x0] =	vst.idx.add.f32.msk $0xffff, v1  }
0x99: {  	s12 =	sadd.s32 $0x50, s12;
	[tilespmem:v7+s25+$0x0] =	vst.idx.add.f32.msk $0xffff, v10  }
0x9a: {  	_ = 	snop  }
0x9b: {  	s0 =	sadd.s32 $0x1F40, s0  }
0x9c: {  	s1 =	sadd.s32 s5, s0  }
0x9d: {  	s1 =	sshrl.u32 s1, $0x3  }
0x9e: {  	[tilespmem:v2+s26+$0x0] =	vst.idx.add.f32.msk $0xffff, v1;
	s15 =	sadd.s32 s6, s0;
	s1 =	sadd.s32 s3, s1  }
0x9f: {  	[tilespmem:s18], [sflag:$0x1] =	stream.linear.gather [hbm4b:s1+s2], $0xFA0, $0x38;
	[tilespmem:$0x1E000] =	vst v63  }
0xa0: {  	s1 =	sshrl.u32 s15, $0x3  }
0xa1: {  	s0 =	sshrl.u32 s0, $0x3;
	s1 =	sadd.s32 s3, s1  }
0xa2: {  	[tilespmem:s19], [sflag:$0x1] =	stream.linear.gather [hbm4b:s1+s2], $0xFA0, $0x38;
	[tilespmem:$0x1E000] =	vst v63  }
0xa3: {  	s0 =	sadd.s32 s4, s0  }
0xa4: {  	[tilespmem:s20], [sflag:$0x1] =	stream.linear.gather [hbm4b:s0+s2], $0xFA0, $0x38;
	[tilespmem:$0x1E000] =	vst v63  }
0xa5: {  	_ =	swait.ge [sflag:s28], $0xFA0  }
0xa6: {  	[sflag:s28] =	ssyncset.done $0x0  }
0xa7: {  	[sflag:s28] =	ssyncadd.s32 $0xFFFFF060  }
0xa8: {  	_ =	swait.ge [sflag:s28], $0xFA0  }
0xa9: {  	[sflag:s28] =	ssyncset.done $0x0  }
0xaa: {  	[sflag:s28] =	ssyncadd.s32 $0xFFFFF060  }
0xab: {  	_ =	swait.ge [sflag:s28], $0xFA0  }
0xac: {  	[sflag:s28] =	ssyncset.done $0x0  }
0xad: {  	s16 =	simm.s32 $0x1D020;
	[sflag:s28] =	ssyncadd.s32 $0xFFFFF060  }
0xae: {  	v3 =	vld [tilespmem:s16+$0x20]  }
0xaf: {  	v4 =	vld [tilespmem:s16+$0xFFFFFFF0]  }
0xb0: {  	s0 =	simm.s32 $0x1A020;
	v5 =	vld [tilespmem:s16+$0x0]  }
0xb1: {  	v6 =	vld [tilespmem:s0+$0x20]  }
0xb2: {  	v7 =	vld [tilespmem:s16+$0xFFFFFFE0]  }
0xb3: {  	v2 =	vld [tilespmem:s16+$0x10]  }
0xb4: {  	v9 =	vld [tilespmem:s0+$0xFFFFFFF0]  }
0xb5: {  	v8 =	vld [tilespmem:s0+$0xFFFFFFE0]  }
0xb6: {  	v10 =	vld [tilespmem:s0+$0x0]  }
0xb7: {  	v11 =	vld [tilespmem:s0+$0x10]  }
0xb8: {  	[tilespmem:v3+s2+$0x0] =	vst.idx.add.f32.msk $0xffff, v6  }
0xb9: {  	[tilespmem:v4+s2+$0x0] =	vst.idx.add.f32.msk $0xffff, v9  }
0xba: {  	[tilespmem:v7+s2+$0x0] =	vst.idx.add.f32.msk $0xffff, v8  }
0xbb: {  	s1 =	simm.s32 $0x1B020;
	[tilespmem:v5+s2+$0x0] =	vst.idx.add.f32.msk $0xffff, v10  }
0xbc: {  	v6 =	vld [tilespmem:s1+$0x20]  }
0xbd: {  	v61 =	vld [tilespmem:s1+$0xFFFFFFF0]  }
0xbe: {  	[tilespmem:v2+s2+$0x0] =	vst.idx.add.f32.msk $0xffff, v11  }
0xbf: {  	v62 =	vld [tilespmem:s1+$0x0]  }
0xc0: {  	v63 =	vld [tilespmem:s1+$0x10]  }
0xc1: {  	[tilespmem:v3+s25+$0x0] =	vst.idx.add.f32.msk $0xffff, v6  }
0xc2: {  	[tilespmem:v4+s25+$0x0] =	vst.idx.add.f32.msk $0xffff, v61  }
0xc3: {  	[tilespmem:v3+s26+$0x0] =	vst.idx.add.f32.msk $0xffff, v1  }
0xc4: {  	v3 =	vld [tilespmem:s1+$0xFFFFFFE0]  }
0xc5: {  	[tilespmem:v5+s25+$0x0] =	vst.idx.add.f32.msk $0xffff, v62  }
0xc6: {  	[tilespmem:v2+s25+$0x0] =	vst.idx.add.f32.msk $0xffff, v63  }
0xc7: {  	[tilespmem:v4+s26+$0x0] =	vst.idx.add.f32.msk $0xffff, v1  }
0xc8: {  	[tilespmem:v5+s26+$0x0] =	vst.idx.add.f32.msk $0xffff, v1  }
0xc9: {  	[tilespmem:v7+s25+$0x0] =	vst.idx.add.f32.msk $0xffff, v3  }
0xca: {  	s8 =	simm.s32 $0x0;
	s9 =	simm.s32 $0x1D070;
	[tilespmem:v7+s26+$0x0] =	vst.idx.add.f32.msk $0xffff, v1  }
.LBB2_9:
0xcb: {  	v3 =	vld [tilespmem:s9+$0x20]  }
0xcc: {  	s8 =	sadd.s32 $0x5, s8;
	v4 =	vld [tilespmem:s9+$0xFFFFFFF0]  }
0xcd: {  	s0 =	sadd.s32 $0x50, s0;
	p0 =	slt.u32 s8, $0xF5;
	v5 =	vld [tilespmem:s9+$0x0]  }
0xce: {  	v6 =	vld [tilespmem:s0+$0x20]  }
0xcf: {  	v7 =	vld [tilespmem:s9+$0x10]  }
0xd0: {  	v8 =	vld [tilespmem:s9+$0xFFFFFFE0]  }
0xd1: {  	v9 =	vld [tilespmem:s0+$0xFFFFFFE0]  }
0xd2: {  	v10 =	vld [tilespmem:s0+$0xFFFFFFF0]  }
0xd3: {  	s1 =	sadd.s32 $0x50, s1;
	[tilespmem:v3+s2+$0x0] =	vst.idx.add.f32.msk $0xffff, v6  }
0xd4: {  	v6 =	vld [tilespmem:s1+$0x20]  }
0xd5: {  	v11 =	vld [tilespmem:s0+$0x0]  }
0xd6: {  	v12 =	vld [tilespmem:s0+$0x10]  }
0xd7: {  	[tilespmem:v4+s2+$0x0] =	vst.idx.add.f32.msk $0xffff, v10  }
0xd8: {  	[tilespmem:v8+s2+$0x0] =	vst.idx.add.f32.msk $0xffff, v9  }
0xd9: {  	[tilespmem:v3+s25+$0x0] =	vst.idx.add.f32.msk $0xffff, v6  }
0xda: {  	[tilespmem:v3+s26+$0x0] =	vst.idx.add.f32.msk $0xffff, v1  }
0xdb: {  	[tilespmem:v5+s2+$0x0] =	vst.idx.add.f32.msk $0xffff, v11  }
0xdc: {  	[tilespmem:v7+s2+$0x0] =	vst.idx.add.f32.msk $0xffff, v12  }
0xdd: {  	v3 =	vld [tilespmem:s1+$0xFFFFFFE0]  }
0xde: {  	v6 =	vld [tilespmem:s1+$0xFFFFFFF0]  }
0xdf: {  	v9 =	vld [tilespmem:s1+$0x0]  }
0xe0: {  	v10 =	vld [tilespmem:s1+$0x10]  }
0xe1: {  	[tilespmem:v2+s26+$0x0] =	vst.idx.add.f32.msk $0xffff, v1;
	v2 =	vmov v7  }
0xe2: {  	[tilespmem:v8+s25+$0x0] =	vst.idx.add.f32.msk $0xffff, v3  }
0xe3: {  	[tilespmem:v8+s26+$0x0] =	vst.idx.add.f32.msk $0xffff, v1  }
.Ltmp3:
0xe4: {  	[tilespmem:v4+s25+$0x0] =	vst.idx.add.f32.msk $0xffff, v6;
	(pc) =	sbr.rel @p0 .LBB2_9-.Ltmp3, $4  }
0xe5: {  	[tilespmem:v4+s26+$0x0] =	vst.idx.add.f32.msk $0xffff, v1  }
0xe6: {  	[tilespmem:v5+s25+$0x0] =	vst.idx.add.f32.msk $0xffff, v9  }
0xe7: {  	[tilespmem:v5+s26+$0x0] =	vst.idx.add.f32.msk $0xffff, v1  }
0xe8: {  	s9 =	sadd.s32 $0x50, s9;
	[tilespmem:v7+s25+$0x0] =	vst.idx.add.f32.msk $0xffff, v10  }
0xe9: {  	s31 =	sadd.s32 $0x1, s31  }
0xea: {  	p0 =	sne.s32 s31, $0xC  }
.Ltmp4:
0xeb: {  	_ = 	snop;
	(pc) =	sbr.rel @p0 .LBB2_6-.Ltmp4, $2  }
0xec: {  	_ =	sdelay $0x2  }
0xed: {  	[tilespmem:v2+s26+$0x0] =	vst.idx.add.f32.msk $0xffff, v1  }
0xee: {  	_ =	swait.ge [sflag:s24], $0xFA0  }
0xef: {  	[sflag:s24] =	ssyncset.done $0x0  }
0xf0: {  	[sflag:s24] =	ssyncadd.s32 $0xFFFFF060  }
0xf1: {  	_ =	swait.ge [sflag:s24], $0xFA0  }
0xf2: {  	[sflag:s24] =	ssyncset.done $0x0  }
0xf3: {  	[sflag:s24] =	ssyncadd.s32 $0xFFFFF060  }
0xf4: {  	_ =	swait.ge [sflag:s24], $0xFA0  }
0xf5: {  	[sflag:s24] =	ssyncset.done $0x0  }
0xf6: {  	s1 =	simm.s32 $0x1C020;
	[sflag:s24] =	ssyncadd.s32 $0xFFFFF060  }
0xf7: {  	v3 =	vld [tilespmem:s1+$0x20]  }
0xf8: {  	v4 =	vld [tilespmem:s1+$0xFFFFFFF0]  }
0xf9: {  	s0 =	simm.s32 $0x18020;
	v5 =	vld [tilespmem:s1+$0x0]  }
0xfa: {  	v6 =	vld [tilespmem:s0+$0x20]  }
0xfb: {  	v7 =	vld [tilespmem:s1+$0xFFFFFFE0]  }
0xfc: {  	v2 =	vld [tilespmem:s1+$0x10]  }
0xfd: {  	v9 =	vld [tilespmem:s0+$0xFFFFFFF0]  }
0xfe: {  	v8 =	vld [tilespmem:s0+$0xFFFFFFE0]  }
0xff: {  	v10 =	vld [tilespmem:s0+$0x0]  }
0x100: {  	v11 =	vld [tilespmem:s0+$0x10]  }
0x101: {  	[tilespmem:v3+s2+$0x0] =	vst.idx.add.f32.msk $0xffff, v6  }
0x102: {  	[tilespmem:v4+s2+$0x0] =	vst.idx.add.f32.msk $0xffff, v9  }
0x103: {  	[tilespmem:v7+s2+$0x0] =	vst.idx.add.f32.msk $0xffff, v8  }
0x104: {  	s1 =	simm.s32 $0x19020;
	[tilespmem:v5+s2+$0x0] =	vst.idx.add.f32.msk $0xffff, v10  }
0x105: {  	v6 =	vld [tilespmem:s1+$0x20]  }
0x106: {  	v61 =	vld [tilespmem:s1+$0xFFFFFFF0]  }
0x107: {  	[tilespmem:v2+s2+$0x0] =	vst.idx.add.f32.msk $0xffff, v11  }
0x108: {  	v62 =	vld [tilespmem:s1+$0x0]  }
0x109: {  	v63 =	vld [tilespmem:s1+$0x10]  }
0x10a: {  	[tilespmem:v3+s25+$0x0] =	vst.idx.add.f32.msk $0xffff, v6  }
0x10b: {  	[tilespmem:v4+s25+$0x0] =	vst.idx.add.f32.msk $0xffff, v61  }
0x10c: {  	[tilespmem:v3+s26+$0x0] =	vst.idx.add.f32.msk $0xffff, v1  }
0x10d: {  	v3 =	vld [tilespmem:s1+$0xFFFFFFE0]  }
0x10e: {  	[tilespmem:v5+s25+$0x0] =	vst.idx.add.f32.msk $0xffff, v62  }
0x10f: {  	[tilespmem:v2+s25+$0x0] =	vst.idx.add.f32.msk $0xffff, v63  }
0x110: {  	[tilespmem:v4+s26+$0x0] =	vst.idx.add.f32.msk $0xffff, v1  }
0x111: {  	[tilespmem:v5+s26+$0x0] =	vst.idx.add.f32.msk $0xffff, v1  }
0x112: {  	[tilespmem:v7+s25+$0x0] =	vst.idx.add.f32.msk $0xffff, v3  }
0x113: {  	s8 =	simm.s32 $0x0;
	s31 =	simm.s32 $0x10020;
	s9 =	simm.s32 $0x1C070;
	[tilespmem:v7+s26+$0x0] =	vst.idx.add.f32.msk $0xffff, v1  }
.LBB2_12:
0x114: {  	v3 =	vld [tilespmem:s9+$0x20]  }
0x115: {  	s8 =	sadd.s32 $0x5, s8;
	v4 =	vld [tilespmem:s9+$0xFFFFFFF0]  }
0x116: {  	s0 =	sadd.s32 $0x50, s0;
	p0 =	slt.u32 s8, $0xF5;
	v5 =	vld [tilespmem:s9+$0x0]  }
0x117: {  	v6 =	vld [tilespmem:s0+$0x20]  }
0x118: {  	v7 =	vld [tilespmem:s9+$0x10]  }
0x119: {  	v8 =	vld [tilespmem:s9+$0xFFFFFFE0]  }
0x11a: {  	v9 =	vld [tilespmem:s0+$0xFFFFFFE0]  }
0x11b: {  	v10 =	vld [tilespmem:s0+$0xFFFFFFF0]  }
0x11c: {  	s1 =	sadd.s32 $0x50, s1;
	[tilespmem:v3+s2+$0x0] =	vst.idx.add.f32.msk $0xffff, v6  }
0x11d: {  	v6 =	vld [tilespmem:s1+$0x20]  }
0x11e: {  	v11 =	vld [tilespmem:s0+$0x0]  }
0x11f: {  	v12 =	vld [tilespmem:s0+$0x10]  }
0x120: {  	[tilespmem:v4+s2+$0x0] =	vst.idx.add.f32.msk $0xffff, v10  }
0x121: {  	[tilespmem:v8+s2+$0x0] =	vst.idx.add.f32.msk $0xffff, v9  }
0x122: {  	[tilespmem:v3+s25+$0x0] =	vst.idx.add.f32.msk $0xffff, v6  }
0x123: {  	[tilespmem:v3+s26+$0x0] =	vst.idx.add.f32.msk $0xffff, v1  }
0x124: {  	[tilespmem:v5+s2+$0x0] =	vst.idx.add.f32.msk $0xffff, v11  }
0x125: {  	[tilespmem:v7+s2+$0x0] =	vst.idx.add.f32.msk $0xffff, v12  }
0x126: {  	v3 =	vld [tilespmem:s1+$0xFFFFFFE0]  }
0x127: {  	v6 =	vld [tilespmem:s1+$0xFFFFFFF0]  }
0x128: {  	v9 =	vld [tilespmem:s1+$0x0]  }
0x129: {  	v10 =	vld [tilespmem:s1+$0x10]  }
0x12a: {  	[tilespmem:v2+s26+$0x0] =	vst.idx.add.f32.msk $0xffff, v1;
	v2 =	vmov v7  }
0x12b: {  	[tilespmem:v8+s25+$0x0] =	vst.idx.add.f32.msk $0xffff, v3  }
0x12c: {  	[tilespmem:v8+s26+$0x0] =	vst.idx.add.f32.msk $0xffff, v1  }
.Ltmp5:
0x12d: {  	[tilespmem:v4+s25+$0x0] =	vst.idx.add.f32.msk $0xffff, v6;
	(pc) =	sbr.rel @p0 .LBB2_12-.Ltmp5, $4  }
0x12e: {  	[tilespmem:v4+s26+$0x0] =	vst.idx.add.f32.msk $0xffff, v1  }
0x12f: {  	[tilespmem:v5+s25+$0x0] =	vst.idx.add.f32.msk $0xffff, v9  }
0x130: {  	[tilespmem:v5+s26+$0x0] =	vst.idx.add.f32.msk $0xffff, v1  }
0x131: {  	s9 =	sadd.s32 $0x50, s9;
	[tilespmem:v7+s25+$0x0] =	vst.idx.add.f32.msk $0xffff, v10  }
0x132: {  	_ =	sdelay $0x3  }
0x133: {  	[tilespmem:v2+s26+$0x0] =	vst.idx.add.f32.msk $0xffff, v1  }
0x134: {  	v2 =	vld [tilespmem:s31+$0x10]  }
0x135: {  	v3 =	vld [tilespmem:s31+$0x0];
	_ =	sdelay $0x2  }
0x136: {  	v4 =	vld [tilespmem:s31+$0xFFFFFFF0]  }
0x137: {  	s0 =	simm.s32 $0x10060;
	v5 =	vld [tilespmem:s31+$0xFFFFFFE0];
	v2 =	vmax.f32 v2, $1.000000000e+00  }
0x138: {  	v3 =	vmax.f32 v3, $1.000000000e+00;
	(erf) = vrcp.f32 v2;
	v2 =	vld [tilespmem:s0+$0x10]  }
0x139: {  	(erf) = vrcp.f32 v3;
	v3 =	vld [tilespmem:s0+$0x0]  }
0x13a: {  	v6 =	vld [tilespmem:s0+$0xFFFFFFF0]  }
0x13b: {  	v7 =	vld [tilespmem:s0+$0xFFFFFFE0];
	v4 =	vmax.f32 v4, $1.000000000e+00  }
0x13c: {  	v5 =	vmax.f32 v5, $1.000000000e+00;
	(erf) = vrcp.f32 v4  }
0x13d: {  	s9 =	simm.s32 $0x100A0;
	(erf) = vrcp.f32 v5;
	v2 =	vmax.f32 v2, $1.000000000e+00  }
0x13e: {  	v8 =	vld [tilespmem:s9+$0x10];
	v3 =	vmax.f32 v3, $1.000000000e+00;
	(erf) = vrcp.f32 v2  }
0x13f: {  	v4 =	vmax.f32 v6, $1.000000000e+00;
	(erf) = vrcp.f32 v3  }
0x140: {  	v5 =	vmax.f32 v7, $1.000000000e+00;
	v2 =	vld [tilespmem:s9+$0xFFFFFFF0];
	(erf) = vrcp.f32 v4  }
0x141: {  	v3 =	vld [tilespmem:s9+$0x0];
	v6 =	vpop (erf);
	(erf) = vrcp.f32 v5  }
0x142: {  	s1 =	simm.s32 $0x4;
	s15 =	simm.s32 $0x8;
	v4 =	vld [tilespmem:s9+$0xFFFFFFE0]  }
0x143: {  	s16 =	simm.s32 $0x100E0;
	s14 =	simm.s32 $0x10020;
	s13 =	simm.s32 $0x10060;
	v5 =	vmax.f32 v8, $1.000000000e+00;
	[tilespmem:s31+$0x10] =	vst v6;
	v6 =	vpop (erf)  }
.LBB2_14:
0x144: {  	s15 =	sadd.s32 $0x4, s15  }
0x145: {  	v7 =	vld [tilespmem:s16+$0x10];
	[tilespmem:s14+$0x0] =	vst v6;
	s8 =	simm.s32 $0x8020;
	s12 =	simm.s32 $0x20;
	v6 =	vpop (erf);
	p0 =	slt.u32 s15, $0x7FC  }
.Ltmp6:
0x146: {  	v8 =	vmax.f32 v2, $1.000000000e+00;
	v2 =	vld [tilespmem:s16+$0xFFFFFFF0];
	v9 =	vmax.f32 v3, $1.000000000e+00;
	(erf) = vrcp.f32 v5;
	[tilespmem:s14+$0xFFFFFFF0] =	vst v6;
	v5 =	vpop (erf);
	(pc) =	sbr.rel @p0 .LBB2_14-.Ltmp6, $4  }
0x147: {  	v3 =	vld [tilespmem:s16+$0x0];
	v10 =	vmax.f32 v4, $1.000000000e+00;
	(erf) = vrcp.f32 v9;
	[tilespmem:s14+$0xFFFFFFE0] =	vst v5;
	s14 =	smov.u32 s13;
	s13 =	smov.u32 s9;
	s9 =	smov.u32 s16  }
0x148: {  	v4 =	vld [tilespmem:s16+$0xFFFFFFE0];
	(erf) = vrcp.f32 v8  }
0x149: {  	(erf) = vrcp.f32 v10;
	v6 =	vpop (erf)  }
0x14a: {  	s16 =	sadd.s32 $0x40, s16;
	v5 =	vmax.f32 v7, $1.000000000e+00;
	[tilespmem:s14+$0x10] =	vst v6;
	v6 =	vpop (erf)  }
0x14b: {  	_ = 	snop  }
0x14c: {  	(erf) = vrcp.f32 v5;
	v2 =	vmax.f32 v2, $1.000000000e+00;
	v3 =	vmax.f32 v3, $1.000000000e+00  }
0x14d: {  	(erf) = vrcp.f32 v3;
	v3 =	vmax.f32 v4, $1.000000000e+00  }
0x14e: {  	(erf) = vrcp.f32 v2  }
0x14f: {  	[tilespmem:s14+$0x0] =	vst v6;
	v2 =	vpop (erf);
	(erf) = vrcp.f32 v3  }
0x150: {  	[tilespmem:s14+$0xFFFFFFF0] =	vst v2;
	v3 =	vpop (erf)  }
0x151: {  	[tilespmem:s14+$0xFFFFFFE0] =	vst v3;
	v2 =	vpop (erf)  }
0x152: {  	[tilespmem:s13+$0x10] =	vst v2;
	v2 =	vpop (erf)  }
0x153: {  	[tilespmem:s13+$0x0] =	vst v2;
	v2 =	vpop (erf)  }
0x154: {  	[tilespmem:s13+$0xFFFFFFF0] =	vst v2;
	v2 =	vpop (erf)  }
0x155: {  	[tilespmem:s13+$0xFFFFFFE0] =	vst v2;
	v2 =	vpop (erf)  }
0x156: {  	[tilespmem:s9+$0x10] =	vst v2;
	v2 =	vpop (erf)  }
0x157: {  	[tilespmem:s9+$0x0] =	vst v2;
	v2 =	vpop (erf)  }
0x158: {  	[tilespmem:s9+$0xFFFFFFF0] =	vst v2;
	v2 =	vpop (erf)  }
0x159: {  	[tilespmem:s9+$0xFFFFFFE0] =	vst v2  }
0x15a: {  	v2 =	vld [tilespmem:s12+$0x10]  }
0x15b: {  	v3 =	vld [tilespmem:s31+$0x10]  }
0x15c: {  	v4 =	vld [tilespmem:s31+$0xFFFFFFE0]  }
0x15d: {  	v5 =	vld [tilespmem:s12+$0xFFFFFFF0]  }
0x15e: {  	v6 =	vld [tilespmem:s31+$0xFFFFFFF0]  }
0x15f: {  	v7 =	vld [tilespmem:s12+$0x0]  }
0x160: {  	v8 =	vld [tilespmem:s31+$0x0]  }
0x161: {  	v9 =	vld [tilespmem:s0+$0x10]  }
0x162: {  	s16 =	simm.s32 $0x60;
	v10 =	vld [tilespmem:s0+$0xFFFFFFE0]  }
0x163: {  	v11 =	vld [tilespmem:s16+$0xFFFFFFF0]  }
0x164: {  	v12 =	vld [tilespmem:s0+$0xFFFFFFF0]  }
0x165: {  	v13 =	vld [tilespmem:s16+$0x0];
	v2 =	vmul.f32 v3, v2  }
0x166: {  	v3 =	vld [tilespmem:s12+$0xFFFFFFE0]  }
0x167: {  	v14 =	vld [tilespmem:s0+$0x0];
	[tilespmem:s12+$0x10] =	vst v2;
	v2 =	vmul.f32 v6, v5  }
0x168: {  	v5 =	vld [tilespmem:s8+$0x10]  }
0x169: {  	[tilespmem:s12+$0xFFFFFFF0] =	vst v2;
	v2 =	vmul.f32 v8, v7;
	v8 =	vld [tilespmem:s16+$0x10]  }
0x16a: {  	v6 =	vld [tilespmem:s31+$0x10]  }
0x16b: {  	v3 =	vmul.f32 v4, v3;
	v4 =	vld [tilespmem:s8+$0xFFFFFFF0]  }
0x16c: {  	v7 =	vld [tilespmem:s31+$0xFFFFFFF0];
	[tilespmem:s12+$0x0] =	vst v2  }
0x16d: {  	[tilespmem:s12+$0xFFFFFFE0] =	vst v3;
	v2 =	vld [tilespmem:s8+$0x0]  }
0x16e: {  	v3 =	vld [tilespmem:s8+$0xFFFFFFE0];
	v8 =	vmul.f32 v9, v8  }
0x16f: {  	v9 =	vld [tilespmem:s16+$0xFFFFFFE0]  }
0x170: {  	s9 =	simm.s32 $0x8060;
	v5 =	vmul.f32 v6, v5;
	v6 =	vld [tilespmem:s31+$0xFFFFFFE0];
	[tilespmem:s16+$0x10] =	vst v8  }
0x171: {  	v8 =	vmul.f32 v12, v11;
	v11 =	vld [tilespmem:s9+$0x10]  }
0x172: {  	[tilespmem:s8+$0x10] =	vst v5;
	v4 =	vmul.f32 v7, v4;
	v63 =	vld [tilespmem:s0+$0x10]  }
0x173: {  	v5 =	vld [tilespmem:s31+$0x0];
	[tilespmem:s16+$0xFFFFFFF0] =	vst v8;
	v8 =	vmul.f32 v14, v13  }
0x174: {  	[tilespmem:s8+$0xFFFFFFF0] =	vst v4;
	v9 =	vmul.f32 v10, v9;
	v4 =	vld [tilespmem:s9+$0xFFFFFFF0]  }
0x175: {  	v7 =	vld [tilespmem:s0+$0xFFFFFFF0];
	v10 =	vmul.f32 v6, v3;
	[tilespmem:s16+$0x0] =	vst v8  }
0x176: {  	[tilespmem:s16+$0xFFFFFFE0] =	vst v9;
	v6 =	vld [tilespmem:s9+$0x0]  }
0x177: {  	s13 =	simm.s32 $0x10060;
	s12 =	simm.s32 $0xA0;
	[tilespmem:s8+$0xFFFFFFE0] =	vst v10;
	v3 =	vld [tilespmem:s9+$0xFFFFFFE0];
	v8 =	vmul.f32 v63, v11  }
.LBB2_16:
0x178: {  	v9 =	vld [tilespmem:s12+$0x10];
	s0 =	sadd.s32 $0x40, s0;
	v10 =	vmul.f32 v5, v2  }
0x179: {  	v5 =	vld [tilespmem:s0+$0x10];
	[tilespmem:s9+$0x10] =	vst v8  }
0x17a: {  	s1 =	sadd.s32 $0x4, s1;
	v8 =	vld [tilespmem:s0+$0xFFFFFFE0];
	v4 =	vmul.f32 v7, v4;
	[tilespmem:s8+$0x0] =	vst v10;
	s8 =	smov.u32 s9  }
0x17b: {  	p0 =	slt.u32 s1, $0x7FC;
	v7 =	vld [tilespmem:s12+$0xFFFFFFF0];
	v2 =	vmov v6  }
0x17c: {  	v6 =	vld [tilespmem:s0+$0xFFFFFFF0];
	[tilespmem:s9+$0xFFFFFFF0] =	vst v4  }
0x17d: {  	v4 =	vld [tilespmem:s12+$0x0]  }
0x17e: {  	v10 =	vld [tilespmem:s0+$0x0];
	v5 =	vmul.f32 v5, v9  }
0x17f: {  	v9 =	vld [tilespmem:s12+$0xFFFFFFE0]  }
0x180: {  	s9 =	sadd.s32 $0x40, s9;
	[tilespmem:s12+$0x10] =	vst v5;
	v11 =	vld [tilespmem:s13+$0xFFFFFFE0]  }
0x181: {  	v5 =	vmul.f32 v6, v7;
	v12 =	vld [tilespmem:s9+$0x10]  }
0x182: {  	v13 =	vld [tilespmem:s0+$0x10]  }
.Ltmp7:
0x183: {  	[tilespmem:s12+$0xFFFFFFF0] =	vst v5;
	v6 =	vmul.f32 v10, v4;
	v5 =	vld [tilespmem:s13+$0x0];
	s13 =	smov.u32 s0;
	(pc) =	sbr.rel @p0 .LBB2_16-.Ltmp7, $4  }
0x184: {  	v8 =	vmul.f32 v8, v9;
	v4 =	vld [tilespmem:s9+$0xFFFFFFF0]  }
0x185: {  	v7 =	vld [tilespmem:s0+$0xFFFFFFF0];
	[tilespmem:s12+$0x0] =	vst v6;
	v9 =	vmul.f32 v11, v3  }
0x186: {  	[tilespmem:s12+$0xFFFFFFE0] =	vst v8;
	v6 =	vld [tilespmem:s9+$0x0]  }
0x187: {  	s12 =	sadd.s32 $0x40, s12;
	v3 =	vld [tilespmem:s9+$0xFFFFFFE0];
	v8 =	vmul.f32 v13, v12;
	[tilespmem:s8+$0xFFFFFFE0] =	vst v9  }
0x188: {  	v9 =	vld [tilespmem:s13+$0xFFFFFFE0]  }
0x189: {  	v10 =	vld [tilespmem:s13+$0x0];
	_ =	sdelay $0x1  }
0x18a: {  	v2 =	vmul.f32 v5, v2  }
0x18b: {  	[tilespmem:s9+$0x10] =	vst v8;
	v4 =	vmul.f32 v7, v4  }
0x18c: {  	[tilespmem:s8+$0x0] =	vst v2;
	v2 =	vmul.f32 v9, v3  }
0x18d: {  	[tilespmem:s9+$0xFFFFFFF0] =	vst v4;
	v3 =	vmul.f32 v10, v6  }
0x18e: {  	[tilespmem:s9+$0xFFFFFFE0] =	vst v2  }
0x18f: {  	[tilespmem:s9+$0x0] =	vst v3  }
0x190: {  	[hbm4b:s10+s2] =	stream.linear.scatter [tilespmem:s2], [sflag:$0x3], $0x8000, $0x38;
	[tilespmem:$0x1E000] =	vst v63  }
0x191: {  	_ =	swait.ge [sflag:s29], $0x8000  }
0x192: {  	[sflag:s29] =	ssyncset.done $0x0  }
0x193: {  	s0 =	rddreg [dreg:$0x4];
	[sflag:s29] =	ssyncadd.s32 $0xFFFF8000  }
0x194: {  	[hbm4b:s0+s2] =	stream.linear.scatter [tilespmem:s25], [sflag:$0x3], $0x8000, $0x38;
	[tilespmem:$0x1E000] =	vst v63  }
0x195: {  	_ =	swait.ge [sflag:s29], $0x8000  }
0x196: {  	[sflag:s29] =	ssyncset.done $0x0  }
0x197: {  	s0 =	simm.s32 $0x40;
	[sflag:s29] =	ssyncadd.s32 $0xFFFF8000  }
0x198: {  	[tilespmem:s0+$0x30] =	vst v0  }
0x199: {  	[tilespmem:s0+$0xFFFFFFF0] =	vst v0  }
0x19a: {  	[tilespmem:s0+$0xFFFFFFC0] =	vst v0  }
0x19b: {  	[tilespmem:s0+$0xFFFFFFE0] =	vst v0  }
0x19c: {  	[tilespmem:s0+$0x10] =	vst v0  }
0x19d: {  	[tilespmem:s0+$0x20] =	vst v0  }
0x19e: {  	[tilespmem:s0+$0x0] =	vst v0  }
0x19f: {  	s1 =	simm.s32 $0x8040;
	[tilespmem:s0+$0xFFFFFFD0] =	vst v0  }
0x1a0: {  	[tilespmem:s1+$0xFFFFFFC0] =	vst v0  }
0x1a1: {  	[tilespmem:s1+$0x30] =	vst v0  }
0x1a2: {  	[tilespmem:s1+$0x20] =	vst v0  }
0x1a3: {  	[tilespmem:s1+$0x10] =	vst v0  }
0x1a4: {  	[tilespmem:s1+$0xFFFFFFE0] =	vst v0  }
0x1a5: {  	[tilespmem:s1+$0x0] =	vst v0  }
0x1a6: {  	s8 =	simm.s32 $0x0;
	[tilespmem:s1+$0xFFFFFFF0] =	vst v0  }
.LBB2_18:
0x1a7: {  	s8 =	sadd.s32 $0x8, s8;
	[tilespmem:s1+$0xFFFFFFD0] =	vst v0;
	s0 =	sadd.s32 $0x80, s0;
	s1 =	sadd.s32 $0x80, s1  }
0x1a8: {  	[tilespmem:s0+$0x30] =	vst v0;
	p0 =	slt.u32 s8, $0x7F8  }
0x1a9: {  	[tilespmem:s0+$0xFFFFFFF0] =	vst v0  }
0x1aa: {  	[tilespmem:s0+$0xFFFFFFC0] =	vst v0  }
0x1ab: {  	[tilespmem:s1+$0xFFFFFFC0] =	vst v0  }
0x1ac: {  	[tilespmem:s1+$0x30] =	vst v0  }
0x1ad: {  	[tilespmem:s0+$0xFFFFFFE0] =	vst v0  }
0x1ae: {  	[tilespmem:s0+$0x10] =	vst v0  }
0x1af: {  	[tilespmem:s0+$0x20] =	vst v0  }
0x1b0: {  	[tilespmem:s1+$0x20] =	vst v0  }
0x1b1: {  	[tilespmem:s1+$0x10] =	vst v0  }
.Ltmp8:
0x1b2: {  	[tilespmem:s1+$0xFFFFFFE0] =	vst v0;
	(pc) =	sbr.rel @p0 .LBB2_18-.Ltmp8, $4  }
0x1b3: {  	[tilespmem:s0+$0x0] =	vst v0  }
0x1b4: {  	[tilespmem:s1+$0x0] =	vst v0  }
0x1b5: {  	[tilespmem:s1+$0xFFFFFFF0] =	vst v0  }
0x1b6: {  	[tilespmem:s0+$0xFFFFFFD0] =	vst v0  }
0x1b7: {  	[tilespmem:s1+$0xFFFFFFD0] =	vst v0  }
0x1b8: {  	s31 =	simm.s32 $0x0;
	s0 =	rddreg [dreg:$0x5]  }
0x1b9: {  	[tilespmem:s18], [sflag:$0x1] =	stream.linear.gather [hbm4b:s0+s31], $0xFA0, $0x38;
	[tilespmem:$0x1E000] =	vst v63  }
0x1ba: {  	s16 =	rddreg [dreg:$0x6]  }
0x1bb: {  	[tilespmem:s19], [sflag:$0x1] =	stream.linear.gather [hbm4b:s16+s31], $0xFA0, $0x38;
	[tilespmem:$0x1E000] =	vst v63  }
0x1bc: {  	_ = 	snop  }
0x1bd: {  	[tilespmem:s20], [sflag:$0x1] =	stream.linear.gather [hbm4b:s4+s31], $0xFA0, $0x38;
	[tilespmem:$0x1E000] =	vst v63  }
.LBB2_20:
0x1be: {  	s0 =	smul.u32 $0x1F40, s31;
	_ =	sdelay $0x1  }
0x1bf: {  	s1 =	sadd.s32 $0xFA0, s0  }
0x1c0: {  	s8 =	sadd.s32 s7, s1  }
0x1c1: {  	s8 =	sshrl.u32 s8, $0x3  }
0x1c2: {  	s15 =	sadd.s32 s11, s1;
	s8 =	sadd.s32 s3, s8  }
0x1c3: {  	[tilespmem:s21], [sflag:$0x2] =	stream.linear.gather [hbm4b:s8+s2], $0xFA0, $0x38;
	[tilespmem:$0x1E000] =	vst v63  }
0x1c4: {  	s8 =	sshrl.u32 s15, $0x3  }
0x1c5: {  	s1 =	sshrl.u32 s1, $0x3;
	s8 =	sadd.s32 s3, s8  }
0x1c6: {  	[tilespmem:s22], [sflag:$0x2] =	stream.linear.gather [hbm4b:s8+s2], $0xFA0, $0x38;
	[tilespmem:$0x1E000] =	vst v63  }
0x1c7: {  	s1 =	sadd.s32 s4, s1  }
0x1c8: {  	[tilespmem:s23], [sflag:$0x2] =	stream.linear.gather [hbm4b:s1+s2], $0xFA0, $0x38;
	[tilespmem:$0x1E000] =	vst v63  }
0x1c9: {  	_ =	swait.ge [sflag:s24], $0xFA0  }
0x1ca: {  	[sflag:s24] =	ssyncset.done $0x0  }
0x1cb: {  	[sflag:s24] =	ssyncadd.s32 $0xFFFFF060  }
0x1cc: {  	_ =	swait.ge [sflag:s24], $0xFA0  }
0x1cd: {  	[sflag:s24] =	ssyncset.done $0x0  }
0x1ce: {  	[sflag:s24] =	ssyncadd.s32 $0xFFFFF060  }
0x1cf: {  	_ =	swait.ge [sflag:s24], $0xFA0  }
0x1d0: {  	[sflag:s24] =	ssyncset.done $0x0  }
0x1d1: {  	s16 =	simm.s32 $0x1C020;
	[sflag:s24] =	ssyncadd.s32 $0xFFFFF060  }
0x1d2: {  	v3 =	vld [tilespmem:s16+$0x20]  }
0x1d3: {  	v4 =	vld [tilespmem:s16+$0xFFFFFFF0]  }
0x1d4: {  	s1 =	simm.s32 $0x18020;
	v5 =	vld [tilespmem:s16+$0x0]  }
0x1d5: {  	v6 =	vld [tilespmem:s1+$0x20]  }
0x1d6: {  	v7 =	vld [tilespmem:s16+$0xFFFFFFE0]  }
0x1d7: {  	v2 =	vld [tilespmem:s16+$0x10]  }
0x1d8: {  	v9 =	vld [tilespmem:s1+$0xFFFFFFF0]  }
0x1d9: {  	v8 =	vld [tilespmem:s1+$0xFFFFFFE0]  }
0x1da: {  	v10 =	vld [tilespmem:s1+$0x0]  }
0x1db: {  	v11 =	vld [tilespmem:s1+$0x10]  }
0x1dc: {  	[tilespmem:v3+s2+$0x0] =	vst.idx.add.f32.msk $0xffff, v6  }
0x1dd: {  	[tilespmem:v4+s2+$0x0] =	vst.idx.add.f32.msk $0xffff, v9  }
0x1de: {  	[tilespmem:v7+s2+$0x0] =	vst.idx.add.f32.msk $0xffff, v8  }
0x1df: {  	s8 =	simm.s32 $0x19020;
	[tilespmem:v5+s2+$0x0] =	vst.idx.add.f32.msk $0xffff, v10  }
0x1e0: {  	v6 =	vld [tilespmem:s8+$0x20]  }
0x1e1: {  	[tilespmem:v2+s2+$0x0] =	vst.idx.add.f32.msk $0xffff, v11  }
0x1e2: {  	v61 =	vld [tilespmem:s8+$0xFFFFFFE0]  }
0x1e3: {  	v62 =	vld [tilespmem:s8+$0xFFFFFFF0]  }
0x1e4: {  	v63 =	vld [tilespmem:s8+$0x0]  }
0x1e5: {  	[tilespmem:v3+s25+$0x0] =	vst.idx.add.f32.msk $0xffff, v6  }
0x1e6: {  	v3 =	vld [tilespmem:s8+$0x10];
	_ =	sdelay $0x1  }
0x1e7: {  	[tilespmem:v7+s25+$0x0] =	vst.idx.add.f32.msk $0xffff, v61  }
0x1e8: {  	[tilespmem:v4+s25+$0x0] =	vst.idx.add.f32.msk $0xffff, v62  }
0x1e9: {  	s9 =	simm.s32 $0x0;
	s12 =	simm.s32 $0x1C070;
	[tilespmem:v5+s25+$0x0] =	vst.idx.add.f32.msk $0xffff, v63  }
.LBB2_21:
0x1ea: {  	v4 =	vld [tilespmem:s12+$0x20];
	s9 =	sadd.s32 $0x5, s9;
	v5 =	vmov v3  }
0x1eb: {  	v6 =	vld [tilespmem:s12+$0xFFFFFFF0];
	p0 =	slt.u32 s9, $0xF5  }
0x1ec: {  	s1 =	sadd.s32 $0x50, s1;
	v7 =	vld [tilespmem:s12+$0x0]  }
0x1ed: {  	v3 =	vld [tilespmem:s1+$0x20]  }
0x1ee: {  	v8 =	vld [tilespmem:s12+$0x10]  }
0x1ef: {  	v9 =	vld [tilespmem:s12+$0xFFFFFFE0]  }
0x1f0: {  	v10 =	vld [tilespmem:s1+$0xFFFFFFE0]  }
0x1f1: {  	v11 =	vld [tilespmem:s1+$0xFFFFFFF0]  }
0x1f2: {  	s8 =	sadd.s32 $0x50, s8;
	[tilespmem:v4+s2+$0x0] =	vst.idx.add.f32.msk $0xffff, v3  }
0x1f3: {  	v3 =	vld [tilespmem:s8+$0x20]  }
0x1f4: {  	v12 =	vld [tilespmem:s1+$0x0]  }
0x1f5: {  	v13 =	vld [tilespmem:s1+$0x10]  }
0x1f6: {  	[tilespmem:v6+s2+$0x0] =	vst.idx.add.f32.msk $0xffff, v11  }
0x1f7: {  	[tilespmem:v9+s2+$0x0] =	vst.idx.add.f32.msk $0xffff, v10  }
0x1f8: {  	[tilespmem:v4+s25+$0x0] =	vst.idx.add.f32.msk $0xffff, v3  }
0x1f9: {  	[tilespmem:v7+s2+$0x0] =	vst.idx.add.f32.msk $0xffff, v12  }
0x1fa: {  	[tilespmem:v8+s2+$0x0] =	vst.idx.add.f32.msk $0xffff, v13  }
0x1fb: {  	v4 =	vld [tilespmem:s8+$0xFFFFFFE0]  }
0x1fc: {  	v10 =	vld [tilespmem:s8+$0xFFFFFFF0]  }
0x1fd: {  	v11 =	vld [tilespmem:s8+$0x0]  }
.Ltmp9:
0x1fe: {  	v3 =	vld [tilespmem:s8+$0x10];
	(pc) =	sbr.rel @p0 .LBB2_21-.Ltmp9, $4  }
0x1ff: {  	[tilespmem:v2+s25+$0x0] =	vst.idx.add.f32.msk $0xffff, v5;
	v2 =	vmov v8  }
0x200: {  	[tilespmem:v9+s25+$0x0] =	vst.idx.add.f32.msk $0xffff, v4  }
0x201: {  	[tilespmem:v6+s25+$0x0] =	vst.idx.add.f32.msk $0xffff, v10  }
0x202: {  	s12 =	sadd.s32 $0x50, s12;
	[tilespmem:v7+s25+$0x0] =	vst.idx.add.f32.msk $0xffff, v11  }
0x203: {  	_ = 	snop  }
0x204: {  	s0 =	sadd.s32 $0x1F40, s0  }
0x205: {  	s1 =	sadd.s32 s7, s0  }
0x206: {  	s1 =	sshrl.u32 s1, $0x3  }
0x207: {  	[tilespmem:v2+s25+$0x0] =	vst.idx.add.f32.msk $0xffff, v3;
	s15 =	sadd.s32 s11, s0;
	s1 =	sadd.s32 s3, s1  }
0x208: {  	[tilespmem:s18], [sflag:$0x1] =	stream.linear.gather [hbm4b:s1+s2], $0xFA0, $0x38;
	[tilespmem:$0x1E000] =	vst v63  }
0x209: {  	s1 =	sshrl.u32 s15, $0x3  }
0x20a: {  	s0 =	sshrl.u32 s0, $0x3;
	s1 =	sadd.s32 s3, s1  }
0x20b: {  	[tilespmem:s19], [sflag:$0x1] =	stream.linear.gather [hbm4b:s1+s2], $0xFA0, $0x38;
	[tilespmem:$0x1E000] =	vst v63  }
0x20c: {  	s0 =	sadd.s32 s4, s0  }
0x20d: {  	[tilespmem:s20], [sflag:$0x1] =	stream.linear.gather [hbm4b:s0+s2], $0xFA0, $0x38;
	[tilespmem:$0x1E000] =	vst v63  }
0x20e: {  	_ =	swait.ge [sflag:s28], $0xFA0  }
0x20f: {  	[sflag:s28] =	ssyncset.done $0x0  }
0x210: {  	[sflag:s28] =	ssyncadd.s32 $0xFFFFF060  }
0x211: {  	_ =	swait.ge [sflag:s28], $0xFA0  }
0x212: {  	[sflag:s28] =	ssyncset.done $0x0  }
0x213: {  	[sflag:s28] =	ssyncadd.s32 $0xFFFFF060  }
0x214: {  	_ =	swait.ge [sflag:s28], $0xFA0  }
0x215: {  	[sflag:s28] =	ssyncset.done $0x0  }
0x216: {  	s16 =	simm.s32 $0x1D020;
	[sflag:s28] =	ssyncadd.s32 $0xFFFFF060  }
0x217: {  	v3 =	vld [tilespmem:s16+$0x20]  }
0x218: {  	v4 =	vld [tilespmem:s16+$0xFFFFFFF0]  }
0x219: {  	s0 =	simm.s32 $0x1A020;
	v5 =	vld [tilespmem:s16+$0x0]  }
0x21a: {  	v6 =	vld [tilespmem:s0+$0x20]  }
0x21b: {  	v7 =	vld [tilespmem:s16+$0xFFFFFFE0]  }
0x21c: {  	v2 =	vld [tilespmem:s16+$0x10]  }
0x21d: {  	v9 =	vld [tilespmem:s0+$0xFFFFFFF0]  }
0x21e: {  	v8 =	vld [tilespmem:s0+$0xFFFFFFE0]  }
0x21f: {  	v10 =	vld [tilespmem:s0+$0x0]  }
0x220: {  	v11 =	vld [tilespmem:s0+$0x10]  }
0x221: {  	[tilespmem:v3+s2+$0x0] =	vst.idx.add.f32.msk $0xffff, v6  }
0x222: {  	[tilespmem:v4+s2+$0x0] =	vst.idx.add.f32.msk $0xffff, v9  }
0x223: {  	[tilespmem:v7+s2+$0x0] =	vst.idx.add.f32.msk $0xffff, v8  }
0x224: {  	s1 =	simm.s32 $0x1B020;
	[tilespmem:v5+s2+$0x0] =	vst.idx.add.f32.msk $0xffff, v10  }
0x225: {  	v6 =	vld [tilespmem:s1+$0x20]  }
0x226: {  	[tilespmem:v2+s2+$0x0] =	vst.idx.add.f32.msk $0xffff, v11  }
0x227: {  	v61 =	vld [tilespmem:s1+$0xFFFFFFE0]  }
0x228: {  	v62 =	vld [tilespmem:s1+$0xFFFFFFF0]  }
0x229: {  	v63 =	vld [tilespmem:s1+$0x0]  }
0x22a: {  	[tilespmem:v3+s25+$0x0] =	vst.idx.add.f32.msk $0xffff, v6  }
0x22b: {  	v3 =	vld [tilespmem:s1+$0x10];
	_ =	sdelay $0x1  }
0x22c: {  	[tilespmem:v7+s25+$0x0] =	vst.idx.add.f32.msk $0xffff, v61  }
0x22d: {  	[tilespmem:v4+s25+$0x0] =	vst.idx.add.f32.msk $0xffff, v62  }
0x22e: {  	s8 =	simm.s32 $0x0;
	s9 =	simm.s32 $0x1D070;
	[tilespmem:v5+s25+$0x0] =	vst.idx.add.f32.msk $0xffff, v63  }
.LBB2_23:
0x22f: {  	v4 =	vld [tilespmem:s9+$0x20];
	s8 =	sadd.s32 $0x5, s8;
	v5 =	vmov v3  }
0x230: {  	v6 =	vld [tilespmem:s9+$0xFFFFFFF0];
	p0 =	slt.u32 s8, $0xF5  }
0x231: {  	s0 =	sadd.s32 $0x50, s0;
	v7 =	vld [tilespmem:s9+$0x0]  }
0x232: {  	v3 =	vld [tilespmem:s0+$0x20]  }
0x233: {  	v8 =	vld [tilespmem:s9+$0x10]  }
0x234: {  	v9 =	vld [tilespmem:s9+$0xFFFFFFE0]  }
0x235: {  	v10 =	vld [tilespmem:s0+$0xFFFFFFE0]  }
0x236: {  	v11 =	vld [tilespmem:s0+$0xFFFFFFF0]  }
0x237: {  	s1 =	sadd.s32 $0x50, s1;
	[tilespmem:v4+s2+$0x0] =	vst.idx.add.f32.msk $0xffff, v3  }
0x238: {  	v3 =	vld [tilespmem:s1+$0x20]  }
0x239: {  	v12 =	vld [tilespmem:s0+$0x0]  }
0x23a: {  	v13 =	vld [tilespmem:s0+$0x10]  }
0x23b: {  	[tilespmem:v6+s2+$0x0] =	vst.idx.add.f32.msk $0xffff, v11  }
0x23c: {  	[tilespmem:v9+s2+$0x0] =	vst.idx.add.f32.msk $0xffff, v10  }
0x23d: {  	[tilespmem:v4+s25+$0x0] =	vst.idx.add.f32.msk $0xffff, v3  }
0x23e: {  	[tilespmem:v7+s2+$0x0] =	vst.idx.add.f32.msk $0xffff, v12  }
0x23f: {  	[tilespmem:v8+s2+$0x0] =	vst.idx.add.f32.msk $0xffff, v13  }
0x240: {  	v4 =	vld [tilespmem:s1+$0xFFFFFFE0]  }
0x241: {  	v10 =	vld [tilespmem:s1+$0xFFFFFFF0]  }
0x242: {  	v11 =	vld [tilespmem:s1+$0x0]  }
.Ltmp10:
0x243: {  	v3 =	vld [tilespmem:s1+$0x10];
	(pc) =	sbr.rel @p0 .LBB2_23-.Ltmp10, $4  }
0x244: {  	[tilespmem:v2+s25+$0x0] =	vst.idx.add.f32.msk $0xffff, v5;
	v2 =	vmov v8  }
0x245: {  	[tilespmem:v9+s25+$0x0] =	vst.idx.add.f32.msk $0xffff, v4  }
0x246: {  	[tilespmem:v6+s25+$0x0] =	vst.idx.add.f32.msk $0xffff, v10  }
0x247: {  	s9 =	sadd.s32 $0x50, s9;
	[tilespmem:v7+s25+$0x0] =	vst.idx.add.f32.msk $0xffff, v11  }
0x248: {  	s31 =	sadd.s32 $0x1, s31  }
0x249: {  	p0 =	sne.s32 s31, $0xC  }
.Ltmp11:
0x24a: {  	_ = 	snop;
	(pc) =	sbr.rel @p0 .LBB2_20-.Ltmp11, $2  }
0x24b: {  	_ =	sdelay $0x2  }
0x24c: {  	[tilespmem:v2+s25+$0x0] =	vst.idx.add.f32.msk $0xffff, v3  }
0x24d: {  	_ =	swait.ge [sflag:s24], $0xFA0  }
0x24e: {  	[sflag:s24] =	ssyncset.done $0x0  }
0x24f: {  	[sflag:s24] =	ssyncadd.s32 $0xFFFFF060  }
0x250: {  	_ =	swait.ge [sflag:s24], $0xFA0  }
0x251: {  	[sflag:s24] =	ssyncset.done $0x0  }
0x252: {  	[sflag:s24] =	ssyncadd.s32 $0xFFFFF060  }
0x253: {  	_ =	swait.ge [sflag:s24], $0xFA0  }
0x254: {  	[sflag:s24] =	ssyncset.done $0x0  }
0x255: {  	s0 =	simm.s32 $0x1C020;
	[sflag:s24] =	ssyncadd.s32 $0xFFFFF060  }
0x256: {  	v3 =	vld [tilespmem:s0+$0x20]  }
0x257: {  	v4 =	vld [tilespmem:s0+$0xFFFFFFF0]  }
0x258: {  	s1 =	simm.s32 $0x18020;
	v5 =	vld [tilespmem:s0+$0x0]  }
0x259: {  	v6 =	vld [tilespmem:s1+$0x20]  }
0x25a: {  	v7 =	vld [tilespmem:s0+$0xFFFFFFE0]  }
0x25b: {  	v2 =	vld [tilespmem:s0+$0x10]  }
0x25c: {  	v9 =	vld [tilespmem:s1+$0xFFFFFFF0]  }
0x25d: {  	v8 =	vld [tilespmem:s1+$0xFFFFFFE0]  }
0x25e: {  	v10 =	vld [tilespmem:s1+$0x0]  }
0x25f: {  	v11 =	vld [tilespmem:s1+$0x10]  }
0x260: {  	[tilespmem:v3+s2+$0x0] =	vst.idx.add.f32.msk $0xffff, v6  }
0x261: {  	[tilespmem:v4+s2+$0x0] =	vst.idx.add.f32.msk $0xffff, v9  }
0x262: {  	[tilespmem:v7+s2+$0x0] =	vst.idx.add.f32.msk $0xffff, v8  }
0x263: {  	s8 =	simm.s32 $0x19020;
	[tilespmem:v5+s2+$0x0] =	vst.idx.add.f32.msk $0xffff, v10  }
0x264: {  	v6 =	vld [tilespmem:s8+$0x20]  }
0x265: {  	[tilespmem:v2+s2+$0x0] =	vst.idx.add.f32.msk $0xffff, v11  }
0x266: {  	v61 =	vld [tilespmem:s8+$0xFFFFFFE0]  }
0x267: {  	v62 =	vld [tilespmem:s8+$0xFFFFFFF0]  }
0x268: {  	v63 =	vld [tilespmem:s8+$0x0]  }
0x269: {  	[tilespmem:v3+s25+$0x0] =	vst.idx.add.f32.msk $0xffff, v6  }
0x26a: {  	v3 =	vld [tilespmem:s8+$0x10];
	_ =	sdelay $0x1  }
0x26b: {  	[tilespmem:v7+s25+$0x0] =	vst.idx.add.f32.msk $0xffff, v61  }
0x26c: {  	[tilespmem:v4+s25+$0x0] =	vst.idx.add.f32.msk $0xffff, v62  }
0x26d: {  	s12 =	simm.s32 $0x0;
	s31 =	simm.s32 $0x1C070;
	[tilespmem:v5+s25+$0x0] =	vst.idx.add.f32.msk $0xffff, v63  }
.LBB2_26:
0x26e: {  	v4 =	vld [tilespmem:s31+$0x20];
	s12 =	sadd.s32 $0x5, s12;
	v5 =	vmov v3  }
0x26f: {  	v6 =	vld [tilespmem:s31+$0xFFFFFFF0];
	p0 =	slt.u32 s12, $0xF5  }
0x270: {  	s1 =	sadd.s32 $0x50, s1;
	v7 =	vld [tilespmem:s31+$0x0]  }
0x271: {  	v3 =	vld [tilespmem:s1+$0x20]  }
0x272: {  	v8 =	vld [tilespmem:s31+$0x10]  }
0x273: {  	v9 =	vld [tilespmem:s31+$0xFFFFFFE0]  }
0x274: {  	v10 =	vld [tilespmem:s1+$0xFFFFFFE0]  }
0x275: {  	v11 =	vld [tilespmem:s1+$0xFFFFFFF0]  }
0x276: {  	s8 =	sadd.s32 $0x50, s8;
	[tilespmem:v4+s2+$0x0] =	vst.idx.add.f32.msk $0xffff, v3  }
0x277: {  	v3 =	vld [tilespmem:s8+$0x20]  }
0x278: {  	v12 =	vld [tilespmem:s1+$0x0]  }
0x279: {  	v13 =	vld [tilespmem:s1+$0x10]  }
0x27a: {  	[tilespmem:v6+s2+$0x0] =	vst.idx.add.f32.msk $0xffff, v11  }
0x27b: {  	s13 =	simm.s32 $0x20;
	[tilespmem:v9+s2+$0x0] =	vst.idx.add.f32.msk $0xffff, v10  }
0x27c: {  	s0 =	simm.s32 $0x8020;
	s9 =	simm.s32 $0x10020;
	[tilespmem:v4+s25+$0x0] =	vst.idx.add.f32.msk $0xffff, v3  }
0x27d: {  	[tilespmem:v7+s2+$0x0] =	vst.idx.add.f32.msk $0xffff, v12  }
0x27e: {  	[tilespmem:v8+s2+$0x0] =	vst.idx.add.f32.msk $0xffff, v13  }
0x27f: {  	v4 =	vld [tilespmem:s8+$0xFFFFFFE0]  }
0x280: {  	v10 =	vld [tilespmem:s8+$0xFFFFFFF0]  }
0x281: {  	v11 =	vld [tilespmem:s8+$0x0]  }
.Ltmp12:
0x282: {  	v3 =	vld [tilespmem:s8+$0x10];
	(pc) =	sbr.rel @p0 .LBB2_26-.Ltmp12, $4  }
0x283: {  	[tilespmem:v2+s25+$0x0] =	vst.idx.add.f32.msk $0xffff, v5;
	v2 =	vmov v8  }
0x284: {  	[tilespmem:v9+s25+$0x0] =	vst.idx.add.f32.msk $0xffff, v4  }
0x285: {  	[tilespmem:v6+s25+$0x0] =	vst.idx.add.f32.msk $0xffff, v10  }
0x286: {  	s31 =	sadd.s32 $0x50, s31;
	[tilespmem:v7+s25+$0x0] =	vst.idx.add.f32.msk $0xffff, v11  }
0x287: {  	_ =	sdelay $0x3  }
0x288: {  	[tilespmem:v2+s25+$0x0] =	vst.idx.add.f32.msk $0xffff, v3  }
0x289: {  	v2 =	vld [tilespmem:s13+$0x10]  }
0x28a: {  	v3 =	vld [tilespmem:s9+$0x10]  }
0x28b: {  	v4 =	vld [tilespmem:s9+$0xFFFFFFE0]  }
0x28c: {  	v5 =	vld [tilespmem:s13+$0xFFFFFFF0]  }
0x28d: {  	v6 =	vld [tilespmem:s9+$0xFFFFFFF0]  }
0x28e: {  	v7 =	vld [tilespmem:s13+$0x0]  }
0x28f: {  	s1 =	simm.s32 $0x10060;
	v8 =	vld [tilespmem:s9+$0x0]  }
0x290: {  	v9 =	vld [tilespmem:s1+$0x10]  }
0x291: {  	s12 =	simm.s32 $0x60;
	v10 =	vld [tilespmem:s1+$0xFFFFFFE0]  }
0x292: {  	v11 =	vld [tilespmem:s12+$0xFFFFFFF0]  }
0x293: {  	v12 =	vld [tilespmem:s1+$0xFFFFFFF0]  }
0x294: {  	v13 =	vld [tilespmem:s12+$0x0];
	v2 =	vmul.f32 v3, v2  }
0x295: {  	v3 =	vld [tilespmem:s13+$0xFFFFFFE0]  }
0x296: {  	v14 =	vld [tilespmem:s1+$0x0];
	[tilespmem:s13+$0x10] =	vst v2;
	v2 =	vmul.f32 v6, v5  }
0x297: {  	v5 =	vld [tilespmem:s0+$0x10]  }
0x298: {  	[tilespmem:s13+$0xFFFFFFF0] =	vst v2;
	v2 =	vmul.f32 v8, v7;
	v8 =	vld [tilespmem:s12+$0x10]  }
0x299: {  	v6 =	vld [tilespmem:s9+$0x10]  }
0x29a: {  	v3 =	vmul.f32 v4, v3;
	v4 =	vld [tilespmem:s0+$0xFFFFFFF0]  }
0x29b: {  	v7 =	vld [tilespmem:s9+$0xFFFFFFF0];
	[tilespmem:s13+$0x0] =	vst v2  }
0x29c: {  	[tilespmem:s13+$0xFFFFFFE0] =	vst v3;
	v2 =	vld [tilespmem:s0+$0x0]  }
0x29d: {  	v3 =	vld [tilespmem:s0+$0xFFFFFFE0];
	v8 =	vmul.f32 v9, v8  }
0x29e: {  	v9 =	vld [tilespmem:s12+$0xFFFFFFE0]  }
0x29f: {  	s8 =	simm.s32 $0x8060;
	v5 =	vmul.f32 v6, v5;
	v6 =	vld [tilespmem:s9+$0xFFFFFFE0];
	[tilespmem:s12+$0x10] =	vst v8  }
0x2a0: {  	v8 =	vmul.f32 v12, v11;
	v11 =	vld [tilespmem:s8+$0x10]  }
0x2a1: {  	[tilespmem:s0+$0x10] =	vst v5;
	v4 =	vmul.f32 v7, v4;
	v63 =	vld [tilespmem:s1+$0x10]  }
0x2a2: {  	v5 =	vld [tilespmem:s9+$0x0];
	[tilespmem:s12+$0xFFFFFFF0] =	vst v8;
	v8 =	vmul.f32 v14, v13  }
0x2a3: {  	[tilespmem:s0+$0xFFFFFFF0] =	vst v4;
	v9 =	vmul.f32 v10, v9;
	v4 =	vld [tilespmem:s8+$0xFFFFFFF0]  }
0x2a4: {  	v7 =	vld [tilespmem:s1+$0xFFFFFFF0];
	v10 =	vmul.f32 v6, v3;
	[tilespmem:s12+$0x0] =	vst v8  }
0x2a5: {  	[tilespmem:s12+$0xFFFFFFE0] =	vst v9;
	v6 =	vld [tilespmem:s8+$0x0]  }
0x2a6: {  	s13 =	simm.s32 $0x10060;
	s9 =	simm.s32 $0x4;
	s12 =	simm.s32 $0xA0;
	[tilespmem:s0+$0xFFFFFFE0] =	vst v10;
	v3 =	vld [tilespmem:s8+$0xFFFFFFE0];
	v8 =	vmul.f32 v63, v11  }
.LBB2_28:
0x2a7: {  	v9 =	vld [tilespmem:s12+$0x10];
	s1 =	sadd.s32 $0x40, s1;
	v10 =	vmul.f32 v5, v2  }
0x2a8: {  	v5 =	vld [tilespmem:s1+$0x10];
	[tilespmem:s8+$0x10] =	vst v8  }
0x2a9: {  	s9 =	sadd.s32 $0x4, s9;
	v8 =	vld [tilespmem:s1+$0xFFFFFFE0];
	v4 =	vmul.f32 v7, v4;
	[tilespmem:s0+$0x0] =	vst v10;
	s0 =	smov.u32 s8  }
0x2aa: {  	p0 =	slt.u32 s9, $0x7FC;
	v7 =	vld [tilespmem:s12+$0xFFFFFFF0];
	v2 =	vmov v6  }
0x2ab: {  	v6 =	vld [tilespmem:s1+$0xFFFFFFF0];
	[tilespmem:s8+$0xFFFFFFF0] =	vst v4  }
0x2ac: {  	v4 =	vld [tilespmem:s12+$0x0]  }
0x2ad: {  	v10 =	vld [tilespmem:s1+$0x0];
	v5 =	vmul.f32 v5, v9  }
0x2ae: {  	v9 =	vld [tilespmem:s12+$0xFFFFFFE0]  }
0x2af: {  	s8 =	sadd.s32 $0x40, s8;
	[tilespmem:s12+$0x10] =	vst v5;
	v11 =	vld [tilespmem:s13+$0xFFFFFFE0]  }
0x2b0: {  	v5 =	vmul.f32 v6, v7;
	v12 =	vld [tilespmem:s8+$0x10]  }
0x2b1: {  	v13 =	vld [tilespmem:s1+$0x10]  }
.Ltmp13:
0x2b2: {  	[tilespmem:s12+$0xFFFFFFF0] =	vst v5;
	v6 =	vmul.f32 v10, v4;
	v5 =	vld [tilespmem:s13+$0x0];
	s13 =	smov.u32 s1;
	(pc) =	sbr.rel @p0 .LBB2_28-.Ltmp13, $4  }
0x2b3: {  	v8 =	vmul.f32 v8, v9;
	v4 =	vld [tilespmem:s8+$0xFFFFFFF0]  }
0x2b4: {  	v7 =	vld [tilespmem:s1+$0xFFFFFFF0];
	[tilespmem:s12+$0x0] =	vst v6;
	v9 =	vmul.f32 v11, v3  }
0x2b5: {  	[tilespmem:s12+$0xFFFFFFE0] =	vst v8;
	v6 =	vld [tilespmem:s8+$0x0]  }
0x2b6: {  	s12 =	sadd.s32 $0x40, s12;
	v3 =	vld [tilespmem:s8+$0xFFFFFFE0];
	v8 =	vmul.f32 v13, v12;
	[tilespmem:s0+$0xFFFFFFE0] =	vst v9  }
0x2b7: {  	v9 =	vld [tilespmem:s13+$0xFFFFFFE0]  }
0x2b8: {  	v10 =	vld [tilespmem:s13+$0x0];
	_ =	sdelay $0x1  }
0x2b9: {  	v2 =	vmul.f32 v5, v2  }
0x2ba: {  	[tilespmem:s8+$0x10] =	vst v8;
	v4 =	vmul.f32 v7, v4  }
0x2bb: {  	[tilespmem:s0+$0x0] =	vst v2;
	v2 =	vmul.f32 v9, v3  }
0x2bc: {  	[tilespmem:s8+$0xFFFFFFF0] =	vst v4;
	v3 =	vmul.f32 v10, v6  }
0x2bd: {  	[tilespmem:s8+$0xFFFFFFE0] =	vst v2  }
0x2be: {  	[tilespmem:s8+$0x0] =	vst v3  }
0x2bf: {  	s0 =	rddreg [dreg:$0x7]  }
0x2c0: {  	[hbm4b:s0+s2] =	stream.linear.scatter [tilespmem:s2], [sflag:$0x3], $0x8000, $0x38;
	[tilespmem:$0x1E000] =	vst v63  }
0x2c1: {  	s30 =	sadd.s32 $0x1, s30;
	_ =	swait.ge [sflag:s29], $0x8000  }
0x2c2: {  	p0 =	sne.s32 s30, s17;
	[sflag:s29] =	ssyncset.done $0x0  }
.Ltmp14:
0x2c3: {  	s31 =	rddreg [dreg:$0x8];
	[sflag:s29] =	ssyncadd.s32 $0xFFFF8000;
	(pc) =	sbr.rel @p0 .LBB2_1-.Ltmp14, $4  }
0x2c4: {  	[hbm4b:s31+s2] =	stream.linear.scatter [tilespmem:s25], [sflag:$0x3], $0x8000, $0x38;
	[tilespmem:$0x1E000] =	vst v63  }
0x2c5: {  	_ =	swait.ge [sflag:s29], $0x8000  }
0x2c6: {  	[sflag:s29] =	ssyncset.done $0x0  }
0x2c7: {  	[sflag:s29] =	ssyncadd.s32 $0xFFFF8000  }
0x2c8: {  	_ =	sfence.sel $0x180000  }
0x2c9: {  	[bflag:$0x0] =	sbarrier.arrive $0xFFFF  }
0x2ca: {  	_ =	strace $0x90000047  }
0x2cb: {  	s0 =	stileid.u32;
	[bflag:$0x2] =	sbarrier.arrive $0xFFFF  }
0x2cc: {  	p0 =	sne.s32 s0, $0x0;
	s0 =	rddreg [dreg:$0x1]  }
0x2cd: {  	s0 =	sadd.s32 @!p0 $0x100000, s0  }
0x2ce: {  	[sflag:s0] =	ssyncadd.tile.s32 @!p0 $0x1;
	_ =	shalt  }
.Lfunc_end2:
_tile_overlayer_lowered:
.L_overlay_start_2:
0x2cf: {  	(tag) =	ssettag $0x2  }
0x2d0: {  	s0 =	rddreg [dreg:$0x0];
	s2 =	stileid.u32  }
0x2d1: {  	s1 =	rddreg [dreg:$0x1];
	p0 =	sne.s32 s2, $0x0  }
0x2d2: {  	s3 =	rddreg [dreg:$0x2];
	[bflag:$0x3] =	sbarrier.arrive $0xFFFF;
	s2 =	simm.s32 @!p0 $0x1C03  }
0x2d3: {  	[timem:s3], [sflag:s2] =	dma.local @!p0 [hbm:s0], s1  }
0x2d4: {  	s0 =	simm.s32 @!p0 $0x3  }
0x2d5: {  	_ =	swait.ge @!p0 [sflag:s0], s1  }
0x2d6: {  	s1 =	ssub.s32 @!p0 $0x0, s1;
	[sflag:s0] =	ssyncset.done @!p0 $0x0  }
0x2d7: {  	[sflag:s0] =	ssyncadd.s32 @!p0 s1  }
0x2d8: {  	[bflag:$0x3] =	sbarrier.arrive $0xFFFF  }
0x2d9: {  	_ =	shalt  }

// kernel: kernel.7.cloned.1.call-start
scs
__scs_entry_jumppad:
0x0: {  	(pc) =	sbr.rel $0x88, $3  }
0x1: {  	(tag) =	ssettag $0x0;
	lr =	simm.s32 $0x1  }
0x2: {  	[smem:$0x3F9F] =	sst lr;
	_ =	strace $0xD0000000  }
0x3: {  	_ = 	snop  }
0x4: {  	_ = 	snop  }
0x5: {  	_ = 	snop  }
0x6: {  	_ = 	snop  }
0x7: {  	_ = 	snop  }
__scs_overlays_trampoline_lowered:
0x8: {  	[smem:$0x3FAE] =	sst s0  }
0x9: {  	[smem:$0x3FAF] =	sst s1  }
0xa: {  	[smem:$0x3FB0] =	sst s2  }
0xb: {  	[smem:$0x3FB1] =	sst s3  }
0xc: {  	[smem:$0x3FB2] =	sst s4  }
0xd: {  	[smem:$0x3FB3] =	sst s5  }
0xe: {  	[smem:$0x3FB4] =	sst s6  }
0xf: {  	[smem:$0x3FB5] =	sst s7  }
0x10: {  	[smem:$0x3FB6] =	sst s8  }
0x11: {  	[smem:$0x3FB7] =	sst s9;
	s0 =	simm.s32 @!p0 $0x0  }
0x12: {  	s1 =	sld [smem:$0x3F9D];
	s0 =	simm.s32 @p0 $0x1  }
0x13: {  	[smem:$0x3FB8] =	sst s0;
	s0 =	simm.s32 @!p1 $0x0  }
0x14: {  	s2 =	sld [smem:$0x3F9C];
	s0 =	simm.s32 @p1 $0x1  }
0x15: {  	[smem:$0x3FB9] =	sst s0;
	s0 =	simm.s32 @!p2 $0x0  }
0x16: {  	s3 =	sld [smem:$0x3FDB];
	s0 =	simm.s32 @p2 $0x1  }
0x17: {  	s4 =	simm.s32 $0x1BF5;
	[smem:$0x3FBB] =	sst s0  }
0x18: {  	s0 =	sld [smem:$0x3F9E];
	_ =	swait.ge [sflag:s4], $0x0  }
0x19: {  	s7 =	sld [smem:$0x3F9F]  }
0x1a: {  	s8 =	sadd.s32 $0xFFFFE003, lr  }
0x1b: {  	s9 =	sadd.s32 $0xFFFFFEF7, lr;
	s5 =	simm.s32 $0xFFFFFFFF;
	p2 =	slt.u32 s8, $0xFFFFF086  }
0x1c: {  	p1 =	slt.u32 s9, $0xF7A;
	s5 =	simm.s32 @!p2 $0x0  }
0x1d: {  	s5 =	simm.s32 @p1 $0x1;
	p0 =	seq.s32 s7, s2  }
0x1e: {  	s7 =	smul.u32 @!p0 $0xF7A, s2;
	p2 =	seq.s32 @!p0 s5, $0x0  }
0x1f: {  	s9 =	smul.u32 $0xF7A, s1;
	s8 =	simm.s32 @!p0 $0x1BF5;
	p2 =	por !p2, p0  }
0x20: {  	[sflag:s8] =	ssyncset.s32 @!p0 $0xFFFFF086;
	s6 =	sadd.s32 @!p0 s3, s7;
	s7 =	simm.s32 @!p0 $0x108  }
0x21: {  	s3 =	sadd.s32 s3, s9;
	s6 =	sadd.s32 @!p0 $0x88, s6;
	s7 =	simm.s32 @p2 $0x1082  }
0x22: {  	[simem:s7], [sflag:s8] =	dma.local @!p0 [hbm:s6], $0xF7A  }
0x23: {  	s9 =	sor.u32 $0xD0000000, s2;
	s6 =	simm.s32 $0x108;
	_ =	swait.ge @!p0 [sflag:s8], $0x0  }
0x24: {  	s3 =	sadd.s32 $0x88, s3;
	s6 =	simm.s32 @!p1 $0x1082;
	[sflag:s4] =	ssyncset.s32 $0xFFFFF086  }
0x25: {  	[simem:s6], [sflag:s4] =	dma.local [hbm:s3], $0xF7A  }
0x26: {  	[smem:$0x3F9F] =	sst s1;
	(tag) =	ssettag s2;
	_ =	strace s9  }
0x27: {  	s1 =	sld [smem:$0x3FAF]  }
0x28: {  	s2 =	sld [smem:$0x3FB0]  }
0x29: {  	s4 =	sld [smem:$0x3FB2]  }
0x2a: {  	p0 =	seq.s32 s5, $0x0;
	s5 =	sld [smem:$0x3FB3]  }
0x2b: {  	s6 =	sld [smem:$0x3FB4]  }
0x2c: {  	s7 =	sld [smem:$0x3FB5]  }
0x2d: {  	s3 =	simm.s32 $0x108;
	s8 =	sld [smem:$0x3FB6]  }
0x2e: {  	s3 =	simm.s32 @!p0 $0x1082;
	s9 =	sld [smem:$0x3FB7]  }
0x2f: {  	lr =	sadd.s32 s0, s3;
	s0 =	sld [smem:$0x3FAE]  }
0x30: {  	s3 =	sld [smem:$0x3FB1]  }
0x31: {  	[smem:$0x3FBA] =	sst s10  }
0x32: {  	s10 =	sld [smem:$0x3FB8];
	_ =	sdelay $0x3  }
0x33: {  	p0 =	seq.s32 s10, $0x1;
	s10 =	sld [smem:$0x3FBA];
	_ =	sdelay $0x3  }
0x34: {  	[smem:$0x3FBA] =	sst s10  }
0x35: {  	s10 =	sld [smem:$0x3FB9];
	_ =	sdelay $0x3  }
0x36: {  	p1 =	seq.s32 s10, $0x1;
	s10 =	sld [smem:$0x3FBA];
	_ =	sdelay $0x3  }
0x37: {  	[smem:$0x3FBA] =	sst s10  }
0x38: {  	s10 =	sld [smem:$0x3FBB]  }
0x39: {  	_ = 	snop;
	(pc) =	sbr.ind lr, $3  }
0x3a: {  	_ = 	snop  }
0x3b: {  	_ = 	snop  }
0x3c: {  	p2 =	seq.s32 s10, $0x1;
	s10 =	sld [smem:$0x3FBA]  }
0x3d: {  	_ =	shalt  }
0x3e: {  	_ =	shalt  }
0x3f: {  	_ =	shalt  }
0x40: {  	_ =	shalt  }
0x41: {  	_ =	shalt  }
0x42: {  	_ =	shalt  }
0x43: {  	_ =	shalt  }
0x44: {  	_ =	shalt  }
0x45: {  	_ =	shalt  }
0x46: {  	_ =	shalt  }
0x47: {  	_ =	shalt  }
0x48: {  	_ =	shalt  }
0x49: {  	_ =	shalt  }
0x4a: {  	_ =	shalt  }
0x4b: {  	_ =	shalt  }
0x4c: {  	_ =	shalt  }
0x4d: {  	_ =	shalt  }
0x4e: {  	_ =	shalt  }
0x4f: {  	_ =	shalt  }
0x50: {  	_ =	shalt  }
0x51: {  	_ =	shalt  }
0x52: {  	_ =	shalt  }
0x53: {  	_ =	shalt  }
0x54: {  	_ =	shalt  }
0x55: {  	_ =	shalt  }
0x56: {  	_ =	shalt  }
0x57: {  	_ =	shalt  }
0x58: {  	_ =	shalt  }
0x59: {  	_ =	shalt  }
0x5a: {  	_ =	shalt  }
0x5b: {  	_ =	shalt  }
0x5c: {  	_ =	shalt  }
0x5d: {  	_ =	shalt  }
0x5e: {  	_ =	shalt  }
0x5f: {  	_ =	shalt  }
0x60: {  	_ =	shalt  }
0x61: {  	_ =	shalt  }
0x62: {  	_ =	shalt  }
0x63: {  	_ =	shalt  }
0x64: {  	_ =	shalt  }
0x65: {  	_ =	shalt  }
0x66: {  	_ =	shalt  }
0x67: {  	_ =	shalt  }
0x68: {  	_ =	shalt  }
0x69: {  	_ =	shalt  }
0x6a: {  	_ =	shalt  }
0x6b: {  	_ =	shalt  }
0x6c: {  	_ =	shalt  }
0x6d: {  	_ =	shalt  }
0x6e: {  	_ =	shalt  }
0x6f: {  	_ =	shalt  }
0x70: {  	_ =	shalt  }
0x71: {  	_ =	shalt  }
0x72: {  	_ =	shalt  }
0x73: {  	_ =	shalt  }
0x74: {  	_ =	shalt  }
0x75: {  	_ =	shalt  }
0x76: {  	_ =	shalt  }
0x77: {  	_ =	shalt  }
0x78: {  	_ =	shalt  }
0x79: {  	_ =	shalt  }
0x7a: {  	_ =	shalt  }
0x7b: {  	_ =	shalt  }
0x7c: {  	_ =	shalt  }
0x7d: {  	_ =	shalt  }
0x7e: {  	_ =	shalt  }
0x7f: {  	_ =	shalt  }
0x80: {  	_ =	shalt  }
0x81: {  	_ =	shalt  }
0x82: {  	_ =	shalt  }
0x83: {  	_ =	shalt  }
0x84: {  	_ =	shalt  }
0x85: {  	_ =	shalt  }
0x86: {  	_ =	shalt  }
0x87: {  	_ =	shalt  }
.Lfunc_end0:
.L_simem_size_0:
called_computation_lowered:
.L_overlay_start_0:
0x88: {  	s2 =	sld [smem:$0x3FD9]  }
0x89: {  	s3 =	sld [smem:$0x3FFE];
	_ =	sdelay $0x1  }
0x8a: {  	s1 =	srdreg.scid  }
0x8b: {  	s0 =	sand.u32 $0x1, s1  }
0x8c: {  	s17 =	sshll.u32 s0, $0xA;
	s2 =	sadd.s32 s3, s2  }
0x8d: {  	s2 =	sadd.s32 s2, s17  }
0x8e: {  	[smem:$0x3FC6] =	sst s2  }
0x8f: {  	_ = 	snop  }
0x90: {  	(tm) =	ssettm $0x1  }
0x91: {  	s18 =	sld [smem:$0x3FFB];
	_ =	sdelay $0x3  }
0x92: {  	_ =	strace s18  }
0x93: {  	s2 =	sld [smem:$0x3FFC];
	_ =	sdelay $0x3  }
0x94: {  	_ =	strace s2  }
0x95: {  	s2 =	sld [smem:$0x3FFD];
	_ =	sdelay $0x3  }
0x96: {  	_ =	strace s2  }
0x97: {  	_ =	strace $0x8FFFFFFF  }
0x98: {  	s19 =	sld [smem:$0x3FDB];
	_ =	sdelay $0x1  }
0x99: {  	s20 =	simm.s32 $_scs_section_size  }
0x9a: {  	s4 =	simm.s32 $_size__tile_overlayer_lowered;
	s5 =	simm.s32 $_tile_overlayer_lowered  }
0x9b: {  	s6 =	simm.s32 $0x1BFF;
	s21 =	sshll.u32 s5, $0x1;
	s3 =	sadd.s32 s20, s19  }
0x9c: {  	s22 =	simm.s32 $0x0;
	s4 =	sshll.u32 s4, $0x1;
	s5 =	sadd.s32 s21, s3  }
0x9d: {  	[timem:s22], [sflag:s6] =	dma.local [hbm:s5], s4  }
0x9e: {  	_ =	swait.ge [sflag:s6], s4  }
0x9f: {  	s4 =	ssub.s32 $0x0, s4;
	[sflag:s6] =	ssyncset.done $0x0  }
0xa0: {  	[sflag:s6] =	ssyncadd.s32 s4;
	_ =	sdelay $0x1  }
0xa1: {  	s23 =	simm.s32 $0x1B8B  }
0xa2: {  	_ =	swait.ge [sflag:s23], $0x1  }
0xa3: {  	[sflag:s23] =	ssyncset.done $0x0  }
0xa4: {  	[sflag:s23] =	ssyncadd.s32 $0xFFFFFFFF  }
0xa5: {  	s4 =	sld [smem:$0x0]  }
0xa6: {  	s5 =	sand.u32 $0xFFFFFFFE, s1  }
0xa7: {  	p0 =	sne.s32 s1, s5  }
0xa8: {  	s5 =	sshll.u32 @p0 s5, $0xE  }
0xa9: {  	s5 =	sadd.s32 @p0 $0x11B8D, s5;
	s6 =	sshll.u32 @p0 s4, $0x11  }
0xaa: {  	s5 =	sor.u32 @p0 s6, s5  }
0xab: {  	[sflag:s5] =	ssyncadd.remote.s32 @p0 $0x1;
	_ =	sdelay $0x1  }
0xac: {  	s5 =	simm.s32 @p0 $0x1B8D  }
0xad: {  	_ =	swait.eq @p0 [sflag:s5], $0x1  }
0xae: {  	[sflag:s5] =	ssyncadd.s32 @p0 $0xFFFFFFFF  }
0xaf: {  	s6 =	sshll.u32 @!p0 s1, $0xE  }
0xb0: {  	s6 =	sor.u32 @!p0 $0x4000, s6;
	s5 =	simm.s32 @!p0 $0x1B8D  }
0xb1: {  	s4 =	sshll.u32 @!p0 s4, $0x11;
	s6 =	sadd.s32 @!p0 $0x11B8D, s6;
	_ =	swait.eq @!p0 [sflag:s5], $0x1  }
0xb2: {  	s4 =	sor.u32 @!p0 s4, s6;
	[sflag:s5] =	ssyncadd.s32 @!p0 $0xFFFFFFFF  }
0xb3: {  	s25 =	simm.s32 $0x1B8E;
	s24 =	sld [smem:$0x3FFE];
	[sflag:s4] =	ssyncadd.remote.s32 @!p0 $0x1  }
0xb4: {  	s26 =	simm.s32 $execute0_lowered;
	[smem:$0x3FD2] =	sst s25  }
0xb5: {  	s5 =	sshll.u32 s26, $0x1;
	_ =	strace $0x8000004F;
	[dreg:$0x1] =	wrdreg $0xFFFFFFFF  }
0xb6: {  	s28 =	simm.s32 $_size_execute0_lowered;
	s3 =	sadd.s32 s3, s5;
	[dreg:$0x0] =	wrdreg $0x0  }
0xb7: {  	s5 =	sshll.u32 s28, $0x1;
	[dreg:$0x2] =	wrdreg s3  }
0xb8: {  	[dreg:$0x3] =	wrdreg s5  }
0xb9: {  	[dreg:$0x4] =	wrdreg $0xC0  }
0xba: {  	_ =	task [dreg:s22], $0x5FFFF  }
0xbb: {  	[dreg:$0x1] =	wrdreg $0xFFFFFFFF  }
0xbc: {  	[dreg:$0x0] =	wrdreg $0x60  }
0xbd: {  	[dreg:$0x2] =	wrdreg s24  }
0xbe: {  	[dreg:$0x3] =	wrdreg $0x9  }
0xbf: {  	_ =	task.clear_ibuf [dreg:s22], $0x4FFFF;
	_ =	strace $0x9000004F  }
0xc0: {  	s29 =	simm.s32 $0x9;
	_ =	strace $0x80000051  }
0xc1: {  	_ =	swait.ge [sflag:s29], $0x1  }
0xc2: {  	[sflag:s29] =	ssyncadd.s32 $0xFFFFFFFF  }
0xc3: {  	_ =	strace $0x90000051  }
0xc4: {  	_ =	sfence  }
0xc5: {  	s30 =	sld [smem:$0x0];
	_ =	sdelay $0x2  }
0xc6: {  	s31 =	sshll.u32 s1, $0xD;
	s1 =	sshrl.u32 s1, $0x2  }
0xc7: {  	s4 =	sand.u32 $0x4000, s31;
	s1 =	sadd.s32 s1, s30  }
0xc8: {  	s0 =	sor.u32 s4, s0;
	s1 =	sshll.u32 s1, $0x11  }
0xc9: {  	s0 =	sor.u32 s1, s0  }
0xca: {  	s0 =	sadd.s32 $0x8F2B, s0  }
0xcb: {  	[sflag:s0] =	ssyncadd.remote.s32 $0x1  }
0xcc: {  	_ =	sfence.sel $0xFFFF  }
0xcd: {  	[dreg:$0x0] =	wrdreg $0xFFFFFFFF;
	(pc) =	sbr.abs _section_cstart, $3  }
0xce: {  	[dreg:$0x1] =	wrdreg $0xFFFFFFFF  }
0xcf: {  	_ =	task.clear_ibuf [dreg:s22], $0x2FFFF;
	_ =	strace $0x9FFFFFFF  }
0xd0: {  	(tm) =	ssettm $0x7FFFFFFF  }
0xd1: {  	_ =	shalt  }
tec
execute0_lowered:
.L_overlay_start_1:
0x0: {  	(tag) =	ssettag $0x1  }
0x1: {  	s0 =	rddreg [dreg:$0x0]  }
0x2: {  	s2 =	simm.s32 $0x0;
	s1 =	srdreg.scid;
	s4 =	stileid.u32  }
0x3: {  	s18 =	simm.s32 $0x18000;
	s19 =	simm.s32 $0x19000;
	s20 =	simm.s32 $0x1C000  }
0x4: {  	s21 =	simm.s32 $0x1A000;
	s22 =	simm.s32 $0x1B000;
	s28 =	simm.s32 $0x2  }
0x5: {  	s29 =	simm.s32 $0x3;
	s30 =	simm.s32 $0x0;
	[smem:$0x7FF] =	sst s2  }
0x6: {  	s3 =	sadd.s32 $0x495000, s0;
	s1 =	sand.u32 $0x1, s1;
	s5 =	sshll.u32 s4, $0x1  }
0x7: {  	s4 =	sadd.s32 $0x655E00, s0;
	s6 =	ssub.s32 $0x2, s1;
	s1 =	sor.u32 s1, s5  }
0x8: {  	s0 =	sadd.s32 $0x7D9000, s0;
	_ =	strace $0x80000050;
	s5 =	smul.u32 $0x61A80, s1  }
0x9: {  	s7 =	sshrl.u32 s6, $0x1;
	s8 =	sshll.u32 s1, $0x2;
	s1 =	sshll.u32 s1, $0xE  }
0xa: {  	s9 =	ssub.s32 s6, s7;
	s8 =	sor.u32 $0x2, s8;
	s6 =	sadd.s32 $0x186A0, s5  }
0xb: {  	s10 =	sshrl.u32 s5, $0x3;
	s7 =	smul.u32 $0x186A0, s8;
	s26 =	sshll.u32 s8, $0xC  }
0xc: {  	s17 =	smax.u32 s9, $0x1;
	s10 =	sadd.s32 s3, s10;
	s23 =	sshrl.u32 s6, $0x3  }
0xd: {  	[dreg:$0x2] =	wrdreg s10;
	s10 =	sadd.s32 s3, s23;
	s11 =	sadd.s32 $0x186A0, s7  }
0xe: {  	[dreg:$0x3] =	wrdreg s10;
	s10 =	sadd.s32 s0, s1;
	s0 =	sadd.s32 s0, s26  }
0xf: {  	s12 =	sshrl.u32 s11, $0x3;
	s1 =	sadd.s32 $0x1000, s10;
	[dreg:$0x7] =	wrdreg s0  }
0x10: {  	s24 =	sshrl.u32 s7, $0x3;
	s25 =	sadd.s32 s3, s12;
	[dreg:$0x4] =	wrdreg s1  }
0x11: {  	s23 =	simm.s32 $0x1D000;
	s31 =	sadd.s32 $0x3000, s10;
	[dreg:$0x6] =	wrdreg s25  }
0x12: {  	s26 =	simm.s32 $0x10000;
	s1 =	sadd.s32 s3, s24;
	[dreg:$0x8] =	wrdreg s31  }
0x13: {  	v0 =	vimm.f32 $0.0e+00;
	v1 =	vimm.f32 $1.000000000e+00;
	s24 =	simm.s32 $0x1;
	s25 =	simm.s32 $0x8000;
	[dreg:$0x5] =	wrdreg s1  }
.LBB2_1:
0x14: {  	s8 =	simm.s32 $0x10040  }
0x15: {  	[tilespmem:s8+$0xFFFFFFC0] =	vst v0  }
0x16: {  	[tilespmem:s8+$0x30] =	vst v0  }
0x17: {  	[tilespmem:s8+$0x20] =	vst v0  }
0x18: {  	[tilespmem:s8+$0x10] =	vst v0  }
0x19: {  	[tilespmem:s8+$0x0] =	vst v0  }
0x1a: {  	[tilespmem:s8+$0xFFFFFFF0] =	vst v0  }
0x1b: {  	s9 =	simm.s32 $0x0;
	s0 =	simm.s32 $0x8040;
	[tilespmem:s8+$0xFFFFFFE0] =	vst v0  }
.LBB2_2:
0x1c: {  	s9 =	sadd.s32 $0x8, s9;
	[tilespmem:s8+$0xFFFFFFD0] =	vst v0;
	s8 =	sadd.s32 $0x80, s8;
	s1 =	simm.s32 $0x40  }
0x1d: {  	[tilespmem:s8+$0xFFFFFFC0] =	vst v0;
	p0 =	slt.u32 s9, $0x7F8  }
0x1e: {  	[tilespmem:s8+$0x30] =	vst v0  }
.Ltmp0:
0x1f: {  	[tilespmem:s8+$0x20] =	vst v0;
	(pc) =	sbr.rel @p0 .LBB2_2-.Ltmp0, $4  }
0x20: {  	[tilespmem:s8+$0x10] =	vst v0  }
0x21: {  	[tilespmem:s8+$0x0] =	vst v0  }
0x22: {  	[tilespmem:s8+$0xFFFFFFF0] =	vst v0  }
0x23: {  	[tilespmem:s8+$0xFFFFFFE0] =	vst v0  }
0x24: {  	[tilespmem:s8+$0xFFFFFFD0] =	vst v0  }
0x25: {  	[tilespmem:s1+$0x30] =	vst v0  }
0x26: {  	[tilespmem:s1+$0xFFFFFFF0] =	vst v0  }
0x27: {  	[tilespmem:s1+$0xFFFFFFC0] =	vst v0  }
0x28: {  	[tilespmem:s1+$0xFFFFFFE0] =	vst v0  }
0x29: {  	[tilespmem:s1+$0x10] =	vst v0  }
0x2a: {  	[tilespmem:s1+$0x20] =	vst v0  }
0x2b: {  	[tilespmem:s1+$0x0] =	vst v0  }
0x2c: {  	[tilespmem:s1+$0xFFFFFFD0] =	vst v0  }
0x2d: {  	[tilespmem:s0+$0xFFFFFFC0] =	vst v0  }
0x2e: {  	[tilespmem:s0+$0x30] =	vst v0  }
0x2f: {  	[tilespmem:s0+$0x20] =	vst v0  }
0x30: {  	[tilespmem:s0+$0x10] =	vst v0  }
0x31: {  	[tilespmem:s0+$0xFFFFFFE0] =	vst v0  }
0x32: {  	[tilespmem:s0+$0x0] =	vst v0  }
0x33: {  	s8 =	simm.s32 $0x0;
	[tilespmem:s0+$0xFFFFFFF0] =	vst v0  }
.LBB2_4:
0x34: {  	s8 =	sadd.s32 $0x8, s8;
	[tilespmem:s0+$0xFFFFFFD0] =	vst v0;
	s1 =	sadd.s32 $0x80, s1;
	s0 =	sadd.s32 $0x80, s0  }
0x35: {  	[tilespmem:s1+$0x30] =	vst v0;
	p0 =	slt.u32 s8, $0x7F8  }
0x36: {  	[tilespmem:s1+$0xFFFFFFF0] =	vst v0  }
0x37: {  	[tilespmem:s1+$0xFFFFFFC0] =	vst v0  }
0x38: {  	[tilespmem:s0+$0xFFFFFFC0] =	vst v0  }
0x39: {  	[tilespmem:s0+$0x30] =	vst v0  }
0x3a: {  	[tilespmem:s1+$0xFFFFFFE0] =	vst v0  }
0x3b: {  	[tilespmem:s1+$0x10] =	vst v0  }
0x3c: {  	[tilespmem:s1+$0x20] =	vst v0  }
0x3d: {  	[tilespmem:s0+$0x20] =	vst v0  }
0x3e: {  	[tilespmem:s0+$0x10] =	vst v0  }
.Ltmp1:
0x3f: {  	[tilespmem:s0+$0xFFFFFFE0] =	vst v0;
	(pc) =	sbr.rel @p0 .LBB2_4-.Ltmp1, $4  }
0x40: {  	[tilespmem:s1+$0x0] =	vst v0  }
0x41: {  	[tilespmem:s0+$0x0] =	vst v0  }
0x42: {  	[tilespmem:s0+$0xFFFFFFF0] =	vst v0  }
0x43: {  	[tilespmem:s1+$0xFFFFFFD0] =	vst v0  }
0x44: {  	[tilespmem:s0+$0xFFFFFFD0] =	vst v0  }
0x45: {  	s31 =	simm.s32 $0x0;
	s0 =	rddreg [dreg:$0x2]  }
0x46: {  	[tilespmem:s18], [sflag:$0x1] =	stream.linear.gather [hbm4b:s0+s31], $0xFA0, $0x38;
	[tilespmem:$0x1E000] =	vst v63  }
0x47: {  	s16 =	rddreg [dreg:$0x3]  }
0x48: {  	[tilespmem:s19], [sflag:$0x1] =	stream.linear.gather [hbm4b:s16+s31], $0xFA0, $0x38;
	[tilespmem:$0x1E000] =	vst v63  }
0x49: {  	_ = 	snop  }
0x4a: {  	[tilespmem:s20], [sflag:$0x1] =	stream.linear.gather [hbm4b:s4+s31], $0xFA0, $0x38;
	[tilespmem:$0x1E000] =	vst v63  }
.LBB2_6:
0x4b: {  	s0 =	smul.u32 $0x1F40, s31;
	_ =	sdelay $0x1  }
0x4c: {  	s1 =	sadd.s32 $0xFA0, s0  }
0x4d: {  	s8 =	sadd.s32 s5, s1  }
0x4e: {  	s8 =	sshrl.u32 s8, $0x3  }
0x4f: {  	s15 =	sadd.s32 s6, s1;
	s8 =	sadd.s32 s3, s8  }
0x50: {  	[tilespmem:s21], [sflag:$0x2] =	stream.linear.gather [hbm4b:s8+s2], $0xFA0, $0x38;
	[tilespmem:$0x1E000] =	vst v63  }
0x51: {  	s8 =	sshrl.u32 s15, $0x3  }
0x52: {  	s1 =	sshrl.u32 s1, $0x3;
	s8 =	sadd.s32 s3, s8  }
0x53: {  	[tilespmem:s22], [sflag:$0x2] =	stream.linear.gather [hbm4b:s8+s2], $0xFA0, $0x38;
	[tilespmem:$0x1E000] =	vst v63  }
0x54: {  	s1 =	sadd.s32 s4, s1  }
0x55: {  	[tilespmem:s23], [sflag:$0x2] =	stream.linear.gather [hbm4b:s1+s2], $0xFA0, $0x38;
	[tilespmem:$0x1E000] =	vst v63  }
0x56: {  	_ =	swait.ge [sflag:s24], $0xFA0  }
0x57: {  	[sflag:s24] =	ssyncset.done $0x0  }
0x58: {  	[sflag:s24] =	ssyncadd.s32 $0xFFFFF060  }
0x59: {  	_ =	swait.ge [sflag:s24], $0xFA0  }
0x5a: {  	[sflag:s24] =	ssyncset.done $0x0  }
0x5b: {  	[sflag:s24] =	ssyncadd.s32 $0xFFFFF060  }
0x5c: {  	_ =	swait.ge [sflag:s24], $0xFA0  }
0x5d: {  	[sflag:s24] =	ssyncset.done $0x0  }
0x5e: {  	s16 =	simm.s32 $0x1C020;
	[sflag:s24] =	ssyncadd.s32 $0xFFFFF060  }
0x5f: {  	v3 =	vld [tilespmem:s16+$0x20]  }
0x60: {  	v4 =	vld [tilespmem:s16+$0xFFFFFFF0]  }
0x61: {  	s1 =	simm.s32 $0x18020;
	v5 =	vld [tilespmem:s16+$0x0]  }
0x62: {  	v6 =	vld [tilespmem:s1+$0x20]  }
0x63: {  	v7 =	vld [tilespmem:s16+$0xFFFFFFE0]  }
0x64: {  	v2 =	vld [tilespmem:s16+$0x10]  }
0x65: {  	v9 =	vld [tilespmem:s1+$0xFFFFFFF0]  }
0x66: {  	v8 =	vld [tilespmem:s1+$0xFFFFFFE0]  }
0x67: {  	v10 =	vld [tilespmem:s1+$0x0]  }
0x68: {  	v11 =	vld [tilespmem:s1+$0x10]  }
0x69: {  	[tilespmem:v3+s2+$0x0] =	vst.idx.add.f32.msk $0xffff, v6  }
0x6a: {  	[tilespmem:v4+s2+$0x0] =	vst.idx.add.f32.msk $0xffff, v9  }
0x6b: {  	[tilespmem:v7+s2+$0x0] =	vst.idx.add.f32.msk $0xffff, v8  }
0x6c: {  	s8 =	simm.s32 $0x19020;
	[tilespmem:v5+s2+$0x0] =	vst.idx.add.f32.msk $0xffff, v10  }
0x6d: {  	v6 =	vld [tilespmem:s8+$0x20]  }
0x6e: {  	v61 =	vld [tilespmem:s8+$0xFFFFFFF0]  }
0x6f: {  	[tilespmem:v2+s2+$0x0] =	vst.idx.add.f32.msk $0xffff, v11  }
0x70: {  	v62 =	vld [tilespmem:s8+$0x0]  }
0x71: {  	v63 =	vld [tilespmem:s8+$0x10]  }
0x72: {  	[tilespmem:v3+s25+$0x0] =	vst.idx.add.f32.msk $0xffff, v6  }
0x73: {  	[tilespmem:v4+s25+$0x0] =	vst.idx.add.f32.msk $0xffff, v61  }
0x74: {  	[tilespmem:v3+s26+$0x0] =	vst.idx.add.f32.msk $0xffff, v1  }
0x75: {  	v3 =	vld [tilespmem:s8+$0xFFFFFFE0]  }
0x76: {  	[tilespmem:v5+s25+$0x0] =	vst.idx.add.f32.msk $0xffff, v62  }
0x77: {  	[tilespmem:v2+s25+$0x0] =	vst.idx.add.f32.msk $0xffff, v63  }
0x78: {  	[tilespmem:v4+s26+$0x0] =	vst.idx.add.f32.msk $0xffff, v1  }
0x79: {  	[tilespmem:v5+s26+$0x0] =	vst.idx.add.f32.msk $0xffff, v1  }
0x7a: {  	[tilespmem:v7+s25+$0x0] =	vst.idx.add.f32.msk $0xffff, v3  }
0x7b: {  	s9 =	simm.s32 $0x0;
	s12 =	simm.s32 $0x1C070;
	[tilespmem:v7+s26+$0x0] =	vst.idx.add.f32.msk $0xffff, v1  }
.LBB2_7:
0x7c: {  	v3 =	vld [tilespmem:s12+$0x20]  }
0x7d: {  	s9 =	sadd.s32 $0x5, s9;
	v4 =	vld [tilespmem:s12+$0xFFFFFFF0]  }
0x7e: {  	s1 =	sadd.s32 $0x50, s1;
	p0 =	slt.u32 s9, $0xF5;
	v5 =	vld [tilespmem:s12+$0x0]  }
0x7f: {  	v6 =	vld [tilespmem:s1+$0x20]  }
0x80: {  	v7 =	vld [tilespmem:s12+$0x10]  }
0x81: {  	v8 =	vld [tilespmem:s12+$0xFFFFFFE0]  }
0x82: {  	v9 =	vld [tilespmem:s1+$0xFFFFFFE0]  }
0x83: {  	v10 =	vld [tilespmem:s1+$0xFFFFFFF0]  }
0x84: {  	s8 =	sadd.s32 $0x50, s8;
	[tilespmem:v3+s2+$0x0] =	vst.idx.add.f32.msk $0xffff, v6  }
0x85: {  	v6 =	vld [tilespmem:s8+$0x20]  }
0x86: {  	v11 =	vld [tilespmem:s1+$0x0]  }
0x87: {  	v12 =	vld [tilespmem:s1+$0x10]  }
0x88: {  	[tilespmem:v4+s2+$0x0] =	vst.idx.add.f32.msk $0xffff, v10  }
0x89: {  	[tilespmem:v8+s2+$0x0] =	vst.idx.add.f32.msk $0xffff, v9  }
0x8a: {  	[tilespmem:v3+s25+$0x0] =	vst.idx.add.f32.msk $0xffff, v6  }
0x8b: {  	[tilespmem:v3+s26+$0x0] =	vst.idx.add.f32.msk $0xffff, v1  }
0x8c: {  	[tilespmem:v5+s2+$0x0] =	vst.idx.add.f32.msk $0xffff, v11  }
0x8d: {  	[tilespmem:v7+s2+$0x0] =	vst.idx.add.f32.msk $0xffff, v12  }
0x8e: {  	v3 =	vld [tilespmem:s8+$0xFFFFFFE0]  }
0x8f: {  	v6 =	vld [tilespmem:s8+$0xFFFFFFF0]  }
0x90: {  	v9 =	vld [tilespmem:s8+$0x0]  }
0x91: {  	v10 =	vld [tilespmem:s8+$0x10]  }
0x92: {  	[tilespmem:v2+s26+$0x0] =	vst.idx.add.f32.msk $0xffff, v1;
	v2 =	vmov v7  }
0x93: {  	[tilespmem:v8+s25+$0x0] =	vst.idx.add.f32.msk $0xffff, v3  }
0x94: {  	[tilespmem:v8+s26+$0x0] =	vst.idx.add.f32.msk $0xffff, v1  }
.Ltmp2:
0x95: {  	[tilespmem:v4+s25+$0x0] =	vst.idx.add.f32.msk $0xffff, v6;
	(pc) =	sbr.rel @p0 .LBB2_7-.Ltmp2, $4  }
0x96: {  	[tilespmem:v4+s26+$0x0] =	vst.idx.add.f32.msk $0xffff, v1  }
0x97: {  	[tilespmem:v5+s25+$0x0] =	vst.idx.add.f32.msk $0xffff, v9  }
0x98: {  	[tilespmem:v5+s26+$0x0] =	vst.idx.add.f32.msk $0xffff, v1  }
0x99: {  	s12 =	sadd.s32 $0x50, s12;
	[tilespmem:v7+s25+$0x0] =	vst.idx.add.f32.msk $0xffff, v10  }
0x9a: {  	_ = 	snop  }
0x9b: {  	s0 =	sadd.s32 $0x1F40, s0  }
0x9c: {  	s1 =	sadd.s32 s5, s0  }
0x9d: {  	s1 =	sshrl.u32 s1, $0x3  }
0x9e: {  	[tilespmem:v2+s26+$0x0] =	vst.idx.add.f32.msk $0xffff, v1;
	s15 =	sadd.s32 s6, s0;
	s1 =	sadd.s32 s3, s1  }
0x9f: {  	[tilespmem:s18], [sflag:$0x1] =	stream.linear.gather [hbm4b:s1+s2], $0xFA0, $0x38;
	[tilespmem:$0x1E000] =	vst v63  }
0xa0: {  	s1 =	sshrl.u32 s15, $0x3  }
0xa1: {  	s0 =	sshrl.u32 s0, $0x3;
	s1 =	sadd.s32 s3, s1  }
0xa2: {  	[tilespmem:s19], [sflag:$0x1] =	stream.linear.gather [hbm4b:s1+s2], $0xFA0, $0x38;
	[tilespmem:$0x1E000] =	vst v63  }
0xa3: {  	s0 =	sadd.s32 s4, s0  }
0xa4: {  	[tilespmem:s20], [sflag:$0x1] =	stream.linear.gather [hbm4b:s0+s2], $0xFA0, $0x38;
	[tilespmem:$0x1E000] =	vst v63  }
0xa5: {  	_ =	swait.ge [sflag:s28], $0xFA0  }
0xa6: {  	[sflag:s28] =	ssyncset.done $0x0  }
0xa7: {  	[sflag:s28] =	ssyncadd.s32 $0xFFFFF060  }
0xa8: {  	_ =	swait.ge [sflag:s28], $0xFA0  }
0xa9: {  	[sflag:s28] =	ssyncset.done $0x0  }
0xaa: {  	[sflag:s28] =	ssyncadd.s32 $0xFFFFF060  }
0xab: {  	_ =	swait.ge [sflag:s28], $0xFA0  }
0xac: {  	[sflag:s28] =	ssyncset.done $0x0  }
0xad: {  	s16 =	simm.s32 $0x1D020;
	[sflag:s28] =	ssyncadd.s32 $0xFFFFF060  }
0xae: {  	v3 =	vld [tilespmem:s16+$0x20]  }
0xaf: {  	v4 =	vld [tilespmem:s16+$0xFFFFFFF0]  }
0xb0: {  	s0 =	simm.s32 $0x1A020;
	v5 =	vld [tilespmem:s16+$0x0]  }
0xb1: {  	v6 =	vld [tilespmem:s0+$0x20]  }
0xb2: {  	v7 =	vld [tilespmem:s16+$0xFFFFFFE0]  }
0xb3: {  	v2 =	vld [tilespmem:s16+$0x10]  }
0xb4: {  	v9 =	vld [tilespmem:s0+$0xFFFFFFF0]  }
0xb5: {  	v8 =	vld [tilespmem:s0+$0xFFFFFFE0]  }
0xb6: {  	v10 =	vld [tilespmem:s0+$0x0]  }
0xb7: {  	v11 =	vld [tilespmem:s0+$0x10]  }
0xb8: {  	[tilespmem:v3+s2+$0x0] =	vst.idx.add.f32.msk $0xffff, v6  }
0xb9: {  	[tilespmem:v4+s2+$0x0] =	vst.idx.add.f32.msk $0xffff, v9  }
0xba: {  	[tilespmem:v7+s2+$0x0] =	vst.idx.add.f32.msk $0xffff, v8  }
0xbb: {  	s1 =	simm.s32 $0x1B020;
	[tilespmem:v5+s2+$0x0] =	vst.idx.add.f32.msk $0xffff, v10  }
0xbc: {  	v6 =	vld [tilespmem:s1+$0x20]  }
0xbd: {  	v61 =	vld [tilespmem:s1+$0xFFFFFFF0]  }
0xbe: {  	[tilespmem:v2+s2+$0x0] =	vst.idx.add.f32.msk $0xffff, v11  }
0xbf: {  	v62 =	vld [tilespmem:s1+$0x0]  }
0xc0: {  	v63 =	vld [tilespmem:s1+$0x10]  }
0xc1: {  	[tilespmem:v3+s25+$0x0] =	vst.idx.add.f32.msk $0xffff, v6  }
0xc2: {  	[tilespmem:v4+s25+$0x0] =	vst.idx.add.f32.msk $0xffff, v61  }
0xc3: {  	[tilespmem:v3+s26+$0x0] =	vst.idx.add.f32.msk $0xffff, v1  }
0xc4: {  	v3 =	vld [tilespmem:s1+$0xFFFFFFE0]  }
0xc5: {  	[tilespmem:v5+s25+$0x0] =	vst.idx.add.f32.msk $0xffff, v62  }
0xc6: {  	[tilespmem:v2+s25+$0x0] =	vst.idx.add.f32.msk $0xffff, v63  }
0xc7: {  	[tilespmem:v4+s26+$0x0] =	vst.idx.add.f32.msk $0xffff, v1  }
0xc8: {  	[tilespmem:v5+s26+$0x0] =	vst.idx.add.f32.msk $0xffff, v1  }
0xc9: {  	[tilespmem:v7+s25+$0x0] =	vst.idx.add.f32.msk $0xffff, v3  }
0xca: {  	s8 =	simm.s32 $0x0;
	s9 =	simm.s32 $0x1D070;
	[tilespmem:v7+s26+$0x0] =	vst.idx.add.f32.msk $0xffff, v1  }
.LBB2_9:
0xcb: {  	v3 =	vld [tilespmem:s9+$0x20]  }
0xcc: {  	s8 =	sadd.s32 $0x5, s8;
	v4 =	vld [tilespmem:s9+$0xFFFFFFF0]  }
0xcd: {  	s0 =	sadd.s32 $0x50, s0;
	p0 =	slt.u32 s8, $0xF5;
	v5 =	vld [tilespmem:s9+$0x0]  }
0xce: {  	v6 =	vld [tilespmem:s0+$0x20]  }
0xcf: {  	v7 =	vld [tilespmem:s9+$0x10]  }
0xd0: {  	v8 =	vld [tilespmem:s9+$0xFFFFFFE0]  }
0xd1: {  	v9 =	vld [tilespmem:s0+$0xFFFFFFE0]  }
0xd2: {  	v10 =	vld [tilespmem:s0+$0xFFFFFFF0]  }
0xd3: {  	s1 =	sadd.s32 $0x50, s1;
	[tilespmem:v3+s2+$0x0] =	vst.idx.add.f32.msk $0xffff, v6  }
0xd4: {  	v6 =	vld [tilespmem:s1+$0x20]  }
0xd5: {  	v11 =	vld [tilespmem:s0+$0x0]  }
0xd6: {  	v12 =	vld [tilespmem:s0+$0x10]  }
0xd7: {  	[tilespmem:v4+s2+$0x0] =	vst.idx.add.f32.msk $0xffff, v10  }
0xd8: {  	[tilespmem:v8+s2+$0x0] =	vst.idx.add.f32.msk $0xffff, v9  }
0xd9: {  	[tilespmem:v3+s25+$0x0] =	vst.idx.add.f32.msk $0xffff, v6  }
0xda: {  	[tilespmem:v3+s26+$0x0] =	vst.idx.add.f32.msk $0xffff, v1  }
0xdb: {  	[tilespmem:v5+s2+$0x0] =	vst.idx.add.f32.msk $0xffff, v11  }
0xdc: {  	[tilespmem:v7+s2+$0x0] =	vst.idx.add.f32.msk $0xffff, v12  }
0xdd: {  	v3 =	vld [tilespmem:s1+$0xFFFFFFE0]  }
0xde: {  	v6 =	vld [tilespmem:s1+$0xFFFFFFF0]  }
0xdf: {  	v9 =	vld [tilespmem:s1+$0x0]  }
0xe0: {  	v10 =	vld [tilespmem:s1+$0x10]  }
0xe1: {  	[tilespmem:v2+s26+$0x0] =	vst.idx.add.f32.msk $0xffff, v1;
	v2 =	vmov v7  }
0xe2: {  	[tilespmem:v8+s25+$0x0] =	vst.idx.add.f32.msk $0xffff, v3  }
0xe3: {  	[tilespmem:v8+s26+$0x0] =	vst.idx.add.f32.msk $0xffff, v1  }
.Ltmp3:
0xe4: {  	[tilespmem:v4+s25+$0x0] =	vst.idx.add.f32.msk $0xffff, v6;
	(pc) =	sbr.rel @p0 .LBB2_9-.Ltmp3, $4  }
0xe5: {  	[tilespmem:v4+s26+$0x0] =	vst.idx.add.f32.msk $0xffff, v1  }
0xe6: {  	[tilespmem:v5+s25+$0x0] =	vst.idx.add.f32.msk $0xffff, v9  }
0xe7: {  	[tilespmem:v5+s26+$0x0] =	vst.idx.add.f32.msk $0xffff, v1  }
0xe8: {  	s9 =	sadd.s32 $0x50, s9;
	[tilespmem:v7+s25+$0x0] =	vst.idx.add.f32.msk $0xffff, v10  }
0xe9: {  	s31 =	sadd.s32 $0x1, s31  }
0xea: {  	p0 =	sne.s32 s31, $0xC  }
.Ltmp4:
0xeb: {  	_ = 	snop;
	(pc) =	sbr.rel @p0 .LBB2_6-.Ltmp4, $2  }
0xec: {  	_ =	sdelay $0x2  }
0xed: {  	[tilespmem:v2+s26+$0x0] =	vst.idx.add.f32.msk $0xffff, v1  }
0xee: {  	_ =	swait.ge [sflag:s24], $0xFA0  }
0xef: {  	[sflag:s24] =	ssyncset.done $0x0  }
0xf0: {  	[sflag:s24] =	ssyncadd.s32 $0xFFFFF060  }
0xf1: {  	_ =	swait.ge [sflag:s24], $0xFA0  }
0xf2: {  	[sflag:s24] =	ssyncset.done $0x0  }
0xf3: {  	[sflag:s24] =	ssyncadd.s32 $0xFFFFF060  }
0xf4: {  	_ =	swait.ge [sflag:s24], $0xFA0  }
0xf5: {  	[sflag:s24] =	ssyncset.done $0x0  }
0xf6: {  	s1 =	simm.s32 $0x1C020;
	[sflag:s24] =	ssyncadd.s32 $0xFFFFF060  }
0xf7: {  	v3 =	vld [tilespmem:s1+$0x20]  }
0xf8: {  	v4 =	vld [tilespmem:s1+$0xFFFFFFF0]  }
0xf9: {  	s0 =	simm.s32 $0x18020;
	v5 =	vld [tilespmem:s1+$0x0]  }
0xfa: {  	v6 =	vld [tilespmem:s0+$0x20]  }
0xfb: {  	v7 =	vld [tilespmem:s1+$0xFFFFFFE0]  }
0xfc: {  	v2 =	vld [tilespmem:s1+$0x10]  }
0xfd: {  	v9 =	vld [tilespmem:s0+$0xFFFFFFF0]  }
0xfe: {  	v8 =	vld [tilespmem:s0+$0xFFFFFFE0]  }
0xff: {  	v10 =	vld [tilespmem:s0+$0x0]  }
0x100: {  	v11 =	vld [tilespmem:s0+$0x10]  }
0x101: {  	[tilespmem:v3+s2+$0x0] =	vst.idx.add.f32.msk $0xffff, v6  }
0x102: {  	[tilespmem:v4+s2+$0x0] =	vst.idx.add.f32.msk $0xffff, v9  }
0x103: {  	[tilespmem:v7+s2+$0x0] =	vst.idx.add.f32.msk $0xffff, v8  }
0x104: {  	s1 =	simm.s32 $0x19020;
	[tilespmem:v5+s2+$0x0] =	vst.idx.add.f32.msk $0xffff, v10  }
0x105: {  	v6 =	vld [tilespmem:s1+$0x20]  }
0x106: {  	v61 =	vld [tilespmem:s1+$0xFFFFFFF0]  }
0x107: {  	[tilespmem:v2+s2+$0x0] =	vst.idx.add.f32.msk $0xffff, v11  }
0x108: {  	v62 =	vld [tilespmem:s1+$0x0]  }
0x109: {  	v63 =	vld [tilespmem:s1+$0x10]  }
0x10a: {  	[tilespmem:v3+s25+$0x0] =	vst.idx.add.f32.msk $0xffff, v6  }
0x10b: {  	[tilespmem:v4+s25+$0x0] =	vst.idx.add.f32.msk $0xffff, v61  }
0x10c: {  	[tilespmem:v3+s26+$0x0] =	vst.idx.add.f32.msk $0xffff, v1  }
0x10d: {  	v3 =	vld [tilespmem:s1+$0xFFFFFFE0]  }
0x10e: {  	[tilespmem:v5+s25+$0x0] =	vst.idx.add.f32.msk $0xffff, v62  }
0x10f: {  	[tilespmem:v2+s25+$0x0] =	vst.idx.add.f32.msk $0xffff, v63  }
0x110: {  	[tilespmem:v4+s26+$0x0] =	vst.idx.add.f32.msk $0xffff, v1  }
0x111: {  	[tilespmem:v5+s26+$0x0] =	vst.idx.add.f32.msk $0xffff, v1  }
0x112: {  	[tilespmem:v7+s25+$0x0] =	vst.idx.add.f32.msk $0xffff, v3  }
0x113: {  	s8 =	simm.s32 $0x0;
	s31 =	simm.s32 $0x10020;
	s9 =	simm.s32 $0x1C070;
	[tilespmem:v7+s26+$0x0] =	vst.idx.add.f32.msk $0xffff, v1  }
.LBB2_12:
0x114: {  	v3 =	vld [tilespmem:s9+$0x20]  }
0x115: {  	s8 =	sadd.s32 $0x5, s8;
	v4 =	vld [tilespmem:s9+$0xFFFFFFF0]  }
0x116: {  	s0 =	sadd.s32 $0x50, s0;
	p0 =	slt.u32 s8, $0xF5;
	v5 =	vld [tilespmem:s9+$0x0]  }
0x117: {  	v6 =	vld [tilespmem:s0+$0x20]  }
0x118: {  	v7 =	vld [tilespmem:s9+$0x10]  }
0x119: {  	v8 =	vld [tilespmem:s9+$0xFFFFFFE0]  }
0x11a: {  	v9 =	vld [tilespmem:s0+$0xFFFFFFE0]  }
0x11b: {  	v10 =	vld [tilespmem:s0+$0xFFFFFFF0]  }
0x11c: {  	s1 =	sadd.s32 $0x50, s1;
	[tilespmem:v3+s2+$0x0] =	vst.idx.add.f32.msk $0xffff, v6  }
0x11d: {  	v6 =	vld [tilespmem:s1+$0x20]  }
0x11e: {  	v11 =	vld [tilespmem:s0+$0x0]  }
0x11f: {  	v12 =	vld [tilespmem:s0+$0x10]  }
0x120: {  	[tilespmem:v4+s2+$0x0] =	vst.idx.add.f32.msk $0xffff, v10  }
0x121: {  	[tilespmem:v8+s2+$0x0] =	vst.idx.add.f32.msk $0xffff, v9  }
0x122: {  	[tilespmem:v3+s25+$0x0] =	vst.idx.add.f32.msk $0xffff, v6  }
0x123: {  	[tilespmem:v3+s26+$0x0] =	vst.idx.add.f32.msk $0xffff, v1  }
0x124: {  	[tilespmem:v5+s2+$0x0] =	vst.idx.add.f32.msk $0xffff, v11  }
0x125: {  	[tilespmem:v7+s2+$0x0] =	vst.idx.add.f32.msk $0xffff, v12  }
0x126: {  	v3 =	vld [tilespmem:s1+$0xFFFFFFE0]  }
0x127: {  	v6 =	vld [tilespmem:s1+$0xFFFFFFF0]  }
0x128: {  	v9 =	vld [tilespmem:s1+$0x0]  }
0x129: {  	v10 =	vld [tilespmem:s1+$0x10]  }
0x12a: {  	[tilespmem:v2+s26+$0x0] =	vst.idx.add.f32.msk $0xffff, v1;
	v2 =	vmov v7  }
0x12b: {  	[tilespmem:v8+s25+$0x0] =	vst.idx.add.f32.msk $0xffff, v3  }
0x12c: {  	[tilespmem:v8+s26+$0x0] =	vst.idx.add.f32.msk $0xffff, v1  }
.Ltmp5:
0x12d: {  	[tilespmem:v4+s25+$0x0] =	vst.idx.add.f32.msk $0xffff, v6;
	(pc) =	sbr.rel @p0 .LBB2_12-.Ltmp5, $4  }
0x12e: {  	[tilespmem:v4+s26+$0x0] =	vst.idx.add.f32.msk $0xffff, v1  }
0x12f: {  	[tilespmem:v5+s25+$0x0] =	vst.idx.add.f32.msk $0xffff, v9  }
0x130: {  	[tilespmem:v5+s26+$0x0] =	vst.idx.add.f32.msk $0xffff, v1  }
0x131: {  	s9 =	sadd.s32 $0x50, s9;
	[tilespmem:v7+s25+$0x0] =	vst.idx.add.f32.msk $0xffff, v10  }
0x132: {  	_ =	sdelay $0x3  }
0x133: {  	[tilespmem:v2+s26+$0x0] =	vst.idx.add.f32.msk $0xffff, v1  }
0x134: {  	v2 =	vld [tilespmem:s31+$0x10]  }
0x135: {  	v3 =	vld [tilespmem:s31+$0x0];
	_ =	sdelay $0x2  }
0x136: {  	v4 =	vld [tilespmem:s31+$0xFFFFFFF0]  }
0x137: {  	s0 =	simm.s32 $0x10060;
	v5 =	vld [tilespmem:s31+$0xFFFFFFE0];
	v2 =	vmax.f32 v2, $1.000000000e+00  }
0x138: {  	v3 =	vmax.f32 v3, $1.000000000e+00;
	(erf) = vrcp.f32 v2;
	v2 =	vld [tilespmem:s0+$0x10]  }
0x139: {  	(erf) = vrcp.f32 v3;
	v3 =	vld [tilespmem:s0+$0x0]  }
0x13a: {  	v6 =	vld [tilespmem:s0+$0xFFFFFFF0]  }
0x13b: {  	v7 =	vld [tilespmem:s0+$0xFFFFFFE0];
	v4 =	vmax.f32 v4, $1.000000000e+00  }
0x13c: {  	v5 =	vmax.f32 v5, $1.000000000e+00;
	(erf) = vrcp.f32 v4  }
0x13d: {  	s9 =	simm.s32 $0x100A0;
	(erf) = vrcp.f32 v5;
	v2 =	vmax.f32 v2, $1.000000000e+00  }
0x13e: {  	v8 =	vld [tilespmem:s9+$0x10];
	v3 =	vmax.f32 v3, $1.000000000e+00;
	(erf) = vrcp.f32 v2  }
0x13f: {  	v4 =	vmax.f32 v6, $1.000000000e+00;
	(erf) = vrcp.f32 v3  }
0x140: {  	v5 =	vmax.f32 v7, $1.000000000e+00;
	v2 =	vld [tilespmem:s9+$0xFFFFFFF0];
	(erf) = vrcp.f32 v4  }
0x141: {  	v3 =	vld [tilespmem:s9+$0x0];
	v6 =	vpop (erf);
	(erf) = vrcp.f32 v5  }
0x142: {  	s1 =	simm.s32 $0x4;
	s15 =	simm.s32 $0x8;
	v4 =	vld [tilespmem:s9+$0xFFFFFFE0]  }
0x143: {  	s16 =	simm.s32 $0x100E0;
	s14 =	simm.s32 $0x10020;
	s13 =	simm.s32 $0x10060;
	v5 =	vmax.f32 v8, $1.000000000e+00;
	[tilespmem:s31+$0x10] =	vst v6;
	v6 =	vpop (erf)  }
.LBB2_14:
0x144: {  	s15 =	sadd.s32 $0x4, s15  }
0x145: {  	v7 =	vld [tilespmem:s16+$0x10];
	[tilespmem:s14+$0x0] =	vst v6;
	s8 =	simm.s32 $0x8020;
	s12 =	simm.s32 $0x20;
	v6 =	vpop (erf);
	p0 =	slt.u32 s15, $0x7FC  }
.Ltmp6:
0x146: {  	v8 =	vmax.f32 v2, $1.000000000e+00;
	v2 =	vld [tilespmem:s16+$0xFFFFFFF0];
	v9 =	vmax.f32 v3, $1.000000000e+00;
	(erf) = vrcp.f32 v5;
	[tilespmem:s14+$0xFFFFFFF0] =	vst v6;
	v5 =	vpop (erf);
	(pc) =	sbr.rel @p0 .LBB2_14-.Ltmp6, $4  }
0x147: {  	v3 =	vld [tilespmem:s16+$0x0];
	v10 =	vmax.f32 v4, $1.000000000e+00;
	(erf) = vrcp.f32 v9;
	[tilespmem:s14+$0xFFFFFFE0] =	vst v5;
	s14 =	smov.u32 s13;
	s13 =	smov.u32 s9;
	s9 =	smov.u32 s16  }
0x148: {  	v4 =	vld [tilespmem:s16+$0xFFFFFFE0];
	(erf) = vrcp.f32 v8  }
0x149: {  	(erf) = vrcp.f32 v10;
	v6 =	vpop (erf)  }
0x14a: {  	s16 =	sadd.s32 $0x40, s16;
	v5 =	vmax.f32 v7, $1.000000000e+00;
	[tilespmem:s14+$0x10] =	vst v6;
	v6 =	vpop (erf)  }
0x14b: {  	_ = 	snop  }
0x14c: {  	(erf) = vrcp.f32 v5;
	v2 =	vmax.f32 v2, $1.000000000e+00;
	v3 =	vmax.f32 v3, $1.000000000e+00  }
0x14d: {  	(erf) = vrcp.f32 v3;
	v3 =	vmax.f32 v4, $1.000000000e+00  }
0x14e: {  	(erf) = vrcp.f32 v2  }
0x14f: {  	[tilespmem:s14+$0x0] =	vst v6;
	v2 =	vpop (erf);
	(erf) = vrcp.f32 v3  }
0x150: {  	[tilespmem:s14+$0xFFFFFFF0] =	vst v2;
	v3 =	vpop (erf)  }
0x151: {  	[tilespmem:s14+$0xFFFFFFE0] =	vst v3;
	v2 =	vpop (erf)  }
0x152: {  	[tilespmem:s13+$0x10] =	vst v2;
	v2 =	vpop (erf)  }
0x153: {  	[tilespmem:s13+$0x0] =	vst v2;
	v2 =	vpop (erf)  }
0x154: {  	[tilespmem:s13+$0xFFFFFFF0] =	vst v2;
	v2 =	vpop (erf)  }
0x155: {  	[tilespmem:s13+$0xFFFFFFE0] =	vst v2;
	v2 =	vpop (erf)  }
0x156: {  	[tilespmem:s9+$0x10] =	vst v2;
	v2 =	vpop (erf)  }
0x157: {  	[tilespmem:s9+$0x0] =	vst v2;
	v2 =	vpop (erf)  }
0x158: {  	[tilespmem:s9+$0xFFFFFFF0] =	vst v2;
	v2 =	vpop (erf)  }
0x159: {  	[tilespmem:s9+$0xFFFFFFE0] =	vst v2  }
0x15a: {  	v2 =	vld [tilespmem:s12+$0x10]  }
0x15b: {  	v3 =	vld [tilespmem:s31+$0x10]  }
0x15c: {  	v4 =	vld [tilespmem:s31+$0xFFFFFFE0]  }
0x15d: {  	v5 =	vld [tilespmem:s12+$0xFFFFFFF0]  }
0x15e: {  	v6 =	vld [tilespmem:s31+$0xFFFFFFF0]  }
0x15f: {  	v7 =	vld [tilespmem:s12+$0x0]  }
0x160: {  	v8 =	vld [tilespmem:s31+$0x0]  }
0x161: {  	v9 =	vld [tilespmem:s0+$0x10]  }
0x162: {  	s16 =	simm.s32 $0x60;
	v10 =	vld [tilespmem:s0+$0xFFFFFFE0]  }
0x163: {  	v11 =	vld [tilespmem:s16+$0xFFFFFFF0]  }
0x164: {  	v12 =	vld [tilespmem:s0+$0xFFFFFFF0]  }
0x165: {  	v13 =	vld [tilespmem:s16+$0x0];
	v2 =	vmul.f32 v3, v2  }
0x166: {  	v3 =	vld [tilespmem:s12+$0xFFFFFFE0]  }
0x167: {  	v14 =	vld [tilespmem:s0+$0x0];
	[tilespmem:s12+$0x10] =	vst v2;
	v2 =	vmul.f32 v6, v5  }
0x168: {  	v5 =	vld [tilespmem:s8+$0x10]  }
0x169: {  	[tilespmem:s12+$0xFFFFFFF0] =	vst v2;
	v2 =	vmul.f32 v8, v7;
	v8 =	vld [tilespmem:s16+$0x10]  }
0x16a: {  	v6 =	vld [tilespmem:s31+$0x10]  }
0x16b: {  	v3 =	vmul.f32 v4, v3;
	v4 =	vld [tilespmem:s8+$0xFFFFFFF0]  }
0x16c: {  	v7 =	vld [tilespmem:s31+$0xFFFFFFF0];
	[tilespmem:s12+$0x0] =	vst v2  }
0x16d: {  	[tilespmem:s12+$0xFFFFFFE0] =	vst v3;
	v2 =	vld [tilespmem:s8+$0x0]  }
0x16e: {  	v3 =	vld [tilespmem:s8+$0xFFFFFFE0];
	v8 =	vmul.f32 v9, v8  }
0x16f: {  	v9 =	vld [tilespmem:s16+$0xFFFFFFE0]  }
0x170: {  	s9 =	simm.s32 $0x8060;
	v5 =	vmul.f32 v6, v5;
	v6 =	vld [tilespmem:s31+$0xFFFFFFE0];
	[tilespmem:s16+$0x10] =	vst v8  }
0x171: {  	v8 =	vmul.f32 v12, v11;
	v11 =	vld [tilespmem:s9+$0x10]  }
0x172: {  	[tilespmem:s8+$0x10] =	vst v5;
	v4 =	vmul.f32 v7, v4;
	v63 =	vld [tilespmem:s0+$0x10]  }
0x173: {  	v5 =	vld [tilespmem:s31+$0x0];
	[tilespmem:s16+$0xFFFFFFF0] =	vst v8;
	v8 =	vmul.f32 v14, v13  }
0x174: {  	[tilespmem:s8+$0xFFFFFFF0] =	vst v4;
	v9 =	vmul.f32 v10, v9;
	v4 =	vld [tilespmem:s9+$0xFFFFFFF0]  }
0x175: {  	v7 =	vld [tilespmem:s0+$0xFFFFFFF0];
	v10 =	vmul.f32 v6, v3;
	[tilespmem:s16+$0x0] =	vst v8  }
0x176: {  	[tilespmem:s16+$0xFFFFFFE0] =	vst v9;
	v6 =	vld [tilespmem:s9+$0x0]  }
0x177: {  	s13 =	simm.s32 $0x10060;
	s12 =	simm.s32 $0xA0;
	[tilespmem:s8+$0xFFFFFFE0] =	vst v10;
	v3 =	vld [tilespmem:s9+$0xFFFFFFE0];
	v8 =	vmul.f32 v63, v11  }
.LBB2_16:
0x178: {  	v9 =	vld [tilespmem:s12+$0x10];
	s0 =	sadd.s32 $0x40, s0;
	v10 =	vmul.f32 v5, v2  }
0x179: {  	v5 =	vld [tilespmem:s0+$0x10];
	[tilespmem:s9+$0x10] =	vst v8  }
0x17a: {  	s1 =	sadd.s32 $0x4, s1;
	v8 =	vld [tilespmem:s0+$0xFFFFFFE0];
	v4 =	vmul.f32 v7, v4;
	[tilespmem:s8+$0x0] =	vst v10;
	s8 =	smov.u32 s9  }
0x17b: {  	p0 =	slt.u32 s1, $0x7FC;
	v7 =	vld [tilespmem:s12+$0xFFFFFFF0];
	v2 =	vmov v6  }
0x17c: {  	v6 =	vld [tilespmem:s0+$0xFFFFFFF0];
	[tilespmem:s9+$0xFFFFFFF0] =	vst v4  }
0x17d: {  	v4 =	vld [tilespmem:s12+$0x0]  }
0x17e: {  	v10 =	vld [tilespmem:s0+$0x0];
	v5 =	vmul.f32 v5, v9  }
0x17f: {  	v9 =	vld [tilespmem:s12+$0xFFFFFFE0]  }
0x180: {  	s9 =	sadd.s32 $0x40, s9;
	[tilespmem:s12+$0x10] =	vst v5;
	v11 =	vld [tilespmem:s13+$0xFFFFFFE0]  }
0x181: {  	v5 =	vmul.f32 v6, v7;
	v12 =	vld [tilespmem:s9+$0x10]  }
0x182: {  	v13 =	vld [tilespmem:s0+$0x10]  }
.Ltmp7:
0x183: {  	[tilespmem:s12+$0xFFFFFFF0] =	vst v5;
	v6 =	vmul.f32 v10, v4;
	v5 =	vld [tilespmem:s13+$0x0];
	s13 =	smov.u32 s0;
	(pc) =	sbr.rel @p0 .LBB2_16-.Ltmp7, $4  }
0x184: {  	v8 =	vmul.f32 v8, v9;
	v4 =	vld [tilespmem:s9+$0xFFFFFFF0]  }
0x185: {  	v7 =	vld [tilespmem:s0+$0xFFFFFFF0];
	[tilespmem:s12+$0x0] =	vst v6;
	v9 =	vmul.f32 v11, v3  }
0x186: {  	[tilespmem:s12+$0xFFFFFFE0] =	vst v8;
	v6 =	vld [tilespmem:s9+$0x0]  }
0x187: {  	s12 =	sadd.s32 $0x40, s12;
	v3 =	vld [tilespmem:s9+$0xFFFFFFE0];
	v8 =	vmul.f32 v13, v12;
	[tilespmem:s8+$0xFFFFFFE0] =	vst v9  }
0x188: {  	v9 =	vld [tilespmem:s13+$0xFFFFFFE0]  }
0x189: {  	v10 =	vld [tilespmem:s13+$0x0];
	_ =	sdelay $0x1  }
0x18a: {  	v2 =	vmul.f32 v5, v2  }
0x18b: {  	[tilespmem:s9+$0x10] =	vst v8;
	v4 =	vmul.f32 v7, v4  }
0x18c: {  	[tilespmem:s8+$0x0] =	vst v2;
	v2 =	vmul.f32 v9, v3  }
0x18d: {  	[tilespmem:s9+$0xFFFFFFF0] =	vst v4;
	v3 =	vmul.f32 v10, v6  }
0x18e: {  	[tilespmem:s9+$0xFFFFFFE0] =	vst v2  }
0x18f: {  	[tilespmem:s9+$0x0] =	vst v3  }
0x190: {  	[hbm4b:s10+s2] =	stream.linear.scatter [tilespmem:s2], [sflag:$0x3], $0x8000, $0x38;
	[tilespmem:$0x1E000] =	vst v63  }
0x191: {  	_ =	swait.ge [sflag:s29], $0x8000  }
0x192: {  	[sflag:s29] =	ssyncset.done $0x0  }
0x193: {  	s0 =	rddreg [dreg:$0x4];
	[sflag:s29] =	ssyncadd.s32 $0xFFFF8000  }
0x194: {  	[hbm4b:s0+s2] =	stream.linear.scatter [tilespmem:s25], [sflag:$0x3], $0x8000, $0x38;
	[tilespmem:$0x1E000] =	vst v63  }
0x195: {  	_ =	swait.ge [sflag:s29], $0x8000  }
0x196: {  	[sflag:s29] =	ssyncset.done $0x0  }
0x197: {  	s0 =	simm.s32 $0x40;
	[sflag:s29] =	ssyncadd.s32 $0xFFFF8000  }
0x198: {  	[tilespmem:s0+$0x30] =	vst v0  }
0x199: {  	[tilespmem:s0+$0xFFFFFFF0] =	vst v0  }
0x19a: {  	[tilespmem:s0+$0xFFFFFFC0] =	vst v0  }
0x19b: {  	[tilespmem:s0+$0xFFFFFFE0] =	vst v0  }
0x19c: {  	[tilespmem:s0+$0x10] =	vst v0  }
0x19d: {  	[tilespmem:s0+$0x20] =	vst v0  }
0x19e: {  	[tilespmem:s0+$0x0] =	vst v0  }
0x19f: {  	s1 =	simm.s32 $0x8040;
	[tilespmem:s0+$0xFFFFFFD0] =	vst v0  }
0x1a0: {  	[tilespmem:s1+$0xFFFFFFC0] =	vst v0  }
0x1a1: {  	[tilespmem:s1+$0x30] =	vst v0  }
0x1a2: {  	[tilespmem:s1+$0x20] =	vst v0  }
0x1a3: {  	[tilespmem:s1+$0x10] =	vst v0  }
0x1a4: {  	[tilespmem:s1+$0xFFFFFFE0] =	vst v0  }
0x1a5: {  	[tilespmem:s1+$0x0] =	vst v0  }
0x1a6: {  	s8 =	simm.s32 $0x0;
	[tilespmem:s1+$0xFFFFFFF0] =	vst v0  }
.LBB2_18:
0x1a7: {  	s8 =	sadd.s32 $0x8, s8;
	[tilespmem:s1+$0xFFFFFFD0] =	vst v0;
	s0 =	sadd.s32 $0x80, s0;
	s1 =	sadd.s32 $0x80, s1  }
0x1a8: {  	[tilespmem:s0+$0x30] =	vst v0;
	p0 =	slt.u32 s8, $0x7F8  }
0x1a9: {  	[tilespmem:s0+$0xFFFFFFF0] =	vst v0  }
0x1aa: {  	[tilespmem:s0+$0xFFFFFFC0] =	vst v0  }
0x1ab: {  	[tilespmem:s1+$0xFFFFFFC0] =	vst v0  }
0x1ac: {  	[tilespmem:s1+$0x30] =	vst v0  }
0x1ad: {  	[tilespmem:s0+$0xFFFFFFE0] =	vst v0  }
0x1ae: {  	[tilespmem:s0+$0x10] =	vst v0  }
0x1af: {  	[tilespmem:s0+$0x20] =	vst v0  }
0x1b0: {  	[tilespmem:s1+$0x20] =	vst v0  }
0x1b1: {  	[tilespmem:s1+$0x10] =	vst v0  }
.Ltmp8:
0x1b2: {  	[tilespmem:s1+$0xFFFFFFE0] =	vst v0;
	(pc) =	sbr.rel @p0 .LBB2_18-.Ltmp8, $4  }
0x1b3: {  	[tilespmem:s0+$0x0] =	vst v0  }
0x1b4: {  	[tilespmem:s1+$0x0] =	vst v0  }
0x1b5: {  	[tilespmem:s1+$0xFFFFFFF0] =	vst v0  }
0x1b6: {  	[tilespmem:s0+$0xFFFFFFD0] =	vst v0  }
0x1b7: {  	[tilespmem:s1+$0xFFFFFFD0] =	vst v0  }
0x1b8: {  	s31 =	simm.s32 $0x0;
	s0 =	rddreg [dreg:$0x5]  }
0x1b9: {  	[tilespmem:s18], [sflag:$0x1] =	stream.linear.gather [hbm4b:s0+s31], $0xFA0, $0x38;
	[tilespmem:$0x1E000] =	vst v63  }
0x1ba: {  	s16 =	rddreg [dreg:$0x6]  }
0x1bb: {  	[tilespmem:s19], [sflag:$0x1] =	stream.linear.gather [hbm4b:s16+s31], $0xFA0, $0x38;
	[tilespmem:$0x1E000] =	vst v63  }
0x1bc: {  	_ = 	snop  }
0x1bd: {  	[tilespmem:s20], [sflag:$0x1] =	stream.linear.gather [hbm4b:s4+s31], $0xFA0, $0x38;
	[tilespmem:$0x1E000] =	vst v63  }
.LBB2_20:
0x1be: {  	s0 =	smul.u32 $0x1F40, s31;
	_ =	sdelay $0x1  }
0x1bf: {  	s1 =	sadd.s32 $0xFA0, s0  }
0x1c0: {  	s8 =	sadd.s32 s7, s1  }
0x1c1: {  	s8 =	sshrl.u32 s8, $0x3  }
0x1c2: {  	s15 =	sadd.s32 s11, s1;
	s8 =	sadd.s32 s3, s8  }
0x1c3: {  	[tilespmem:s21], [sflag:$0x2] =	stream.linear.gather [hbm4b:s8+s2], $0xFA0, $0x38;
	[tilespmem:$0x1E000] =	vst v63  }
0x1c4: {  	s8 =	sshrl.u32 s15, $0x3  }
0x1c5: {  	s1 =	sshrl.u32 s1, $0x3;
	s8 =	sadd.s32 s3, s8  }
0x1c6: {  	[tilespmem:s22], [sflag:$0x2] =	stream.linear.gather [hbm4b:s8+s2], $0xFA0, $0x38;
	[tilespmem:$0x1E000] =	vst v63  }
0x1c7: {  	s1 =	sadd.s32 s4, s1  }
0x1c8: {  	[tilespmem:s23], [sflag:$0x2] =	stream.linear.gather [hbm4b:s1+s2], $0xFA0, $0x38;
	[tilespmem:$0x1E000] =	vst v63  }
0x1c9: {  	_ =	swait.ge [sflag:s24], $0xFA0  }
0x1ca: {  	[sflag:s24] =	ssyncset.done $0x0  }
0x1cb: {  	[sflag:s24] =	ssyncadd.s32 $0xFFFFF060  }
0x1cc: {  	_ =	swait.ge [sflag:s24], $0xFA0  }
0x1cd: {  	[sflag:s24] =	ssyncset.done $0x0  }
0x1ce: {  	[sflag:s24] =	ssyncadd.s32 $0xFFFFF060  }
0x1cf: {  	_ =	swait.ge [sflag:s24], $0xFA0  }
0x1d0: {  	[sflag:s24] =	ssyncset.done $0x0  }
0x1d1: {  	s16 =	simm.s32 $0x1C020;
	[sflag:s24] =	ssyncadd.s32 $0xFFFFF060  }
0x1d2: {  	v3 =	vld [tilespmem:s16+$0x20]  }
0x1d3: {  	v4 =	vld [tilespmem:s16+$0xFFFFFFF0]  }
0x1d4: {  	s1 =	simm.s32 $0x18020;
	v5 =	vld [tilespmem:s16+$0x0]  }
0x1d5: {  	v6 =	vld [tilespmem:s1+$0x20]  }
0x1d6: {  	v7 =	vld [tilespmem:s16+$0xFFFFFFE0]  }
0x1d7: {  	v2 =	vld [tilespmem:s16+$0x10]  }
0x1d8: {  	v9 =	vld [tilespmem:s1+$0xFFFFFFF0]  }
0x1d9: {  	v8 =	vld [tilespmem:s1+$0xFFFFFFE0]  }
0x1da: {  	v10 =	vld [tilespmem:s1+$0x0]  }
0x1db: {  	v11 =	vld [tilespmem:s1+$0x10]  }
0x1dc: {  	[tilespmem:v3+s2+$0x0] =	vst.idx.add.f32.msk $0xffff, v6  }
0x1dd: {  	[tilespmem:v4+s2+$0x0] =	vst.idx.add.f32.msk $0xffff, v9  }
0x1de: {  	[tilespmem:v7+s2+$0x0] =	vst.idx.add.f32.msk $0xffff, v8  }
0x1df: {  	s8 =	simm.s32 $0x19020;
	[tilespmem:v5+s2+$0x0] =	vst.idx.add.f32.msk $0xffff, v10  }
0x1e0: {  	v6 =	vld [tilespmem:s8+$0x20]  }
0x1e1: {  	[tilespmem:v2+s2+$0x0] =	vst.idx.add.f32.msk $0xffff, v11  }
0x1e2: {  	v61 =	vld [tilespmem:s8+$0xFFFFFFE0]  }
0x1e3: {  	v62 =	vld [tilespmem:s8+$0xFFFFFFF0]  }
0x1e4: {  	v63 =	vld [tilespmem:s8+$0x0]  }
0x1e5: {  	[tilespmem:v3+s25+$0x0] =	vst.idx.add.f32.msk $0xffff, v6  }
0x1e6: {  	v3 =	vld [tilespmem:s8+$0x10];
	_ =	sdelay $0x1  }
0x1e7: {  	[tilespmem:v7+s25+$0x0] =	vst.idx.add.f32.msk $0xffff, v61  }
0x1e8: {  	[tilespmem:v4+s25+$0x0] =	vst.idx.add.f32.msk $0xffff, v62  }
0x1e9: {  	s9 =	simm.s32 $0x0;
	s12 =	simm.s32 $0x1C070;
	[tilespmem:v5+s25+$0x0] =	vst.idx.add.f32.msk $0xffff, v63  }
.LBB2_21:
0x1ea: {  	v4 =	vld [tilespmem:s12+$0x20];
	s9 =	sadd.s32 $0x5, s9;
	v5 =	vmov v3  }
0x1eb: {  	v6 =	vld [tilespmem:s12+$0xFFFFFFF0];
	p0 =	slt.u32 s9, $0xF5  }
0x1ec: {  	s1 =	sadd.s32 $0x50, s1;
	v7 =	vld [tilespmem:s12+$0x0]  }
0x1ed: {  	v3 =	vld [tilespmem:s1+$0x20]  }
0x1ee: {  	v8 =	vld [tilespmem:s12+$0x10]  }
0x1ef: {  	v9 =	vld [tilespmem:s12+$0xFFFFFFE0]  }
0x1f0: {  	v10 =	vld [tilespmem:s1+$0xFFFFFFE0]  }
0x1f1: {  	v11 =	vld [tilespmem:s1+$0xFFFFFFF0]  }
0x1f2: {  	s8 =	sadd.s32 $0x50, s8;
	[tilespmem:v4+s2+$0x0] =	vst.idx.add.f32.msk $0xffff, v3  }
0x1f3: {  	v3 =	vld [tilespmem:s8+$0x20]  }
0x1f4: {  	v12 =	vld [tilespmem:s1+$0x0]  }
0x1f5: {  	v13 =	vld [tilespmem:s1+$0x10]  }
0x1f6: {  	[tilespmem:v6+s2+$0x0] =	vst.idx.add.f32.msk $0xffff, v11  }
0x1f7: {  	[tilespmem:v9+s2+$0x0] =	vst.idx.add.f32.msk $0xffff, v10  }
0x1f8: {  	[tilespmem:v4+s25+$0x0] =	vst.idx.add.f32.msk $0xffff, v3  }
0x1f9: {  	[tilespmem:v7+s2+$0x0] =	vst.idx.add.f32.msk $0xffff, v12  }
0x1fa: {  	[tilespmem:v8+s2+$0x0] =	vst.idx.add.f32.msk $0xffff, v13  }
0x1fb: {  	v4 =	vld [tilespmem:s8+$0xFFFFFFE0]  }
0x1fc: {  	v10 =	vld [tilespmem:s8+$0xFFFFFFF0]  }
0x1fd: {  	v11 =	vld [tilespmem:s8+$0x0]  }
.Ltmp9:
0x1fe: {  	v3 =	vld [tilespmem:s8+$0x10];
	(pc) =	sbr.rel @p0 .LBB2_21-.Ltmp9, $4  }
0x1ff: {  	[tilespmem:v2+s25+$0x0] =	vst.idx.add.f32.msk $0xffff, v5;
	v2 =	vmov v8  }
0x200: {  	[tilespmem:v9+s25+$0x0] =	vst.idx.add.f32.msk $0xffff, v4  }
0x201: {  	[tilespmem:v6+s25+$0x0] =	vst.idx.add.f32.msk $0xffff, v10  }
0x202: {  	s12 =	sadd.s32 $0x50, s12;
	[tilespmem:v7+s25+$0x0] =	vst.idx.add.f32.msk $0xffff, v11  }
0x203: {  	_ = 	snop  }
0x204: {  	s0 =	sadd.s32 $0x1F40, s0  }
0x205: {  	s1 =	sadd.s32 s7, s0  }
0x206: {  	s1 =	sshrl.u32 s1, $0x3  }
0x207: {  	[tilespmem:v2+s25+$0x0] =	vst.idx.add.f32.msk $0xffff, v3;
	s15 =	sadd.s32 s11, s0;
	s1 =	sadd.s32 s3, s1  }
0x208: {  	[tilespmem:s18], [sflag:$0x1] =	stream.linear.gather [hbm4b:s1+s2], $0xFA0, $0x38;
	[tilespmem:$0x1E000] =	vst v63  }
0x209: {  	s1 =	sshrl.u32 s15, $0x3  }
0x20a: {  	s0 =	sshrl.u32 s0, $0x3;
	s1 =	sadd.s32 s3, s1  }
0x20b: {  	[tilespmem:s19], [sflag:$0x1] =	stream.linear.gather [hbm4b:s1+s2], $0xFA0, $0x38;
	[tilespmem:$0x1E000] =	vst v63  }
0x20c: {  	s0 =	sadd.s32 s4, s0  }
0x20d: {  	[tilespmem:s20], [sflag:$0x1] =	stream.linear.gather [hbm4b:s0+s2], $0xFA0, $0x38;
	[tilespmem:$0x1E000] =	vst v63  }
0x20e: {  	_ =	swait.ge [sflag:s28], $0xFA0  }
0x20f: {  	[sflag:s28] =	ssyncset.done $0x0  }
0x210: {  	[sflag:s28] =	ssyncadd.s32 $0xFFFFF060  }
0x211: {  	_ =	swait.ge [sflag:s28], $0xFA0  }
0x212: {  	[sflag:s28] =	ssyncset.done $0x0  }
0x213: {  	[sflag:s28] =	ssyncadd.s32 $0xFFFFF060  }
0x214: {  	_ =	swait.ge [sflag:s28], $0xFA0  }
0x215: {  	[sflag:s28] =	ssyncset.done $0x0  }
0x216: {  	s16 =	simm.s32 $0x1D020;
	[sflag:s28] =	ssyncadd.s32 $0xFFFFF060  }
0x217: {  	v3 =	vld [tilespmem:s16+$0x20]  }
0x218: {  	v4 =	vld [tilespmem:s16+$0xFFFFFFF0]  }
0x219: {  	s0 =	simm.s32 $0x1A020;
	v5 =	vld [tilespmem:s16+$0x0]  }
0x21a: {  	v6 =	vld [tilespmem:s0+$0x20]  }
0x21b: {  	v7 =	vld [tilespmem:s16+$0xFFFFFFE0]  }
0x21c: {  	v2 =	vld [tilespmem:s16+$0x10]  }
0x21d: {  	v9 =	vld [tilespmem:s0+$0xFFFFFFF0]  }
0x21e: {  	v8 =	vld [tilespmem:s0+$0xFFFFFFE0]  }
0x21f: {  	v10 =	vld [tilespmem:s0+$0x0]  }
0x220: {  	v11 =	vld [tilespmem:s0+$0x10]  }
0x221: {  	[tilespmem:v3+s2+$0x0] =	vst.idx.add.f32.msk $0xffff, v6  }
0x222: {  	[tilespmem:v4+s2+$0x0] =	vst.idx.add.f32.msk $0xffff, v9  }
0x223: {  	[tilespmem:v7+s2+$0x0] =	vst.idx.add.f32.msk $0xffff, v8  }
0x224: {  	s1 =	simm.s32 $0x1B020;
	[tilespmem:v5+s2+$0x0] =	vst.idx.add.f32.msk $0xffff, v10  }
0x225: {  	v6 =	vld [tilespmem:s1+$0x20]  }
0x226: {  	[tilespmem:v2+s2+$0x0] =	vst.idx.add.f32.msk $0xffff, v11  }
0x227: {  	v61 =	vld [tilespmem:s1+$0xFFFFFFE0]  }
0x228: {  	v62 =	vld [tilespmem:s1+$0xFFFFFFF0]  }
0x229: {  	v63 =	vld [tilespmem:s1+$0x0]  }
0x22a: {  	[tilespmem:v3+s25+$0x0] =	vst.idx.add.f32.msk $0xffff, v6  }
0x22b: {  	v3 =	vld [tilespmem:s1+$0x10];
	_ =	sdelay $0x1  }
0x22c: {  	[tilespmem:v7+s25+$0x0] =	vst.idx.add.f32.msk $0xffff, v61  }
0x22d: {  	[tilespmem:v4+s25+$0x0] =	vst.idx.add.f32.msk $0xffff, v62  }
0x22e: {  	s8 =	simm.s32 $0x0;
	s9 =	simm.s32 $0x1D070;
	[tilespmem:v5+s25+$0x0] =	vst.idx.add.f32.msk $0xffff, v63  }
.LBB2_23:
0x22f: {  	v4 =	vld [tilespmem:s9+$0x20];
	s8 =	sadd.s32 $0x5, s8;
	v5 =	vmov v3  }
0x230: {  	v6 =	vld [tilespmem:s9+$0xFFFFFFF0];
	p0 =	slt.u32 s8, $0xF5  }
0x231: {  	s0 =	sadd.s32 $0x50, s0;
	v7 =	vld [tilespmem:s9+$0x0]  }
0x232: {  	v3 =	vld [tilespmem:s0+$0x20]  }
0x233: {  	v8 =	vld [tilespmem:s9+$0x10]  }
0x234: {  	v9 =	vld [tilespmem:s9+$0xFFFFFFE0]  }
0x235: {  	v10 =	vld [tilespmem:s0+$0xFFFFFFE0]  }
0x236: {  	v11 =	vld [tilespmem:s0+$0xFFFFFFF0]  }
0x237: {  	s1 =	sadd.s32 $0x50, s1;
	[tilespmem:v4+s2+$0x0] =	vst.idx.add.f32.msk $0xffff, v3  }
0x238: {  	v3 =	vld [tilespmem:s1+$0x20]  }
0x239: {  	v12 =	vld [tilespmem:s0+$0x0]  }
0x23a: {  	v13 =	vld [tilespmem:s0+$0x10]  }
0x23b: {  	[tilespmem:v6+s2+$0x0] =	vst.idx.add.f32.msk $0xffff, v11  }
0x23c: {  	[tilespmem:v9+s2+$0x0] =	vst.idx.add.f32.msk $0xffff, v10  }
0x23d: {  	[tilespmem:v4+s25+$0x0] =	vst.idx.add.f32.msk $0xffff, v3  }
0x23e: {  	[tilespmem:v7+s2+$0x0] =	vst.idx.add.f32.msk $0xffff, v12  }
0x23f: {  	[tilespmem:v8+s2+$0x0] =	vst.idx.add.f32.msk $0xffff, v13  }
0x240: {  	v4 =	vld [tilespmem:s1+$0xFFFFFFE0]  }
0x241: {  	v10 =	vld [tilespmem:s1+$0xFFFFFFF0]  }
0x242: {  	v11 =	vld [tilespmem:s1+$0x0]  }
.Ltmp10:
0x243: {  	v3 =	vld [tilespmem:s1+$0x10];
	(pc) =	sbr.rel @p0 .LBB2_23-.Ltmp10, $4  }
0x244: {  	[tilespmem:v2+s25+$0x0] =	vst.idx.add.f32.msk $0xffff, v5;
	v2 =	vmov v8  }
0x245: {  	[tilespmem:v9+s25+$0x0] =	vst.idx.add.f32.msk $0xffff, v4  }
0x246: {  	[tilespmem:v6+s25+$0x0] =	vst.idx.add.f32.msk $0xffff, v10  }
0x247: {  	s9 =	sadd.s32 $0x50, s9;
	[tilespmem:v7+s25+$0x0] =	vst.idx.add.f32.msk $0xffff, v11  }
0x248: {  	s31 =	sadd.s32 $0x1, s31  }
0x249: {  	p0 =	sne.s32 s31, $0xC  }
.Ltmp11:
0x24a: {  	_ = 	snop;
	(pc) =	sbr.rel @p0 .LBB2_20-.Ltmp11, $2  }
0x24b: {  	_ =	sdelay $0x2  }
0x24c: {  	[tilespmem:v2+s25+$0x0] =	vst.idx.add.f32.msk $0xffff, v3  }
0x24d: {  	_ =	swait.ge [sflag:s24], $0xFA0  }
0x24e: {  	[sflag:s24] =	ssyncset.done $0x0  }
0x24f: {  	[sflag:s24] =	ssyncadd.s32 $0xFFFFF060  }
0x250: {  	_ =	swait.ge [sflag:s24], $0xFA0  }
0x251: {  	[sflag:s24] =	ssyncset.done $0x0  }
0x252: {  	[sflag:s24] =	ssyncadd.s32 $0xFFFFF060  }
0x253: {  	_ =	swait.ge [sflag:s24], $0xFA0  }
0x254: {  	[sflag:s24] =	ssyncset.done $0x0  }
0x255: {  	s0 =	simm.s32 $0x1C020;
	[sflag:s24] =	ssyncadd.s32 $0xFFFFF060  }
0x256: {  	v3 =	vld [tilespmem:s0+$0x20]  }
0x257: {  	v4 =	vld [tilespmem:s0+$0xFFFFFFF0]  }
0x258: {  	s1 =	simm.s32 $0x18020;
	v5 =	vld [tilespmem:s0+$0x0]  }
0x259: {  	v6 =	vld [tilespmem:s1+$0x20]  }
0x25a: {  	v7 =	vld [tilespmem:s0+$0xFFFFFFE0]  }
0x25b: {  	v2 =	vld [tilespmem:s0+$0x10]  }
0x25c: {  	v9 =	vld [tilespmem:s1+$0xFFFFFFF0]  }
0x25d: {  	v8 =	vld [tilespmem:s1+$0xFFFFFFE0]  }
0x25e: {  	v10 =	vld [tilespmem:s1+$0x0]  }
0x25f: {  	v11 =	vld [tilespmem:s1+$0x10]  }
0x260: {  	[tilespmem:v3+s2+$0x0] =	vst.idx.add.f32.msk $0xffff, v6  }
0x261: {  	[tilespmem:v4+s2+$0x0] =	vst.idx.add.f32.msk $0xffff, v9  }
0x262: {  	[tilespmem:v7+s2+$0x0] =	vst.idx.add.f32.msk $0xffff, v8  }
0x263: {  	s8 =	simm.s32 $0x19020;
	[tilespmem:v5+s2+$0x0] =	vst.idx.add.f32.msk $0xffff, v10  }
0x264: {  	v6 =	vld [tilespmem:s8+$0x20]  }
0x265: {  	[tilespmem:v2+s2+$0x0] =	vst.idx.add.f32.msk $0xffff, v11  }
0x266: {  	v61 =	vld [tilespmem:s8+$0xFFFFFFE0]  }
0x267: {  	v62 =	vld [tilespmem:s8+$0xFFFFFFF0]  }
0x268: {  	v63 =	vld [tilespmem:s8+$0x0]  }
0x269: {  	[tilespmem:v3+s25+$0x0] =	vst.idx.add.f32.msk $0xffff, v6  }
0x26a: {  	v3 =	vld [tilespmem:s8+$0x10];
	_ =	sdelay $0x1  }
0x26b: {  	[tilespmem:v7+s25+$0x0] =	vst.idx.add.f32.msk $0xffff, v61  }
0x26c: {  	[tilespmem:v4+s25+$0x0] =	vst.idx.add.f32.msk $0xffff, v62  }
0x26d: {  	s12 =	simm.s32 $0x0;
	s31 =	simm.s32 $0x1C070;
	[tilespmem:v5+s25+$0x0] =	vst.idx.add.f32.msk $0xffff, v63  }
.LBB2_26:
0x26e: {  	v4 =	vld [tilespmem:s31+$0x20];
	s12 =	sadd.s32 $0x5, s12;
	v5 =	vmov v3  }
0x26f: {  	v6 =	vld [tilespmem:s31+$0xFFFFFFF0];
	p0 =	slt.u32 s12, $0xF5  }
0x270: {  	s1 =	sadd.s32 $0x50, s1;
	v7 =	vld [tilespmem:s31+$0x0]  }
0x271: {  	v3 =	vld [tilespmem:s1+$0x20]  }
0x272: {  	v8 =	vld [tilespmem:s31+$0x10]  }
0x273: {  	v9 =	vld [tilespmem:s31+$0xFFFFFFE0]  }
0x274: {  	v10 =	vld [tilespmem:s1+$0xFFFFFFE0]  }
0x275: {  	v11 =	vld [tilespmem:s1+$0xFFFFFFF0]  }
0x276: {  	s8 =	sadd.s32 $0x50, s8;
	[tilespmem:v4+s2+$0x0] =	vst.idx.add.f32.msk $0xffff, v3  }
0x277: {  	v3 =	vld [tilespmem:s8+$0x20]  }
0x278: {  	v12 =	vld [tilespmem:s1+$0x0]  }
0x279: {  	v13 =	vld [tilespmem:s1+$0x10]  }
0x27a: {  	[tilespmem:v6+s2+$0x0] =	vst.idx.add.f32.msk $0xffff, v11  }
0x27b: {  	s13 =	simm.s32 $0x20;
	[tilespmem:v9+s2+$0x0] =	vst.idx.add.f32.msk $0xffff, v10  }
0x27c: {  	s0 =	simm.s32 $0x8020;
	s9 =	simm.s32 $0x10020;
	[tilespmem:v4+s25+$0x0] =	vst.idx.add.f32.msk $0xffff, v3  }
0x27d: {  	[tilespmem:v7+s2+$0x0] =	vst.idx.add.f32.msk $0xffff, v12  }
0x27e: {  	[tilespmem:v8+s2+$0x0] =	vst.idx.add.f32.msk $0xffff, v13  }
0x27f: {  	v4 =	vld [tilespmem:s8+$0xFFFFFFE0]  }
0x280: {  	v10 =	vld [tilespmem:s8+$0xFFFFFFF0]  }
0x281: {  	v11 =	vld [tilespmem:s8+$0x0]  }
.Ltmp12:
0x282: {  	v3 =	vld [tilespmem:s8+$0x10];
	(pc) =	sbr.rel @p0 .LBB2_26-.Ltmp12, $4  }
0x283: {  	[tilespmem:v2+s25+$0x0] =	vst.idx.add.f32.msk $0xffff, v5;
	v2 =	vmov v8  }
0x284: {  	[tilespmem:v9+s25+$0x0] =	vst.idx.add.f32.msk $0xffff, v4  }
0x285: {  	[tilespmem:v6+s25+$0x0] =	vst.idx.add.f32.msk $0xffff, v10  }
0x286: {  	s31 =	sadd.s32 $0x50, s31;
	[tilespmem:v7+s25+$0x0] =	vst.idx.add.f32.msk $0xffff, v11  }
0x287: {  	_ =	sdelay $0x3  }
0x288: {  	[tilespmem:v2+s25+$0x0] =	vst.idx.add.f32.msk $0xffff, v3  }
0x289: {  	v2 =	vld [tilespmem:s13+$0x10]  }
0x28a: {  	v3 =	vld [tilespmem:s9+$0x10]  }
0x28b: {  	v4 =	vld [tilespmem:s9+$0xFFFFFFE0]  }
0x28c: {  	v5 =	vld [tilespmem:s13+$0xFFFFFFF0]  }
0x28d: {  	v6 =	vld [tilespmem:s9+$0xFFFFFFF0]  }
0x28e: {  	v7 =	vld [tilespmem:s13+$0x0]  }
0x28f: {  	s1 =	simm.s32 $0x10060;
	v8 =	vld [tilespmem:s9+$0x0]  }
0x290: {  	v9 =	vld [tilespmem:s1+$0x10]  }
0x291: {  	s12 =	simm.s32 $0x60;
	v10 =	vld [tilespmem:s1+$0xFFFFFFE0]  }
0x292: {  	v11 =	vld [tilespmem:s12+$0xFFFFFFF0]  }
0x293: {  	v12 =	vld [tilespmem:s1+$0xFFFFFFF0]  }
0x294: {  	v13 =	vld [tilespmem:s12+$0x0];
	v2 =	vmul.f32 v3, v2  }
0x295: {  	v3 =	vld [tilespmem:s13+$0xFFFFFFE0]  }
0x296: {  	v14 =	vld [tilespmem:s1+$0x0];
	[tilespmem:s13+$0x10] =	vst v2;
	v2 =	vmul.f32 v6, v5  }
0x297: {  	v5 =	vld [tilespmem:s0+$0x10]  }
0x298: {  	[tilespmem:s13+$0xFFFFFFF0] =	vst v2;
	v2 =	vmul.f32 v8, v7;
	v8 =	vld [tilespmem:s12+$0x10]  }
0x299: {  	v6 =	vld [tilespmem:s9+$0x10]  }
0x29a: {  	v3 =	vmul.f32 v4, v3;
	v4 =	vld [tilespmem:s0+$0xFFFFFFF0]  }
0x29b: {  	v7 =	vld [tilespmem:s9+$0xFFFFFFF0];
	[tilespmem:s13+$0x0] =	vst v2  }
0x29c: {  	[tilespmem:s13+$0xFFFFFFE0] =	vst v3;
	v2 =	vld [tilespmem:s0+$0x0]  }
0x29d: {  	v3 =	vld [tilespmem:s0+$0xFFFFFFE0];
	v8 =	vmul.f32 v9, v8  }
0x29e: {  	v9 =	vld [tilespmem:s12+$0xFFFFFFE0]  }
0x29f: {  	s8 =	simm.s32 $0x8060;
	v5 =	vmul.f32 v6, v5;
	v6 =	vld [tilespmem:s9+$0xFFFFFFE0];
	[tilespmem:s12+$0x10] =	vst v8  }
0x2a0: {  	v8 =	vmul.f32 v12, v11;
	v11 =	vld [tilespmem:s8+$0x10]  }
0x2a1: {  	[tilespmem:s0+$0x10] =	vst v5;
	v4 =	vmul.f32 v7, v4;
	v63 =	vld [tilespmem:s1+$0x10]  }
0x2a2: {  	v5 =	vld [tilespmem:s9+$0x0];
	[tilespmem:s12+$0xFFFFFFF0] =	vst v8;
	v8 =	vmul.f32 v14, v13  }
0x2a3: {  	[tilespmem:s0+$0xFFFFFFF0] =	vst v4;
	v9 =	vmul.f32 v10, v9;
	v4 =	vld [tilespmem:s8+$0xFFFFFFF0]  }
0x2a4: {  	v7 =	vld [tilespmem:s1+$0xFFFFFFF0];
	v10 =	vmul.f32 v6, v3;
	[tilespmem:s12+$0x0] =	vst v8  }
0x2a5: {  	[tilespmem:s12+$0xFFFFFFE0] =	vst v9;
	v6 =	vld [tilespmem:s8+$0x0]  }
0x2a6: {  	s13 =	simm.s32 $0x10060;
	s9 =	simm.s32 $0x4;
	s12 =	simm.s32 $0xA0;
	[tilespmem:s0+$0xFFFFFFE0] =	vst v10;
	v3 =	vld [tilespmem:s8+$0xFFFFFFE0];
	v8 =	vmul.f32 v63, v11  }
.LBB2_28:
0x2a7: {  	v9 =	vld [tilespmem:s12+$0x10];
	s1 =	sadd.s32 $0x40, s1;
	v10 =	vmul.f32 v5, v2  }
0x2a8: {  	v5 =	vld [tilespmem:s1+$0x10];
	[tilespmem:s8+$0x10] =	vst v8  }
0x2a9: {  	s9 =	sadd.s32 $0x4, s9;
	v8 =	vld [tilespmem:s1+$0xFFFFFFE0];
	v4 =	vmul.f32 v7, v4;
	[tilespmem:s0+$0x0] =	vst v10;
	s0 =	smov.u32 s8  }
0x2aa: {  	p0 =	slt.u32 s9, $0x7FC;
	v7 =	vld [tilespmem:s12+$0xFFFFFFF0];
	v2 =	vmov v6  }
0x2ab: {  	v6 =	vld [tilespmem:s1+$0xFFFFFFF0];
	[tilespmem:s8+$0xFFFFFFF0] =	vst v4  }
0x2ac: {  	v4 =	vld [tilespmem:s12+$0x0]  }
0x2ad: {  	v10 =	vld [tilespmem:s1+$0x0];
	v5 =	vmul.f32 v5, v9  }
0x2ae: {  	v9 =	vld [tilespmem:s12+$0xFFFFFFE0]  }
0x2af: {  	s8 =	sadd.s32 $0x40, s8;
	[tilespmem:s12+$0x10] =	vst v5;
	v11 =	vld [tilespmem:s13+$0xFFFFFFE0]  }
0x2b0: {  	v5 =	vmul.f32 v6, v7;
	v12 =	vld [tilespmem:s8+$0x10]  }
0x2b1: {  	v13 =	vld [tilespmem:s1+$0x10]  }
.Ltmp13:
0x2b2: {  	[tilespmem:s12+$0xFFFFFFF0] =	vst v5;
	v6 =	vmul.f32 v10, v4;
	v5 =	vld [tilespmem:s13+$0x0];
	s13 =	smov.u32 s1;
	(pc) =	sbr.rel @p0 .LBB2_28-.Ltmp13, $4  }
0x2b3: {  	v8 =	vmul.f32 v8, v9;
	v4 =	vld [tilespmem:s8+$0xFFFFFFF0]  }
0x2b4: {  	v7 =	vld [tilespmem:s1+$0xFFFFFFF0];
	[tilespmem:s12+$0x0] =	vst v6;
	v9 =	vmul.f32 v11, v3  }
0x2b5: {  	[tilespmem:s12+$0xFFFFFFE0] =	vst v8;
	v6 =	vld [tilespmem:s8+$0x0]  }
0x2b6: {  	s12 =	sadd.s32 $0x40, s12;
	v3 =	vld [tilespmem:s8+$0xFFFFFFE0];
	v8 =	vmul.f32 v13, v12;
	[tilespmem:s0+$0xFFFFFFE0] =	vst v9  }
0x2b7: {  	v9 =	vld [tilespmem:s13+$0xFFFFFFE0]  }
0x2b8: {  	v10 =	vld [tilespmem:s13+$0x0];
	_ =	sdelay $0x1  }
0x2b9: {  	v2 =	vmul.f32 v5, v2  }
0x2ba: {  	[tilespmem:s8+$0x10] =	vst v8;
	v4 =	vmul.f32 v7, v4  }
0x2bb: {  	[tilespmem:s0+$0x0] =	vst v2;
	v2 =	vmul.f32 v9, v3  }
0x2bc: {  	[tilespmem:s8+$0xFFFFFFF0] =	vst v4;
	v3 =	vmul.f32 v10, v6  }
0x2bd: {  	[tilespmem:s8+$0xFFFFFFE0] =	vst v2  }
0x2be: {  	[tilespmem:s8+$0x0] =	vst v3  }
0x2bf: {  	s0 =	rddreg [dreg:$0x7]  }
0x2c0: {  	[hbm4b:s0+s2] =	stream.linear.scatter [tilespmem:s2], [sflag:$0x3], $0x8000, $0x38;
	[tilespmem:$0x1E000] =	vst v63  }
0x2c1: {  	s30 =	sadd.s32 $0x1, s30;
	_ =	swait.ge [sflag:s29], $0x8000  }
0x2c2: {  	p0 =	sne.s32 s30, s17;
	[sflag:s29] =	ssyncset.done $0x0  }
.Ltmp14:
0x2c3: {  	s31 =	rddreg [dreg:$0x8];
	[sflag:s29] =	ssyncadd.s32 $0xFFFF8000;
	(pc) =	sbr.rel @p0 .LBB2_1-.Ltmp14, $4  }
0x2c4: {  	[hbm4b:s31+s2] =	stream.linear.scatter [tilespmem:s25], [sflag:$0x3], $0x8000, $0x38;
	[tilespmem:$0x1E000] =	vst v63  }
0x2c5: {  	_ =	swait.ge [sflag:s29], $0x8000  }
0x2c6: {  	[sflag:s29] =	ssyncset.done $0x0  }
0x2c7: {  	[sflag:s29] =	ssyncadd.s32 $0xFFFF8000  }
0x2c8: {  	_ =	sfence.sel $0x180000  }
0x2c9: {  	[bflag:$0x0] =	sbarrier.arrive $0xFFFF  }
0x2ca: {  	_ =	strace $0x90000050  }
0x2cb: {  	s0 =	stileid.u32;
	[bflag:$0x2] =	sbarrier.arrive $0xFFFF  }
0x2cc: {  	p0 =	sne.s32 s0, $0x0;
	s0 =	rddreg [dreg:$0x1]  }
0x2cd: {  	s0 =	sadd.s32 @!p0 $0x100000, s0  }
0x2ce: {  	[sflag:s0] =	ssyncadd.tile.s32 @!p0 $0x1;
	_ =	shalt  }
.Lfunc_end2:
_tile_overlayer_lowered:
.L_overlay_start_2:
0x2cf: {  	(tag) =	ssettag $0x2  }
0x2d0: {  	s0 =	rddreg [dreg:$0x0];
	s2 =	stileid.u32  }
0x2d1: {  	s1 =	rddreg [dreg:$0x1];
	p0 =	sne.s32 s2, $0x0  }
0x2d2: {  	s3 =	rddreg [dreg:$0x2];
	[bflag:$0x3] =	sbarrier.arrive $0xFFFF;
	s2 =	simm.s32 @!p0 $0x1C03  }
0x2d3: {  	[timem:s3], [sflag:s2] =	dma.local @!p0 [hbm:s0], s1  }
0x2d4: {  	s0 =	simm.s32 @!p0 $0x3  }
0x2d5: {  	_ =	swait.ge @!p0 [sflag:s0], s1  }
0x2d6: {  	s1 =	ssub.s32 @!p0 $0x0, s1;
	[sflag:s0] =	ssyncset.done @!p0 $0x0  }
0x2d7: {  	[sflag:s0] =	ssyncadd.s32 @!p0 s1  }
0x2d8: {  	[bflag:$0x3] =	sbarrier.arrive $0xFFFF  }
0x2d9: {  	_ =	shalt  }

</sc_bundles>
